<compile_context>
chip_gen: v7x
topology: tpu7x:2x2x1
jax: 0.10.2.dev20260603
libtpu: 0.0.44.dev20260713+nightly
codegen_flags: <defaults>
</compile_context>

<pallas_src>
import jax
import jax.numpy as jnp
from jax import lax
from jax.experimental import pallas as pl
from jax.experimental.pallas import tpu as pltpu
from jax.experimental.pallas import tpu_sc as plsc

N = 10000
NPAD = 10240
D = 256
DH = 128
E = 160000
BN_EPS = 1e-3
RPT = NPAD // 16
PK = NPAD // 128

CH = 125
NCH_R = E // (16 * CH)
NH_R = NCH_R // 2
NBUF = 5

NCH_S = E // (32 * CH)

_MESH = plsc.VectorSubcoreMesh(core_axis_name="c", subcore_axis_name="s")
_NOTILE = pltpu.CompilerParams(use_tc_tiling_on_sc=False,
                               needs_layout_passes=False)


def _pack_col0(acc, colbuf, pack, out_hbm, cid, sid):
    pltpu.sync_copy(acc.at[pl.ds(sid * RPT, RPT)], colbuf)
    row16 = lax.broadcasted_iota(jnp.int32, (16,), 0)
    zero16 = jnp.zeros((16,), jnp.int32)
    for g in range(RPT // 16):
        vals = plsc.load_gather(colbuf, [g * 16 + row16, zero16])
        pack[g // 8, pl.ds((g % 8) * 16, 16)] = vals
    pltpu.sync_copy(pack, out_hbm.at[cid, pl.ds(sid * (RPT // 128), RPT // 128)])


def _sc_rowsum_body(hs_hbm, src_hbm, dst_hbm, out_hbm,
                    src_idx, dst_idx, rows0, rows1, rows2, rows3, rows4,
                    acc, g0, g1, g2, g3, g4, s0, s1, s2, s3, s4):
    rows = (rows0, rows1, rows2, rows3, rows4)
    gsem = (g0, g1, g2, g3, g4)
    ssem = (s0, s1, s2, s3, s4)
    cid = lax.axis_index("c")
    sid = lax.axis_index("s")
    tab = hs_hbm.at[cid]
    pltpu.sync_copy(tab.at[pl.ds(sid * RPT, RPT)],
                    acc.at[pl.ds(sid * RPT, RPT)])
    plsc.subcore_barrier()
    for h in range(2):
        pltpu.sync_copy(src_hbm.at[sid, pl.ds(h * NH_R, NH_R)], src_idx)
        pltpu.sync_copy(dst_hbm.at[sid, pl.ds(h * NH_R, NH_R)], dst_idx)
        for b in range(NBUF):
            pltpu.async_copy(tab.at[src_idx.at[b]], rows[b], gsem[b])

        def step(i, carry):
            for b in range(NBUF):
                j = NBUF * i + b
                pltpu.make_async_copy(tab.at[src_idx.at[j]], rows[b],
                                      gsem[b]).wait()
                pltpu.async_copy(rows[b], acc.at[dst_idx.at[j]], ssem[b],
                                 add=True)
            for b in range(NBUF):
                j = NBUF * i + b

                @pl.when(j + NBUF < NH_R)
                def _():
                    pltpu.make_async_copy(rows[b], acc.at[dst_idx.at[j]],
                                          ssem[b]).wait()
                    pltpu.async_copy(tab.at[src_idx.at[j + NBUF]], rows[b],
                                     gsem[b])

            return carry

        lax.fori_loop(0, NH_R // NBUF, step, 0)
        for b in range(NBUF):
            pltpu.make_async_copy(rows[b], acc.at[dst_idx.at[0]],
                                  ssem[b]).wait()
    plsc.subcore_barrier()
    pltpu.sync_copy(acc.at[pl.ds(sid * RPT, RPT)],
                    out_hbm.at[cid, pl.ds(sid * RPT, RPT)])


_sc_rowsum = pl.kernel(
    _sc_rowsum_body,
    out_type=jax.ShapeDtypeStruct((2, NPAD, DH), jnp.bfloat16),
    mesh=_MESH,
    compiler_params=_NOTILE,
    scratch_types=[
        pltpu.VMEM((NH_R, CH), jnp.int32),
        pltpu.VMEM((NH_R, CH), jnp.int32),
        pltpu.VMEM((CH, DH), jnp.bfloat16),
        pltpu.VMEM((CH, DH), jnp.bfloat16),
        pltpu.VMEM((CH, DH), jnp.bfloat16),
        pltpu.VMEM((CH, DH), jnp.bfloat16),
        pltpu.VMEM((CH, DH), jnp.bfloat16),
        pltpu.VMEM_SHARED((NPAD, DH), jnp.bfloat16),
    ] + [pltpu.SemaphoreType.DMA] * 10,
)


def _sc_segsum16_body(tab_hbm, src_hbm, dst_hbm, out_hbm,
                      src_idx, dst_idx, rows0, rows1, colbuf, pack, acc,
                      sem0, sem1):
    cid = lax.axis_index("c")
    sid = lax.axis_index("s")
    wid = cid * 16 + sid
    pltpu.sync_copy(src_hbm.at[wid], src_idx)
    pltpu.sync_copy(dst_hbm.at[wid], dst_idx)
    pltpu.sync_copy(tab_hbm.at[pl.ds(sid * RPT, RPT)],
                    acc.at[pl.ds(sid * RPT, RPT)])
    plsc.subcore_barrier()
    pltpu.async_copy(tab_hbm.at[src_idx.at[0]], rows0, sem0)
    pltpu.async_copy(tab_hbm.at[src_idx.at[1]], rows1, sem1)

    def step(i, carry):
        j0 = 2 * i
        j1 = 2 * i + 1
        pltpu.make_async_copy(tab_hbm.at[src_idx.at[j0]], rows0, sem0).wait()
        pltpu.sync_copy(rows0, acc.at[dst_idx.at[j0]], add=True)

        @pl.when(j0 + 2 < NCH_S)
        def _():
            pltpu.async_copy(tab_hbm.at[src_idx.at[j0 + 2]], rows0, sem0)

        pltpu.make_async_copy(tab_hbm.at[src_idx.at[j1]], rows1, sem1).wait()
        pltpu.sync_copy(rows1, acc.at[dst_idx.at[j1]], add=True)

        @pl.when(j1 + 2 < NCH_S)
        def _():
            pltpu.async_copy(tab_hbm.at[src_idx.at[j1 + 2]], rows1, sem1)

        return carry

    lax.fori_loop(0, NCH_S // 2, step, 0)
    plsc.subcore_barrier()
    _pack_col0(acc, colbuf, pack, out_hbm, cid, sid)


_sc_segsum16 = pl.kernel(
    _sc_segsum16_body,
    out_type=jax.ShapeDtypeStruct((2, PK, 128), jnp.float32),
    mesh=_MESH,
    compiler_params=_NOTILE,
    scratch_types=[
        pltpu.VMEM((NCH_S, CH), jnp.int32),
        pltpu.VMEM((NCH_S, CH), jnp.int32),
        pltpu.VMEM((CH, 16), jnp.float32),
        pltpu.VMEM((CH, 16), jnp.float32),
        pltpu.VMEM((RPT, 16), jnp.float32),
        pltpu.VMEM((RPT // 128, 128), jnp.float32),
        pltpu.VMEM_SHARED((NPAD, 16), jnp.float32),
        pltpu.SemaphoreType.DMA,
        pltpu.SemaphoreType.DMA,
    ],
)


def _sc_degree_body(dst_hbm, ones_hbm, out_hbm, dst_idx, ones_v, colbuf,
                    pack, acc):
    cid = lax.axis_index("c")
    sid = lax.axis_index("s")
    wid = cid * 16 + sid
    pltpu.sync_copy(dst_hbm.at[wid], dst_idx)
    pltpu.sync_copy(ones_hbm, ones_v)
    for k in range(RPT // CH + 1):
        base = sid * RPT + k * CH
        size = min(CH, RPT - k * CH)
        if size > 0:
            pltpu.sync_copy(ones_v.at[pl.ds(0, size)],
                            acc.at[pl.ds(base, size)])
    plsc.subcore_barrier()

    def step(j, carry):
        pltpu.sync_copy(ones_v, acc.at[dst_idx.at[j]], add=True)
        return carry

    lax.fori_loop(0, NCH_S, step, 0)
    plsc.subcore_barrier()
    _pack_col0(acc, colbuf, pack, out_hbm, cid, sid)


_sc_degree = pl.kernel(
    _sc_degree_body,
    out_type=jax.ShapeDtypeStruct((2, PK, 128), jnp.float32),
    mesh=_MESH,
    compiler_params=_NOTILE,
    scratch_types=[
        pltpu.VMEM((NCH_S, CH), jnp.int32),
        pltpu.VMEM((CH, 16), jnp.float32),
        pltpu.VMEM((RPT, 16), jnp.float32),
        pltpu.VMEM((RPT // 128, 128), jnp.float32),
        pltpu.VMEM_SHARED((NPAD, 16), jnp.float32),
    ],
)


def _tc_matmul_body(x_ref, w1_ref, h_ref):
    h_ref[...] = jnp.dot(x_ref[...], w1_ref[...],
                         preferred_element_type=jnp.float32)


def _tc_mid_body(agg_ref, dc_ref, b1_ref, g1_ref, be1_ref, w2_ref, out_ref):
    dinv = lax.rsqrt(dc_ref[...])
    aggl = agg_ref[0].astype(jnp.float32)
    aggr = agg_ref[1].astype(jnp.float32)
    zl = jnp.maximum(aggl * dinv + b1_ref[:, 0:DH], 0.0)
    zr = jnp.maximum(aggr * dinv + b1_ref[:, DH:D], 0.0)
    ml = jnp.sum(zl[0:N, :], axis=0, keepdims=True) * (1.0 / N)
    mr = jnp.sum(zr[0:N, :], axis=0, keepdims=True) * (1.0 / N)
    ql = jnp.sum(zl[0:N, :] * zl[0:N, :], axis=0, keepdims=True) * (1.0 / N)
    qr = jnp.sum(zr[0:N, :] * zr[0:N, :], axis=0, keepdims=True) * (1.0 / N)
    il = lax.rsqrt(ql - ml * ml + BN_EPS)
    ir = lax.rsqrt(qr - mr * mr + BN_EPS)
    hl = jnp.maximum((zl - ml) * il * g1_ref[:, 0:DH] + be1_ref[:, 0:DH], 0.0)
    hr = jnp.maximum((zr - mr) * ir * g1_ref[:, DH:D] + be1_ref[:, DH:D], 0.0)
    v = (jnp.sum(hl * w2_ref[:, 0:DH], axis=1, keepdims=True)
         + jnp.sum(hr * w2_ref[:, DH:D], axis=1, keepdims=True))
    out_ref[...] = v * dinv


def _tc_final_body(p_ref, dc_ref, vs_ref, b2_ref, g2_ref, be2_ref, out_ref):
    a2 = p_ref[0:N, :] - vs_ref[0:N, :]
    o2 = a2 * lax.rsqrt(dc_ref[0:N, :]) + b2_ref[...]
    m = jnp.sum(o2, axis=0, keepdims=True) * (1.0 / N)
    q = jnp.sum(o2 * o2, axis=0, keepdims=True) * (1.0 / N)
    z = (o2 - m) * lax.rsqrt(q - m * m + BN_EPS) * g2_ref[...] + be2_ref[...]
    out_ref[...] = jax.nn.sigmoid(jnp.maximum(z, 0.0))


def kernel(x, pos_edge_index, edge_attr, W1, b1, bn1_gamma, bn1_beta,
           W2, b2, bn2_gamma, bn2_beta):
    f32 = jnp.float32
    src = pos_edge_index[0].astype(jnp.int32)
    dst = pos_edge_index[1].astype(jnp.int32)
    src3 = src.reshape(16, NCH_R, CH)
    dst3 = dst.reshape(16, NCH_R, CH)
    src_h = src.reshape(32, NCH_S, CH)
    dst_h = dst.reshape(32, NCH_S, CH)
    ones16 = jnp.ones((CH, 16), f32)

    degparts = _sc_degree(dst_h, ones16)
    degcol = (degparts[0] + degparts[1] - 1.0).reshape(NPAD, 1)

    h = pl.pallas_call(
        _tc_matmul_body,
        out_shape=jax.ShapeDtypeStruct((N, D), f32),
    )(x, W1)
    hs = (h * lax.rsqrt(degcol[0:N, :])).astype(jnp.bfloat16)
    hs = jnp.pad(hs, ((0, NPAD - N), (0, 0)))
    hs2 = jnp.stack([hs[:, 0:DH], hs[:, DH:D]])

    agg2 = _sc_rowsum(hs2, src3, dst3)

    vcol = pl.pallas_call(
        _tc_mid_body,
        out_shape=jax.ShapeDtypeStruct((NPAD, 1), f32),
    )(agg2, degcol, b1.reshape(1, D), bn1_gamma.reshape(1, D),
      bn1_beta.reshape(1, D), W2.reshape(1, D))
    vs2d = jnp.broadcast_to(vcol, (NPAD, 16))

    parts2 = _sc_segsum16(vs2d, src_h, dst_h)
    psum = (parts2[0] + parts2[1]).reshape(NPAD, 1)

    out = pl.pallas_call(
        _tc_final_body,
        out_shape=jax.ShapeDtypeStruct((N, 1), f32),
    )(psum, degcol, vcol, b2.reshape(1, 1),
      bn2_gamma.reshape(1, 1), bn2_beta.reshape(1, 1))
    return out

# --- scband reference (transcript-rebuilt; emitter-appended) ---
"""Pipeline reference for scband-gcndiscriminator-6648609374285 (READ-ONLY COPY).

The authoritative reference and input builder live on the scoring server;
editing this copy changes nothing except your own understanding.
"""

import jax, jax.numpy as jnp
import numpy as np

N_NODES = 10000
N_EDGES = 160000
D = 256
BN_EPS = 1e-3


def setup_inputs(seed: int = 0) -> dict:
    key = jax.random.key(seed)
    ks = jax.random.split(key, 8)
    x = jax.random.normal(ks[0], (N_NODES, D), dtype=jnp.float32)
    pos_edge_index = jax.random.randint(ks[1], (2, N_EDGES), 0, N_NODES, dtype=jnp.int32)
    edge_attr = jax.random.normal(ks[2], (N_EDGES, 16), dtype=jnp.float32)
    # GCNConv weights (glorot-ish scaling) and biases
    W1 = jax.random.normal(ks[3], (D, D), dtype=jnp.float32) * (1.0 / np.sqrt(D))
    b1 = jnp.zeros((D,), dtype=jnp.float32)
    W2 = jax.random.normal(ks[4], (D, 1), dtype=jnp.float32) * (1.0 / np.sqrt(D))
    b2 = jnp.zeros((1,), dtype=jnp.float32)
    # BatchNorm affine params
    bn1_gamma = jnp.ones((D,), dtype=jnp.float32)
    bn1_beta = jnp.zeros((D,), dtype=jnp.float32)
    bn2_gamma = jnp.ones((1,), dtype=jnp.float32)
    bn2_beta = jnp.zeros((1,), dtype=jnp.float32)
    return {"x": x, "pos_edge_index": pos_edge_index, "edge_attr": edge_attr,
            "W1": W1, "b1": b1, "bn1_gamma": bn1_gamma, "bn1_beta": bn1_beta,
            "W2": W2, "b2": b2, "bn2_gamma": bn2_gamma, "bn2_beta": bn2_beta}


def _gcn_conv(x, src, dst, W, b, n_nodes):
    # PyG GCNConv: add self-loops, symmetric normalization, linear transform, scatter-add
    h = x @ W
    deg = jax.ops.segment_sum(jnp.ones_like(dst, dtype=h.dtype), dst, num_segments=n_nodes)
    dinv = jnp.where(deg > 0, 1.0 / jnp.sqrt(deg), 0.0)
    norm = dinv[src] * dinv[dst]
    msg = h[src] * norm[:, None]
    out = jax.ops.segment_sum(msg, dst, num_segments=n_nodes)
    return out + b


def _batch_norm(x, gamma, beta, eps=BN_EPS):
    # training-mode BatchNorm1d over node dimension (biased variance)
    mean = jnp.mean(x, axis=0)
    var = jnp.var(x, axis=0)
    return (x - mean) / jnp.sqrt(var + eps) * gamma + beta


def reference(x, pos_edge_index, edge_attr, W1, b1, bn1_gamma, bn1_beta, W2, b2, bn2_gamma, bn2_beta):
    n = x.shape[0]
    loop = jnp.arange(n, dtype=pos_edge_index.dtype)
    src = jnp.concatenate([pos_edge_index[0], loop])
    dst = jnp.concatenate([pos_edge_index[1], loop])
    h = jnp.squeeze(x)
    h = jax.nn.relu(_gcn_conv(h, src, dst, W1, b1, n))
    h = _batch_norm(h, bn1_gamma, bn1_beta)
    h = jax.nn.relu(h)
    # dropout: identity in eval / reference mode
    h1 = _gcn_conv(h, src, dst, W2, b2, n)
    h1 = _batch_norm(h1, bn2_gamma, bn2_beta)
    h1 = jax.nn.relu(h1)
    return jax.nn.sigmoid(h1)

if __name__ == "__main__":
    import jax
    _d = setup_inputs()
    print(jax.jit(kernel)(*tuple(_d.values())))

</pallas_src>

<mosaic_0001>
#map = affine_map<(d0, d1) -> (0, 0, 0)>
#map1 = affine_map<(d0, d1) -> (0, 0)>
module attributes {stable_mosaic.version = 14 : i64} {
  func.func @_sc_degree_body(%arg0: i32, %arg1: i32, %arg2: memref<32x40x125xi32, #tpu.memory_space<hbm>>, %arg3: memref<125x16xf32, #tpu.memory_space<hbm>>, %arg4: memref<2x80x128xf32, #tpu.memory_space<hbm>>, %arg5: memref<40x125xi32, #tpu.memory_space<vmem>>, %arg6: memref<125x16xf32, #tpu.memory_space<vmem>>, %arg7: memref<640x16xf32, #tpu.memory_space<vmem>>, %arg8: memref<5x128xf32, #tpu.memory_space<vmem>>, %arg9: memref<10240x16xf32, #tpu.memory_space<vmem_shared>>) attributes {dimension_semantics = [#tpu.dimension_semantics<core_parallel>, #tpu.dimension_semantics<subcore_parallel>], iteration_bounds = array<i64: 2, 16>, scalar_prefetch = 0 : i64, scratch_operands = 5 : i64, tpu.core_type = #tpu.core_type<sc_vector_subcore>, window_params = [{transform_indices = #map}, {transform_indices = #map1}, {transform_indices = #map}]} {
    %mul3A = arith.constant 16 : i32
    %mul3A_0 = arith.muli %arg0, %mul3A : i32
    %add3A = arith.addi %mul3A_0, %arg1 : i32
    "tpu.region"() ({
      %run_scoped3A = tpu.sem_alloc : memref<!tpu.dma_semaphore, #tpu.memory_space<semaphore_mem>>
      %dma_start3A = arith.constant 0 : i32
      %dma_start3A_354 = arith.constant 0 : i32
      %dma_start3A_355 = tpu.memref_slice %arg2[%add3A, %dma_start3A, %dma_start3A_354] : memref<32x40x125xi32, #tpu.memory_space<hbm>> -> memref<1x40x125xi32, #tpu.memory_space<hbm>>
      %dma_start3A_356 = tpu.memref_squeeze %dma_start3A_355 : memref<1x40x125xi32, #tpu.memory_space<hbm>> -> memref<40x125xi32, #tpu.memory_space<hbm>>
      %dma_start3A_357 = arith.constant 0 : i32
      %dma_start3A_358 = arith.constant 0 : i32
      %dma_start3A_359 = tpu.memref_slice %arg2[%add3A, %dma_start3A_357, %dma_start3A_358] : memref<32x40x125xi32, #tpu.memory_space<hbm>> -> memref<1x40x125xi32, #tpu.memory_space<hbm>>
      %dma_start3A_360 = tpu.memref_squeeze %dma_start3A_359 : memref<1x40x125xi32, #tpu.memory_space<hbm>> -> memref<40x125xi32, #tpu.memory_space<hbm>>
      tpu.enqueue_dma source(%dma_start3A_360 : memref<40x125xi32, #tpu.memory_space<hbm>>) target(%arg5 : memref<40x125xi32, #tpu.memory_space<vmem>>) target_semaphore(%run_scoped3A : memref<!tpu.dma_semaphore, #tpu.memory_space<semaphore_mem>>)
      %dma_wait3A = arith.constant 0 : i32
      %dma_wait3A_361 = arith.constant 0 : i32
      %dma_wait3A_362 = tpu.memref_slice %arg2[%add3A, %dma_wait3A, %dma_wait3A_361] : memref<32x40x125xi32, #tpu.memory_space<hbm>> -> memref<1x40x125xi32, #tpu.memory_space<hbm>>
      %dma_wait3A_363 = tpu.memref_squeeze %dma_wait3A_362 : memref<1x40x125xi32, #tpu.memory_space<hbm>> -> memref<40x125xi32, #tpu.memory_space<hbm>>
      %dma_wait3A_364 = arith.constant 0 : i32
      %dma_wait3A_365 = arith.constant 0 : i32
      %dma_wait3A_366 = tpu.memref_slice %arg2[%add3A, %dma_wait3A_364, %dma_wait3A_365] : memref<32x40x125xi32, #tpu.memory_space<hbm>> -> memref<1x40x125xi32, #tpu.memory_space<hbm>>
      %dma_wait3A_367 = tpu.memref_squeeze %dma_wait3A_366 : memref<1x40x125xi32, #tpu.memory_space<hbm>> -> memref<40x125xi32, #tpu.memory_space<hbm>>
      tpu.wait_dma2 semaphore(%run_scoped3A : memref<!tpu.dma_semaphore, #tpu.memory_space<semaphore_mem>>) src(%dma_wait3A_367 : memref<40x125xi32, #tpu.memory_space<hbm>>) dst(%arg5 : memref<40x125xi32, #tpu.memory_space<vmem>>)
      tpu.yield
    }) : () -> ()
    "tpu.region"() ({
      %run_scoped3A = tpu.sem_alloc : memref<!tpu.dma_semaphore, #tpu.memory_space<semaphore_mem>>
      tpu.enqueue_dma source(%arg3 : memref<125x16xf32, #tpu.memory_space<hbm>>) target(%arg6 : memref<125x16xf32, #tpu.memory_space<vmem>>) target_semaphore(%run_scoped3A : memref<!tpu.dma_semaphore, #tpu.memory_space<semaphore_mem>>)
      tpu.wait_dma2 semaphore(%run_scoped3A : memref<!tpu.dma_semaphore, #tpu.memory_space<semaphore_mem>>) src(%arg3 : memref<125x16xf32, #tpu.memory_space<hbm>>) dst(%arg6 : memref<125x16xf32, #tpu.memory_space<vmem>>)
      tpu.yield
    }) : () -> ()
    %mul3A_1 = arith.constant 640 : i32
    %mul3A_2 = arith.muli %arg1, %mul3A_1 : i32
    %add3A_3 = arith.constant 0 : i32
    %add3A_4 = arith.addi %mul3A_2, %add3A_3 : i32
    "tpu.region"() ({
      %run_scoped3A = tpu.sem_alloc : memref<!tpu.dma_semaphore, #tpu.memory_space<semaphore_mem>>
      %dma_start3A = arith.constant 0 : i32
      %dma_start3A_354 = arith.constant 0 : i32
      %dma_start3A_355 = tpu.memref_slice %arg6[%dma_start3A, %dma_start3A_354] : memref<125x16xf32, #tpu.memory_space<vmem>> -> memref<125x16xf32, #tpu.memory_space<vmem>>
      %dma_start3A_356 = arith.constant 0 : i32
      %dma_start3A_357 = tpu.memref_slice %arg9[%add3A_4, %dma_start3A_356] : memref<10240x16xf32, #tpu.memory_space<vmem_shared>> -> memref<125x16xf32, #tpu.memory_space<vmem_shared>>
      %dma_start3A_358 = arith.constant 0 : i32
      %dma_start3A_359 = tpu.memref_slice %arg9[%add3A_4, %dma_start3A_358] : memref<10240x16xf32, #tpu.memory_space<vmem_shared>> -> memref<125x16xf32, #tpu.memory_space<vmem_shared>>
      %dma_start3A_360 = arith.constant 0 : i32
      %dma_start3A_361 = arith.constant 0 : i32
      %dma_start3A_362 = tpu.memref_slice %arg6[%dma_start3A_360, %dma_start3A_361] : memref<125x16xf32, #tpu.memory_space<vmem>> -> memref<125x16xf32, #tpu.memory_space<vmem>>
      tpu.enqueue_dma source(%dma_start3A_362 : memref<125x16xf32, #tpu.memory_space<vmem>>) target(%dma_start3A_359 : memref<125x16xf32, #tpu.memory_space<vmem_shared>>) target_semaphore(%run_scoped3A : memref<!tpu.dma_semaphore, #tpu.memory_space<semaphore_mem>>)
      %dma_wait3A = arith.constant 0 : i32
      %dma_wait3A_363 = arith.constant 0 : i32
      %dma_wait3A_364 = tpu.memref_slice %arg6[%dma_wait3A, %dma_wait3A_363] : memref<125x16xf32, #tpu.memory_space<vmem>> -> memref<125x16xf32, #tpu.memory_space<vmem>>
      %dma_wait3A_365 = arith.constant 0 : i32
      %dma_wait3A_366 = tpu.memref_slice %arg9[%add3A_4, %dma_wait3A_365] : memref<10240x16xf32, #tpu.memory_space<vmem_shared>> -> memref<125x16xf32, #tpu.memory_space<vmem_shared>>
      %dma_wait3A_367 = arith.constant 0 : i32
      %dma_wait3A_368 = tpu.memref_slice %arg9[%add3A_4, %dma_wait3A_367] : memref<10240x16xf32, #tpu.memory_space<vmem_shared>> -> memref<125x16xf32, #tpu.memory_space<vmem_shared>>
      %dma_wait3A_369 = arith.constant 0 : i32
      %dma_wait3A_370 = arith.constant 0 : i32
      %dma_wait3A_371 = tpu.memref_slice %arg6[%dma_wait3A_369, %dma_wait3A_370] : memref<125x16xf32, #tpu.memory_space<vmem>> -> memref<125x16xf32, #tpu.memory_space<vmem>>
      tpu.wait_dma2 semaphore(%run_scoped3A : memref<!tpu.dma_semaphore, #tpu.memory_space<semaphore_mem>>) src(%dma_wait3A_371 : memref<125x16xf32, #tpu.memory_space<vmem>>) dst(%dma_wait3A_368 : memref<125x16xf32, #tpu.memory_space<vmem_shared>>)
      tpu.yield
    }) : () -> ()
    %mul3A_5 = arith.constant 640 : i32
    %mul3A_6 = arith.muli %arg1, %mul3A_5 : i32
    %add3A_7 = arith.constant 125 : i32
    %add3A_8 = arith.addi %mul3A_6, %add3A_7 : i32
    "tpu.region"() ({
      %run_scoped3A = tpu.sem_alloc : memref<!tpu.dma_semaphore, #tpu.memory_space<semaphore_mem>>
      %dma_start3A = arith.constant 0 : i32
      %dma_start3A_354 = arith.constant 0 : i32
      %dma_start3A_355 = tpu.memref_slice %arg6[%dma_start3A, %dma_start3A_354] : memref<125x16xf32, #tpu.memory_space<vmem>> -> memref<125x16xf32, #tpu.memory_space<vmem>>
      %dma_start3A_356 = arith.constant 0 : i32
      %dma_start3A_357 = tpu.memref_slice %arg9[%add3A_8, %dma_start3A_356] : memref<10240x16xf32, #tpu.memory_space<vmem_shared>> -> memref<125x16xf32, #tpu.memory_space<vmem_shared>>
      %dma_start3A_358 = arith.constant 0 : i32
      %dma_start3A_359 = tpu.memref_slice %arg9[%add3A_8, %dma_start3A_358] : memref<10240x16xf32, #tpu.memory_space<vmem_shared>> -> memref<125x16xf32, #tpu.memory_space<vmem_shared>>
      %dma_start3A_360 = arith.constant 0 : i32
      %dma_start3A_361 = arith.constant 0 : i32
      %dma_start3A_362 = tpu.memref_slice %arg6[%dma_start3A_360, %dma_start3A_361] : memref<125x16xf32, #tpu.memory_space<vmem>> -> memref<125x16xf32, #tpu.memory_space<vmem>>
      tpu.enqueue_dma source(%dma_start3A_362 : memref<125x16xf32, #tpu.memory_space<vmem>>) target(%dma_start3A_359 : memref<125x16xf32, #tpu.memory_space<vmem_shared>>) target_semaphore(%run_scoped3A : memref<!tpu.dma_semaphore, #tpu.memory_space<semaphore_mem>>)
      %dma_wait3A = arith.constant 0 : i32
      %dma_wait3A_363 = arith.constant 0 : i32
      %dma_wait3A_364 = tpu.memref_slice %arg6[%dma_wait3A, %dma_wait3A_363] : memref<125x16xf32, #tpu.memory_space<vmem>> -> memref<125x16xf32, #tpu.memory_space<vmem>>
      %dma_wait3A_365 = arith.constant 0 : i32
      %dma_wait3A_366 = tpu.memref_slice %arg9[%add3A_8, %dma_wait3A_365] : memref<10240x16xf32, #tpu.memory_space<vmem_shared>> -> memref<125x16xf32, #tpu.memory_space<vmem_shared>>
      %dma_wait3A_367 = arith.constant 0 : i32
      %dma_wait3A_368 = tpu.memref_slice %arg9[%add3A_8, %dma_wait3A_367] : memref<10240x16xf32, #tpu.memory_space<vmem_shared>> -> memref<125x16xf32, #tpu.memory_space<vmem_shared>>
      %dma_wait3A_369 = arith.constant 0 : i32
      %dma_wait3A_370 = arith.constant 0 : i32
      %dma_wait3A_371 = tpu.memref_slice %arg6[%dma_wait3A_369, %dma_wait3A_370] : memref<125x16xf32, #tpu.memory_space<vmem>> -> memref<125x16xf32, #tpu.memory_space<vmem>>
      tpu.wait_dma2 semaphore(%run_scoped3A : memref<!tpu.dma_semaphore, #tpu.memory_space<semaphore_mem>>) src(%dma_wait3A_371 : memref<125x16xf32, #tpu.memory_space<vmem>>) dst(%dma_wait3A_368 : memref<125x16xf32, #tpu.memory_space<vmem_shared>>)
      tpu.yield
    }) : () -> ()
    %mul3A_9 = arith.constant 640 : i32
    %mul3A_10 = arith.muli %arg1, %mul3A_9 : i32
    %add3A_11 = arith.constant 250 : i32
    %add3A_12 = arith.addi %mul3A_10, %add3A_11 : i32
    "tpu.region"() ({
      %run_scoped3A = tpu.sem_alloc : memref<!tpu.dma_semaphore, #tpu.memory_space<semaphore_mem>>
      %dma_start3A = arith.constant 0 : i32
      %dma_start3A_354 = arith.constant 0 : i32
      %dma_start3A_355 = tpu.memref_slice %arg6[%dma_start3A, %dma_start3A_354] : memref<125x16xf32, #tpu.memory_space<vmem>> -> memref<125x16xf32, #tpu.memory_space<vmem>>
      %dma_start3A_356 = arith.constant 0 : i32
      %dma_start3A_357 = tpu.memref_slice %arg9[%add3A_12, %dma_start3A_356] : memref<10240x16xf32, #tpu.memory_space<vmem_shared>> -> memref<125x16xf32, #tpu.memory_space<vmem_shared>>
      %dma_start3A_358 = arith.constant 0 : i32
      %dma_start3A_359 = tpu.memref_slice %arg9[%add3A_12, %dma_start3A_358] : memref<10240x16xf32, #tpu.memory_space<vmem_shared>> -> memref<125x16xf32, #tpu.memory_space<vmem_shared>>
      %dma_start3A_360 = arith.constant 0 : i32
      %dma_start3A_361 = arith.constant 0 : i32
      %dma_start3A_362 = tpu.memref_slice %arg6[%dma_start3A_360, %dma_start3A_361] : memref<125x16xf32, #tpu.memory_space<vmem>> -> memref<125x16xf32, #tpu.memory_space<vmem>>
      tpu.enqueue_dma source(%dma_start3A_362 : memref<125x16xf32, #tpu.memory_space<vmem>>) target(%dma_start3A_359 : memref<125x16xf32, #tpu.memory_space<vmem_shared>>) target_semaphore(%run_scoped3A : memref<!tpu.dma_semaphore, #tpu.memory_space<semaphore_mem>>)
      %dma_wait3A = arith.constant 0 : i32
      %dma_wait3A_363 = arith.constant 0 : i32
      %dma_wait3A_364 = tpu.memref_slice %arg6[%dma_wait3A, %dma_wait3A_363] : memref<125x16xf32, #tpu.memory_space<vmem>> -> memref<125x16xf32, #tpu.memory_space<vmem>>
      %dma_wait3A_365 = arith.constant 0 : i32
      %dma_wait3A_366 = tpu.memref_slice %arg9[%add3A_12, %dma_wait3A_365] : memref<10240x16xf32, #tpu.memory_space<vmem_shared>> -> memref<125x16xf32, #tpu.memory_space<vmem_shared>>
      %dma_wait3A_367 = arith.constant 0 : i32
      %dma_wait3A_368 = tpu.memref_slice %arg9[%add3A_12, %dma_wait3A_367] : memref<10240x16xf32, #tpu.memory_space<vmem_shared>> -> memref<125x16xf32, #tpu.memory_space<vmem_shared>>
      %dma_wait3A_369 = arith.constant 0 : i32
      %dma_wait3A_370 = arith.constant 0 : i32
      %dma_wait3A_371 = tpu.memref_slice %arg6[%dma_wait3A_369, %dma_wait3A_370] : memref<125x16xf32, #tpu.memory_space<vmem>> -> memref<125x16xf32, #tpu.memory_space<vmem>>
      tpu.wait_dma2 semaphore(%run_scoped3A : memref<!tpu.dma_semaphore, #tpu.memory_space<semaphore_mem>>) src(%dma_wait3A_371 : memref<125x16xf32, #tpu.memory_space<vmem>>) dst(%dma_wait3A_368 : memref<125x16xf32, #tpu.memory_space<vmem_shared>>)
      tpu.yield
    }) : () -> ()
    %mul3A_13 = arith.constant 640 : i32
    %mul3A_14 = arith.muli %arg1, %mul3A_13 : i32
    %add3A_15 = arith.constant 375 : i32
    %add3A_16 = arith.addi %mul3A_14, %add3A_15 : i32
    "tpu.region"() ({
      %run_scoped3A = tpu.sem_alloc : memref<!tpu.dma_semaphore, #tpu.memory_space<semaphore_mem>>
      %dma_start3A = arith.constant 0 : i32
      %dma_start3A_354 = arith.constant 0 : i32
      %dma_start3A_355 = tpu.memref_slice %arg6[%dma_start3A, %dma_start3A_354] : memref<125x16xf32, #tpu.memory_space<vmem>> -> memref<125x16xf32, #tpu.memory_space<vmem>>
      %dma_start3A_356 = arith.constant 0 : i32
      %dma_start3A_357 = tpu.memref_slice %arg9[%add3A_16, %dma_start3A_356] : memref<10240x16xf32, #tpu.memory_space<vmem_shared>> -> memref<125x16xf32, #tpu.memory_space<vmem_shared>>
      %dma_start3A_358 = arith.constant 0 : i32
      %dma_start3A_359 = tpu.memref_slice %arg9[%add3A_16, %dma_start3A_358] : memref<10240x16xf32, #tpu.memory_space<vmem_shared>> -> memref<125x16xf32, #tpu.memory_space<vmem_shared>>
      %dma_start3A_360 = arith.constant 0 : i32
      %dma_start3A_361 = arith.constant 0 : i32
      %dma_start3A_362 = tpu.memref_slice %arg6[%dma_start3A_360, %dma_start3A_361] : memref<125x16xf32, #tpu.memory_space<vmem>> -> memref<125x16xf32, #tpu.memory_space<vmem>>
      tpu.enqueue_dma source(%dma_start3A_362 : memref<125x16xf32, #tpu.memory_space<vmem>>) target(%dma_start3A_359 : memref<125x16xf32, #tpu.memory_space<vmem_shared>>) target_semaphore(%run_scoped3A : memref<!tpu.dma_semaphore, #tpu.memory_space<semaphore_mem>>)
      %dma_wait3A = arith.constant 0 : i32
      %dma_wait3A_363 = arith.constant 0 : i32
      %dma_wait3A_364 = tpu.memref_slice %arg6[%dma_wait3A, %dma_wait3A_363] : memref<125x16xf32, #tpu.memory_space<vmem>> -> memref<125x16xf32, #tpu.memory_space<vmem>>
      %dma_wait3A_365 = arith.constant 0 : i32
      %dma_wait3A_366 = tpu.memref_slice %arg9[%add3A_16, %dma_wait3A_365] : memref<10240x16xf32, #tpu.memory_space<vmem_shared>> -> memref<125x16xf32, #tpu.memory_space<vmem_shared>>
      %dma_wait3A_367 = arith.constant 0 : i32
      %dma_wait3A_368 = tpu.memref_slice %arg9[%add3A_16, %dma_wait3A_367] : memref<10240x16xf32, #tpu.memory_space<vmem_shared>> -> memref<125x16xf32, #tpu.memory_space<vmem_shared>>
      %dma_wait3A_369 = arith.constant 0 : i32
      %dma_wait3A_370 = arith.constant 0 : i32
      %dma_wait3A_371 = tpu.memref_slice %arg6[%dma_wait3A_369, %dma_wait3A_370] : memref<125x16xf32, #tpu.memory_space<vmem>> -> memref<125x16xf32, #tpu.memory_space<vmem>>
      tpu.wait_dma2 semaphore(%run_scoped3A : memref<!tpu.dma_semaphore, #tpu.memory_space<semaphore_mem>>) src(%dma_wait3A_371 : memref<125x16xf32, #tpu.memory_space<vmem>>) dst(%dma_wait3A_368 : memref<125x16xf32, #tpu.memory_space<vmem_shared>>)
      tpu.yield
    }) : () -> ()
    %mul3A_17 = arith.constant 640 : i32
    %mul3A_18 = arith.muli %arg1, %mul3A_17 : i32
    %add3A_19 = arith.constant 500 : i32
    %add3A_20 = arith.addi %mul3A_18, %add3A_19 : i32
    "tpu.region"() ({
      %run_scoped3A = tpu.sem_alloc : memref<!tpu.dma_semaphore, #tpu.memory_space<semaphore_mem>>
      %dma_start3A = arith.constant 0 : i32
      %dma_start3A_354 = arith.constant 0 : i32
      %dma_start3A_355 = tpu.memref_slice %arg6[%dma_start3A, %dma_start3A_354] : memref<125x16xf32, #tpu.memory_space<vmem>> -> memref<125x16xf32, #tpu.memory_space<vmem>>
      %dma_start3A_356 = arith.constant 0 : i32
      %dma_start3A_357 = tpu.memref_slice %arg9[%add3A_20, %dma_start3A_356] : memref<10240x16xf32, #tpu.memory_space<vmem_shared>> -> memref<125x16xf32, #tpu.memory_space<vmem_shared>>
      %dma_start3A_358 = arith.constant 0 : i32
      %dma_start3A_359 = tpu.memref_slice %arg9[%add3A_20, %dma_start3A_358] : memref<10240x16xf32, #tpu.memory_space<vmem_shared>> -> memref<125x16xf32, #tpu.memory_space<vmem_shared>>
      %dma_start3A_360 = arith.constant 0 : i32
      %dma_start3A_361 = arith.constant 0 : i32
      %dma_start3A_362 = tpu.memref_slice %arg6[%dma_start3A_360, %dma_start3A_361] : memref<125x16xf32, #tpu.memory_space<vmem>> -> memref<125x16xf32, #tpu.memory_space<vmem>>
      tpu.enqueue_dma source(%dma_start3A_362 : memref<125x16xf32, #tpu.memory_space<vmem>>) target(%dma_start3A_359 : memref<125x16xf32, #tpu.memory_space<vmem_shared>>) target_semaphore(%run_scoped3A : memref<!tpu.dma_semaphore, #tpu.memory_space<semaphore_mem>>)
      %dma_wait3A = arith.constant 0 : i32
      %dma_wait3A_363 = arith.constant 0 : i32
      %dma_wait3A_364 = tpu.memref_slice %arg6[%dma_wait3A, %dma_wait3A_363] : memref<125x16xf32, #tpu.memory_space<vmem>> -> memref<125x16xf32, #tpu.memory_space<vmem>>
      %dma_wait3A_365 = arith.constant 0 : i32
      %dma_wait3A_366 = tpu.memref_slice %arg9[%add3A_20, %dma_wait3A_365] : memref<10240x16xf32, #tpu.memory_space<vmem_shared>> -> memref<125x16xf32, #tpu.memory_space<vmem_shared>>
      %dma_wait3A_367 = arith.constant 0 : i32
      %dma_wait3A_368 = tpu.memref_slice %arg9[%add3A_20, %dma_wait3A_367] : memref<10240x16xf32, #tpu.memory_space<vmem_shared>> -> memref<125x16xf32, #tpu.memory_space<vmem_shared>>
      %dma_wait3A_369 = arith.constant 0 : i32
      %dma_wait3A_370 = arith.constant 0 : i32
      %dma_wait3A_371 = tpu.memref_slice %arg6[%dma_wait3A_369, %dma_wait3A_370] : memref<125x16xf32, #tpu.memory_space<vmem>> -> memref<125x16xf32, #tpu.memory_space<vmem>>
      tpu.wait_dma2 semaphore(%run_scoped3A : memref<!tpu.dma_semaphore, #tpu.memory_space<semaphore_mem>>) src(%dma_wait3A_371 : memref<125x16xf32, #tpu.memory_space<vmem>>) dst(%dma_wait3A_368 : memref<125x16xf32, #tpu.memory_space<vmem_shared>>)
      tpu.yield
    }) : () -> ()
    %mul3A_21 = arith.constant 640 : i32
    %mul3A_22 = arith.muli %arg1, %mul3A_21 : i32
    %add3A_23 = arith.constant 625 : i32
    %add3A_24 = arith.addi %mul3A_22, %add3A_23 : i32
    "tpu.region"() ({
      %run_scoped3A = tpu.sem_alloc : memref<!tpu.dma_semaphore, #tpu.memory_space<semaphore_mem>>
      %dma_start3A = arith.constant 0 : i32
      %dma_start3A_354 = arith.constant 0 : i32
      %dma_start3A_355 = tpu.memref_slice %arg6[%dma_start3A, %dma_start3A_354] : memref<125x16xf32, #tpu.memory_space<vmem>> -> memref<15x16xf32, #tpu.memory_space<vmem>>
      %dma_start3A_356 = arith.constant 0 : i32
      %dma_start3A_357 = tpu.memref_slice %arg9[%add3A_24, %dma_start3A_356] : memref<10240x16xf32, #tpu.memory_space<vmem_shared>> -> memref<15x16xf32, #tpu.memory_space<vmem_shared>>
      %dma_start3A_358 = arith.constant 0 : i32
      %dma_start3A_359 = tpu.memref_slice %arg9[%add3A_24, %dma_start3A_358] : memref<10240x16xf32, #tpu.memory_space<vmem_shared>> -> memref<15x16xf32, #tpu.memory_space<vmem_shared>>
      %dma_start3A_360 = arith.constant 0 : i32
      %dma_start3A_361 = arith.constant 0 : i32
      %dma_start3A_362 = tpu.memref_slice %arg6[%dma_start3A_360, %dma_start3A_361] : memref<125x16xf32, #tpu.memory_space<vmem>> -> memref<15x16xf32, #tpu.memory_space<vmem>>
      tpu.enqueue_dma source(%dma_start3A_362 : memref<15x16xf32, #tpu.memory_space<vmem>>) target(%dma_start3A_359 : memref<15x16xf32, #tpu.memory_space<vmem_shared>>) target_semaphore(%run_scoped3A : memref<!tpu.dma_semaphore, #tpu.memory_space<semaphore_mem>>)
      %dma_wait3A = arith.constant 0 : i32
      %dma_wait3A_363 = arith.constant 0 : i32
      %dma_wait3A_364 = tpu.memref_slice %arg6[%dma_wait3A, %dma_wait3A_363] : memref<125x16xf32, #tpu.memory_space<vmem>> -> memref<15x16xf32, #tpu.memory_space<vmem>>
      %dma_wait3A_365 = arith.constant 0 : i32
      %dma_wait3A_366 = tpu.memref_slice %arg9[%add3A_24, %dma_wait3A_365] : memref<10240x16xf32, #tpu.memory_space<vmem_shared>> -> memref<15x16xf32, #tpu.memory_space<vmem_shared>>
      %dma_wait3A_367 = arith.constant 0 : i32
      %dma_wait3A_368 = tpu.memref_slice %arg9[%add3A_24, %dma_wait3A_367] : memref<10240x16xf32, #tpu.memory_space<vmem_shared>> -> memref<15x16xf32, #tpu.memory_space<vmem_shared>>
      %dma_wait3A_369 = arith.constant 0 : i32
      %dma_wait3A_370 = arith.constant 0 : i32
      %dma_wait3A_371 = tpu.memref_slice %arg6[%dma_wait3A_369, %dma_wait3A_370] : memref<125x16xf32, #tpu.memory_space<vmem>> -> memref<15x16xf32, #tpu.memory_space<vmem>>
      tpu.wait_dma2 semaphore(%run_scoped3A : memref<!tpu.dma_semaphore, #tpu.memory_space<semaphore_mem>>) src(%dma_wait3A_371 : memref<15x16xf32, #tpu.memory_space<vmem>>) dst(%dma_wait3A_368 : memref<15x16xf32, #tpu.memory_space<vmem_shared>>)
      tpu.yield
    }) : () -> ()
    %barrier3A = arith.constant 0 : index
    tpu.barrier barrier_id(%barrier3A)
    %scan3A = arith.constant 0 : i32
    %scan3A_25 = arith.constant 0 : i32
    %scan3A_26 = arith.constant 40 : i32
    %scan3A_27 = arith.addi %scan3A_25, %scan3A_26 : i32
    %scan3A_28 = arith.constant 1 : i32
    scf.for %scan3A_354 = %scan3A_25 to %scan3A_27 step %scan3A_28  : i32 {
      "tpu.region"() ({
        %run_scoped3A = tpu.sem_alloc : memref<!tpu.dma_semaphore, #tpu.memory_space<semaphore_mem>>
        %dma_start3A = arith.constant 0 : i32
        %dma_start3A_355 = tpu.memref_slice %arg5[%scan3A_354, %dma_start3A] : memref<40x125xi32, #tpu.memory_space<vmem>> -> memref<1x125xi32, #tpu.memory_space<vmem>>
        %dma_start3A_356 = tpu.memref_squeeze %dma_start3A_355 : memref<1x125xi32, #tpu.memory_space<vmem>> -> memref<125xi32, #tpu.memory_space<vmem>>
        %dma_start3A_357 = arith.constant 0 : i32
        %dma_start3A_358 = arith.constant 0 : i32
        %dma_start3A_359 = tpu.memref_slice %arg9[%dma_start3A_357, %dma_start3A_358] : memref<10240x16xf32, #tpu.memory_space<vmem_shared>> -> memref<10240x16xf32, #tpu.memory_space<vmem_shared>>
        tpu.enqueue_indirect_dma source(%arg6 : memref<125x16xf32, #tpu.memory_space<vmem>>) target(%dma_start3A_359 : memref<10240x16xf32, #tpu.memory_space<vmem_shared>>) offsets(%dma_start3A_356 : memref<125xi32, #tpu.memory_space<vmem>>) semaphore(%run_scoped3A : memref<!tpu.dma_semaphore, #tpu.memory_space<semaphore_mem>>) {add = true}
        %dma_wait3A = arith.constant 0 : i32
        %dma_wait3A_360 = tpu.memref_slice %arg5[%scan3A_354, %dma_wait3A] : memref<40x125xi32, #tpu.memory_space<vmem>> -> memref<1x125xi32, #tpu.memory_space<vmem>>
        %dma_wait3A_361 = tpu.memref_squeeze %dma_wait3A_360 : memref<1x125xi32, #tpu.memory_space<vmem>> -> memref<125xi32, #tpu.memory_space<vmem>>
        %dma_wait3A_362 = arith.constant 0 : i32
        %dma_wait3A_363 = arith.constant 0 : i32
        %dma_wait3A_364 = tpu.memref_slice %arg9[%dma_wait3A_362, %dma_wait3A_363] : memref<10240x16xf32, #tpu.memory_space<vmem_shared>> -> memref<10240x16xf32, #tpu.memory_space<vmem_shared>>
        tpu.wait_indirect_dma semaphore(%run_scoped3A : memref<!tpu.dma_semaphore, #tpu.memory_space<semaphore_mem>>) src(%arg6 : memref<125x16xf32, #tpu.memory_space<vmem>>) dst(%dma_wait3A_364 : memref<10240x16xf32, #tpu.memory_space<vmem_shared>>)
        tpu.yield
      }) : () -> ()
    }
    %scan3A_29 = arith.constant 40 : i32
    %barrier3A_30 = arith.constant 0 : index
    tpu.barrier barrier_id(%barrier3A_30)
    %mul3A_31 = arith.constant 640 : i32
    %mul3A_32 = arith.muli %arg1, %mul3A_31 : i32
    "tpu.region"() ({
      %run_scoped3A = tpu.sem_alloc : memref<!tpu.dma_semaphore, #tpu.memory_space<semaphore_mem>>
      %dma_start3A = arith.constant 0 : i32
      %dma_start3A_354 = tpu.memref_slice %arg9[%mul3A_32, %dma_start3A] : memref<10240x16xf32, #tpu.memory_space<vmem_shared>> -> memref<640x16xf32, #tpu.memory_space<vmem_shared>>
      %dma_start3A_355 = arith.constant 0 : i32
      %dma_start3A_356 = tpu.memref_slice %arg9[%mul3A_32, %dma_start3A_355] : memref<10240x16xf32, #tpu.memory_space<vmem_shared>> -> memref<640x16xf32, #tpu.memory_space<vmem_shared>>
      tpu.enqueue_dma source(%dma_start3A_356 : memref<640x16xf32, #tpu.memory_space<vmem_shared>>) target(%arg7 : memref<640x16xf32, #tpu.memory_space<vmem>>) target_semaphore(%run_scoped3A : memref<!tpu.dma_semaphore, #tpu.memory_space<semaphore_mem>>)
      %dma_wait3A = arith.constant 0 : i32
      %dma_wait3A_357 = tpu.memref_slice %arg9[%mul3A_32, %dma_wait3A] : memref<10240x16xf32, #tpu.memory_space<vmem_shared>> -> memref<640x16xf32, #tpu.memory_space<vmem_shared>>
      %dma_wait3A_358 = arith.constant 0 : i32
      %dma_wait3A_359 = tpu.memref_slice %arg9[%mul3A_32, %dma_wait3A_358] : memref<10240x16xf32, #tpu.memory_space<vmem_shared>> -> memref<640x16xf32, #tpu.memory_space<vmem_shared>>
      tpu.wait_dma2 semaphore(%run_scoped3A : memref<!tpu.dma_semaphore, #tpu.memory_space<semaphore_mem>>) src(%dma_wait3A_359 : memref<640x16xf32, #tpu.memory_space<vmem_shared>>) dst(%arg7 : memref<640x16xf32, #tpu.memory_space<vmem>>)
      tpu.yield
    }) : () -> ()
    %iota3A = tpu.iota {dimensions = array<i32: 0>} : vector<16xi32>
    %broadcast_in_dim3A = arith.constant 0 : i32
    %broadcast_in_dim3A_33 = vector.broadcast %broadcast_in_dim3A : i32 to vector<16xi32>
    %add3A_34 = arith.constant 0 : i32
    %add3A_35 = vector.broadcast %add3A_34 : i32 to vector<16xi32>
    %add3A_36 = arith.addi %add3A_35, %iota3A : vector<16xi32>
    %gather3A = tpu.vector_load_idx %arg7[%add3A_36, %broadcast_in_dim3A_33] : memref<640x16xf32, #tpu.memory_space<vmem>>[vector<16xi32>, vector<16xi32>], vector<16xf32>,
    %swap3A = arith.constant 0 : i32
    %swap3A_37 = arith.index_cast %swap3A : i32 to index
    %swap3A_38 = arith.constant 0 : index
    %swap3A_39 = tpu.vector_load %arg8[%swap3A_37, %swap3A_38] {strides = array<i32>} : memref<5x128xf32, #tpu.memory_space<vmem>>, vector<16xf32>,
    tpu.vector_store %arg8[%swap3A_37, %swap3A_38], %gather3A {strides = array<i32>} : memref<5x128xf32, #tpu.memory_space<vmem>>, vector<16xf32>,
    %add3A_40 = arith.constant 16 : i32
    %add3A_41 = vector.broadcast %add3A_40 : i32 to vector<16xi32>
    %add3A_42 = arith.addi %add3A_41, %iota3A : vector<16xi32>
    %gather3A_43 = tpu.vector_load_idx %arg7[%add3A_42, %broadcast_in_dim3A_33] : memref<640x16xf32, #tpu.memory_space<vmem>>[vector<16xi32>, vector<16xi32>], vector<16xf32>,
    %swap3A_44 = arith.constant 0 : i32
    %swap3A_45 = arith.index_cast %swap3A_44 : i32 to index
    %swap3A_46 = arith.constant 16 : index
    %swap3A_47 = tpu.vector_load %arg8[%swap3A_45, %swap3A_46] {strides = array<i32>} : memref<5x128xf32, #tpu.memory_space<vmem>>, vector<16xf32>,
    tpu.vector_store %arg8[%swap3A_45, %swap3A_46], %gather3A_43 {strides = array<i32>} : memref<5x128xf32, #tpu.memory_space<vmem>>, vector<16xf32>,
    %add3A_48 = arith.constant 32 : i32
    %add3A_49 = vector.broadcast %add3A_48 : i32 to vector<16xi32>
    %add3A_50 = arith.addi %add3A_49, %iota3A : vector<16xi32>
    %gather3A_51 = tpu.vector_load_idx %arg7[%add3A_50, %broadcast_in_dim3A_33] : memref<640x16xf32, #tpu.memory_space<vmem>>[vector<16xi32>, vector<16xi32>], vector<16xf32>,
    %swap3A_52 = arith.constant 0 : i32
    %swap3A_53 = arith.index_cast %swap3A_52 : i32 to index
    %swap3A_54 = arith.constant 32 : index
    %swap3A_55 = tpu.vector_load %arg8[%swap3A_53, %swap3A_54] {strides = array<i32>} : memref<5x128xf32, #tpu.memory_space<vmem>>, vector<16xf32>,
    tpu.vector_store %arg8[%swap3A_53, %swap3A_54], %gather3A_51 {strides = array<i32>} : memref<5x128xf32, #tpu.memory_space<vmem>>, vector<16xf32>,
    %add3A_56 = arith.constant 48 : i32
    %add3A_57 = vector.broadcast %add3A_56 : i32 to vector<16xi32>
    %add3A_58 = arith.addi %add3A_57, %iota3A : vector<16xi32>
    %gather3A_59 = tpu.vector_load_idx %arg7[%add3A_58, %broadcast_in_dim3A_33] : memref<640x16xf32, #tpu.memory_space<vmem>>[vector<16xi32>, vector<16xi32>], vector<16xf32>,
    %swap3A_60 = arith.constant 0 : i32
    %swap3A_61 = arith.index_cast %swap3A_60 : i32 to index
    %swap3A_62 = arith.constant 48 : index
    %swap3A_63 = tpu.vector_load %arg8[%swap3A_61, %swap3A_62] {strides = array<i32>} : memref<5x128xf32, #tpu.memory_space<vmem>>, vector<16xf32>,
    tpu.vector_store %arg8[%swap3A_61, %swap3A_62], %gather3A_59 {strides = array<i32>} : memref<5x128xf32, #tpu.memory_space<vmem>>, vector<16xf32>,
    %add3A_64 = arith.constant 64 : i32
    %add3A_65 = vector.broadcast %add3A_64 : i32 to vector<16xi32>
    %add3A_66 = arith.addi %add3A_65, %iota3A : vector<16xi32>
    %gather3A_67 = tpu.vector_load_idx %arg7[%add3A_66, %broadcast_in_dim3A_33] : memref<640x16xf32, #tpu.memory_space<vmem>>[vector<16xi32>, vector<16xi32>], vector<16xf32>,
    %swap3A_68 = arith.constant 0 : i32
    %swap3A_69 = arith.index_cast %swap3A_68 : i32 to index
    %swap3A_70 = arith.constant 64 : index
    %swap3A_71 = tpu.vector_load %arg8[%swap3A_69, %swap3A_70] {strides = array<i32>} : memref<5x128xf32, #tpu.memory_space<vmem>>, vector<16xf32>,
    tpu.vector_store %arg8[%swap3A_69, %swap3A_70], %gather3A_67 {strides = array<i32>} : memref<5x128xf32, #tpu.memory_space<vmem>>, vector<16xf32>,
    %add3A_72 = arith.constant 80 : i32
    %add3A_73 = vector.broadcast %add3A_72 : i32 to vector<16xi32>
    %add3A_74 = arith.addi %add3A_73, %iota3A : vector<16xi32>
    %gather3A_75 = tpu.vector_load_idx %arg7[%add3A_74, %broadcast_in_dim3A_33] : memref<640x16xf32, #tpu.memory_space<vmem>>[vector<16xi32>, vector<16xi32>], vector<16xf32>,
    %swap3A_76 = arith.constant 0 : i32
    %swap3A_77 = arith.index_cast %swap3A_76 : i32 to index
    %swap3A_78 = arith.constant 80 : index
    %swap3A_79 = tpu.vector_load %arg8[%swap3A_77, %swap3A_78] {strides = array<i32>} : memref<5x128xf32, #tpu.memory_space<vmem>>, vector<16xf32>,
    tpu.vector_store %arg8[%swap3A_77, %swap3A_78], %gather3A_75 {strides = array<i32>} : memref<5x128xf32, #tpu.memory_space<vmem>>, vector<16xf32>,
    %add3A_80 = arith.constant 96 : i32
    %add3A_81 = vector.broadcast %add3A_80 : i32 to vector<16xi32>
    %add3A_82 = arith.addi %add3A_81, %iota3A : vector<16xi32>
    %gather3A_83 = tpu.vector_load_idx %arg7[%add3A_82, %broadcast_in_dim3A_33] : memref<640x16xf32, #tpu.memory_space<vmem>>[vector<16xi32>, vector<16xi32>], vector<16xf32>,
    %swap3A_84 = arith.constant 0 : i32
    %swap3A_85 = arith.index_cast %swap3A_84 : i32 to index
    %swap3A_86 = arith.constant 96 : index
    %swap3A_87 = tpu.vector_load %arg8[%swap3A_85, %swap3A_86] {strides = array<i32>} : memref<5x128xf32, #tpu.memory_space<vmem>>, vector<16xf32>,
    tpu.vector_store %arg8[%swap3A_85, %swap3A_86], %gather3A_83 {strides = array<i32>} : memref<5x128xf32, #tpu.memory_space<vmem>>, vector<16xf32>,
    %add3A_88 = arith.constant 112 : i32
    %add3A_89 = vector.broadcast %add3A_88 : i32 to vector<16xi32>
    %add3A_90 = arith.addi %add3A_89, %iota3A : vector<16xi32>
    %gather3A_91 = tpu.vector_load_idx %arg7[%add3A_90, %broadcast_in_dim3A_33] : memref<640x16xf32, #tpu.memory_space<vmem>>[vector<16xi32>, vector<16xi32>], vector<16xf32>,
    %swap3A_92 = arith.constant 0 : i32
    %swap3A_93 = arith.index_cast %swap3A_92 : i32 to index
    %swap3A_94 = arith.constant 112 : index
    %swap3A_95 = tpu.vector_load %arg8[%swap3A_93, %swap3A_94] {strides = array<i32>} : memref<5x128xf32, #tpu.memory_space<vmem>>, vector<16xf32>,
    tpu.vector_store %arg8[%swap3A_93, %swap3A_94], %gather3A_91 {strides = array<i32>} : memref<5x128xf32, #tpu.memory_space<vmem>>, vector<16xf32>,
    %add3A_96 = arith.constant 128 : i32
    %add3A_97 = vector.broadcast %add3A_96 : i32 to vector<16xi32>
    %add3A_98 = arith.addi %add3A_97, %iota3A : vector<16xi32>
    %gather3A_99 = tpu.vector_load_idx %arg7[%add3A_98, %broadcast_in_dim3A_33] : memref<640x16xf32, #tpu.memory_space<vmem>>[vector<16xi32>, vector<16xi32>], vector<16xf32>,
    %swap3A_100 = arith.constant 1 : i32
    %swap3A_101 = arith.index_cast %swap3A_100 : i32 to index
    %swap3A_102 = arith.constant 0 : index
    %swap3A_103 = tpu.vector_load %arg8[%swap3A_101, %swap3A_102] {strides = array<i32>} : memref<5x128xf32, #tpu.memory_space<vmem>>, vector<16xf32>,
    tpu.vector_store %arg8[%swap3A_101, %swap3A_102], %gather3A_99 {strides = array<i32>} : memref<5x128xf32, #tpu.memory_space<vmem>>, vector<16xf32>,
    %add3A_104 = arith.constant 144 : i32
    %add3A_105 = vector.broadcast %add3A_104 : i32 to vector<16xi32>
    %add3A_106 = arith.addi %add3A_105, %iota3A : vector<16xi32>
    %gather3A_107 = tpu.vector_load_idx %arg7[%add3A_106, %broadcast_in_dim3A_33] : memref<640x16xf32, #tpu.memory_space<vmem>>[vector<16xi32>, vector<16xi32>], vector<16xf32>,
    %swap3A_108 = arith.constant 1 : i32
    %swap3A_109 = arith.index_cast %swap3A_108 : i32 to index
    %swap3A_110 = arith.constant 16 : index
    %swap3A_111 = tpu.vector_load %arg8[%swap3A_109, %swap3A_110] {strides = array<i32>} : memref<5x128xf32, #tpu.memory_space<vmem>>, vector<16xf32>,
    tpu.vector_store %arg8[%swap3A_109, %swap3A_110], %gather3A_107 {strides = array<i32>} : memref<5x128xf32, #tpu.memory_space<vmem>>, vector<16xf32>,
    %add3A_112 = arith.constant 160 : i32
    %add3A_113 = vector.broadcast %add3A_112 : i32 to vector<16xi32>
    %add3A_114 = arith.addi %add3A_113, %iota3A : vector<16xi32>
    %gather3A_115 = tpu.vector_load_idx %arg7[%add3A_114, %broadcast_in_dim3A_33] : memref<640x16xf32, #tpu.memory_space<vmem>>[vector<16xi32>, vector<16xi32>], vector<16xf32>,
    %swap3A_116 = arith.constant 1 : i32
    %swap3A_117 = arith.index_cast %swap3A_116 : i32 to index
    %swap3A_118 = arith.constant 32 : index
    %swap3A_119 = tpu.vector_load %arg8[%swap3A_117, %swap3A_118] {strides = array<i32>} : memref<5x128xf32, #tpu.memory_space<vmem>>, vector<16xf32>,
    tpu.vector_store %arg8[%swap3A_117, %swap3A_118], %gather3A_115 {strides = array<i32>} : memref<5x128xf32, #tpu.memory_space<vmem>>, vector<16xf32>,
    %add3A_120 = arith.constant 176 : i32
    %add3A_121 = vector.broadcast %add3A_120 : i32 to vector<16xi32>
    %add3A_122 = arith.addi %add3A_121, %iota3A : vector<16xi32>
    %gather3A_123 = tpu.vector_load_idx %arg7[%add3A_122, %broadcast_in_dim3A_33] : memref<640x16xf32, #tpu.memory_space<vmem>>[vector<16xi32>, vector<16xi32>], vector<16xf32>,
    %swap3A_124 = arith.constant 1 : i32
    %swap3A_125 = arith.index_cast %swap3A_124 : i32 to index
    %swap3A_126 = arith.constant 48 : index
    %swap3A_127 = tpu.vector_load %arg8[%swap3A_125, %swap3A_126] {strides = array<i32>} : memref<5x128xf32, #tpu.memory_space<vmem>>, vector<16xf32>,
    tpu.vector_store %arg8[%swap3A_125, %swap3A_126], %gather3A_123 {strides = array<i32>} : memref<5x128xf32, #tpu.memory_space<vmem>>, vector<16xf32>,
    %add3A_128 = arith.constant 192 : i32
    %add3A_129 = vector.broadcast %add3A_128 : i32 to vector<16xi32>
    %add3A_130 = arith.addi %add3A_129, %iota3A : vector<16xi32>
    %gather3A_131 = tpu.vector_load_idx %arg7[%add3A_130, %broadcast_in_dim3A_33] : memref<640x16xf32, #tpu.memory_space<vmem>>[vector<16xi32>, vector<16xi32>], vector<16xf32>,
    %swap3A_132 = arith.constant 1 : i32
    %swap3A_133 = arith.index_cast %swap3A_132 : i32 to index
    %swap3A_134 = arith.constant 64 : index
    %swap3A_135 = tpu.vector_load %arg8[%swap3A_133, %swap3A_134] {strides = array<i32>} : memref<5x128xf32, #tpu.memory_space<vmem>>, vector<16xf32>,
    tpu.vector_store %arg8[%swap3A_133, %swap3A_134], %gather3A_131 {strides = array<i32>} : memref<5x128xf32, #tpu.memory_space<vmem>>, vector<16xf32>,
    %add3A_136 = arith.constant 208 : i32
    %add3A_137 = vector.broadcast %add3A_136 : i32 to vector<16xi32>
    %add3A_138 = arith.addi %add3A_137, %iota3A : vector<16xi32>
    %gather3A_139 = tpu.vector_load_idx %arg7[%add3A_138, %broadcast_in_dim3A_33] : memref<640x16xf32, #tpu.memory_space<vmem>>[vector<16xi32>, vector<16xi32>], vector<16xf32>,
    %swap3A_140 = arith.constant 1 : i32
    %swap3A_141 = arith.index_cast %swap3A_140 : i32 to index
    %swap3A_142 = arith.constant 80 : index
    %swap3A_143 = tpu.vector_load %arg8[%swap3A_141, %swap3A_142] {strides = array<i32>} : memref<5x128xf32, #tpu.memory_space<vmem>>, vector<16xf32>,
    tpu.vector_store %arg8[%swap3A_141, %swap3A_142], %gather3A_139 {strides = array<i32>} : memref<5x128xf32, #tpu.memory_space<vmem>>, vector<16xf32>,
    %add3A_144 = arith.constant 224 : i32
    %add3A_145 = vector.broadcast %add3A_144 : i32 to vector<16xi32>
    %add3A_146 = arith.addi %add3A_145, %iota3A : vector<16xi32>
    %gather3A_147 = tpu.vector_load_idx %arg7[%add3A_146, %broadcast_in_dim3A_33] : memref<640x16xf32, #tpu.memory_space<vmem>>[vector<16xi32>, vector<16xi32>], vector<16xf32>,
    %swap3A_148 = arith.constant 1 : i32
    %swap3A_149 = arith.index_cast %swap3A_148 : i32 to index
    %swap3A_150 = arith.constant 96 : index
    %swap3A_151 = tpu.vector_load %arg8[%swap3A_149, %swap3A_150] {strides = array<i32>} : memref<5x128xf32, #tpu.memory_space<vmem>>, vector<16xf32>,
    tpu.vector_store %arg8[%swap3A_149, %swap3A_150], %gather3A_147 {strides = array<i32>} : memref<5x128xf32, #tpu.memory_space<vmem>>, vector<16xf32>,
    %add3A_152 = arith.constant 240 : i32
    %add3A_153 = vector.broadcast %add3A_152 : i32 to vector<16xi32>
    %add3A_154 = arith.addi %add3A_153, %iota3A : vector<16xi32>
    %gather3A_155 = tpu.vector_load_idx %arg7[%add3A_154, %broadcast_in_dim3A_33] : memref<640x16xf32, #tpu.memory_space<vmem>>[vector<16xi32>, vector<16xi32>], vector<16xf32>,
    %swap3A_156 = arith.constant 1 : i32
    %swap3A_157 = arith.index_cast %swap3A_156 : i32 to index
    %swap3A_158 = arith.constant 112 : index
    %swap3A_159 = tpu.vector_load %arg8[%swap3A_157, %swap3A_158] {strides = array<i32>} : memref<5x128xf32, #tpu.memory_space<vmem>>, vector<16xf32>,
    tpu.vector_store %arg8[%swap3A_157, %swap3A_158], %gather3A_155 {strides = array<i32>} : memref<5x128xf32, #tpu.memory_space<vmem>>, vector<16xf32>,
    %add3A_160 = arith.constant 256 : i32
    %add3A_161 = vector.broadcast %add3A_160 : i32 to vector<16xi32>
    %add3A_162 = arith.addi %add3A_161, %iota3A : vector<16xi32>
    %gather3A_163 = tpu.vector_load_idx %arg7[%add3A_162, %broadcast_in_dim3A_33] : memref<640x16xf32, #tpu.memory_space<vmem>>[vector<16xi32>, vector<16xi32>], vector<16xf32>,
    %swap3A_164 = arith.constant 2 : i32
    %swap3A_165 = arith.index_cast %swap3A_164 : i32 to index
    %swap3A_166 = arith.constant 0 : index
    %swap3A_167 = tpu.vector_load %arg8[%swap3A_165, %swap3A_166] {strides = array<i32>} : memref<5x128xf32, #tpu.memory_space<vmem>>, vector<16xf32>,
    tpu.vector_store %arg8[%swap3A_165, %swap3A_166], %gather3A_163 {strides = array<i32>} : memref<5x128xf32, #tpu.memory_space<vmem>>, vector<16xf32>,
    %add3A_168 = arith.constant 272 : i32
    %add3A_169 = vector.broadcast %add3A_168 : i32 to vector<16xi32>
    %add3A_170 = arith.addi %add3A_169, %iota3A : vector<16xi32>
    %gather3A_171 = tpu.vector_load_idx %arg7[%add3A_170, %broadcast_in_dim3A_33] : memref<640x16xf32, #tpu.memory_space<vmem>>[vector<16xi32>, vector<16xi32>], vector<16xf32>,
    %swap3A_172 = arith.constant 2 : i32
    %swap3A_173 = arith.index_cast %swap3A_172 : i32 to index
    %swap3A_174 = arith.constant 16 : index
    %swap3A_175 = tpu.vector_load %arg8[%swap3A_173, %swap3A_174] {strides = array<i32>} : memref<5x128xf32, #tpu.memory_space<vmem>>, vector<16xf32>,
    tpu.vector_store %arg8[%swap3A_173, %swap3A_174], %gather3A_171 {strides = array<i32>} : memref<5x128xf32, #tpu.memory_space<vmem>>, vector<16xf32>,
    %add3A_176 = arith.constant 288 : i32
    %add3A_177 = vector.broadcast %add3A_176 : i32 to vector<16xi32>
    %add3A_178 = arith.addi %add3A_177, %iota3A : vector<16xi32>
    %gather3A_179 = tpu.vector_load_idx %arg7[%add3A_178, %broadcast_in_dim3A_33] : memref<640x16xf32, #tpu.memory_space<vmem>>[vector<16xi32>, vector<16xi32>], vector<16xf32>,
    %swap3A_180 = arith.constant 2 : i32
    %swap3A_181 = arith.index_cast %swap3A_180 : i32 to index
    %swap3A_182 = arith.constant 32 : index
    %swap3A_183 = tpu.vector_load %arg8[%swap3A_181, %swap3A_182] {strides = array<i32>} : memref<5x128xf32, #tpu.memory_space<vmem>>, vector<16xf32>,
    tpu.vector_store %arg8[%swap3A_181, %swap3A_182], %gather3A_179 {strides = array<i32>} : memref<5x128xf32, #tpu.memory_space<vmem>>, vector<16xf32>,
    %add3A_184 = arith.constant 304 : i32
    %add3A_185 = vector.broadcast %add3A_184 : i32 to vector<16xi32>
    %add3A_186 = arith.addi %add3A_185, %iota3A : vector<16xi32>
    %gather3A_187 = tpu.vector_load_idx %arg7[%add3A_186, %broadcast_in_dim3A_33] : memref<640x16xf32, #tpu.memory_space<vmem>>[vector<16xi32>, vector<16xi32>], vector<16xf32>,
    %swap3A_188 = arith.constant 2 : i32
    %swap3A_189 = arith.index_cast %swap3A_188 : i32 to index
    %swap3A_190 = arith.constant 48 : index
    %swap3A_191 = tpu.vector_load %arg8[%swap3A_189, %swap3A_190] {strides = array<i32>} : memref<5x128xf32, #tpu.memory_space<vmem>>, vector<16xf32>,
    tpu.vector_store %arg8[%swap3A_189, %swap3A_190], %gather3A_187 {strides = array<i32>} : memref<5x128xf32, #tpu.memory_space<vmem>>, vector<16xf32>,
    %add3A_192 = arith.constant 320 : i32
    %add3A_193 = vector.broadcast %add3A_192 : i32 to vector<16xi32>
    %add3A_194 = arith.addi %add3A_193, %iota3A : vector<16xi32>
    %gather3A_195 = tpu.vector_load_idx %arg7[%add3A_194, %broadcast_in_dim3A_33] : memref<640x16xf32, #tpu.memory_space<vmem>>[vector<16xi32>, vector<16xi32>], vector<16xf32>,
    %swap3A_196 = arith.constant 2 : i32
    %swap3A_197 = arith.index_cast %swap3A_196 : i32 to index
    %swap3A_198 = arith.constant 64 : index
    %swap3A_199 = tpu.vector_load %arg8[%swap3A_197, %swap3A_198] {strides = array<i32>} : memref<5x128xf32, #tpu.memory_space<vmem>>, vector<16xf32>,
    tpu.vector_store %arg8[%swap3A_197, %swap3A_198], %gather3A_195 {strides = array<i32>} : memref<5x128xf32, #tpu.memory_space<vmem>>, vector<16xf32>,
    %add3A_200 = arith.constant 336 : i32
    %add3A_201 = vector.broadcast %add3A_200 : i32 to vector<16xi32>
    %add3A_202 = arith.addi %add3A_201, %iota3A : vector<16xi32>
    %gather3A_203 = tpu.vector_load_idx %arg7[%add3A_202, %broadcast_in_dim3A_33] : memref<640x16xf32, #tpu.memory_space<vmem>>[vector<16xi32>, vector<16xi32>], vector<16xf32>,
    %swap3A_204 = arith.constant 2 : i32
    %swap3A_205 = arith.index_cast %swap3A_204 : i32 to index
    %swap3A_206 = arith.constant 80 : index
    %swap3A_207 = tpu.vector_load %arg8[%swap3A_205, %swap3A_206] {strides = array<i32>} : memref<5x128xf32, #tpu.memory_space<vmem>>, vector<16xf32>,
    tpu.vector_store %arg8[%swap3A_205, %swap3A_206], %gather3A_203 {strides = array<i32>} : memref<5x128xf32, #tpu.memory_space<vmem>>, vector<16xf32>,
    %add3A_208 = arith.constant 352 : i32
    %add3A_209 = vector.broadcast %add3A_208 : i32 to vector<16xi32>
    %add3A_210 = arith.addi %add3A_209, %iota3A : vector<16xi32>
    %gather3A_211 = tpu.vector_load_idx %arg7[%add3A_210, %broadcast_in_dim3A_33] : memref<640x16xf32, #tpu.memory_space<vmem>>[vector<16xi32>, vector<16xi32>], vector<16xf32>,
    %swap3A_212 = arith.constant 2 : i32
    %swap3A_213 = arith.index_cast %swap3A_212 : i32 to index
    %swap3A_214 = arith.constant 96 : index
    %swap3A_215 = tpu.vector_load %arg8[%swap3A_213, %swap3A_214] {strides = array<i32>} : memref<5x128xf32, #tpu.memory_space<vmem>>, vector<16xf32>,
    tpu.vector_store %arg8[%swap3A_213, %swap3A_214], %gather3A_211 {strides = array<i32>} : memref<5x128xf32, #tpu.memory_space<vmem>>, vector<16xf32>,
    %add3A_216 = arith.constant 368 : i32
    %add3A_217 = vector.broadcast %add3A_216 : i32 to vector<16xi32>
    %add3A_218 = arith.addi %add3A_217, %iota3A : vector<16xi32>
    %gather3A_219 = tpu.vector_load_idx %arg7[%add3A_218, %broadcast_in_dim3A_33] : memref<640x16xf32, #tpu.memory_space<vmem>>[vector<16xi32>, vector<16xi32>], vector<16xf32>,
    %swap3A_220 = arith.constant 2 : i32
    %swap3A_221 = arith.index_cast %swap3A_220 : i32 to index
    %swap3A_222 = arith.constant 112 : index
    %swap3A_223 = tpu.vector_load %arg8[%swap3A_221, %swap3A_222] {strides = array<i32>} : memref<5x128xf32, #tpu.memory_space<vmem>>, vector<16xf32>,
    tpu.vector_store %arg8[%swap3A_221, %swap3A_222], %gather3A_219 {strides = array<i32>} : memref<5x128xf32, #tpu.memory_space<vmem>>, vector<16xf32>,
    %add3A_224 = arith.constant 384 : i32
    %add3A_225 = vector.broadcast %add3A_224 : i32 to vector<16xi32>
    %add3A_226 = arith.addi %add3A_225, %iota3A : vector<16xi32>
    %gather3A_227 = tpu.vector_load_idx %arg7[%add3A_226, %broadcast_in_dim3A_33] : memref<640x16xf32, #tpu.memory_space<vmem>>[vector<16xi32>, vector<16xi32>], vector<16xf32>,
    %swap3A_228 = arith.constant 3 : i32
    %swap3A_229 = arith.index_cast %swap3A_228 : i32 to index
    %swap3A_230 = arith.constant 0 : index
    %swap3A_231 = tpu.vector_load %arg8[%swap3A_229, %swap3A_230] {strides = array<i32>} : memref<5x128xf32, #tpu.memory_space<vmem>>, vector<16xf32>,
    tpu.vector_store %arg8[%swap3A_229, %swap3A_230], %gather3A_227 {strides = array<i32>} : memref<5x128xf32, #tpu.memory_space<vmem>>, vector<16xf32>,
    %add3A_232 = arith.constant 400 : i32
    %add3A_233 = vector.broadcast %add3A_232 : i32 to vector<16xi32>
    %add3A_234 = arith.addi %add3A_233, %iota3A : vector<16xi32>
    %gather3A_235 = tpu.vector_load_idx %arg7[%add3A_234, %broadcast_in_dim3A_33] : memref<640x16xf32, #tpu.memory_space<vmem>>[vector<16xi32>, vector<16xi32>], vector<16xf32>,
    %swap3A_236 = arith.constant 3 : i32
    %swap3A_237 = arith.index_cast %swap3A_236 : i32 to index
    %swap3A_238 = arith.constant 16 : index
    %swap3A_239 = tpu.vector_load %arg8[%swap3A_237, %swap3A_238] {strides = array<i32>} : memref<5x128xf32, #tpu.memory_space<vmem>>, vector<16xf32>,
    tpu.vector_store %arg8[%swap3A_237, %swap3A_238], %gather3A_235 {strides = array<i32>} : memref<5x128xf32, #tpu.memory_space<vmem>>, vector<16xf32>,
    %add3A_240 = arith.constant 416 : i32
    %add3A_241 = vector.broadcast %add3A_240 : i32 to vector<16xi32>
    %add3A_242 = arith.addi %add3A_241, %iota3A : vector<16xi32>
    %gather3A_243 = tpu.vector_load_idx %arg7[%add3A_242, %broadcast_in_dim3A_33] : memref<640x16xf32, #tpu.memory_space<vmem>>[vector<16xi32>, vector<16xi32>], vector<16xf32>,
    %swap3A_244 = arith.constant 3 : i32
    %swap3A_245 = arith.index_cast %swap3A_244 : i32 to index
    %swap3A_246 = arith.constant 32 : index
    %swap3A_247 = tpu.vector_load %arg8[%swap3A_245, %swap3A_246] {strides = array<i32>} : memref<5x128xf32, #tpu.memory_space<vmem>>, vector<16xf32>,
    tpu.vector_store %arg8[%swap3A_245, %swap3A_246], %gather3A_243 {strides = array<i32>} : memref<5x128xf32, #tpu.memory_space<vmem>>, vector<16xf32>,
    %add3A_248 = arith.constant 432 : i32
    %add3A_249 = vector.broadcast %add3A_248 : i32 to vector<16xi32>
    %add3A_250 = arith.addi %add3A_249, %iota3A : vector<16xi32>
    %gather3A_251 = tpu.vector_load_idx %arg7[%add3A_250, %broadcast_in_dim3A_33] : memref<640x16xf32, #tpu.memory_space<vmem>>[vector<16xi32>, vector<16xi32>], vector<16xf32>,
    %swap3A_252 = arith.constant 3 : i32
    %swap3A_253 = arith.index_cast %swap3A_252 : i32 to index
    %swap3A_254 = arith.constant 48 : index
    %swap3A_255 = tpu.vector_load %arg8[%swap3A_253, %swap3A_254] {strides = array<i32>} : memref<5x128xf32, #tpu.memory_space<vmem>>, vector<16xf32>,
    tpu.vector_store %arg8[%swap3A_253, %swap3A_254], %gather3A_251 {strides = array<i32>} : memref<5x128xf32, #tpu.memory_space<vmem>>, vector<16xf32>,
    %add3A_256 = arith.constant 448 : i32
    %add3A_257 = vector.broadcast %add3A_256 : i32 to vector<16xi32>
    %add3A_258 = arith.addi %add3A_257, %iota3A : vector<16xi32>
    %gather3A_259 = tpu.vector_load_idx %arg7[%add3A_258, %broadcast_in_dim3A_33] : memref<640x16xf32, #tpu.memory_space<vmem>>[vector<16xi32>, vector<16xi32>], vector<16xf32>,
    %swap3A_260 = arith.constant 3 : i32
    %swap3A_261 = arith.index_cast %swap3A_260 : i32 to index
    %swap3A_262 = arith.constant 64 : index
    %swap3A_263 = tpu.vector_load %arg8[%swap3A_261, %swap3A_262] {strides = array<i32>} : memref<5x128xf32, #tpu.memory_space<vmem>>, vector<16xf32>,
    tpu.vector_store %arg8[%swap3A_261, %swap3A_262], %gather3A_259 {strides = array<i32>} : memref<5x128xf32, #tpu.memory_space<vmem>>, vector<16xf32>,
    %add3A_264 = arith.constant 464 : i32
    %add3A_265 = vector.broadcast %add3A_264 : i32 to vector<16xi32>
    %add3A_266 = arith.addi %add3A_265, %iota3A : vector<16xi32>
    %gather3A_267 = tpu.vector_load_idx %arg7[%add3A_266, %broadcast_in_dim3A_33] : memref<640x16xf32, #tpu.memory_space<vmem>>[vector<16xi32>, vector<16xi32>], vector<16xf32>,
    %swap3A_268 = arith.constant 3 : i32
    %swap3A_269 = arith.index_cast %swap3A_268 : i32 to index
    %swap3A_270 = arith.constant 80 : index
    %swap3A_271 = tpu.vector_load %arg8[%swap3A_269, %swap3A_270] {strides = array<i32>} : memref<5x128xf32, #tpu.memory_space<vmem>>, vector<16xf32>,
    tpu.vector_store %arg8[%swap3A_269, %swap3A_270], %gather3A_267 {strides = array<i32>} : memref<5x128xf32, #tpu.memory_space<vmem>>, vector<16xf32>,
    %add3A_272 = arith.constant 480 : i32
    %add3A_273 = vector.broadcast %add3A_272 : i32 to vector<16xi32>
    %add3A_274 = arith.addi %add3A_273, %iota3A : vector<16xi32>
    %gather3A_275 = tpu.vector_load_idx %arg7[%add3A_274, %broadcast_in_dim3A_33] : memref<640x16xf32, #tpu.memory_space<vmem>>[vector<16xi32>, vector<16xi32>], vector<16xf32>,
    %swap3A_276 = arith.constant 3 : i32
    %swap3A_277 = arith.index_cast %swap3A_276 : i32 to index
    %swap3A_278 = arith.constant 96 : index
    %swap3A_279 = tpu.vector_load %arg8[%swap3A_277, %swap3A_278] {strides = array<i32>} : memref<5x128xf32, #tpu.memory_space<vmem>>, vector<16xf32>,
    tpu.vector_store %arg8[%swap3A_277, %swap3A_278], %gather3A_275 {strides = array<i32>} : memref<5x128xf32, #tpu.memory_space<vmem>>, vector<16xf32>,
    %add3A_280 = arith.constant 496 : i32
    %add3A_281 = vector.broadcast %add3A_280 : i32 to vector<16xi32>
    %add3A_282 = arith.addi %add3A_281, %iota3A : vector<16xi32>
    %gather3A_283 = tpu.vector_load_idx %arg7[%add3A_282, %broadcast_in_dim3A_33] : memref<640x16xf32, #tpu.memory_space<vmem>>[vector<16xi32>, vector<16xi32>], vector<16xf32>,
    %swap3A_284 = arith.constant 3 : i32
    %swap3A_285 = arith.index_cast %swap3A_284 : i32 to index
    %swap3A_286 = arith.constant 112 : index
    %swap3A_287 = tpu.vector_load %arg8[%swap3A_285, %swap3A_286] {strides = array<i32>} : memref<5x128xf32, #tpu.memory_space<vmem>>, vector<16xf32>,
    tpu.vector_store %arg8[%swap3A_285, %swap3A_286], %gather3A_283 {strides = array<i32>} : memref<5x128xf32, #tpu.memory_space<vmem>>, vector<16xf32>,
    %add3A_288 = arith.constant 512 : i32
    %add3A_289 = vector.broadcast %add3A_288 : i32 to vector<16xi32>
    %add3A_290 = arith.addi %add3A_289, %iota3A : vector<16xi32>
    %gather3A_291 = tpu.vector_load_idx %arg7[%add3A_290, %broadcast_in_dim3A_33] : memref<640x16xf32, #tpu.memory_space<vmem>>[vector<16xi32>, vector<16xi32>], vector<16xf32>,
    %swap3A_292 = arith.constant 4 : i32
    %swap3A_293 = arith.index_cast %swap3A_292 : i32 to index
    %swap3A_294 = arith.constant 0 : index
    %swap3A_295 = tpu.vector_load %arg8[%swap3A_293, %swap3A_294] {strides = array<i32>} : memref<5x128xf32, #tpu.memory_space<vmem>>, vector<16xf32>,
    tpu.vector_store %arg8[%swap3A_293, %swap3A_294], %gather3A_291 {strides = array<i32>} : memref<5x128xf32, #tpu.memory_space<vmem>>, vector<16xf32>,
    %add3A_296 = arith.constant 528 : i32
    %add3A_297 = vector.broadcast %add3A_296 : i32 to vector<16xi32>
    %add3A_298 = arith.addi %add3A_297, %iota3A : vector<16xi32>
    %gather3A_299 = tpu.vector_load_idx %arg7[%add3A_298, %broadcast_in_dim3A_33] : memref<640x16xf32, #tpu.memory_space<vmem>>[vector<16xi32>, vector<16xi32>], vector<16xf32>,
    %swap3A_300 = arith.constant 4 : i32
    %swap3A_301 = arith.index_cast %swap3A_300 : i32 to index
    %swap3A_302 = arith.constant 16 : index
    %swap3A_303 = tpu.vector_load %arg8[%swap3A_301, %swap3A_302] {strides = array<i32>} : memref<5x128xf32, #tpu.memory_space<vmem>>, vector<16xf32>,
    tpu.vector_store %arg8[%swap3A_301, %swap3A_302], %gather3A_299 {strides = array<i32>} : memref<5x128xf32, #tpu.memory_space<vmem>>, vector<16xf32>,
    %add3A_304 = arith.constant 544 : i32
    %add3A_305 = vector.broadcast %add3A_304 : i32 to vector<16xi32>
    %add3A_306 = arith.addi %add3A_305, %iota3A : vector<16xi32>
    %gather3A_307 = tpu.vector_load_idx %arg7[%add3A_306, %broadcast_in_dim3A_33] : memref<640x16xf32, #tpu.memory_space<vmem>>[vector<16xi32>, vector<16xi32>], vector<16xf32>,
    %swap3A_308 = arith.constant 4 : i32
    %swap3A_309 = arith.index_cast %swap3A_308 : i32 to index
    %swap3A_310 = arith.constant 32 : index
    %swap3A_311 = tpu.vector_load %arg8[%swap3A_309, %swap3A_310] {strides = array<i32>} : memref<5x128xf32, #tpu.memory_space<vmem>>, vector<16xf32>,
    tpu.vector_store %arg8[%swap3A_309, %swap3A_310], %gather3A_307 {strides = array<i32>} : memref<5x128xf32, #tpu.memory_space<vmem>>, vector<16xf32>,
    %add3A_312 = arith.constant 560 : i32
    %add3A_313 = vector.broadcast %add3A_312 : i32 to vector<16xi32>
    %add3A_314 = arith.addi %add3A_313, %iota3A : vector<16xi32>
    %gather3A_315 = tpu.vector_load_idx %arg7[%add3A_314, %broadcast_in_dim3A_33] : memref<640x16xf32, #tpu.memory_space<vmem>>[vector<16xi32>, vector<16xi32>], vector<16xf32>,
    %swap3A_316 = arith.constant 4 : i32
    %swap3A_317 = arith.index_cast %swap3A_316 : i32 to index
    %swap3A_318 = arith.constant 48 : index
    %swap3A_319 = tpu.vector_load %arg8[%swap3A_317, %swap3A_318] {strides = array<i32>} : memref<5x128xf32, #tpu.memory_space<vmem>>, vector<16xf32>,
    tpu.vector_store %arg8[%swap3A_317, %swap3A_318], %gather3A_315 {strides = array<i32>} : memref<5x128xf32, #tpu.memory_space<vmem>>, vector<16xf32>,
    %add3A_320 = arith.constant 576 : i32
    %add3A_321 = vector.broadcast %add3A_320 : i32 to vector<16xi32>
    %add3A_322 = arith.addi %add3A_321, %iota3A : vector<16xi32>
    %gather3A_323 = tpu.vector_load_idx %arg7[%add3A_322, %broadcast_in_dim3A_33] : memref<640x16xf32, #tpu.memory_space<vmem>>[vector<16xi32>, vector<16xi32>], vector<16xf32>,
    %swap3A_324 = arith.constant 4 : i32
    %swap3A_325 = arith.index_cast %swap3A_324 : i32 to index
    %swap3A_326 = arith.constant 64 : index
    %swap3A_327 = tpu.vector_load %arg8[%swap3A_325, %swap3A_326] {strides = array<i32>} : memref<5x128xf32, #tpu.memory_space<vmem>>, vector<16xf32>,
    tpu.vector_store %arg8[%swap3A_325, %swap3A_326], %gather3A_323 {strides = array<i32>} : memref<5x128xf32, #tpu.memory_space<vmem>>, vector<16xf32>,
    %add3A_328 = arith.constant 592 : i32
    %add3A_329 = vector.broadcast %add3A_328 : i32 to vector<16xi32>
    %add3A_330 = arith.addi %add3A_329, %iota3A : vector<16xi32>
    %gather3A_331 = tpu.vector_load_idx %arg7[%add3A_330, %broadcast_in_dim3A_33] : memref<640x16xf32, #tpu.memory_space<vmem>>[vector<16xi32>, vector<16xi32>], vector<16xf32>,
    %swap3A_332 = arith.constant 4 : i32
    %swap3A_333 = arith.index_cast %swap3A_332 : i32 to index
    %swap3A_334 = arith.constant 80 : index
    %swap3A_335 = tpu.vector_load %arg8[%swap3A_333, %swap3A_334] {strides = array<i32>} : memref<5x128xf32, #tpu.memory_space<vmem>>, vector<16xf32>,
    tpu.vector_store %arg8[%swap3A_333, %swap3A_334], %gather3A_331 {strides = array<i32>} : memref<5x128xf32, #tpu.memory_space<vmem>>, vector<16xf32>,
    %add3A_336 = arith.constant 608 : i32
    %add3A_337 = vector.broadcast %add3A_336 : i32 to vector<16xi32>
    %add3A_338 = arith.addi %add3A_337, %iota3A : vector<16xi32>
    %gather3A_339 = tpu.vector_load_idx %arg7[%add3A_338, %broadcast_in_dim3A_33] : memref<640x16xf32, #tpu.memory_space<vmem>>[vector<16xi32>, vector<16xi32>], vector<16xf32>,
    %swap3A_340 = arith.constant 4 : i32
    %swap3A_341 = arith.index_cast %swap3A_340 : i32 to index
    %swap3A_342 = arith.constant 96 : index
    %swap3A_343 = tpu.vector_load %arg8[%swap3A_341, %swap3A_342] {strides = array<i32>} : memref<5x128xf32, #tpu.memory_space<vmem>>, vector<16xf32>,
    tpu.vector_store %arg8[%swap3A_341, %swap3A_342], %gather3A_339 {strides = array<i32>} : memref<5x128xf32, #tpu.memory_space<vmem>>, vector<16xf32>,
    %add3A_344 = arith.constant 624 : i32
    %add3A_345 = vector.broadcast %add3A_344 : i32 to vector<16xi32>
    %add3A_346 = arith.addi %add3A_345, %iota3A : vector<16xi32>
    %gather3A_347 = tpu.vector_load_idx %arg7[%add3A_346, %broadcast_in_dim3A_33] : memref<640x16xf32, #tpu.memory_space<vmem>>[vector<16xi32>, vector<16xi32>], vector<16xf32>,
    %swap3A_348 = arith.constant 4 : i32
    %swap3A_349 = arith.index_cast %swap3A_348 : i32 to index
    %swap3A_350 = arith.constant 112 : index
    %swap3A_351 = tpu.vector_load %arg8[%swap3A_349, %swap3A_350] {strides = array<i32>} : memref<5x128xf32, #tpu.memory_space<vmem>>, vector<16xf32>,
    tpu.vector_store %arg8[%swap3A_349, %swap3A_350], %gather3A_347 {strides = array<i32>} : memref<5x128xf32, #tpu.memory_space<vmem>>, vector<16xf32>,
    %mul3A_352 = arith.constant 5 : i32
    %mul3A_353 = arith.muli %arg1, %mul3A_352 : i32
    "tpu.region"() ({
      %run_scoped3A = tpu.sem_alloc : memref<!tpu.dma_semaphore, #tpu.memory_space<semaphore_mem>>
      %dma_start3A = arith.constant 0 : i32
      %dma_start3A_354 = tpu.memref_slice %arg4[%arg0, %mul3A_353, %dma_start3A] : memref<2x80x128xf32, #tpu.memory_space<hbm>> -> memref<1x5x128xf32, #tpu.memory_space<hbm>>
      %dma_start3A_355 = tpu.memref_squeeze %dma_start3A_354 : memref<1x5x128xf32, #tpu.memory_space<hbm>> -> memref<5x128xf32, #tpu.memory_space<hbm>>
      %dma_start3A_356 = arith.constant 0 : i32
      %dma_start3A_357 = tpu.memref_slice %arg4[%arg0, %mul3A_353, %dma_start3A_356] : memref<2x80x128xf32, #tpu.memory_space<hbm>> -> memref<1x5x128xf32, #tpu.memory_space<hbm>>
      %dma_start3A_358 = tpu.memref_squeeze %dma_start3A_357 : memref<1x5x128xf32, #tpu.memory_space<hbm>> -> memref<5x128xf32, #tpu.memory_space<hbm>>
      tpu.enqueue_dma source(%arg8 : memref<5x128xf32, #tpu.memory_space<vmem>>) target(%dma_start3A_358 : memref<5x128xf32, #tpu.memory_space<hbm>>) target_semaphore(%run_scoped3A : memref<!tpu.dma_semaphore, #tpu.memory_space<semaphore_mem>>)
      %dma_wait3A = arith.constant 0 : i32
      %dma_wait3A_359 = tpu.memref_slice %arg4[%arg0, %mul3A_353, %dma_wait3A] : memref<2x80x128xf32, #tpu.memory_space<hbm>> -> memref<1x5x128xf32, #tpu.memory_space<hbm>>
      %dma_wait3A_360 = tpu.memref_squeeze %dma_wait3A_359 : memref<1x5x128xf32, #tpu.memory_space<hbm>> -> memref<5x128xf32, #tpu.memory_space<hbm>>
      %dma_wait3A_361 = arith.constant 0 : i32
      %dma_wait3A_362 = tpu.memref_slice %arg4[%arg0, %mul3A_353, %dma_wait3A_361] : memref<2x80x128xf32, #tpu.memory_space<hbm>> -> memref<1x5x128xf32, #tpu.memory_space<hbm>>
      %dma_wait3A_363 = tpu.memref_squeeze %dma_wait3A_362 : memref<1x5x128xf32, #tpu.memory_space<hbm>> -> memref<5x128xf32, #tpu.memory_space<hbm>>
      tpu.wait_dma2 semaphore(%run_scoped3A : memref<!tpu.dma_semaphore, #tpu.memory_space<semaphore_mem>>) src(%arg8 : memref<5x128xf32, #tpu.memory_space<vmem>>) dst(%dma_wait3A_363 : memref<5x128xf32, #tpu.memory_space<hbm>>)
      tpu.yield
    }) : () -> ()
    return
  }
}

#map = affine_map<(d0, d1) -> (0, 0)>
#map1 = affine_map<(d0, d1) -> (0, 0, 0)>
module attributes {stable_mosaic.version = 14 : i64} {
  func.func @_sc_segsum16_body(%arg0: i32, %arg1: i32, %arg2: memref<10240x16xf32, #tpu.memory_space<hbm>>, %arg3: memref<32x40x125xi32, #tpu.memory_space<hbm>>, %arg4: memref<32x40x125xi32, #tpu.memory_space<hbm>>, %arg5: memref<2x80x128xf32, #tpu.memory_space<hbm>>, %arg6: memref<40x125xi32, #tpu.memory_space<vmem>>, %arg7: memref<40x125xi32, #tpu.memory_space<vmem>>, %arg8: memref<125x16xf32, #tpu.memory_space<vmem>>, %arg9: memref<125x16xf32, #tpu.memory_space<vmem>>, %arg10: memref<640x16xf32, #tpu.memory_space<vmem>>, %arg11: memref<5x128xf32, #tpu.memory_space<vmem>>, %arg12: memref<10240x16xf32, #tpu.memory_space<vmem_shared>>, %arg13: memref<!tpu.dma_semaphore, #tpu.memory_space<semaphore_mem>>, %arg14: memref<!tpu.dma_semaphore, #tpu.memory_space<semaphore_mem>>) attributes {dimension_semantics = [#tpu.dimension_semantics<core_parallel>, #tpu.dimension_semantics<subcore_parallel>], iteration_bounds = array<i64: 2, 16>, scalar_prefetch = 0 : i64, scratch_operands = 9 : i64, tpu.core_type = #tpu.core_type<sc_vector_subcore>, window_params = [{transform_indices = #map}, {transform_indices = #map1}, {transform_indices = #map1}, {transform_indices = #map1}]} {
    %mul3A = arith.constant 16 : i32
    %mul3A_0 = arith.muli %arg0, %mul3A : i32
    %add3A = arith.addi %mul3A_0, %arg1 : i32
    "tpu.region"() ({
      %run_scoped3A = tpu.sem_alloc : memref<!tpu.dma_semaphore, #tpu.memory_space<semaphore_mem>>
      %dma_start3A_347 = arith.constant 0 : i32
      %dma_start3A_348 = arith.constant 0 : i32
      %dma_start3A_349 = tpu.memref_slice %arg3[%add3A, %dma_start3A_347, %dma_start3A_348] : memref<32x40x125xi32, #tpu.memory_space<hbm>> -> memref<1x40x125xi32, #tpu.memory_space<hbm>>
      %dma_start3A_350 = tpu.memref_squeeze %dma_start3A_349 : memref<1x40x125xi32, #tpu.memory_space<hbm>> -> memref<40x125xi32, #tpu.memory_space<hbm>>
      %dma_start3A_351 = arith.constant 0 : i32
      %dma_start3A_352 = arith.constant 0 : i32
      %dma_start3A_353 = tpu.memref_slice %arg3[%add3A, %dma_start3A_351, %dma_start3A_352] : memref<32x40x125xi32, #tpu.memory_space<hbm>> -> memref<1x40x125xi32, #tpu.memory_space<hbm>>
      %dma_start3A_354 = tpu.memref_squeeze %dma_start3A_353 : memref<1x40x125xi32, #tpu.memory_space<hbm>> -> memref<40x125xi32, #tpu.memory_space<hbm>>
      tpu.enqueue_dma source(%dma_start3A_354 : memref<40x125xi32, #tpu.memory_space<hbm>>) target(%arg6 : memref<40x125xi32, #tpu.memory_space<vmem>>) target_semaphore(%run_scoped3A : memref<!tpu.dma_semaphore, #tpu.memory_space<semaphore_mem>>)
      %dma_wait3A = arith.constant 0 : i32
      %dma_wait3A_355 = arith.constant 0 : i32
      %dma_wait3A_356 = tpu.memref_slice %arg3[%add3A, %dma_wait3A, %dma_wait3A_355] : memref<32x40x125xi32, #tpu.memory_space<hbm>> -> memref<1x40x125xi32, #tpu.memory_space<hbm>>
      %dma_wait3A_357 = tpu.memref_squeeze %dma_wait3A_356 : memref<1x40x125xi32, #tpu.memory_space<hbm>> -> memref<40x125xi32, #tpu.memory_space<hbm>>
      %dma_wait3A_358 = arith.constant 0 : i32
      %dma_wait3A_359 = arith.constant 0 : i32
      %dma_wait3A_360 = tpu.memref_slice %arg3[%add3A, %dma_wait3A_358, %dma_wait3A_359] : memref<32x40x125xi32, #tpu.memory_space<hbm>> -> memref<1x40x125xi32, #tpu.memory_space<hbm>>
      %dma_wait3A_361 = tpu.memref_squeeze %dma_wait3A_360 : memref<1x40x125xi32, #tpu.memory_space<hbm>> -> memref<40x125xi32, #tpu.memory_space<hbm>>
      tpu.wait_dma2 semaphore(%run_scoped3A : memref<!tpu.dma_semaphore, #tpu.memory_space<semaphore_mem>>) src(%dma_wait3A_361 : memref<40x125xi32, #tpu.memory_space<hbm>>) dst(%arg6 : memref<40x125xi32, #tpu.memory_space<vmem>>)
      tpu.yield
    }) : () -> ()
    "tpu.region"() ({
      %run_scoped3A = tpu.sem_alloc : memref<!tpu.dma_semaphore, #tpu.memory_space<semaphore_mem>>
      %dma_start3A_347 = arith.constant 0 : i32
      %dma_start3A_348 = arith.constant 0 : i32
      %dma_start3A_349 = tpu.memref_slice %arg4[%add3A, %dma_start3A_347, %dma_start3A_348] : memref<32x40x125xi32, #tpu.memory_space<hbm>> -> memref<1x40x125xi32, #tpu.memory_space<hbm>>
      %dma_start3A_350 = tpu.memref_squeeze %dma_start3A_349 : memref<1x40x125xi32, #tpu.memory_space<hbm>> -> memref<40x125xi32, #tpu.memory_space<hbm>>
      %dma_start3A_351 = arith.constant 0 : i32
      %dma_start3A_352 = arith.constant 0 : i32
      %dma_start3A_353 = tpu.memref_slice %arg4[%add3A, %dma_start3A_351, %dma_start3A_352] : memref<32x40x125xi32, #tpu.memory_space<hbm>> -> memref<1x40x125xi32, #tpu.memory_space<hbm>>
      %dma_start3A_354 = tpu.memref_squeeze %dma_start3A_353 : memref<1x40x125xi32, #tpu.memory_space<hbm>> -> memref<40x125xi32, #tpu.memory_space<hbm>>
      tpu.enqueue_dma source(%dma_start3A_354 : memref<40x125xi32, #tpu.memory_space<hbm>>) target(%arg7 : memref<40x125xi32, #tpu.memory_space<vmem>>) target_semaphore(%run_scoped3A : memref<!tpu.dma_semaphore, #tpu.memory_space<semaphore_mem>>)
      %dma_wait3A = arith.constant 0 : i32
      %dma_wait3A_355 = arith.constant 0 : i32
      %dma_wait3A_356 = tpu.memref_slice %arg4[%add3A, %dma_wait3A, %dma_wait3A_355] : memref<32x40x125xi32, #tpu.memory_space<hbm>> -> memref<1x40x125xi32, #tpu.memory_space<hbm>>
      %dma_wait3A_357 = tpu.memref_squeeze %dma_wait3A_356 : memref<1x40x125xi32, #tpu.memory_space<hbm>> -> memref<40x125xi32, #tpu.memory_space<hbm>>
      %dma_wait3A_358 = arith.constant 0 : i32
      %dma_wait3A_359 = arith.constant 0 : i32
      %dma_wait3A_360 = tpu.memref_slice %arg4[%add3A, %dma_wait3A_358, %dma_wait3A_359] : memref<32x40x125xi32, #tpu.memory_space<hbm>> -> memref<1x40x125xi32, #tpu.memory_space<hbm>>
      %dma_wait3A_361 = tpu.memref_squeeze %dma_wait3A_360 : memref<1x40x125xi32, #tpu.memory_space<hbm>> -> memref<40x125xi32, #tpu.memory_space<hbm>>
      tpu.wait_dma2 semaphore(%run_scoped3A : memref<!tpu.dma_semaphore, #tpu.memory_space<semaphore_mem>>) src(%dma_wait3A_361 : memref<40x125xi32, #tpu.memory_space<hbm>>) dst(%arg7 : memref<40x125xi32, #tpu.memory_space<vmem>>)
      tpu.yield
    }) : () -> ()
    %mul3A_1 = arith.constant 640 : i32
    %mul3A_2 = arith.muli %arg1, %mul3A_1 : i32
    %mul3A_3 = arith.constant 640 : i32
    %mul3A_4 = arith.muli %arg1, %mul3A_3 : i32
    "tpu.region"() ({
      %run_scoped3A = tpu.sem_alloc : memref<!tpu.dma_semaphore, #tpu.memory_space<semaphore_mem>>
      %dma_start3A_347 = arith.constant 0 : i32
      %dma_start3A_348 = tpu.memref_slice %arg12[%mul3A_4, %dma_start3A_347] : memref<10240x16xf32, #tpu.memory_space<vmem_shared>> -> memref<640x16xf32, #tpu.memory_space<vmem_shared>>
      %dma_start3A_349 = arith.constant 0 : i32
      %dma_start3A_350 = tpu.memref_slice %arg2[%mul3A_2, %dma_start3A_349] : memref<10240x16xf32, #tpu.memory_space<hbm>> -> memref<640x16xf32, #tpu.memory_space<hbm>>
      tpu.enqueue_dma source(%dma_start3A_350 : memref<640x16xf32, #tpu.memory_space<hbm>>) target(%dma_start3A_348 : memref<640x16xf32, #tpu.memory_space<vmem_shared>>) target_semaphore(%run_scoped3A : memref<!tpu.dma_semaphore, #tpu.memory_space<semaphore_mem>>)
      %dma_wait3A = arith.constant 0 : i32
      %dma_wait3A_351 = tpu.memref_slice %arg12[%mul3A_4, %dma_wait3A] : memref<10240x16xf32, #tpu.memory_space<vmem_shared>> -> memref<640x16xf32, #tpu.memory_space<vmem_shared>>
      %dma_wait3A_352 = arith.constant 0 : i32
      %dma_wait3A_353 = tpu.memref_slice %arg2[%mul3A_2, %dma_wait3A_352] : memref<10240x16xf32, #tpu.memory_space<hbm>> -> memref<640x16xf32, #tpu.memory_space<hbm>>
      tpu.wait_dma2 semaphore(%run_scoped3A : memref<!tpu.dma_semaphore, #tpu.memory_space<semaphore_mem>>) src(%dma_wait3A_353 : memref<640x16xf32, #tpu.memory_space<hbm>>) dst(%dma_wait3A_351 : memref<640x16xf32, #tpu.memory_space<vmem_shared>>)
      tpu.yield
    }) : () -> ()
    %barrier3A = arith.constant 0 : index
    tpu.barrier barrier_id(%barrier3A)
    %dma_start3A = arith.constant 0 : i32
    %dma_start3A_5 = arith.constant 0 : i32
    %dma_start3A_6 = tpu.memref_slice %arg6[%dma_start3A, %dma_start3A_5] : memref<40x125xi32, #tpu.memory_space<vmem>> -> memref<1x125xi32, #tpu.memory_space<vmem>>
    %dma_start3A_7 = tpu.memref_squeeze %dma_start3A_6 : memref<1x125xi32, #tpu.memory_space<vmem>> -> memref<125xi32, #tpu.memory_space<vmem>>
    %dma_start3A_8 = arith.constant 0 : i32
    %dma_start3A_9 = arith.constant 0 : i32
    %dma_start3A_10 = tpu.memref_slice %arg2[%dma_start3A_8, %dma_start3A_9] : memref<10240x16xf32, #tpu.memory_space<hbm>> -> memref<10240x16xf32, #tpu.memory_space<hbm>>
    tpu.enqueue_indirect_dma source(%dma_start3A_10 : memref<10240x16xf32, #tpu.memory_space<hbm>>) target(%arg8 : memref<125x16xf32, #tpu.memory_space<vmem>>) offsets(%dma_start3A_7 : memref<125xi32, #tpu.memory_space<vmem>>) semaphore(%arg13 : memref<!tpu.dma_semaphore, #tpu.memory_space<semaphore_mem>>)
    %dma_start3A_11 = arith.constant 1 : i32
    %dma_start3A_12 = arith.constant 0 : i32
    %dma_start3A_13 = tpu.memref_slice %arg6[%dma_start3A_11, %dma_start3A_12] : memref<40x125xi32, #tpu.memory_space<vmem>> -> memref<1x125xi32, #tpu.memory_space<vmem>>
    %dma_start3A_14 = tpu.memref_squeeze %dma_start3A_13 : memref<1x125xi32, #tpu.memory_space<vmem>> -> memref<125xi32, #tpu.memory_space<vmem>>
    %dma_start3A_15 = arith.constant 0 : i32
    %dma_start3A_16 = arith.constant 0 : i32
    %dma_start3A_17 = tpu.memref_slice %arg2[%dma_start3A_15, %dma_start3A_16] : memref<10240x16xf32, #tpu.memory_space<hbm>> -> memref<10240x16xf32, #tpu.memory_space<hbm>>
    tpu.enqueue_indirect_dma source(%dma_start3A_17 : memref<10240x16xf32, #tpu.memory_space<hbm>>) target(%arg9 : memref<125x16xf32, #tpu.memory_space<vmem>>) offsets(%dma_start3A_14 : memref<125xi32, #tpu.memory_space<vmem>>) semaphore(%arg14 : memref<!tpu.dma_semaphore, #tpu.memory_space<semaphore_mem>>)
    %scan3A = arith.constant 0 : i32
    %scan3A_18 = arith.constant 0 : i32
    %scan3A_19 = arith.constant 20 : i32
    %scan3A_20 = arith.addi %scan3A_18, %scan3A_19 : i32
    %scan3A_21 = arith.constant 1 : i32
    scf.for %scan3A_347 = %scan3A_18 to %scan3A_20 step %scan3A_21  : i32 {
      %mul3A_348 = arith.constant 2 : i32
      %mul3A_349 = arith.muli %mul3A_348, %scan3A_347 : i32
      %mul3A_350 = arith.constant 2 : i32
      %mul3A_351 = arith.muli %mul3A_350, %scan3A_347 : i32
      %add3A_352 = arith.constant 1 : i32
      %add3A_353 = arith.addi %mul3A_351, %add3A_352 : i32
      %dma_wait3A = arith.constant 0 : i32
      %dma_wait3A_354 = tpu.memref_slice %arg6[%mul3A_349, %dma_wait3A] : memref<40x125xi32, #tpu.memory_space<vmem>> -> memref<1x125xi32, #tpu.memory_space<vmem>>
      %dma_wait3A_355 = tpu.memref_squeeze %dma_wait3A_354 : memref<1x125xi32, #tpu.memory_space<vmem>> -> memref<125xi32, #tpu.memory_space<vmem>>
      %dma_wait3A_356 = arith.constant 0 : i32
      %dma_wait3A_357 = arith.constant 0 : i32
      %dma_wait3A_358 = tpu.memref_slice %arg2[%dma_wait3A_356, %dma_wait3A_357] : memref<10240x16xf32, #tpu.memory_space<hbm>> -> memref<10240x16xf32, #tpu.memory_space<hbm>>
      tpu.wait_indirect_dma semaphore(%arg13 : memref<!tpu.dma_semaphore, #tpu.memory_space<semaphore_mem>>) src(%dma_wait3A_358 : memref<10240x16xf32, #tpu.memory_space<hbm>>) dst(%arg8 : memref<125x16xf32, #tpu.memory_space<vmem>>)
      "tpu.region"() ({
        %run_scoped3A = tpu.sem_alloc : memref<!tpu.dma_semaphore, #tpu.memory_space<semaphore_mem>>
        %dma_start3A_376 = arith.constant 0 : i32
        %dma_start3A_377 = tpu.memref_slice %arg7[%mul3A_349, %dma_start3A_376] : memref<40x125xi32, #tpu.memory_space<vmem>> -> memref<1x125xi32, #tpu.memory_space<vmem>>
        %dma_start3A_378 = tpu.memref_squeeze %dma_start3A_377 : memref<1x125xi32, #tpu.memory_space<vmem>> -> memref<125xi32, #tpu.memory_space<vmem>>
        %dma_start3A_379 = arith.constant 0 : i32
        %dma_start3A_380 = arith.constant 0 : i32
        %dma_start3A_381 = tpu.memref_slice %arg12[%dma_start3A_379, %dma_start3A_380] : memref<10240x16xf32, #tpu.memory_space<vmem_shared>> -> memref<10240x16xf32, #tpu.memory_space<vmem_shared>>
        tpu.enqueue_indirect_dma source(%arg8 : memref<125x16xf32, #tpu.memory_space<vmem>>) target(%dma_start3A_381 : memref<10240x16xf32, #tpu.memory_space<vmem_shared>>) offsets(%dma_start3A_378 : memref<125xi32, #tpu.memory_space<vmem>>) semaphore(%run_scoped3A : memref<!tpu.dma_semaphore, #tpu.memory_space<semaphore_mem>>) {add = true}
        %dma_wait3A_382 = arith.constant 0 : i32
        %dma_wait3A_383 = tpu.memref_slice %arg7[%mul3A_349, %dma_wait3A_382] : memref<40x125xi32, #tpu.memory_space<vmem>> -> memref<1x125xi32, #tpu.memory_space<vmem>>
        %dma_wait3A_384 = tpu.memref_squeeze %dma_wait3A_383 : memref<1x125xi32, #tpu.memory_space<vmem>> -> memref<125xi32, #tpu.memory_space<vmem>>
        %dma_wait3A_385 = arith.constant 0 : i32
        %dma_wait3A_386 = arith.constant 0 : i32
        %dma_wait3A_387 = tpu.memref_slice %arg12[%dma_wait3A_385, %dma_wait3A_386] : memref<10240x16xf32, #tpu.memory_space<vmem_shared>> -> memref<10240x16xf32, #tpu.memory_space<vmem_shared>>
        tpu.wait_indirect_dma semaphore(%run_scoped3A : memref<!tpu.dma_semaphore, #tpu.memory_space<semaphore_mem>>) src(%arg8 : memref<125x16xf32, #tpu.memory_space<vmem>>) dst(%dma_wait3A_387 : memref<10240x16xf32, #tpu.memory_space<vmem_shared>>)
        tpu.yield
      }) : () -> ()
      %add3A_359 = arith.constant 2 : i32
      %add3A_360 = arith.addi %mul3A_349, %add3A_359 : i32
      %lt3A = arith.constant 40 : i32
      %lt3A_361 = arith.cmpi slt, %add3A_360, %lt3A : i32
      %convert_element_type3A = arith.extui %lt3A_361 : i1 to i32
      %cond3A = arith.constant 0 : i32
      %cond3A_362 = arith.cmpi ne, %convert_element_type3A, %cond3A : i32
      scf.if %cond3A_362 {
        %add3A_376 = arith.constant 2 : i32
        %add3A_377 = arith.addi %mul3A_349, %add3A_376 : i32
        %dma_start3A_378 = arith.constant 0 : i32
        %dma_start3A_379 = tpu.memref_slice %arg6[%add3A_377, %dma_start3A_378] : memref<40x125xi32, #tpu.memory_space<vmem>> -> memref<1x125xi32, #tpu.memory_space<vmem>>
        %dma_start3A_380 = tpu.memref_squeeze %dma_start3A_379 : memref<1x125xi32, #tpu.memory_space<vmem>> -> memref<125xi32, #tpu.memory_space<vmem>>
        %dma_start3A_381 = arith.constant 0 : i32
        %dma_start3A_382 = arith.constant 0 : i32
        %dma_start3A_383 = tpu.memref_slice %arg2[%dma_start3A_381, %dma_start3A_382] : memref<10240x16xf32, #tpu.memory_space<hbm>> -> memref<10240x16xf32, #tpu.memory_space<hbm>>
        tpu.enqueue_indirect_dma source(%dma_start3A_383 : memref<10240x16xf32, #tpu.memory_space<hbm>>) target(%arg8 : memref<125x16xf32, #tpu.memory_space<vmem>>) offsets(%dma_start3A_380 : memref<125xi32, #tpu.memory_space<vmem>>) semaphore(%arg13 : memref<!tpu.dma_semaphore, #tpu.memory_space<semaphore_mem>>)
      } else {
      }
      %dma_wait3A_363 = arith.constant 0 : i32
      %dma_wait3A_364 = tpu.memref_slice %arg6[%add3A_353, %dma_wait3A_363] : memref<40x125xi32, #tpu.memory_space<vmem>> -> memref<1x125xi32, #tpu.memory_space<vmem>>
      %dma_wait3A_365 = tpu.memref_squeeze %dma_wait3A_364 : memref<1x125xi32, #tpu.memory_space<vmem>> -> memref<125xi32, #tpu.memory_space<vmem>>
      %dma_wait3A_366 = arith.constant 0 : i32
      %dma_wait3A_367 = arith.constant 0 : i32
      %dma_wait3A_368 = tpu.memref_slice %arg2[%dma_wait3A_366, %dma_wait3A_367] : memref<10240x16xf32, #tpu.memory_space<hbm>> -> memref<10240x16xf32, #tpu.memory_space<hbm>>
      tpu.wait_indirect_dma semaphore(%arg14 : memref<!tpu.dma_semaphore, #tpu.memory_space<semaphore_mem>>) src(%dma_wait3A_368 : memref<10240x16xf32, #tpu.memory_space<hbm>>) dst(%arg9 : memref<125x16xf32, #tpu.memory_space<vmem>>)
      "tpu.region"() ({
        %run_scoped3A = tpu.sem_alloc : memref<!tpu.dma_semaphore, #tpu.memory_space<semaphore_mem>>
        %dma_start3A_376 = arith.constant 0 : i32
        %dma_start3A_377 = tpu.memref_slice %arg7[%add3A_353, %dma_start3A_376] : memref<40x125xi32, #tpu.memory_space<vmem>> -> memref<1x125xi32, #tpu.memory_space<vmem>>
        %dma_start3A_378 = tpu.memref_squeeze %dma_start3A_377 : memref<1x125xi32, #tpu.memory_space<vmem>> -> memref<125xi32, #tpu.memory_space<vmem>>
        %dma_start3A_379 = arith.constant 0 : i32
        %dma_start3A_380 = arith.constant 0 : i32
        %dma_start3A_381 = tpu.memref_slice %arg12[%dma_start3A_379, %dma_start3A_380] : memref<10240x16xf32, #tpu.memory_space<vmem_shared>> -> memref<10240x16xf32, #tpu.memory_space<vmem_shared>>
        tpu.enqueue_indirect_dma source(%arg9 : memref<125x16xf32, #tpu.memory_space<vmem>>) target(%dma_start3A_381 : memref<10240x16xf32, #tpu.memory_space<vmem_shared>>) offsets(%dma_start3A_378 : memref<125xi32, #tpu.memory_space<vmem>>) semaphore(%run_scoped3A : memref<!tpu.dma_semaphore, #tpu.memory_space<semaphore_mem>>) {add = true}
        %dma_wait3A_382 = arith.constant 0 : i32
        %dma_wait3A_383 = tpu.memref_slice %arg7[%add3A_353, %dma_wait3A_382] : memref<40x125xi32, #tpu.memory_space<vmem>> -> memref<1x125xi32, #tpu.memory_space<vmem>>
        %dma_wait3A_384 = tpu.memref_squeeze %dma_wait3A_383 : memref<1x125xi32, #tpu.memory_space<vmem>> -> memref<125xi32, #tpu.memory_space<vmem>>
        %dma_wait3A_385 = arith.constant 0 : i32
        %dma_wait3A_386 = arith.constant 0 : i32
        %dma_wait3A_387 = tpu.memref_slice %arg12[%dma_wait3A_385, %dma_wait3A_386] : memref<10240x16xf32, #tpu.memory_space<vmem_shared>> -> memref<10240x16xf32, #tpu.memory_space<vmem_shared>>
        tpu.wait_indirect_dma semaphore(%run_scoped3A : memref<!tpu.dma_semaphore, #tpu.memory_space<semaphore_mem>>) src(%arg9 : memref<125x16xf32, #tpu.memory_space<vmem>>) dst(%dma_wait3A_387 : memref<10240x16xf32, #tpu.memory_space<vmem_shared>>)
        tpu.yield
      }) : () -> ()
      %add3A_369 = arith.constant 2 : i32
      %add3A_370 = arith.addi %add3A_353, %add3A_369 : i32
      %lt3A_371 = arith.constant 40 : i32
      %lt3A_372 = arith.cmpi slt, %add3A_370, %lt3A_371 : i32
      %convert_element_type3A_373 = arith.extui %lt3A_372 : i1 to i32
      %cond3A_374 = arith.constant 0 : i32
      %cond3A_375 = arith.cmpi ne, %convert_element_type3A_373, %cond3A_374 : i32
      scf.if %cond3A_375 {
        %add3A_376 = arith.constant 2 : i32
        %add3A_377 = arith.addi %add3A_353, %add3A_376 : i32
        %dma_start3A_378 = arith.constant 0 : i32
        %dma_start3A_379 = tpu.memref_slice %arg6[%add3A_377, %dma_start3A_378] : memref<40x125xi32, #tpu.memory_space<vmem>> -> memref<1x125xi32, #tpu.memory_space<vmem>>
        %dma_start3A_380 = tpu.memref_squeeze %dma_start3A_379 : memref<1x125xi32, #tpu.memory_space<vmem>> -> memref<125xi32, #tpu.memory_space<vmem>>
        %dma_start3A_381 = arith.constant 0 : i32
        %dma_start3A_382 = arith.constant 0 : i32
        %dma_start3A_383 = tpu.memref_slice %arg2[%dma_start3A_381, %dma_start3A_382] : memref<10240x16xf32, #tpu.memory_space<hbm>> -> memref<10240x16xf32, #tpu.memory_space<hbm>>
        tpu.enqueue_indirect_dma source(%dma_start3A_383 : memref<10240x16xf32, #tpu.memory_space<hbm>>) target(%arg9 : memref<125x16xf32, #tpu.memory_space<vmem>>) offsets(%dma_start3A_380 : memref<125xi32, #tpu.memory_space<vmem>>) semaphore(%arg14 : memref<!tpu.dma_semaphore, #tpu.memory_space<semaphore_mem>>)
      } else {
      }
    }
    %scan3A_22 = arith.constant 20 : i32
    %barrier3A_23 = arith.constant 0 : index
    tpu.barrier barrier_id(%barrier3A_23)
    %mul3A_24 = arith.constant 640 : i32
    %mul3A_25 = arith.muli %arg1, %mul3A_24 : i32
    "tpu.region"() ({
      %run_scoped3A = tpu.sem_alloc : memref<!tpu.dma_semaphore, #tpu.memory_space<semaphore_mem>>
      %dma_start3A_347 = arith.constant 0 : i32
      %dma_start3A_348 = tpu.memref_slice %arg12[%mul3A_25, %dma_start3A_347] : memref<10240x16xf32, #tpu.memory_space<vmem_shared>> -> memref<640x16xf32, #tpu.memory_space<vmem_shared>>
      %dma_start3A_349 = arith.constant 0 : i32
      %dma_start3A_350 = tpu.memref_slice %arg12[%mul3A_25, %dma_start3A_349] : memref<10240x16xf32, #tpu.memory_space<vmem_shared>> -> memref<640x16xf32, #tpu.memory_space<vmem_shared>>
      tpu.enqueue_dma source(%dma_start3A_350 : memref<640x16xf32, #tpu.memory_space<vmem_shared>>) target(%arg10 : memref<640x16xf32, #tpu.memory_space<vmem>>) target_semaphore(%run_scoped3A : memref<!tpu.dma_semaphore, #tpu.memory_space<semaphore_mem>>)
      %dma_wait3A = arith.constant 0 : i32
      %dma_wait3A_351 = tpu.memref_slice %arg12[%mul3A_25, %dma_wait3A] : memref<10240x16xf32, #tpu.memory_space<vmem_shared>> -> memref<640x16xf32, #tpu.memory_space<vmem_shared>>
      %dma_wait3A_352 = arith.constant 0 : i32
      %dma_wait3A_353 = tpu.memref_slice %arg12[%mul3A_25, %dma_wait3A_352] : memref<10240x16xf32, #tpu.memory_space<vmem_shared>> -> memref<640x16xf32, #tpu.memory_space<vmem_shared>>
      tpu.wait_dma2 semaphore(%run_scoped3A : memref<!tpu.dma_semaphore, #tpu.memory_space<semaphore_mem>>) src(%dma_wait3A_353 : memref<640x16xf32, #tpu.memory_space<vmem_shared>>) dst(%arg10 : memref<640x16xf32, #tpu.memory_space<vmem>>)
      tpu.yield
    }) : () -> ()
    %iota3A = tpu.iota {dimensions = array<i32: 0>} : vector<16xi32>
    %broadcast_in_dim3A = arith.constant 0 : i32
    %broadcast_in_dim3A_26 = vector.broadcast %broadcast_in_dim3A : i32 to vector<16xi32>
    %add3A_27 = arith.constant 0 : i32
    %add3A_28 = vector.broadcast %add3A_27 : i32 to vector<16xi32>
    %add3A_29 = arith.addi %add3A_28, %iota3A : vector<16xi32>
    %gather3A = tpu.vector_load_idx %arg10[%add3A_29, %broadcast_in_dim3A_26] : memref<640x16xf32, #tpu.memory_space<vmem>>[vector<16xi32>, vector<16xi32>], vector<16xf32>,
    %swap3A = arith.constant 0 : i32
    %swap3A_30 = arith.index_cast %swap3A : i32 to index
    %swap3A_31 = arith.constant 0 : index
    %swap3A_32 = tpu.vector_load %arg11[%swap3A_30, %swap3A_31] {strides = array<i32>} : memref<5x128xf32, #tpu.memory_space<vmem>>, vector<16xf32>,
    tpu.vector_store %arg11[%swap3A_30, %swap3A_31], %gather3A {strides = array<i32>} : memref<5x128xf32, #tpu.memory_space<vmem>>, vector<16xf32>,
    %add3A_33 = arith.constant 16 : i32
    %add3A_34 = vector.broadcast %add3A_33 : i32 to vector<16xi32>
    %add3A_35 = arith.addi %add3A_34, %iota3A : vector<16xi32>
    %gather3A_36 = tpu.vector_load_idx %arg10[%add3A_35, %broadcast_in_dim3A_26] : memref<640x16xf32, #tpu.memory_space<vmem>>[vector<16xi32>, vector<16xi32>], vector<16xf32>,
    %swap3A_37 = arith.constant 0 : i32
    %swap3A_38 = arith.index_cast %swap3A_37 : i32 to index
    %swap3A_39 = arith.constant 16 : index
    %swap3A_40 = tpu.vector_load %arg11[%swap3A_38, %swap3A_39] {strides = array<i32>} : memref<5x128xf32, #tpu.memory_space<vmem>>, vector<16xf32>,
    tpu.vector_store %arg11[%swap3A_38, %swap3A_39], %gather3A_36 {strides = array<i32>} : memref<5x128xf32, #tpu.memory_space<vmem>>, vector<16xf32>,
    %add3A_41 = arith.constant 32 : i32
    %add3A_42 = vector.broadcast %add3A_41 : i32 to vector<16xi32>
    %add3A_43 = arith.addi %add3A_42, %iota3A : vector<16xi32>
    %gather3A_44 = tpu.vector_load_idx %arg10[%add3A_43, %broadcast_in_dim3A_26] : memref<640x16xf32, #tpu.memory_space<vmem>>[vector<16xi32>, vector<16xi32>], vector<16xf32>,
    %swap3A_45 = arith.constant 0 : i32
    %swap3A_46 = arith.index_cast %swap3A_45 : i32 to index
    %swap3A_47 = arith.constant 32 : index
    %swap3A_48 = tpu.vector_load %arg11[%swap3A_46, %swap3A_47] {strides = array<i32>} : memref<5x128xf32, #tpu.memory_space<vmem>>, vector<16xf32>,
    tpu.vector_store %arg11[%swap3A_46, %swap3A_47], %gather3A_44 {strides = array<i32>} : memref<5x128xf32, #tpu.memory_space<vmem>>, vector<16xf32>,
    %add3A_49 = arith.constant 48 : i32
    %add3A_50 = vector.broadcast %add3A_49 : i32 to vector<16xi32>
    %add3A_51 = arith.addi %add3A_50, %iota3A : vector<16xi32>
    %gather3A_52 = tpu.vector_load_idx %arg10[%add3A_51, %broadcast_in_dim3A_26] : memref<640x16xf32, #tpu.memory_space<vmem>>[vector<16xi32>, vector<16xi32>], vector<16xf32>,
    %swap3A_53 = arith.constant 0 : i32
    %swap3A_54 = arith.index_cast %swap3A_53 : i32 to index
    %swap3A_55 = arith.constant 48 : index
    %swap3A_56 = tpu.vector_load %arg11[%swap3A_54, %swap3A_55] {strides = array<i32>} : memref<5x128xf32, #tpu.memory_space<vmem>>, vector<16xf32>,
    tpu.vector_store %arg11[%swap3A_54, %swap3A_55], %gather3A_52 {strides = array<i32>} : memref<5x128xf32, #tpu.memory_space<vmem>>, vector<16xf32>,
    %add3A_57 = arith.constant 64 : i32
    %add3A_58 = vector.broadcast %add3A_57 : i32 to vector<16xi32>
    %add3A_59 = arith.addi %add3A_58, %iota3A : vector<16xi32>
    %gather3A_60 = tpu.vector_load_idx %arg10[%add3A_59, %broadcast_in_dim3A_26] : memref<640x16xf32, #tpu.memory_space<vmem>>[vector<16xi32>, vector<16xi32>], vector<16xf32>,
    %swap3A_61 = arith.constant 0 : i32
    %swap3A_62 = arith.index_cast %swap3A_61 : i32 to index
    %swap3A_63 = arith.constant 64 : index
    %swap3A_64 = tpu.vector_load %arg11[%swap3A_62, %swap3A_63] {strides = array<i32>} : memref<5x128xf32, #tpu.memory_space<vmem>>, vector<16xf32>,
    tpu.vector_store %arg11[%swap3A_62, %swap3A_63], %gather3A_60 {strides = array<i32>} : memref<5x128xf32, #tpu.memory_space<vmem>>, vector<16xf32>,
    %add3A_65 = arith.constant 80 : i32
    %add3A_66 = vector.broadcast %add3A_65 : i32 to vector<16xi32>
    %add3A_67 = arith.addi %add3A_66, %iota3A : vector<16xi32>
    %gather3A_68 = tpu.vector_load_idx %arg10[%add3A_67, %broadcast_in_dim3A_26] : memref<640x16xf32, #tpu.memory_space<vmem>>[vector<16xi32>, vector<16xi32>], vector<16xf32>,
    %swap3A_69 = arith.constant 0 : i32
    %swap3A_70 = arith.index_cast %swap3A_69 : i32 to index
    %swap3A_71 = arith.constant 80 : index
    %swap3A_72 = tpu.vector_load %arg11[%swap3A_70, %swap3A_71] {strides = array<i32>} : memref<5x128xf32, #tpu.memory_space<vmem>>, vector<16xf32>,
    tpu.vector_store %arg11[%swap3A_70, %swap3A_71], %gather3A_68 {strides = array<i32>} : memref<5x128xf32, #tpu.memory_space<vmem>>, vector<16xf32>,
    %add3A_73 = arith.constant 96 : i32
    %add3A_74 = vector.broadcast %add3A_73 : i32 to vector<16xi32>
    %add3A_75 = arith.addi %add3A_74, %iota3A : vector<16xi32>
    %gather3A_76 = tpu.vector_load_idx %arg10[%add3A_75, %broadcast_in_dim3A_26] : memref<640x16xf32, #tpu.memory_space<vmem>>[vector<16xi32>, vector<16xi32>], vector<16xf32>,
    %swap3A_77 = arith.constant 0 : i32
    %swap3A_78 = arith.index_cast %swap3A_77 : i32 to index
    %swap3A_79 = arith.constant 96 : index
    %swap3A_80 = tpu.vector_load %arg11[%swap3A_78, %swap3A_79] {strides = array<i32>} : memref<5x128xf32, #tpu.memory_space<vmem>>, vector<16xf32>,
    tpu.vector_store %arg11[%swap3A_78, %swap3A_79], %gather3A_76 {strides = array<i32>} : memref<5x128xf32, #tpu.memory_space<vmem>>, vector<16xf32>,
    %add3A_81 = arith.constant 112 : i32
    %add3A_82 = vector.broadcast %add3A_81 : i32 to vector<16xi32>
    %add3A_83 = arith.addi %add3A_82, %iota3A : vector<16xi32>
    %gather3A_84 = tpu.vector_load_idx %arg10[%add3A_83, %broadcast_in_dim3A_26] : memref<640x16xf32, #tpu.memory_space<vmem>>[vector<16xi32>, vector<16xi32>], vector<16xf32>,
    %swap3A_85 = arith.constant 0 : i32
    %swap3A_86 = arith.index_cast %swap3A_85 : i32 to index
    %swap3A_87 = arith.constant 112 : index
    %swap3A_88 = tpu.vector_load %arg11[%swap3A_86, %swap3A_87] {strides = array<i32>} : memref<5x128xf32, #tpu.memory_space<vmem>>, vector<16xf32>,
    tpu.vector_store %arg11[%swap3A_86, %swap3A_87], %gather3A_84 {strides = array<i32>} : memref<5x128xf32, #tpu.memory_space<vmem>>, vector<16xf32>,
    %add3A_89 = arith.constant 128 : i32
    %add3A_90 = vector.broadcast %add3A_89 : i32 to vector<16xi32>
    %add3A_91 = arith.addi %add3A_90, %iota3A : vector<16xi32>
    %gather3A_92 = tpu.vector_load_idx %arg10[%add3A_91, %broadcast_in_dim3A_26] : memref<640x16xf32, #tpu.memory_space<vmem>>[vector<16xi32>, vector<16xi32>], vector<16xf32>,
    %swap3A_93 = arith.constant 1 : i32
    %swap3A_94 = arith.index_cast %swap3A_93 : i32 to index
    %swap3A_95 = arith.constant 0 : index
    %swap3A_96 = tpu.vector_load %arg11[%swap3A_94, %swap3A_95] {strides = array<i32>} : memref<5x128xf32, #tpu.memory_space<vmem>>, vector<16xf32>,
    tpu.vector_store %arg11[%swap3A_94, %swap3A_95], %gather3A_92 {strides = array<i32>} : memref<5x128xf32, #tpu.memory_space<vmem>>, vector<16xf32>,
    %add3A_97 = arith.constant 144 : i32
    %add3A_98 = vector.broadcast %add3A_97 : i32 to vector<16xi32>
    %add3A_99 = arith.addi %add3A_98, %iota3A : vector<16xi32>
    %gather3A_100 = tpu.vector_load_idx %arg10[%add3A_99, %broadcast_in_dim3A_26] : memref<640x16xf32, #tpu.memory_space<vmem>>[vector<16xi32>, vector<16xi32>], vector<16xf32>,
    %swap3A_101 = arith.constant 1 : i32
    %swap3A_102 = arith.index_cast %swap3A_101 : i32 to index
    %swap3A_103 = arith.constant 16 : index
    %swap3A_104 = tpu.vector_load %arg11[%swap3A_102, %swap3A_103] {strides = array<i32>} : memref<5x128xf32, #tpu.memory_space<vmem>>, vector<16xf32>,
    tpu.vector_store %arg11[%swap3A_102, %swap3A_103], %gather3A_100 {strides = array<i32>} : memref<5x128xf32, #tpu.memory_space<vmem>>, vector<16xf32>,
    %add3A_105 = arith.constant 160 : i32
    %add3A_106 = vector.broadcast %add3A_105 : i32 to vector<16xi32>
    %add3A_107 = arith.addi %add3A_106, %iota3A : vector<16xi32>
    %gather3A_108 = tpu.vector_load_idx %arg10[%add3A_107, %broadcast_in_dim3A_26] : memref<640x16xf32, #tpu.memory_space<vmem>>[vector<16xi32>, vector<16xi32>], vector<16xf32>,
    %swap3A_109 = arith.constant 1 : i32
    %swap3A_110 = arith.index_cast %swap3A_109 : i32 to index
    %swap3A_111 = arith.constant 32 : index
    %swap3A_112 = tpu.vector_load %arg11[%swap3A_110, %swap3A_111] {strides = array<i32>} : memref<5x128xf32, #tpu.memory_space<vmem>>, vector<16xf32>,
    tpu.vector_store %arg11[%swap3A_110, %swap3A_111], %gather3A_108 {strides = array<i32>} : memref<5x128xf32, #tpu.memory_space<vmem>>, vector<16xf32>,
    %add3A_113 = arith.constant 176 : i32
    %add3A_114 = vector.broadcast %add3A_113 : i32 to vector<16xi32>
    %add3A_115 = arith.addi %add3A_114, %iota3A : vector<16xi32>
    %gather3A_116 = tpu.vector_load_idx %arg10[%add3A_115, %broadcast_in_dim3A_26] : memref<640x16xf32, #tpu.memory_space<vmem>>[vector<16xi32>, vector<16xi32>], vector<16xf32>,
    %swap3A_117 = arith.constant 1 : i32
    %swap3A_118 = arith.index_cast %swap3A_117 : i32 to index
    %swap3A_119 = arith.constant 48 : index
    %swap3A_120 = tpu.vector_load %arg11[%swap3A_118, %swap3A_119] {strides = array<i32>} : memref<5x128xf32, #tpu.memory_space<vmem>>, vector<16xf32>,
    tpu.vector_store %arg11[%swap3A_118, %swap3A_119], %gather3A_116 {strides = array<i32>} : memref<5x128xf32, #tpu.memory_space<vmem>>, vector<16xf32>,
    %add3A_121 = arith.constant 192 : i32
    %add3A_122 = vector.broadcast %add3A_121 : i32 to vector<16xi32>
    %add3A_123 = arith.addi %add3A_122, %iota3A : vector<16xi32>
    %gather3A_124 = tpu.vector_load_idx %arg10[%add3A_123, %broadcast_in_dim3A_26] : memref<640x16xf32, #tpu.memory_space<vmem>>[vector<16xi32>, vector<16xi32>], vector<16xf32>,
    %swap3A_125 = arith.constant 1 : i32
    %swap3A_126 = arith.index_cast %swap3A_125 : i32 to index
    %swap3A_127 = arith.constant 64 : index
    %swap3A_128 = tpu.vector_load %arg11[%swap3A_126, %swap3A_127] {strides = array<i32>} : memref<5x128xf32, #tpu.memory_space<vmem>>, vector<16xf32>,
    tpu.vector_store %arg11[%swap3A_126, %swap3A_127], %gather3A_124 {strides = array<i32>} : memref<5x128xf32, #tpu.memory_space<vmem>>, vector<16xf32>,
    %add3A_129 = arith.constant 208 : i32
    %add3A_130 = vector.broadcast %add3A_129 : i32 to vector<16xi32>
    %add3A_131 = arith.addi %add3A_130, %iota3A : vector<16xi32>
    %gather3A_132 = tpu.vector_load_idx %arg10[%add3A_131, %broadcast_in_dim3A_26] : memref<640x16xf32, #tpu.memory_space<vmem>>[vector<16xi32>, vector<16xi32>], vector<16xf32>,
    %swap3A_133 = arith.constant 1 : i32
    %swap3A_134 = arith.index_cast %swap3A_133 : i32 to index
    %swap3A_135 = arith.constant 80 : index
    %swap3A_136 = tpu.vector_load %arg11[%swap3A_134, %swap3A_135] {strides = array<i32>} : memref<5x128xf32, #tpu.memory_space<vmem>>, vector<16xf32>,
    tpu.vector_store %arg11[%swap3A_134, %swap3A_135], %gather3A_132 {strides = array<i32>} : memref<5x128xf32, #tpu.memory_space<vmem>>, vector<16xf32>,
    %add3A_137 = arith.constant 224 : i32
    %add3A_138 = vector.broadcast %add3A_137 : i32 to vector<16xi32>
    %add3A_139 = arith.addi %add3A_138, %iota3A : vector<16xi32>
    %gather3A_140 = tpu.vector_load_idx %arg10[%add3A_139, %broadcast_in_dim3A_26] : memref<640x16xf32, #tpu.memory_space<vmem>>[vector<16xi32>, vector<16xi32>], vector<16xf32>,
    %swap3A_141 = arith.constant 1 : i32
    %swap3A_142 = arith.index_cast %swap3A_141 : i32 to index
    %swap3A_143 = arith.constant 96 : index
    %swap3A_144 = tpu.vector_load %arg11[%swap3A_142, %swap3A_143] {strides = array<i32>} : memref<5x128xf32, #tpu.memory_space<vmem>>, vector<16xf32>,
    tpu.vector_store %arg11[%swap3A_142, %swap3A_143], %gather3A_140 {strides = array<i32>} : memref<5x128xf32, #tpu.memory_space<vmem>>, vector<16xf32>,
    %add3A_145 = arith.constant 240 : i32
    %add3A_146 = vector.broadcast %add3A_145 : i32 to vector<16xi32>
    %add3A_147 = arith.addi %add3A_146, %iota3A : vector<16xi32>
    %gather3A_148 = tpu.vector_load_idx %arg10[%add3A_147, %broadcast_in_dim3A_26] : memref<640x16xf32, #tpu.memory_space<vmem>>[vector<16xi32>, vector<16xi32>], vector<16xf32>,
    %swap3A_149 = arith.constant 1 : i32
    %swap3A_150 = arith.index_cast %swap3A_149 : i32 to index
    %swap3A_151 = arith.constant 112 : index
    %swap3A_152 = tpu.vector_load %arg11[%swap3A_150, %swap3A_151] {strides = array<i32>} : memref<5x128xf32, #tpu.memory_space<vmem>>, vector<16xf32>,
    tpu.vector_store %arg11[%swap3A_150, %swap3A_151], %gather3A_148 {strides = array<i32>} : memref<5x128xf32, #tpu.memory_space<vmem>>, vector<16xf32>,
    %add3A_153 = arith.constant 256 : i32
    %add3A_154 = vector.broadcast %add3A_153 : i32 to vector<16xi32>
    %add3A_155 = arith.addi %add3A_154, %iota3A : vector<16xi32>
    %gather3A_156 = tpu.vector_load_idx %arg10[%add3A_155, %broadcast_in_dim3A_26] : memref<640x16xf32, #tpu.memory_space<vmem>>[vector<16xi32>, vector<16xi32>], vector<16xf32>,
    %swap3A_157 = arith.constant 2 : i32
    %swap3A_158 = arith.index_cast %swap3A_157 : i32 to index
    %swap3A_159 = arith.constant 0 : index
    %swap3A_160 = tpu.vector_load %arg11[%swap3A_158, %swap3A_159] {strides = array<i32>} : memref<5x128xf32, #tpu.memory_space<vmem>>, vector<16xf32>,
    tpu.vector_store %arg11[%swap3A_158, %swap3A_159], %gather3A_156 {strides = array<i32>} : memref<5x128xf32, #tpu.memory_space<vmem>>, vector<16xf32>,
    %add3A_161 = arith.constant 272 : i32
    %add3A_162 = vector.broadcast %add3A_161 : i32 to vector<16xi32>
    %add3A_163 = arith.addi %add3A_162, %iota3A : vector<16xi32>
    %gather3A_164 = tpu.vector_load_idx %arg10[%add3A_163, %broadcast_in_dim3A_26] : memref<640x16xf32, #tpu.memory_space<vmem>>[vector<16xi32>, vector<16xi32>], vector<16xf32>,
    %swap3A_165 = arith.constant 2 : i32
    %swap3A_166 = arith.index_cast %swap3A_165 : i32 to index
    %swap3A_167 = arith.constant 16 : index
    %swap3A_168 = tpu.vector_load %arg11[%swap3A_166, %swap3A_167] {strides = array<i32>} : memref<5x128xf32, #tpu.memory_space<vmem>>, vector<16xf32>,
    tpu.vector_store %arg11[%swap3A_166, %swap3A_167], %gather3A_164 {strides = array<i32>} : memref<5x128xf32, #tpu.memory_space<vmem>>, vector<16xf32>,
    %add3A_169 = arith.constant 288 : i32
    %add3A_170 = vector.broadcast %add3A_169 : i32 to vector<16xi32>
    %add3A_171 = arith.addi %add3A_170, %iota3A : vector<16xi32>
    %gather3A_172 = tpu.vector_load_idx %arg10[%add3A_171, %broadcast_in_dim3A_26] : memref<640x16xf32, #tpu.memory_space<vmem>>[vector<16xi32>, vector<16xi32>], vector<16xf32>,
    %swap3A_173 = arith.constant 2 : i32
    %swap3A_174 = arith.index_cast %swap3A_173 : i32 to index
    %swap3A_175 = arith.constant 32 : index
    %swap3A_176 = tpu.vector_load %arg11[%swap3A_174, %swap3A_175] {strides = array<i32>} : memref<5x128xf32, #tpu.memory_space<vmem>>, vector<16xf32>,
    tpu.vector_store %arg11[%swap3A_174, %swap3A_175], %gather3A_172 {strides = array<i32>} : memref<5x128xf32, #tpu.memory_space<vmem>>, vector<16xf32>,
    %add3A_177 = arith.constant 304 : i32
    %add3A_178 = vector.broadcast %add3A_177 : i32 to vector<16xi32>
    %add3A_179 = arith.addi %add3A_178, %iota3A : vector<16xi32>
    %gather3A_180 = tpu.vector_load_idx %arg10[%add3A_179, %broadcast_in_dim3A_26] : memref<640x16xf32, #tpu.memory_space<vmem>>[vector<16xi32>, vector<16xi32>], vector<16xf32>,
    %swap3A_181 = arith.constant 2 : i32
    %swap3A_182 = arith.index_cast %swap3A_181 : i32 to index
    %swap3A_183 = arith.constant 48 : index
    %swap3A_184 = tpu.vector_load %arg11[%swap3A_182, %swap3A_183] {strides = array<i32>} : memref<5x128xf32, #tpu.memory_space<vmem>>, vector<16xf32>,
    tpu.vector_store %arg11[%swap3A_182, %swap3A_183], %gather3A_180 {strides = array<i32>} : memref<5x128xf32, #tpu.memory_space<vmem>>, vector<16xf32>,
    %add3A_185 = arith.constant 320 : i32
    %add3A_186 = vector.broadcast %add3A_185 : i32 to vector<16xi32>
    %add3A_187 = arith.addi %add3A_186, %iota3A : vector<16xi32>
    %gather3A_188 = tpu.vector_load_idx %arg10[%add3A_187, %broadcast_in_dim3A_26] : memref<640x16xf32, #tpu.memory_space<vmem>>[vector<16xi32>, vector<16xi32>], vector<16xf32>,
    %swap3A_189 = arith.constant 2 : i32
    %swap3A_190 = arith.index_cast %swap3A_189 : i32 to index
    %swap3A_191 = arith.constant 64 : index
    %swap3A_192 = tpu.vector_load %arg11[%swap3A_190, %swap3A_191] {strides = array<i32>} : memref<5x128xf32, #tpu.memory_space<vmem>>, vector<16xf32>,
    tpu.vector_store %arg11[%swap3A_190, %swap3A_191], %gather3A_188 {strides = array<i32>} : memref<5x128xf32, #tpu.memory_space<vmem>>, vector<16xf32>,
    %add3A_193 = arith.constant 336 : i32
    %add3A_194 = vector.broadcast %add3A_193 : i32 to vector<16xi32>
    %add3A_195 = arith.addi %add3A_194, %iota3A : vector<16xi32>
    %gather3A_196 = tpu.vector_load_idx %arg10[%add3A_195, %broadcast_in_dim3A_26] : memref<640x16xf32, #tpu.memory_space<vmem>>[vector<16xi32>, vector<16xi32>], vector<16xf32>,
    %swap3A_197 = arith.constant 2 : i32
    %swap3A_198 = arith.index_cast %swap3A_197 : i32 to index
    %swap3A_199 = arith.constant 80 : index
    %swap3A_200 = tpu.vector_load %arg11[%swap3A_198, %swap3A_199] {strides = array<i32>} : memref<5x128xf32, #tpu.memory_space<vmem>>, vector<16xf32>,
    tpu.vector_store %arg11[%swap3A_198, %swap3A_199], %gather3A_196 {strides = array<i32>} : memref<5x128xf32, #tpu.memory_space<vmem>>, vector<16xf32>,
    %add3A_201 = arith.constant 352 : i32
    %add3A_202 = vector.broadcast %add3A_201 : i32 to vector<16xi32>
    %add3A_203 = arith.addi %add3A_202, %iota3A : vector<16xi32>
    %gather3A_204 = tpu.vector_load_idx %arg10[%add3A_203, %broadcast_in_dim3A_26] : memref<640x16xf32, #tpu.memory_space<vmem>>[vector<16xi32>, vector<16xi32>], vector<16xf32>,
    %swap3A_205 = arith.constant 2 : i32
    %swap3A_206 = arith.index_cast %swap3A_205 : i32 to index
    %swap3A_207 = arith.constant 96 : index
    %swap3A_208 = tpu.vector_load %arg11[%swap3A_206, %swap3A_207] {strides = array<i32>} : memref<5x128xf32, #tpu.memory_space<vmem>>, vector<16xf32>,
    tpu.vector_store %arg11[%swap3A_206, %swap3A_207], %gather3A_204 {strides = array<i32>} : memref<5x128xf32, #tpu.memory_space<vmem>>, vector<16xf32>,
    %add3A_209 = arith.constant 368 : i32
    %add3A_210 = vector.broadcast %add3A_209 : i32 to vector<16xi32>
    %add3A_211 = arith.addi %add3A_210, %iota3A : vector<16xi32>
    %gather3A_212 = tpu.vector_load_idx %arg10[%add3A_211, %broadcast_in_dim3A_26] : memref<640x16xf32, #tpu.memory_space<vmem>>[vector<16xi32>, vector<16xi32>], vector<16xf32>,
    %swap3A_213 = arith.constant 2 : i32
    %swap3A_214 = arith.index_cast %swap3A_213 : i32 to index
    %swap3A_215 = arith.constant 112 : index
    %swap3A_216 = tpu.vector_load %arg11[%swap3A_214, %swap3A_215] {strides = array<i32>} : memref<5x128xf32, #tpu.memory_space<vmem>>, vector<16xf32>,
    tpu.vector_store %arg11[%swap3A_214, %swap3A_215], %gather3A_212 {strides = array<i32>} : memref<5x128xf32, #tpu.memory_space<vmem>>, vector<16xf32>,
    %add3A_217 = arith.constant 384 : i32
    %add3A_218 = vector.broadcast %add3A_217 : i32 to vector<16xi32>
    %add3A_219 = arith.addi %add3A_218, %iota3A : vector<16xi32>
    %gather3A_220 = tpu.vector_load_idx %arg10[%add3A_219, %broadcast_in_dim3A_26] : memref<640x16xf32, #tpu.memory_space<vmem>>[vector<16xi32>, vector<16xi32>], vector<16xf32>,
    %swap3A_221 = arith.constant 3 : i32
    %swap3A_222 = arith.index_cast %swap3A_221 : i32 to index
    %swap3A_223 = arith.constant 0 : index
    %swap3A_224 = tpu.vector_load %arg11[%swap3A_222, %swap3A_223] {strides = array<i32>} : memref<5x128xf32, #tpu.memory_space<vmem>>, vector<16xf32>,
    tpu.vector_store %arg11[%swap3A_222, %swap3A_223], %gather3A_220 {strides = array<i32>} : memref<5x128xf32, #tpu.memory_space<vmem>>, vector<16xf32>,
    %add3A_225 = arith.constant 400 : i32
    %add3A_226 = vector.broadcast %add3A_225 : i32 to vector<16xi32>
    %add3A_227 = arith.addi %add3A_226, %iota3A : vector<16xi32>
    %gather3A_228 = tpu.vector_load_idx %arg10[%add3A_227, %broadcast_in_dim3A_26] : memref<640x16xf32, #tpu.memory_space<vmem>>[vector<16xi32>, vector<16xi32>], vector<16xf32>,
    %swap3A_229 = arith.constant 3 : i32
    %swap3A_230 = arith.index_cast %swap3A_229 : i32 to index
    %swap3A_231 = arith.constant 16 : index
    %swap3A_232 = tpu.vector_load %arg11[%swap3A_230, %swap3A_231] {strides = array<i32>} : memref<5x128xf32, #tpu.memory_space<vmem>>, vector<16xf32>,
    tpu.vector_store %arg11[%swap3A_230, %swap3A_231], %gather3A_228 {strides = array<i32>} : memref<5x128xf32, #tpu.memory_space<vmem>>, vector<16xf32>,
    %add3A_233 = arith.constant 416 : i32
    %add3A_234 = vector.broadcast %add3A_233 : i32 to vector<16xi32>
    %add3A_235 = arith.addi %add3A_234, %iota3A : vector<16xi32>
    %gather3A_236 = tpu.vector_load_idx %arg10[%add3A_235, %broadcast_in_dim3A_26] : memref<640x16xf32, #tpu.memory_space<vmem>>[vector<16xi32>, vector<16xi32>], vector<16xf32>,
    %swap3A_237 = arith.constant 3 : i32
    %swap3A_238 = arith.index_cast %swap3A_237 : i32 to index
    %swap3A_239 = arith.constant 32 : index
    %swap3A_240 = tpu.vector_load %arg11[%swap3A_238, %swap3A_239] {strides = array<i32>} : memref<5x128xf32, #tpu.memory_space<vmem>>, vector<16xf32>,
    tpu.vector_store %arg11[%swap3A_238, %swap3A_239], %gather3A_236 {strides = array<i32>} : memref<5x128xf32, #tpu.memory_space<vmem>>, vector<16xf32>,
    %add3A_241 = arith.constant 432 : i32
    %add3A_242 = vector.broadcast %add3A_241 : i32 to vector<16xi32>
    %add3A_243 = arith.addi %add3A_242, %iota3A : vector<16xi32>
    %gather3A_244 = tpu.vector_load_idx %arg10[%add3A_243, %broadcast_in_dim3A_26] : memref<640x16xf32, #tpu.memory_space<vmem>>[vector<16xi32>, vector<16xi32>], vector<16xf32>,
    %swap3A_245 = arith.constant 3 : i32
    %swap3A_246 = arith.index_cast %swap3A_245 : i32 to index
    %swap3A_247 = arith.constant 48 : index
    %swap3A_248 = tpu.vector_load %arg11[%swap3A_246, %swap3A_247] {strides = array<i32>} : memref<5x128xf32, #tpu.memory_space<vmem>>, vector<16xf32>,
    tpu.vector_store %arg11[%swap3A_246, %swap3A_247], %gather3A_244 {strides = array<i32>} : memref<5x128xf32, #tpu.memory_space<vmem>>, vector<16xf32>,
    %add3A_249 = arith.constant 448 : i32
    %add3A_250 = vector.broadcast %add3A_249 : i32 to vector<16xi32>
    %add3A_251 = arith.addi %add3A_250, %iota3A : vector<16xi32>
    %gather3A_252 = tpu.vector_load_idx %arg10[%add3A_251, %broadcast_in_dim3A_26] : memref<640x16xf32, #tpu.memory_space<vmem>>[vector<16xi32>, vector<16xi32>], vector<16xf32>,
    %swap3A_253 = arith.constant 3 : i32
    %swap3A_254 = arith.index_cast %swap3A_253 : i32 to index
    %swap3A_255 = arith.constant 64 : index
    %swap3A_256 = tpu.vector_load %arg11[%swap3A_254, %swap3A_255] {strides = array<i32>} : memref<5x128xf32, #tpu.memory_space<vmem>>, vector<16xf32>,
    tpu.vector_store %arg11[%swap3A_254, %swap3A_255], %gather3A_252 {strides = array<i32>} : memref<5x128xf32, #tpu.memory_space<vmem>>, vector<16xf32>,
    %add3A_257 = arith.constant 464 : i32
    %add3A_258 = vector.broadcast %add3A_257 : i32 to vector<16xi32>
    %add3A_259 = arith.addi %add3A_258, %iota3A : vector<16xi32>
    %gather3A_260 = tpu.vector_load_idx %arg10[%add3A_259, %broadcast_in_dim3A_26] : memref<640x16xf32, #tpu.memory_space<vmem>>[vector<16xi32>, vector<16xi32>], vector<16xf32>,
    %swap3A_261 = arith.constant 3 : i32
    %swap3A_262 = arith.index_cast %swap3A_261 : i32 to index
    %swap3A_263 = arith.constant 80 : index
    %swap3A_264 = tpu.vector_load %arg11[%swap3A_262, %swap3A_263] {strides = array<i32>} : memref<5x128xf32, #tpu.memory_space<vmem>>, vector<16xf32>,
    tpu.vector_store %arg11[%swap3A_262, %swap3A_263], %gather3A_260 {strides = array<i32>} : memref<5x128xf32, #tpu.memory_space<vmem>>, vector<16xf32>,
    %add3A_265 = arith.constant 480 : i32
    %add3A_266 = vector.broadcast %add3A_265 : i32 to vector<16xi32>
    %add3A_267 = arith.addi %add3A_266, %iota3A : vector<16xi32>
    %gather3A_268 = tpu.vector_load_idx %arg10[%add3A_267, %broadcast_in_dim3A_26] : memref<640x16xf32, #tpu.memory_space<vmem>>[vector<16xi32>, vector<16xi32>], vector<16xf32>,
    %swap3A_269 = arith.constant 3 : i32
    %swap3A_270 = arith.index_cast %swap3A_269 : i32 to index
    %swap3A_271 = arith.constant 96 : index
    %swap3A_272 = tpu.vector_load %arg11[%swap3A_270, %swap3A_271] {strides = array<i32>} : memref<5x128xf32, #tpu.memory_space<vmem>>, vector<16xf32>,
    tpu.vector_store %arg11[%swap3A_270, %swap3A_271], %gather3A_268 {strides = array<i32>} : memref<5x128xf32, #tpu.memory_space<vmem>>, vector<16xf32>,
    %add3A_273 = arith.constant 496 : i32
    %add3A_274 = vector.broadcast %add3A_273 : i32 to vector<16xi32>
    %add3A_275 = arith.addi %add3A_274, %iota3A : vector<16xi32>
    %gather3A_276 = tpu.vector_load_idx %arg10[%add3A_275, %broadcast_in_dim3A_26] : memref<640x16xf32, #tpu.memory_space<vmem>>[vector<16xi32>, vector<16xi32>], vector<16xf32>,
    %swap3A_277 = arith.constant 3 : i32
    %swap3A_278 = arith.index_cast %swap3A_277 : i32 to index
    %swap3A_279 = arith.constant 112 : index
    %swap3A_280 = tpu.vector_load %arg11[%swap3A_278, %swap3A_279] {strides = array<i32>} : memref<5x128xf32, #tpu.memory_space<vmem>>, vector<16xf32>,
    tpu.vector_store %arg11[%swap3A_278, %swap3A_279], %gather3A_276 {strides = array<i32>} : memref<5x128xf32, #tpu.memory_space<vmem>>, vector<16xf32>,
    %add3A_281 = arith.constant 512 : i32
    %add3A_282 = vector.broadcast %add3A_281 : i32 to vector<16xi32>
    %add3A_283 = arith.addi %add3A_282, %iota3A : vector<16xi32>
    %gather3A_284 = tpu.vector_load_idx %arg10[%add3A_283, %broadcast_in_dim3A_26] : memref<640x16xf32, #tpu.memory_space<vmem>>[vector<16xi32>, vector<16xi32>], vector<16xf32>,
    %swap3A_285 = arith.constant 4 : i32
    %swap3A_286 = arith.index_cast %swap3A_285 : i32 to index
    %swap3A_287 = arith.constant 0 : index
    %swap3A_288 = tpu.vector_load %arg11[%swap3A_286, %swap3A_287] {strides = array<i32>} : memref<5x128xf32, #tpu.memory_space<vmem>>, vector<16xf32>,
    tpu.vector_store %arg11[%swap3A_286, %swap3A_287], %gather3A_284 {strides = array<i32>} : memref<5x128xf32, #tpu.memory_space<vmem>>, vector<16xf32>,
    %add3A_289 = arith.constant 528 : i32
    %add3A_290 = vector.broadcast %add3A_289 : i32 to vector<16xi32>
    %add3A_291 = arith.addi %add3A_290, %iota3A : vector<16xi32>
    %gather3A_292 = tpu.vector_load_idx %arg10[%add3A_291, %broadcast_in_dim3A_26] : memref<640x16xf32, #tpu.memory_space<vmem>>[vector<16xi32>, vector<16xi32>], vector<16xf32>,
    %swap3A_293 = arith.constant 4 : i32
    %swap3A_294 = arith.index_cast %swap3A_293 : i32 to index
    %swap3A_295 = arith.constant 16 : index
    %swap3A_296 = tpu.vector_load %arg11[%swap3A_294, %swap3A_295] {strides = array<i32>} : memref<5x128xf32, #tpu.memory_space<vmem>>, vector<16xf32>,
    tpu.vector_store %arg11[%swap3A_294, %swap3A_295], %gather3A_292 {strides = array<i32>} : memref<5x128xf32, #tpu.memory_space<vmem>>, vector<16xf32>,
    %add3A_297 = arith.constant 544 : i32
    %add3A_298 = vector.broadcast %add3A_297 : i32 to vector<16xi32>
    %add3A_299 = arith.addi %add3A_298, %iota3A : vector<16xi32>
    %gather3A_300 = tpu.vector_load_idx %arg10[%add3A_299, %broadcast_in_dim3A_26] : memref<640x16xf32, #tpu.memory_space<vmem>>[vector<16xi32>, vector<16xi32>], vector<16xf32>,
    %swap3A_301 = arith.constant 4 : i32
    %swap3A_302 = arith.index_cast %swap3A_301 : i32 to index
    %swap3A_303 = arith.constant 32 : index
    %swap3A_304 = tpu.vector_load %arg11[%swap3A_302, %swap3A_303] {strides = array<i32>} : memref<5x128xf32, #tpu.memory_space<vmem>>, vector<16xf32>,
    tpu.vector_store %arg11[%swap3A_302, %swap3A_303], %gather3A_300 {strides = array<i32>} : memref<5x128xf32, #tpu.memory_space<vmem>>, vector<16xf32>,
    %add3A_305 = arith.constant 560 : i32
    %add3A_306 = vector.broadcast %add3A_305 : i32 to vector<16xi32>
    %add3A_307 = arith.addi %add3A_306, %iota3A : vector<16xi32>
    %gather3A_308 = tpu.vector_load_idx %arg10[%add3A_307, %broadcast_in_dim3A_26] : memref<640x16xf32, #tpu.memory_space<vmem>>[vector<16xi32>, vector<16xi32>], vector<16xf32>,
    %swap3A_309 = arith.constant 4 : i32
    %swap3A_310 = arith.index_cast %swap3A_309 : i32 to index
    %swap3A_311 = arith.constant 48 : index
    %swap3A_312 = tpu.vector_load %arg11[%swap3A_310, %swap3A_311] {strides = array<i32>} : memref<5x128xf32, #tpu.memory_space<vmem>>, vector<16xf32>,
    tpu.vector_store %arg11[%swap3A_310, %swap3A_311], %gather3A_308 {strides = array<i32>} : memref<5x128xf32, #tpu.memory_space<vmem>>, vector<16xf32>,
    %add3A_313 = arith.constant 576 : i32
    %add3A_314 = vector.broadcast %add3A_313 : i32 to vector<16xi32>
    %add3A_315 = arith.addi %add3A_314, %iota3A : vector<16xi32>
    %gather3A_316 = tpu.vector_load_idx %arg10[%add3A_315, %broadcast_in_dim3A_26] : memref<640x16xf32, #tpu.memory_space<vmem>>[vector<16xi32>, vector<16xi32>], vector<16xf32>,
    %swap3A_317 = arith.constant 4 : i32
    %swap3A_318 = arith.index_cast %swap3A_317 : i32 to index
    %swap3A_319 = arith.constant 64 : index
    %swap3A_320 = tpu.vector_load %arg11[%swap3A_318, %swap3A_319] {strides = array<i32>} : memref<5x128xf32, #tpu.memory_space<vmem>>, vector<16xf32>,
    tpu.vector_store %arg11[%swap3A_318, %swap3A_319], %gather3A_316 {strides = array<i32>} : memref<5x128xf32, #tpu.memory_space<vmem>>, vector<16xf32>,
    %add3A_321 = arith.constant 592 : i32
    %add3A_322 = vector.broadcast %add3A_321 : i32 to vector<16xi32>
    %add3A_323 = arith.addi %add3A_322, %iota3A : vector<16xi32>
    %gather3A_324 = tpu.vector_load_idx %arg10[%add3A_323, %broadcast_in_dim3A_26] : memref<640x16xf32, #tpu.memory_space<vmem>>[vector<16xi32>, vector<16xi32>], vector<16xf32>,
    %swap3A_325 = arith.constant 4 : i32
    %swap3A_326 = arith.index_cast %swap3A_325 : i32 to index
    %swap3A_327 = arith.constant 80 : index
    %swap3A_328 = tpu.vector_load %arg11[%swap3A_326, %swap3A_327] {strides = array<i32>} : memref<5x128xf32, #tpu.memory_space<vmem>>, vector<16xf32>,
    tpu.vector_store %arg11[%swap3A_326, %swap3A_327], %gather3A_324 {strides = array<i32>} : memref<5x128xf32, #tpu.memory_space<vmem>>, vector<16xf32>,
    %add3A_329 = arith.constant 608 : i32
    %add3A_330 = vector.broadcast %add3A_329 : i32 to vector<16xi32>
    %add3A_331 = arith.addi %add3A_330, %iota3A : vector<16xi32>
    %gather3A_332 = tpu.vector_load_idx %arg10[%add3A_331, %broadcast_in_dim3A_26] : memref<640x16xf32, #tpu.memory_space<vmem>>[vector<16xi32>, vector<16xi32>], vector<16xf32>,
    %swap3A_333 = arith.constant 4 : i32
    %swap3A_334 = arith.index_cast %swap3A_333 : i32 to index
    %swap3A_335 = arith.constant 96 : index
    %swap3A_336 = tpu.vector_load %arg11[%swap3A_334, %swap3A_335] {strides = array<i32>} : memref<5x128xf32, #tpu.memory_space<vmem>>, vector<16xf32>,
    tpu.vector_store %arg11[%swap3A_334, %swap3A_335], %gather3A_332 {strides = array<i32>} : memref<5x128xf32, #tpu.memory_space<vmem>>, vector<16xf32>,
    %add3A_337 = arith.constant 624 : i32
    %add3A_338 = vector.broadcast %add3A_337 : i32 to vector<16xi32>
    %add3A_339 = arith.addi %add3A_338, %iota3A : vector<16xi32>
    %gather3A_340 = tpu.vector_load_idx %arg10[%add3A_339, %broadcast_in_dim3A_26] : memref<640x16xf32, #tpu.memory_space<vmem>>[vector<16xi32>, vector<16xi32>], vector<16xf32>,
    %swap3A_341 = arith.constant 4 : i32
    %swap3A_342 = arith.index_cast %swap3A_341 : i32 to index
    %swap3A_343 = arith.constant 112 : index
    %swap3A_344 = tpu.vector_load %arg11[%swap3A_342, %swap3A_343] {strides = array<i32>} : memref<5x128xf32, #tpu.memory_space<vmem>>, vector<16xf32>,
    tpu.vector_store %arg11[%swap3A_342, %swap3A_343], %gather3A_340 {strides = array<i32>} : memref<5x128xf32, #tpu.memory_space<vmem>>, vector<16xf32>,
    %mul3A_345 = arith.constant 5 : i32
    %mul3A_346 = arith.muli %arg1, %mul3A_345 : i32
    "tpu.region"() ({
      %run_scoped3A = tpu.sem_alloc : memref<!tpu.dma_semaphore, #tpu.memory_space<semaphore_mem>>
      %dma_start3A_347 = arith.constant 0 : i32
      %dma_start3A_348 = tpu.memref_slice %arg5[%arg0, %mul3A_346, %dma_start3A_347] : memref<2x80x128xf32, #tpu.memory_space<hbm>> -> memref<1x5x128xf32, #tpu.memory_space<hbm>>
      %dma_start3A_349 = tpu.memref_squeeze %dma_start3A_348 : memref<1x5x128xf32, #tpu.memory_space<hbm>> -> memref<5x128xf32, #tpu.memory_space<hbm>>
      %dma_start3A_350 = arith.constant 0 : i32
      %dma_start3A_351 = tpu.memref_slice %arg5[%arg0, %mul3A_346, %dma_start3A_350] : memref<2x80x128xf32, #tpu.memory_space<hbm>> -> memref<1x5x128xf32, #tpu.memory_space<hbm>>
      %dma_start3A_352 = tpu.memref_squeeze %dma_start3A_351 : memref<1x5x128xf32, #tpu.memory_space<hbm>> -> memref<5x128xf32, #tpu.memory_space<hbm>>
      tpu.enqueue_dma source(%arg11 : memref<5x128xf32, #tpu.memory_space<vmem>>) target(%dma_start3A_352 : memref<5x128xf32, #tpu.memory_space<hbm>>) target_semaphore(%run_scoped3A : memref<!tpu.dma_semaphore, #tpu.memory_space<semaphore_mem>>)
      %dma_wait3A = arith.constant 0 : i32
      %dma_wait3A_353 = tpu.memref_slice %arg5[%arg0, %mul3A_346, %dma_wait3A] : memref<2x80x128xf32, #tpu.memory_space<hbm>> -> memref<1x5x128xf32, #tpu.memory_space<hbm>>
      %dma_wait3A_354 = tpu.memref_squeeze %dma_wait3A_353 : memref<1x5x128xf32, #tpu.memory_space<hbm>> -> memref<5x128xf32, #tpu.memory_space<hbm>>
      %dma_wait3A_355 = arith.constant 0 : i32
      %dma_wait3A_356 = tpu.memref_slice %arg5[%arg0, %mul3A_346, %dma_wait3A_355] : memref<2x80x128xf32, #tpu.memory_space<hbm>> -> memref<1x5x128xf32, #tpu.memory_space<hbm>>
      %dma_wait3A_357 = tpu.memref_squeeze %dma_wait3A_356 : memref<1x5x128xf32, #tpu.memory_space<hbm>> -> memref<5x128xf32, #tpu.memory_space<hbm>>
      tpu.wait_dma2 semaphore(%run_scoped3A : memref<!tpu.dma_semaphore, #tpu.memory_space<semaphore_mem>>) src(%arg11 : memref<5x128xf32, #tpu.memory_space<vmem>>) dst(%dma_wait3A_357 : memref<5x128xf32, #tpu.memory_space<hbm>>)
      tpu.yield
    }) : () -> ()
    return
  }
}

#map = affine_map<(d0, d1) -> (0, 0, 0)>
module attributes {stable_mosaic.version = 14 : i64} {
  func.func @_sc_rowsum_body(%arg0: i32, %arg1: i32, %arg2: memref<2x10240x128xbf16, #tpu.memory_space<hbm>>, %arg3: memref<16x80x125xi32, #tpu.memory_space<hbm>>, %arg4: memref<16x80x125xi32, #tpu.memory_space<hbm>>, %arg5: memref<2x10240x128xbf16, #tpu.memory_space<hbm>>, %arg6: memref<40x125xi32, #tpu.memory_space<vmem>>, %arg7: memref<40x125xi32, #tpu.memory_space<vmem>>, %arg8: memref<125x128xbf16, #tpu.memory_space<vmem>>, %arg9: memref<125x128xbf16, #tpu.memory_space<vmem>>, %arg10: memref<125x128xbf16, #tpu.memory_space<vmem>>, %arg11: memref<125x128xbf16, #tpu.memory_space<vmem>>, %arg12: memref<125x128xbf16, #tpu.memory_space<vmem>>, %arg13: memref<10240x128xbf16, #tpu.memory_space<vmem_shared>>, %arg14: memref<!tpu.dma_semaphore, #tpu.memory_space<semaphore_mem>>, %arg15: memref<!tpu.dma_semaphore, #tpu.memory_space<semaphore_mem>>, %arg16: memref<!tpu.dma_semaphore, #tpu.memory_space<semaphore_mem>>, %arg17: memref<!tpu.dma_semaphore, #tpu.memory_space<semaphore_mem>>, %arg18: memref<!tpu.dma_semaphore, #tpu.memory_space<semaphore_mem>>, %arg19: memref<!tpu.dma_semaphore, #tpu.memory_space<semaphore_mem>>, %arg20: memref<!tpu.dma_semaphore, #tpu.memory_space<semaphore_mem>>, %arg21: memref<!tpu.dma_semaphore, #tpu.memory_space<semaphore_mem>>, %arg22: memref<!tpu.dma_semaphore, #tpu.memory_space<semaphore_mem>>, %arg23: memref<!tpu.dma_semaphore, #tpu.memory_space<semaphore_mem>>) attributes {dimension_semantics = [#tpu.dimension_semantics<core_parallel>, #tpu.dimension_semantics<subcore_parallel>], iteration_bounds = array<i64: 2, 16>, scalar_prefetch = 0 : i64, scratch_operands = 18 : i64, tpu.core_type = #tpu.core_type<sc_vector_subcore>, window_params = [{transform_indices = #map}, {transform_indices = #map}, {transform_indices = #map}, {transform_indices = #map}]} {
    %mul3A = arith.constant 640 : i32
    %mul3A_0 = arith.muli %arg1, %mul3A : i32
    %mul3A_1 = arith.constant 640 : i32
    %mul3A_2 = arith.muli %arg1, %mul3A_1 : i32
    "tpu.region"() ({
      %run_scoped3A = tpu.sem_alloc : memref<!tpu.dma_semaphore, #tpu.memory_space<semaphore_mem>>
      %dma_start3A_197 = arith.constant 0 : i32
      %dma_start3A_198 = tpu.memref_slice %arg13[%mul3A_2, %dma_start3A_197] : memref<10240x128xbf16, #tpu.memory_space<vmem_shared>> -> memref<640x128xbf16, #tpu.memory_space<vmem_shared>>
      %dma_start3A_199 = arith.constant 0 : i32
      %dma_start3A_200 = arith.constant 0 : i32
      %dma_start3A_201 = tpu.memref_slice %arg2[%arg0, %dma_start3A_199, %dma_start3A_200] : memref<2x10240x128xbf16, #tpu.memory_space<hbm>> -> memref<1x10240x128xbf16, #tpu.memory_space<hbm>>
      %dma_start3A_202 = tpu.memref_squeeze %dma_start3A_201 : memref<1x10240x128xbf16, #tpu.memory_space<hbm>> -> memref<10240x128xbf16, #tpu.memory_space<hbm>>
      %dma_start3A_203 = arith.constant 0 : i32
      %dma_start3A_204 = tpu.memref_slice %dma_start3A_202[%mul3A_0, %dma_start3A_203] : memref<10240x128xbf16, #tpu.memory_space<hbm>> -> memref<640x128xbf16, #tpu.memory_space<hbm>>
      tpu.enqueue_dma source(%dma_start3A_204 : memref<640x128xbf16, #tpu.memory_space<hbm>>) target(%dma_start3A_198 : memref<640x128xbf16, #tpu.memory_space<vmem_shared>>) target_semaphore(%run_scoped3A : memref<!tpu.dma_semaphore, #tpu.memory_space<semaphore_mem>>)
      %dma_wait3A_205 = arith.constant 0 : i32
      %dma_wait3A_206 = tpu.memref_slice %arg13[%mul3A_2, %dma_wait3A_205] : memref<10240x128xbf16, #tpu.memory_space<vmem_shared>> -> memref<640x128xbf16, #tpu.memory_space<vmem_shared>>
      %dma_wait3A_207 = arith.constant 0 : i32
      %dma_wait3A_208 = arith.constant 0 : i32
      %dma_wait3A_209 = tpu.memref_slice %arg2[%arg0, %dma_wait3A_207, %dma_wait3A_208] : memref<2x10240x128xbf16, #tpu.memory_space<hbm>> -> memref<1x10240x128xbf16, #tpu.memory_space<hbm>>
      %dma_wait3A_210 = tpu.memref_squeeze %dma_wait3A_209 : memref<1x10240x128xbf16, #tpu.memory_space<hbm>> -> memref<10240x128xbf16, #tpu.memory_space<hbm>>
      %dma_wait3A_211 = arith.constant 0 : i32
      %dma_wait3A_212 = tpu.memref_slice %dma_wait3A_210[%mul3A_0, %dma_wait3A_211] : memref<10240x128xbf16, #tpu.memory_space<hbm>> -> memref<640x128xbf16, #tpu.memory_space<hbm>>
      tpu.wait_dma2 semaphore(%run_scoped3A : memref<!tpu.dma_semaphore, #tpu.memory_space<semaphore_mem>>) src(%dma_wait3A_212 : memref<640x128xbf16, #tpu.memory_space<hbm>>) dst(%dma_wait3A_206 : memref<640x128xbf16, #tpu.memory_space<vmem_shared>>)
      tpu.yield
    }) : () -> ()
    %barrier3A = arith.constant 0 : index
    tpu.barrier barrier_id(%barrier3A)
    "tpu.region"() ({
      %run_scoped3A = tpu.sem_alloc : memref<!tpu.dma_semaphore, #tpu.memory_space<semaphore_mem>>
      %dma_start3A_197 = arith.constant 0 : i32
      %dma_start3A_198 = arith.constant 0 : i32
      %dma_start3A_199 = tpu.memref_slice %arg3[%arg1, %dma_start3A_197, %dma_start3A_198] : memref<16x80x125xi32, #tpu.memory_space<hbm>> -> memref<1x40x125xi32, #tpu.memory_space<hbm>>
      %dma_start3A_200 = tpu.memref_squeeze %dma_start3A_199 : memref<1x40x125xi32, #tpu.memory_space<hbm>> -> memref<40x125xi32, #tpu.memory_space<hbm>>
      %dma_start3A_201 = arith.constant 0 : i32
      %dma_start3A_202 = arith.constant 0 : i32
      %dma_start3A_203 = tpu.memref_slice %arg3[%arg1, %dma_start3A_201, %dma_start3A_202] : memref<16x80x125xi32, #tpu.memory_space<hbm>> -> memref<1x40x125xi32, #tpu.memory_space<hbm>>
      %dma_start3A_204 = tpu.memref_squeeze %dma_start3A_203 : memref<1x40x125xi32, #tpu.memory_space<hbm>> -> memref<40x125xi32, #tpu.memory_space<hbm>>
      tpu.enqueue_dma source(%dma_start3A_204 : memref<40x125xi32, #tpu.memory_space<hbm>>) target(%arg6 : memref<40x125xi32, #tpu.memory_space<vmem>>) target_semaphore(%run_scoped3A : memref<!tpu.dma_semaphore, #tpu.memory_space<semaphore_mem>>)
      %dma_wait3A_205 = arith.constant 0 : i32
      %dma_wait3A_206 = arith.constant 0 : i32
      %dma_wait3A_207 = tpu.memref_slice %arg3[%arg1, %dma_wait3A_205, %dma_wait3A_206] : memref<16x80x125xi32, #tpu.memory_space<hbm>> -> memref<1x40x125xi32, #tpu.memory_space<hbm>>
      %dma_wait3A_208 = tpu.memref_squeeze %dma_wait3A_207 : memref<1x40x125xi32, #tpu.memory_space<hbm>> -> memref<40x125xi32, #tpu.memory_space<hbm>>
      %dma_wait3A_209 = arith.constant 0 : i32
      %dma_wait3A_210 = arith.constant 0 : i32
      %dma_wait3A_211 = tpu.memref_slice %arg3[%arg1, %dma_wait3A_209, %dma_wait3A_210] : memref<16x80x125xi32, #tpu.memory_space<hbm>> -> memref<1x40x125xi32, #tpu.memory_space<hbm>>
      %dma_wait3A_212 = tpu.memref_squeeze %dma_wait3A_211 : memref<1x40x125xi32, #tpu.memory_space<hbm>> -> memref<40x125xi32, #tpu.memory_space<hbm>>
      tpu.wait_dma2 semaphore(%run_scoped3A : memref<!tpu.dma_semaphore, #tpu.memory_space<semaphore_mem>>) src(%dma_wait3A_212 : memref<40x125xi32, #tpu.memory_space<hbm>>) dst(%arg6 : memref<40x125xi32, #tpu.memory_space<vmem>>)
      tpu.yield
    }) : () -> ()
    "tpu.region"() ({
      %run_scoped3A = tpu.sem_alloc : memref<!tpu.dma_semaphore, #tpu.memory_space<semaphore_mem>>
      %dma_start3A_197 = arith.constant 0 : i32
      %dma_start3A_198 = arith.constant 0 : i32
      %dma_start3A_199 = tpu.memref_slice %arg4[%arg1, %dma_start3A_197, %dma_start3A_198] : memref<16x80x125xi32, #tpu.memory_space<hbm>> -> memref<1x40x125xi32, #tpu.memory_space<hbm>>
      %dma_start3A_200 = tpu.memref_squeeze %dma_start3A_199 : memref<1x40x125xi32, #tpu.memory_space<hbm>> -> memref<40x125xi32, #tpu.memory_space<hbm>>
      %dma_start3A_201 = arith.constant 0 : i32
      %dma_start3A_202 = arith.constant 0 : i32
      %dma_start3A_203 = tpu.memref_slice %arg4[%arg1, %dma_start3A_201, %dma_start3A_202] : memref<16x80x125xi32, #tpu.memory_space<hbm>> -> memref<1x40x125xi32, #tpu.memory_space<hbm>>
      %dma_start3A_204 = tpu.memref_squeeze %dma_start3A_203 : memref<1x40x125xi32, #tpu.memory_space<hbm>> -> memref<40x125xi32, #tpu.memory_space<hbm>>
      tpu.enqueue_dma source(%dma_start3A_204 : memref<40x125xi32, #tpu.memory_space<hbm>>) target(%arg7 : memref<40x125xi32, #tpu.memory_space<vmem>>) target_semaphore(%run_scoped3A : memref<!tpu.dma_semaphore, #tpu.memory_space<semaphore_mem>>)
      %dma_wait3A_205 = arith.constant 0 : i32
      %dma_wait3A_206 = arith.constant 0 : i32
      %dma_wait3A_207 = tpu.memref_slice %arg4[%arg1, %dma_wait3A_205, %dma_wait3A_206] : memref<16x80x125xi32, #tpu.memory_space<hbm>> -> memref<1x40x125xi32, #tpu.memory_space<hbm>>
      %dma_wait3A_208 = tpu.memref_squeeze %dma_wait3A_207 : memref<1x40x125xi32, #tpu.memory_space<hbm>> -> memref<40x125xi32, #tpu.memory_space<hbm>>
      %dma_wait3A_209 = arith.constant 0 : i32
      %dma_wait3A_210 = arith.constant 0 : i32
      %dma_wait3A_211 = tpu.memref_slice %arg4[%arg1, %dma_wait3A_209, %dma_wait3A_210] : memref<16x80x125xi32, #tpu.memory_space<hbm>> -> memref<1x40x125xi32, #tpu.memory_space<hbm>>
      %dma_wait3A_212 = tpu.memref_squeeze %dma_wait3A_211 : memref<1x40x125xi32, #tpu.memory_space<hbm>> -> memref<40x125xi32, #tpu.memory_space<hbm>>
      tpu.wait_dma2 semaphore(%run_scoped3A : memref<!tpu.dma_semaphore, #tpu.memory_space<semaphore_mem>>) src(%dma_wait3A_212 : memref<40x125xi32, #tpu.memory_space<hbm>>) dst(%arg7 : memref<40x125xi32, #tpu.memory_space<vmem>>)
      tpu.yield
    }) : () -> ()
    %dma_start3A = arith.constant 0 : i32
    %dma_start3A_3 = arith.constant 0 : i32
    %dma_start3A_4 = tpu.memref_slice %arg6[%dma_start3A, %dma_start3A_3] : memref<40x125xi32, #tpu.memory_space<vmem>> -> memref<1x125xi32, #tpu.memory_space<vmem>>
    %dma_start3A_5 = tpu.memref_squeeze %dma_start3A_4 : memref<1x125xi32, #tpu.memory_space<vmem>> -> memref<125xi32, #tpu.memory_space<vmem>>
    %dma_start3A_6 = arith.constant 0 : i32
    %dma_start3A_7 = arith.constant 0 : i32
    %dma_start3A_8 = tpu.memref_slice %arg2[%arg0, %dma_start3A_6, %dma_start3A_7] : memref<2x10240x128xbf16, #tpu.memory_space<hbm>> -> memref<1x10240x128xbf16, #tpu.memory_space<hbm>>
    %dma_start3A_9 = tpu.memref_squeeze %dma_start3A_8 : memref<1x10240x128xbf16, #tpu.memory_space<hbm>> -> memref<10240x128xbf16, #tpu.memory_space<hbm>>
    %dma_start3A_10 = arith.constant 0 : i32
    %dma_start3A_11 = arith.constant 0 : i32
    %dma_start3A_12 = tpu.memref_slice %dma_start3A_9[%dma_start3A_10, %dma_start3A_11] : memref<10240x128xbf16, #tpu.memory_space<hbm>> -> memref<10240x128xbf16, #tpu.memory_space<hbm>>
    tpu.enqueue_indirect_dma source(%dma_start3A_12 : memref<10240x128xbf16, #tpu.memory_space<hbm>>) target(%arg8 : memref<125x128xbf16, #tpu.memory_space<vmem>>) offsets(%dma_start3A_5 : memref<125xi32, #tpu.memory_space<vmem>>) semaphore(%arg14 : memref<!tpu.dma_semaphore, #tpu.memory_space<semaphore_mem>>)
    %dma_start3A_13 = arith.constant 1 : i32
    %dma_start3A_14 = arith.constant 0 : i32
    %dma_start3A_15 = tpu.memref_slice %arg6[%dma_start3A_13, %dma_start3A_14] : memref<40x125xi32, #tpu.memory_space<vmem>> -> memref<1x125xi32, #tpu.memory_space<vmem>>
    %dma_start3A_16 = tpu.memref_squeeze %dma_start3A_15 : memref<1x125xi32, #tpu.memory_space<vmem>> -> memref<125xi32, #tpu.memory_space<vmem>>
    %dma_start3A_17 = arith.constant 0 : i32
    %dma_start3A_18 = arith.constant 0 : i32
    %dma_start3A_19 = tpu.memref_slice %arg2[%arg0, %dma_start3A_17, %dma_start3A_18] : memref<2x10240x128xbf16, #tpu.memory_space<hbm>> -> memref<1x10240x128xbf16, #tpu.memory_space<hbm>>
    %dma_start3A_20 = tpu.memref_squeeze %dma_start3A_19 : memref<1x10240x128xbf16, #tpu.memory_space<hbm>> -> memref<10240x128xbf16, #tpu.memory_space<hbm>>
    %dma_start3A_21 = arith.constant 0 : i32
    %dma_start3A_22 = arith.constant 0 : i32
    %dma_start3A_23 = tpu.memref_slice %dma_start3A_20[%dma_start3A_21, %dma_start3A_22] : memref<10240x128xbf16, #tpu.memory_space<hbm>> -> memref<10240x128xbf16, #tpu.memory_space<hbm>>
    tpu.enqueue_indirect_dma source(%dma_start3A_23 : memref<10240x128xbf16, #tpu.memory_space<hbm>>) target(%arg9 : memref<125x128xbf16, #tpu.memory_space<vmem>>) offsets(%dma_start3A_16 : memref<125xi32, #tpu.memory_space<vmem>>) semaphore(%arg15 : memref<!tpu.dma_semaphore, #tpu.memory_space<semaphore_mem>>)
    %dma_start3A_24 = arith.constant 2 : i32
    %dma_start3A_25 = arith.constant 0 : i32
    %dma_start3A_26 = tpu.memref_slice %arg6[%dma_start3A_24, %dma_start3A_25] : memref<40x125xi32, #tpu.memory_space<vmem>> -> memref<1x125xi32, #tpu.memory_space<vmem>>
    %dma_start3A_27 = tpu.memref_squeeze %dma_start3A_26 : memref<1x125xi32, #tpu.memory_space<vmem>> -> memref<125xi32, #tpu.memory_space<vmem>>
    %dma_start3A_28 = arith.constant 0 : i32
    %dma_start3A_29 = arith.constant 0 : i32
    %dma_start3A_30 = tpu.memref_slice %arg2[%arg0, %dma_start3A_28, %dma_start3A_29] : memref<2x10240x128xbf16, #tpu.memory_space<hbm>> -> memref<1x10240x128xbf16, #tpu.memory_space<hbm>>
    %dma_start3A_31 = tpu.memref_squeeze %dma_start3A_30 : memref<1x10240x128xbf16, #tpu.memory_space<hbm>> -> memref<10240x128xbf16, #tpu.memory_space<hbm>>
    %dma_start3A_32 = arith.constant 0 : i32
    %dma_start3A_33 = arith.constant 0 : i32
    %dma_start3A_34 = tpu.memref_slice %dma_start3A_31[%dma_start3A_32, %dma_start3A_33] : memref<10240x128xbf16, #tpu.memory_space<hbm>> -> memref<10240x128xbf16, #tpu.memory_space<hbm>>
    tpu.enqueue_indirect_dma source(%dma_start3A_34 : memref<10240x128xbf16, #tpu.memory_space<hbm>>) target(%arg10 : memref<125x128xbf16, #tpu.memory_space<vmem>>) offsets(%dma_start3A_27 : memref<125xi32, #tpu.memory_space<vmem>>) semaphore(%arg16 : memref<!tpu.dma_semaphore, #tpu.memory_space<semaphore_mem>>)
    %dma_start3A_35 = arith.constant 3 : i32
    %dma_start3A_36 = arith.constant 0 : i32
    %dma_start3A_37 = tpu.memref_slice %arg6[%dma_start3A_35, %dma_start3A_36] : memref<40x125xi32, #tpu.memory_space<vmem>> -> memref<1x125xi32, #tpu.memory_space<vmem>>
    %dma_start3A_38 = tpu.memref_squeeze %dma_start3A_37 : memref<1x125xi32, #tpu.memory_space<vmem>> -> memref<125xi32, #tpu.memory_space<vmem>>
    %dma_start3A_39 = arith.constant 0 : i32
    %dma_start3A_40 = arith.constant 0 : i32
    %dma_start3A_41 = tpu.memref_slice %arg2[%arg0, %dma_start3A_39, %dma_start3A_40] : memref<2x10240x128xbf16, #tpu.memory_space<hbm>> -> memref<1x10240x128xbf16, #tpu.memory_space<hbm>>
    %dma_start3A_42 = tpu.memref_squeeze %dma_start3A_41 : memref<1x10240x128xbf16, #tpu.memory_space<hbm>> -> memref<10240x128xbf16, #tpu.memory_space<hbm>>
    %dma_start3A_43 = arith.constant 0 : i32
    %dma_start3A_44 = arith.constant 0 : i32
    %dma_start3A_45 = tpu.memref_slice %dma_start3A_42[%dma_start3A_43, %dma_start3A_44] : memref<10240x128xbf16, #tpu.memory_space<hbm>> -> memref<10240x128xbf16, #tpu.memory_space<hbm>>
    tpu.enqueue_indirect_dma source(%dma_start3A_45 : memref<10240x128xbf16, #tpu.memory_space<hbm>>) target(%arg11 : memref<125x128xbf16, #tpu.memory_space<vmem>>) offsets(%dma_start3A_38 : memref<125xi32, #tpu.memory_space<vmem>>) semaphore(%arg17 : memref<!tpu.dma_semaphore, #tpu.memory_space<semaphore_mem>>)
    %dma_start3A_46 = arith.constant 4 : i32
    %dma_start3A_47 = arith.constant 0 : i32
    %dma_start3A_48 = tpu.memref_slice %arg6[%dma_start3A_46, %dma_start3A_47] : memref<40x125xi32, #tpu.memory_space<vmem>> -> memref<1x125xi32, #tpu.memory_space<vmem>>
    %dma_start3A_49 = tpu.memref_squeeze %dma_start3A_48 : memref<1x125xi32, #tpu.memory_space<vmem>> -> memref<125xi32, #tpu.memory_space<vmem>>
    %dma_start3A_50 = arith.constant 0 : i32
    %dma_start3A_51 = arith.constant 0 : i32
    %dma_start3A_52 = tpu.memref_slice %arg2[%arg0, %dma_start3A_50, %dma_start3A_51] : memref<2x10240x128xbf16, #tpu.memory_space<hbm>> -> memref<1x10240x128xbf16, #tpu.memory_space<hbm>>
    %dma_start3A_53 = tpu.memref_squeeze %dma_start3A_52 : memref<1x10240x128xbf16, #tpu.memory_space<hbm>> -> memref<10240x128xbf16, #tpu.memory_space<hbm>>
    %dma_start3A_54 = arith.constant 0 : i32
    %dma_start3A_55 = arith.constant 0 : i32
    %dma_start3A_56 = tpu.memref_slice %dma_start3A_53[%dma_start3A_54, %dma_start3A_55] : memref<10240x128xbf16, #tpu.memory_space<hbm>> -> memref<10240x128xbf16, #tpu.memory_space<hbm>>
    tpu.enqueue_indirect_dma source(%dma_start3A_56 : memref<10240x128xbf16, #tpu.memory_space<hbm>>) target(%arg12 : memref<125x128xbf16, #tpu.memory_space<vmem>>) offsets(%dma_start3A_49 : memref<125xi32, #tpu.memory_space<vmem>>) semaphore(%arg18 : memref<!tpu.dma_semaphore, #tpu.memory_space<semaphore_mem>>)
    %scan3A = arith.constant 0 : i32
    %scan3A_57 = arith.constant 0 : i32
    %scan3A_58 = arith.constant 8 : i32
    %scan3A_59 = arith.addi %scan3A_57, %scan3A_58 : i32
    %scan3A_60 = arith.constant 1 : i32
    scf.for %scan3A_197 = %scan3A_57 to %scan3A_59 step %scan3A_60  : i32 {
      %mul3A_198 = arith.constant 5 : i32
      %mul3A_199 = arith.muli %mul3A_198, %scan3A_197 : i32
      %add3A = arith.constant 0 : i32
      %add3A_200 = arith.addi %mul3A_199, %add3A : i32
      %dma_wait3A_201 = arith.constant 0 : i32
      %dma_wait3A_202 = tpu.memref_slice %arg6[%add3A_200, %dma_wait3A_201] : memref<40x125xi32, #tpu.memory_space<vmem>> -> memref<1x125xi32, #tpu.memory_space<vmem>>
      %dma_wait3A_203 = tpu.memref_squeeze %dma_wait3A_202 : memref<1x125xi32, #tpu.memory_space<vmem>> -> memref<125xi32, #tpu.memory_space<vmem>>
      %dma_wait3A_204 = arith.constant 0 : i32
      %dma_wait3A_205 = arith.constant 0 : i32
      %dma_wait3A_206 = tpu.memref_slice %arg2[%arg0, %dma_wait3A_204, %dma_wait3A_205] : memref<2x10240x128xbf16, #tpu.memory_space<hbm>> -> memref<1x10240x128xbf16, #tpu.memory_space<hbm>>
      %dma_wait3A_207 = tpu.memref_squeeze %dma_wait3A_206 : memref<1x10240x128xbf16, #tpu.memory_space<hbm>> -> memref<10240x128xbf16, #tpu.memory_space<hbm>>
      %dma_wait3A_208 = arith.constant 0 : i32
      %dma_wait3A_209 = arith.constant 0 : i32
      %dma_wait3A_210 = tpu.memref_slice %dma_wait3A_207[%dma_wait3A_208, %dma_wait3A_209] : memref<10240x128xbf16, #tpu.memory_space<hbm>> -> memref<10240x128xbf16, #tpu.memory_space<hbm>>
      tpu.wait_indirect_dma semaphore(%arg14 : memref<!tpu.dma_semaphore, #tpu.memory_space<semaphore_mem>>) src(%dma_wait3A_210 : memref<10240x128xbf16, #tpu.memory_space<hbm>>) dst(%arg8 : memref<125x128xbf16, #tpu.memory_space<vmem>>)
      %dma_start3A_211 = arith.constant 0 : i32
      %dma_start3A_212 = tpu.memref_slice %arg7[%add3A_200, %dma_start3A_211] : memref<40x125xi32, #tpu.memory_space<vmem>> -> memref<1x125xi32, #tpu.memory_space<vmem>>
      %dma_start3A_213 = tpu.memref_squeeze %dma_start3A_212 : memref<1x125xi32, #tpu.memory_space<vmem>> -> memref<125xi32, #tpu.memory_space<vmem>>
      %dma_start3A_214 = arith.constant 0 : i32
      %dma_start3A_215 = arith.constant 0 : i32
      %dma_start3A_216 = tpu.memref_slice %arg13[%dma_start3A_214, %dma_start3A_215] : memref<10240x128xbf16, #tpu.memory_space<vmem_shared>> -> memref<10240x128xbf16, #tpu.memory_space<vmem_shared>>
      tpu.enqueue_indirect_dma source(%arg8 : memref<125x128xbf16, #tpu.memory_space<vmem>>) target(%dma_start3A_216 : memref<10240x128xbf16, #tpu.memory_space<vmem_shared>>) offsets(%dma_start3A_213 : memref<125xi32, #tpu.memory_space<vmem>>) semaphore(%arg19 : memref<!tpu.dma_semaphore, #tpu.memory_space<semaphore_mem>>) {add = true}
      %mul3A_217 = arith.constant 5 : i32
      %mul3A_218 = arith.muli %mul3A_217, %scan3A_197 : i32
      %add3A_219 = arith.constant 1 : i32
      %add3A_220 = arith.addi %mul3A_218, %add3A_219 : i32
      %dma_wait3A_221 = arith.constant 0 : i32
      %dma_wait3A_222 = tpu.memref_slice %arg6[%add3A_220, %dma_wait3A_221] : memref<40x125xi32, #tpu.memory_space<vmem>> -> memref<1x125xi32, #tpu.memory_space<vmem>>
      %dma_wait3A_223 = tpu.memref_squeeze %dma_wait3A_222 : memref<1x125xi32, #tpu.memory_space<vmem>> -> memref<125xi32, #tpu.memory_space<vmem>>
      %dma_wait3A_224 = arith.constant 0 : i32
      %dma_wait3A_225 = arith.constant 0 : i32
      %dma_wait3A_226 = tpu.memref_slice %arg2[%arg0, %dma_wait3A_224, %dma_wait3A_225] : memref<2x10240x128xbf16, #tpu.memory_space<hbm>> -> memref<1x10240x128xbf16, #tpu.memory_space<hbm>>
      %dma_wait3A_227 = tpu.memref_squeeze %dma_wait3A_226 : memref<1x10240x128xbf16, #tpu.memory_space<hbm>> -> memref<10240x128xbf16, #tpu.memory_space<hbm>>
      %dma_wait3A_228 = arith.constant 0 : i32
      %dma_wait3A_229 = arith.constant 0 : i32
      %dma_wait3A_230 = tpu.memref_slice %dma_wait3A_227[%dma_wait3A_228, %dma_wait3A_229] : memref<10240x128xbf16, #tpu.memory_space<hbm>> -> memref<10240x128xbf16, #tpu.memory_space<hbm>>
      tpu.wait_indirect_dma semaphore(%arg15 : memref<!tpu.dma_semaphore, #tpu.memory_space<semaphore_mem>>) src(%dma_wait3A_230 : memref<10240x128xbf16, #tpu.memory_space<hbm>>) dst(%arg9 : memref<125x128xbf16, #tpu.memory_space<vmem>>)
      %dma_start3A_231 = arith.constant 0 : i32
      %dma_start3A_232 = tpu.memref_slice %arg7[%add3A_220, %dma_start3A_231] : memref<40x125xi32, #tpu.memory_space<vmem>> -> memref<1x125xi32, #tpu.memory_space<vmem>>
      %dma_start3A_233 = tpu.memref_squeeze %dma_start3A_232 : memref<1x125xi32, #tpu.memory_space<vmem>> -> memref<125xi32, #tpu.memory_space<vmem>>
      %dma_start3A_234 = arith.constant 0 : i32
      %dma_start3A_235 = arith.constant 0 : i32
      %dma_start3A_236 = tpu.memref_slice %arg13[%dma_start3A_234, %dma_start3A_235] : memref<10240x128xbf16, #tpu.memory_space<vmem_shared>> -> memref<10240x128xbf16, #tpu.memory_space<vmem_shared>>
      tpu.enqueue_indirect_dma source(%arg9 : memref<125x128xbf16, #tpu.memory_space<vmem>>) target(%dma_start3A_236 : memref<10240x128xbf16, #tpu.memory_space<vmem_shared>>) offsets(%dma_start3A_233 : memref<125xi32, #tpu.memory_space<vmem>>) semaphore(%arg20 : memref<!tpu.dma_semaphore, #tpu.memory_space<semaphore_mem>>) {add = true}
      %mul3A_237 = arith.constant 5 : i32
      %mul3A_238 = arith.muli %mul3A_237, %scan3A_197 : i32
      %add3A_239 = arith.constant 2 : i32
      %add3A_240 = arith.addi %mul3A_238, %add3A_239 : i32
      %dma_wait3A_241 = arith.constant 0 : i32
      %dma_wait3A_242 = tpu.memref_slice %arg6[%add3A_240, %dma_wait3A_241] : memref<40x125xi32, #tpu.memory_space<vmem>> -> memref<1x125xi32, #tpu.memory_space<vmem>>
      %dma_wait3A_243 = tpu.memref_squeeze %dma_wait3A_242 : memref<1x125xi32, #tpu.memory_space<vmem>> -> memref<125xi32, #tpu.memory_space<vmem>>
      %dma_wait3A_244 = arith.constant 0 : i32
      %dma_wait3A_245 = arith.constant 0 : i32
      %dma_wait3A_246 = tpu.memref_slice %arg2[%arg0, %dma_wait3A_244, %dma_wait3A_245] : memref<2x10240x128xbf16, #tpu.memory_space<hbm>> -> memref<1x10240x128xbf16, #tpu.memory_space<hbm>>
      %dma_wait3A_247 = tpu.memref_squeeze %dma_wait3A_246 : memref<1x10240x128xbf16, #tpu.memory_space<hbm>> -> memref<10240x128xbf16, #tpu.memory_space<hbm>>
      %dma_wait3A_248 = arith.constant 0 : i32
      %dma_wait3A_249 = arith.constant 0 : i32
      %dma_wait3A_250 = tpu.memref_slice %dma_wait3A_247[%dma_wait3A_248, %dma_wait3A_249] : memref<10240x128xbf16, #tpu.memory_space<hbm>> -> memref<10240x128xbf16, #tpu.memory_space<hbm>>
      tpu.wait_indirect_dma semaphore(%arg16 : memref<!tpu.dma_semaphore, #tpu.memory_space<semaphore_mem>>) src(%dma_wait3A_250 : memref<10240x128xbf16, #tpu.memory_space<hbm>>) dst(%arg10 : memref<125x128xbf16, #tpu.memory_space<vmem>>)
      %dma_start3A_251 = arith.constant 0 : i32
      %dma_start3A_252 = tpu.memref_slice %arg7[%add3A_240, %dma_start3A_251] : memref<40x125xi32, #tpu.memory_space<vmem>> -> memref<1x125xi32, #tpu.memory_space<vmem>>
      %dma_start3A_253 = tpu.memref_squeeze %dma_start3A_252 : memref<1x125xi32, #tpu.memory_space<vmem>> -> memref<125xi32, #tpu.memory_space<vmem>>
      %dma_start3A_254 = arith.constant 0 : i32
      %dma_start3A_255 = arith.constant 0 : i32
      %dma_start3A_256 = tpu.memref_slice %arg13[%dma_start3A_254, %dma_start3A_255] : memref<10240x128xbf16, #tpu.memory_space<vmem_shared>> -> memref<10240x128xbf16, #tpu.memory_space<vmem_shared>>
      tpu.enqueue_indirect_dma source(%arg10 : memref<125x128xbf16, #tpu.memory_space<vmem>>) target(%dma_start3A_256 : memref<10240x128xbf16, #tpu.memory_space<vmem_shared>>) offsets(%dma_start3A_253 : memref<125xi32, #tpu.memory_space<vmem>>) semaphore(%arg21 : memref<!tpu.dma_semaphore, #tpu.memory_space<semaphore_mem>>) {add = true}
      %mul3A_257 = arith.constant 5 : i32
      %mul3A_258 = arith.muli %mul3A_257, %scan3A_197 : i32
      %add3A_259 = arith.constant 3 : i32
      %add3A_260 = arith.addi %mul3A_258, %add3A_259 : i32
      %dma_wait3A_261 = arith.constant 0 : i32
      %dma_wait3A_262 = tpu.memref_slice %arg6[%add3A_260, %dma_wait3A_261] : memref<40x125xi32, #tpu.memory_space<vmem>> -> memref<1x125xi32, #tpu.memory_space<vmem>>
      %dma_wait3A_263 = tpu.memref_squeeze %dma_wait3A_262 : memref<1x125xi32, #tpu.memory_space<vmem>> -> memref<125xi32, #tpu.memory_space<vmem>>
      %dma_wait3A_264 = arith.constant 0 : i32
      %dma_wait3A_265 = arith.constant 0 : i32
      %dma_wait3A_266 = tpu.memref_slice %arg2[%arg0, %dma_wait3A_264, %dma_wait3A_265] : memref<2x10240x128xbf16, #tpu.memory_space<hbm>> -> memref<1x10240x128xbf16, #tpu.memory_space<hbm>>
      %dma_wait3A_267 = tpu.memref_squeeze %dma_wait3A_266 : memref<1x10240x128xbf16, #tpu.memory_space<hbm>> -> memref<10240x128xbf16, #tpu.memory_space<hbm>>
      %dma_wait3A_268 = arith.constant 0 : i32
      %dma_wait3A_269 = arith.constant 0 : i32
      %dma_wait3A_270 = tpu.memref_slice %dma_wait3A_267[%dma_wait3A_268, %dma_wait3A_269] : memref<10240x128xbf16, #tpu.memory_space<hbm>> -> memref<10240x128xbf16, #tpu.memory_space<hbm>>
      tpu.wait_indirect_dma semaphore(%arg17 : memref<!tpu.dma_semaphore, #tpu.memory_space<semaphore_mem>>) src(%dma_wait3A_270 : memref<10240x128xbf16, #tpu.memory_space<hbm>>) dst(%arg11 : memref<125x128xbf16, #tpu.memory_space<vmem>>)
      %dma_start3A_271 = arith.constant 0 : i32
      %dma_start3A_272 = tpu.memref_slice %arg7[%add3A_260, %dma_start3A_271] : memref<40x125xi32, #tpu.memory_space<vmem>> -> memref<1x125xi32, #tpu.memory_space<vmem>>
      %dma_start3A_273 = tpu.memref_squeeze %dma_start3A_272 : memref<1x125xi32, #tpu.memory_space<vmem>> -> memref<125xi32, #tpu.memory_space<vmem>>
      %dma_start3A_274 = arith.constant 0 : i32
      %dma_start3A_275 = arith.constant 0 : i32
      %dma_start3A_276 = tpu.memref_slice %arg13[%dma_start3A_274, %dma_start3A_275] : memref<10240x128xbf16, #tpu.memory_space<vmem_shared>> -> memref<10240x128xbf16, #tpu.memory_space<vmem_shared>>
      tpu.enqueue_indirect_dma source(%arg11 : memref<125x128xbf16, #tpu.memory_space<vmem>>) target(%dma_start3A_276 : memref<10240x128xbf16, #tpu.memory_space<vmem_shared>>) offsets(%dma_start3A_273 : memref<125xi32, #tpu.memory_space<vmem>>) semaphore(%arg22 : memref<!tpu.dma_semaphore, #tpu.memory_space<semaphore_mem>>) {add = true}
      %mul3A_277 = arith.constant 5 : i32
      %mul3A_278 = arith.muli %mul3A_277, %scan3A_197 : i32
      %add3A_279 = arith.constant 4 : i32
      %add3A_280 = arith.addi %mul3A_278, %add3A_279 : i32
      %dma_wait3A_281 = arith.constant 0 : i32
      %dma_wait3A_282 = tpu.memref_slice %arg6[%add3A_280, %dma_wait3A_281] : memref<40x125xi32, #tpu.memory_space<vmem>> -> memref<1x125xi32, #tpu.memory_space<vmem>>
      %dma_wait3A_283 = tpu.memref_squeeze %dma_wait3A_282 : memref<1x125xi32, #tpu.memory_space<vmem>> -> memref<125xi32, #tpu.memory_space<vmem>>
      %dma_wait3A_284 = arith.constant 0 : i32
      %dma_wait3A_285 = arith.constant 0 : i32
      %dma_wait3A_286 = tpu.memref_slice %arg2[%arg0, %dma_wait3A_284, %dma_wait3A_285] : memref<2x10240x128xbf16, #tpu.memory_space<hbm>> -> memref<1x10240x128xbf16, #tpu.memory_space<hbm>>
      %dma_wait3A_287 = tpu.memref_squeeze %dma_wait3A_286 : memref<1x10240x128xbf16, #tpu.memory_space<hbm>> -> memref<10240x128xbf16, #tpu.memory_space<hbm>>
      %dma_wait3A_288 = arith.constant 0 : i32
      %dma_wait3A_289 = arith.constant 0 : i32
      %dma_wait3A_290 = tpu.memref_slice %dma_wait3A_287[%dma_wait3A_288, %dma_wait3A_289] : memref<10240x128xbf16, #tpu.memory_space<hbm>> -> memref<10240x128xbf16, #tpu.memory_space<hbm>>
      tpu.wait_indirect_dma semaphore(%arg18 : memref<!tpu.dma_semaphore, #tpu.memory_space<semaphore_mem>>) src(%dma_wait3A_290 : memref<10240x128xbf16, #tpu.memory_space<hbm>>) dst(%arg12 : memref<125x128xbf16, #tpu.memory_space<vmem>>)
      %dma_start3A_291 = arith.constant 0 : i32
      %dma_start3A_292 = tpu.memref_slice %arg7[%add3A_280, %dma_start3A_291] : memref<40x125xi32, #tpu.memory_space<vmem>> -> memref<1x125xi32, #tpu.memory_space<vmem>>
      %dma_start3A_293 = tpu.memref_squeeze %dma_start3A_292 : memref<1x125xi32, #tpu.memory_space<vmem>> -> memref<125xi32, #tpu.memory_space<vmem>>
      %dma_start3A_294 = arith.constant 0 : i32
      %dma_start3A_295 = arith.constant 0 : i32
      %dma_start3A_296 = tpu.memref_slice %arg13[%dma_start3A_294, %dma_start3A_295] : memref<10240x128xbf16, #tpu.memory_space<vmem_shared>> -> memref<10240x128xbf16, #tpu.memory_space<vmem_shared>>
      tpu.enqueue_indirect_dma source(%arg12 : memref<125x128xbf16, #tpu.memory_space<vmem>>) target(%dma_start3A_296 : memref<10240x128xbf16, #tpu.memory_space<vmem_shared>>) offsets(%dma_start3A_293 : memref<125xi32, #tpu.memory_space<vmem>>) semaphore(%arg23 : memref<!tpu.dma_semaphore, #tpu.memory_space<semaphore_mem>>) {add = true}
      %mul3A_297 = arith.constant 5 : i32
      %mul3A_298 = arith.muli %mul3A_297, %scan3A_197 : i32
      %add3A_299 = arith.constant 0 : i32
      %add3A_300 = arith.addi %mul3A_298, %add3A_299 : i32
      %add3A_301 = arith.constant 5 : i32
      %add3A_302 = arith.addi %add3A_300, %add3A_301 : i32
      %lt3A = arith.constant 40 : i32
      %lt3A_303 = arith.cmpi slt, %add3A_302, %lt3A : i32
      %convert_element_type3A = arith.extui %lt3A_303 : i1 to i32
      %cond3A = arith.constant 0 : i32
      %cond3A_304 = arith.cmpi ne, %convert_element_type3A, %cond3A : i32
      scf.if %cond3A_304 {
        %dma_wait3A_349 = arith.constant 0 : i32
        %dma_wait3A_350 = tpu.memref_slice %arg7[%add3A_300, %dma_wait3A_349] : memref<40x125xi32, #tpu.memory_space<vmem>> -> memref<1x125xi32, #tpu.memory_space<vmem>>
        %dma_wait3A_351 = tpu.memref_squeeze %dma_wait3A_350 : memref<1x125xi32, #tpu.memory_space<vmem>> -> memref<125xi32, #tpu.memory_space<vmem>>
        %dma_wait3A_352 = arith.constant 0 : i32
        %dma_wait3A_353 = arith.constant 0 : i32
        %dma_wait3A_354 = tpu.memref_slice %arg13[%dma_wait3A_352, %dma_wait3A_353] : memref<10240x128xbf16, #tpu.memory_space<vmem_shared>> -> memref<10240x128xbf16, #tpu.memory_space<vmem_shared>>
        tpu.wait_indirect_dma semaphore(%arg19 : memref<!tpu.dma_semaphore, #tpu.memory_space<semaphore_mem>>) src(%arg8 : memref<125x128xbf16, #tpu.memory_space<vmem>>) dst(%dma_wait3A_354 : memref<10240x128xbf16, #tpu.memory_space<vmem_shared>>)
        %add3A_355 = arith.constant 5 : i32
        %add3A_356 = arith.addi %add3A_300, %add3A_355 : i32
        %dma_start3A_357 = arith.constant 0 : i32
        %dma_start3A_358 = tpu.memref_slice %arg6[%add3A_356, %dma_start3A_357] : memref<40x125xi32, #tpu.memory_space<vmem>> -> memref<1x125xi32, #tpu.memory_space<vmem>>
        %dma_start3A_359 = tpu.memref_squeeze %dma_start3A_358 : memref<1x125xi32, #tpu.memory_space<vmem>> -> memref<125xi32, #tpu.memory_space<vmem>>
        %dma_start3A_360 = arith.constant 0 : i32
        %dma_start3A_361 = arith.constant 0 : i32
        %dma_start3A_362 = tpu.memref_slice %arg2[%arg0, %dma_start3A_360, %dma_start3A_361] : memref<2x10240x128xbf16, #tpu.memory_space<hbm>> -> memref<1x10240x128xbf16, #tpu.memory_space<hbm>>
        %dma_start3A_363 = tpu.memref_squeeze %dma_start3A_362 : memref<1x10240x128xbf16, #tpu.memory_space<hbm>> -> memref<10240x128xbf16, #tpu.memory_space<hbm>>
        %dma_start3A_364 = arith.constant 0 : i32
        %dma_start3A_365 = arith.constant 0 : i32
        %dma_start3A_366 = tpu.memref_slice %dma_start3A_363[%dma_start3A_364, %dma_start3A_365] : memref<10240x128xbf16, #tpu.memory_space<hbm>> -> memref<10240x128xbf16, #tpu.memory_space<hbm>>
        tpu.enqueue_indirect_dma source(%dma_start3A_366 : memref<10240x128xbf16, #tpu.memory_space<hbm>>) target(%arg8 : memref<125x128xbf16, #tpu.memory_space<vmem>>) offsets(%dma_start3A_359 : memref<125xi32, #tpu.memory_space<vmem>>) semaphore(%arg14 : memref<!tpu.dma_semaphore, #tpu.memory_space<semaphore_mem>>)
      } else {
      }
      %mul3A_305 = arith.constant 5 : i32
      %mul3A_306 = arith.muli %mul3A_305, %scan3A_197 : i32
      %add3A_307 = arith.constant 1 : i32
      %add3A_308 = arith.addi %mul3A_306, %add3A_307 : i32
      %add3A_309 = arith.constant 5 : i32
      %add3A_310 = arith.addi %add3A_308, %add3A_309 : i32
      %lt3A_311 = arith.constant 40 : i32
      %lt3A_312 = arith.cmpi slt, %add3A_310, %lt3A_311 : i32
      %convert_element_type3A_313 = arith.extui %lt3A_312 : i1 to i32
      %cond3A_314 = arith.constant 0 : i32
      %cond3A_315 = arith.cmpi ne, %convert_element_type3A_313, %cond3A_314 : i32
      scf.if %cond3A_315 {
        %dma_wait3A_349 = arith.constant 0 : i32
        %dma_wait3A_350 = tpu.memref_slice %arg7[%add3A_308, %dma_wait3A_349] : memref<40x125xi32, #tpu.memory_space<vmem>> -> memref<1x125xi32, #tpu.memory_space<vmem>>
        %dma_wait3A_351 = tpu.memref_squeeze %dma_wait3A_350 : memref<1x125xi32, #tpu.memory_space<vmem>> -> memref<125xi32, #tpu.memory_space<vmem>>
        %dma_wait3A_352 = arith.constant 0 : i32
        %dma_wait3A_353 = arith.constant 0 : i32
        %dma_wait3A_354 = tpu.memref_slice %arg13[%dma_wait3A_352, %dma_wait3A_353] : memref<10240x128xbf16, #tpu.memory_space<vmem_shared>> -> memref<10240x128xbf16, #tpu.memory_space<vmem_shared>>
        tpu.wait_indirect_dma semaphore(%arg20 : memref<!tpu.dma_semaphore, #tpu.memory_space<semaphore_mem>>) src(%arg9 : memref<125x128xbf16, #tpu.memory_space<vmem>>) dst(%dma_wait3A_354 : memref<10240x128xbf16, #tpu.memory_space<vmem_shared>>)
        %add3A_355 = arith.constant 5 : i32
        %add3A_356 = arith.addi %add3A_308, %add3A_355 : i32
        %dma_start3A_357 = arith.constant 0 : i32
        %dma_start3A_358 = tpu.memref_slice %arg6[%add3A_356, %dma_start3A_357] : memref<40x125xi32, #tpu.memory_space<vmem>> -> memref<1x125xi32, #tpu.memory_space<vmem>>
        %dma_start3A_359 = tpu.memref_squeeze %dma_start3A_358 : memref<1x125xi32, #tpu.memory_space<vmem>> -> memref<125xi32, #tpu.memory_space<vmem>>
        %dma_start3A_360 = arith.constant 0 : i32
        %dma_start3A_361 = arith.constant 0 : i32
        %dma_start3A_362 = tpu.memref_slice %arg2[%arg0, %dma_start3A_360, %dma_start3A_361] : memref<2x10240x128xbf16, #tpu.memory_space<hbm>> -> memref<1x10240x128xbf16, #tpu.memory_space<hbm>>
        %dma_start3A_363 = tpu.memref_squeeze %dma_start3A_362 : memref<1x10240x128xbf16, #tpu.memory_space<hbm>> -> memref<10240x128xbf16, #tpu.memory_space<hbm>>
        %dma_start3A_364 = arith.constant 0 : i32
        %dma_start3A_365 = arith.constant 0 : i32
        %dma_start3A_366 = tpu.memref_slice %dma_start3A_363[%dma_start3A_364, %dma_start3A_365] : memref<10240x128xbf16, #tpu.memory_space<hbm>> -> memref<10240x128xbf16, #tpu.memory_space<hbm>>
        tpu.enqueue_indirect_dma source(%dma_start3A_366 : memref<10240x128xbf16, #tpu.memory_space<hbm>>) target(%arg9 : memref<125x128xbf16, #tpu.memory_space<vmem>>) offsets(%dma_start3A_359 : memref<125xi32, #tpu.memory_space<vmem>>) semaphore(%arg15 : memref<!tpu.dma_semaphore, #tpu.memory_space<semaphore_mem>>)
      } else {
      }
      %mul3A_316 = arith.constant 5 : i32
      %mul3A_317 = arith.muli %mul3A_316, %scan3A_197 : i32
      %add3A_318 = arith.constant 2 : i32
      %add3A_319 = arith.addi %mul3A_317, %add3A_318 : i32
      %add3A_320 = arith.constant 5 : i32
      %add3A_321 = arith.addi %add3A_319, %add3A_320 : i32
      %lt3A_322 = arith.constant 40 : i32
      %lt3A_323 = arith.cmpi slt, %add3A_321, %lt3A_322 : i32
      %convert_element_type3A_324 = arith.extui %lt3A_323 : i1 to i32
      %cond3A_325 = arith.constant 0 : i32
      %cond3A_326 = arith.cmpi ne, %convert_element_type3A_324, %cond3A_325 : i32
      scf.if %cond3A_326 {
        %dma_wait3A_349 = arith.constant 0 : i32
        %dma_wait3A_350 = tpu.memref_slice %arg7[%add3A_319, %dma_wait3A_349] : memref<40x125xi32, #tpu.memory_space<vmem>> -> memref<1x125xi32, #tpu.memory_space<vmem>>
        %dma_wait3A_351 = tpu.memref_squeeze %dma_wait3A_350 : memref<1x125xi32, #tpu.memory_space<vmem>> -> memref<125xi32, #tpu.memory_space<vmem>>
        %dma_wait3A_352 = arith.constant 0 : i32
        %dma_wait3A_353 = arith.constant 0 : i32
        %dma_wait3A_354 = tpu.memref_slice %arg13[%dma_wait3A_352, %dma_wait3A_353] : memref<10240x128xbf16, #tpu.memory_space<vmem_shared>> -> memref<10240x128xbf16, #tpu.memory_space<vmem_shared>>
        tpu.wait_indirect_dma semaphore(%arg21 : memref<!tpu.dma_semaphore, #tpu.memory_space<semaphore_mem>>) src(%arg10 : memref<125x128xbf16, #tpu.memory_space<vmem>>) dst(%dma_wait3A_354 : memref<10240x128xbf16, #tpu.memory_space<vmem_shared>>)
        %add3A_355 = arith.constant 5 : i32
        %add3A_356 = arith.addi %add3A_319, %add3A_355 : i32
        %dma_start3A_357 = arith.constant 0 : i32
        %dma_start3A_358 = tpu.memref_slice %arg6[%add3A_356, %dma_start3A_357] : memref<40x125xi32, #tpu.memory_space<vmem>> -> memref<1x125xi32, #tpu.memory_space<vmem>>
        %dma_start3A_359 = tpu.memref_squeeze %dma_start3A_358 : memref<1x125xi32, #tpu.memory_space<vmem>> -> memref<125xi32, #tpu.memory_space<vmem>>
        %dma_start3A_360 = arith.constant 0 : i32
        %dma_start3A_361 = arith.constant 0 : i32
        %dma_start3A_362 = tpu.memref_slice %arg2[%arg0, %dma_start3A_360, %dma_start3A_361] : memref<2x10240x128xbf16, #tpu.memory_space<hbm>> -> memref<1x10240x128xbf16, #tpu.memory_space<hbm>>
        %dma_start3A_363 = tpu.memref_squeeze %dma_start3A_362 : memref<1x10240x128xbf16, #tpu.memory_space<hbm>> -> memref<10240x128xbf16, #tpu.memory_space<hbm>>
        %dma_start3A_364 = arith.constant 0 : i32
        %dma_start3A_365 = arith.constant 0 : i32
        %dma_start3A_366 = tpu.memref_slice %dma_start3A_363[%dma_start3A_364, %dma_start3A_365] : memref<10240x128xbf16, #tpu.memory_space<hbm>> -> memref<10240x128xbf16, #tpu.memory_space<hbm>>
        tpu.enqueue_indirect_dma source(%dma_start3A_366 : memref<10240x128xbf16, #tpu.memory_space<hbm>>) target(%arg10 : memref<125x128xbf16, #tpu.memory_space<vmem>>) offsets(%dma_start3A_359 : memref<125xi32, #tpu.memory_space<vmem>>) semaphore(%arg16 : memref<!tpu.dma_semaphore, #tpu.memory_space<semaphore_mem>>)
      } else {
      }
      %mul3A_327 = arith.constant 5 : i32
      %mul3A_328 = arith.muli %mul3A_327, %scan3A_197 : i32
      %add3A_329 = arith.constant 3 : i32
      %add3A_330 = arith.addi %mul3A_328, %add3A_329 : i32
      %add3A_331 = arith.constant 5 : i32
      %add3A_332 = arith.addi %add3A_330, %add3A_331 : i32
      %lt3A_333 = arith.constant 40 : i32
      %lt3A_334 = arith.cmpi slt, %add3A_332, %lt3A_333 : i32
      %convert_element_type3A_335 = arith.extui %lt3A_334 : i1 to i32
      %cond3A_336 = arith.constant 0 : i32
      %cond3A_337 = arith.cmpi ne, %convert_element_type3A_335, %cond3A_336 : i32
      scf.if %cond3A_337 {
        %dma_wait3A_349 = arith.constant 0 : i32
        %dma_wait3A_350 = tpu.memref_slice %arg7[%add3A_330, %dma_wait3A_349] : memref<40x125xi32, #tpu.memory_space<vmem>> -> memref<1x125xi32, #tpu.memory_space<vmem>>
        %dma_wait3A_351 = tpu.memref_squeeze %dma_wait3A_350 : memref<1x125xi32, #tpu.memory_space<vmem>> -> memref<125xi32, #tpu.memory_space<vmem>>
        %dma_wait3A_352 = arith.constant 0 : i32
        %dma_wait3A_353 = arith.constant 0 : i32
        %dma_wait3A_354 = tpu.memref_slice %arg13[%dma_wait3A_352, %dma_wait3A_353] : memref<10240x128xbf16, #tpu.memory_space<vmem_shared>> -> memref<10240x128xbf16, #tpu.memory_space<vmem_shared>>
        tpu.wait_indirect_dma semaphore(%arg22 : memref<!tpu.dma_semaphore, #tpu.memory_space<semaphore_mem>>) src(%arg11 : memref<125x128xbf16, #tpu.memory_space<vmem>>) dst(%dma_wait3A_354 : memref<10240x128xbf16, #tpu.memory_space<vmem_shared>>)
        %add3A_355 = arith.constant 5 : i32
        %add3A_356 = arith.addi %add3A_330, %add3A_355 : i32
        %dma_start3A_357 = arith.constant 0 : i32
        %dma_start3A_358 = tpu.memref_slice %arg6[%add3A_356, %dma_start3A_357] : memref<40x125xi32, #tpu.memory_space<vmem>> -> memref<1x125xi32, #tpu.memory_space<vmem>>
        %dma_start3A_359 = tpu.memref_squeeze %dma_start3A_358 : memref<1x125xi32, #tpu.memory_space<vmem>> -> memref<125xi32, #tpu.memory_space<vmem>>
        %dma_start3A_360 = arith.constant 0 : i32
        %dma_start3A_361 = arith.constant 0 : i32
        %dma_start3A_362 = tpu.memref_slice %arg2[%arg0, %dma_start3A_360, %dma_start3A_361] : memref<2x10240x128xbf16, #tpu.memory_space<hbm>> -> memref<1x10240x128xbf16, #tpu.memory_space<hbm>>
        %dma_start3A_363 = tpu.memref_squeeze %dma_start3A_362 : memref<1x10240x128xbf16, #tpu.memory_space<hbm>> -> memref<10240x128xbf16, #tpu.memory_space<hbm>>
        %dma_start3A_364 = arith.constant 0 : i32
        %dma_start3A_365 = arith.constant 0 : i32
        %dma_start3A_366 = tpu.memref_slice %dma_start3A_363[%dma_start3A_364, %dma_start3A_365] : memref<10240x128xbf16, #tpu.memory_space<hbm>> -> memref<10240x128xbf16, #tpu.memory_space<hbm>>
        tpu.enqueue_indirect_dma source(%dma_start3A_366 : memref<10240x128xbf16, #tpu.memory_space<hbm>>) target(%arg11 : memref<125x128xbf16, #tpu.memory_space<vmem>>) offsets(%dma_start3A_359 : memref<125xi32, #tpu.memory_space<vmem>>) semaphore(%arg17 : memref<!tpu.dma_semaphore, #tpu.memory_space<semaphore_mem>>)
      } else {
      }
      %mul3A_338 = arith.constant 5 : i32
      %mul3A_339 = arith.muli %mul3A_338, %scan3A_197 : i32
      %add3A_340 = arith.constant 4 : i32
      %add3A_341 = arith.addi %mul3A_339, %add3A_340 : i32
      %add3A_342 = arith.constant 5 : i32
      %add3A_343 = arith.addi %add3A_341, %add3A_342 : i32
      %lt3A_344 = arith.constant 40 : i32
      %lt3A_345 = arith.cmpi slt, %add3A_343, %lt3A_344 : i32
      %convert_element_type3A_346 = arith.extui %lt3A_345 : i1 to i32
      %cond3A_347 = arith.constant 0 : i32
      %cond3A_348 = arith.cmpi ne, %convert_element_type3A_346, %cond3A_347 : i32
      scf.if %cond3A_348 {
        %dma_wait3A_349 = arith.constant 0 : i32
        %dma_wait3A_350 = tpu.memref_slice %arg7[%add3A_341, %dma_wait3A_349] : memref<40x125xi32, #tpu.memory_space<vmem>> -> memref<1x125xi32, #tpu.memory_space<vmem>>
        %dma_wait3A_351 = tpu.memref_squeeze %dma_wait3A_350 : memref<1x125xi32, #tpu.memory_space<vmem>> -> memref<125xi32, #tpu.memory_space<vmem>>
        %dma_wait3A_352 = arith.constant 0 : i32
        %dma_wait3A_353 = arith.constant 0 : i32
        %dma_wait3A_354 = tpu.memref_slice %arg13[%dma_wait3A_352, %dma_wait3A_353] : memref<10240x128xbf16, #tpu.memory_space<vmem_shared>> -> memref<10240x128xbf16, #tpu.memory_space<vmem_shared>>
        tpu.wait_indirect_dma semaphore(%arg23 : memref<!tpu.dma_semaphore, #tpu.memory_space<semaphore_mem>>) src(%arg12 : memref<125x128xbf16, #tpu.memory_space<vmem>>) dst(%dma_wait3A_354 : memref<10240x128xbf16, #tpu.memory_space<vmem_shared>>)
        %add3A_355 = arith.constant 5 : i32
        %add3A_356 = arith.addi %add3A_341, %add3A_355 : i32
        %dma_start3A_357 = arith.constant 0 : i32
        %dma_start3A_358 = tpu.memref_slice %arg6[%add3A_356, %dma_start3A_357] : memref<40x125xi32, #tpu.memory_space<vmem>> -> memref<1x125xi32, #tpu.memory_space<vmem>>
        %dma_start3A_359 = tpu.memref_squeeze %dma_start3A_358 : memref<1x125xi32, #tpu.memory_space<vmem>> -> memref<125xi32, #tpu.memory_space<vmem>>
        %dma_start3A_360 = arith.constant 0 : i32
        %dma_start3A_361 = arith.constant 0 : i32
        %dma_start3A_362 = tpu.memref_slice %arg2[%arg0, %dma_start3A_360, %dma_start3A_361] : memref<2x10240x128xbf16, #tpu.memory_space<hbm>> -> memref<1x10240x128xbf16, #tpu.memory_space<hbm>>
        %dma_start3A_363 = tpu.memref_squeeze %dma_start3A_362 : memref<1x10240x128xbf16, #tpu.memory_space<hbm>> -> memref<10240x128xbf16, #tpu.memory_space<hbm>>
        %dma_start3A_364 = arith.constant 0 : i32
        %dma_start3A_365 = arith.constant 0 : i32
        %dma_start3A_366 = tpu.memref_slice %dma_start3A_363[%dma_start3A_364, %dma_start3A_365] : memref<10240x128xbf16, #tpu.memory_space<hbm>> -> memref<10240x128xbf16, #tpu.memory_space<hbm>>
        tpu.enqueue_indirect_dma source(%dma_start3A_366 : memref<10240x128xbf16, #tpu.memory_space<hbm>>) target(%arg12 : memref<125x128xbf16, #tpu.memory_space<vmem>>) offsets(%dma_start3A_359 : memref<125xi32, #tpu.memory_space<vmem>>) semaphore(%arg18 : memref<!tpu.dma_semaphore, #tpu.memory_space<semaphore_mem>>)
      } else {
      }
    }
    %scan3A_61 = arith.constant 8 : i32
    %dma_wait3A = arith.constant 0 : i32
    %dma_wait3A_62 = arith.constant 0 : i32
    %dma_wait3A_63 = tpu.memref_slice %arg7[%dma_wait3A, %dma_wait3A_62] : memref<40x125xi32, #tpu.memory_space<vmem>> -> memref<1x125xi32, #tpu.memory_space<vmem>>
    %dma_wait3A_64 = tpu.memref_squeeze %dma_wait3A_63 : memref<1x125xi32, #tpu.memory_space<vmem>> -> memref<125xi32, #tpu.memory_space<vmem>>
    %dma_wait3A_65 = arith.constant 0 : i32
    %dma_wait3A_66 = arith.constant 0 : i32
    %dma_wait3A_67 = tpu.memref_slice %arg13[%dma_wait3A_65, %dma_wait3A_66] : memref<10240x128xbf16, #tpu.memory_space<vmem_shared>> -> memref<10240x128xbf16, #tpu.memory_space<vmem_shared>>
    tpu.wait_indirect_dma semaphore(%arg19 : memref<!tpu.dma_semaphore, #tpu.memory_space<semaphore_mem>>) src(%arg8 : memref<125x128xbf16, #tpu.memory_space<vmem>>) dst(%dma_wait3A_67 : memref<10240x128xbf16, #tpu.memory_space<vmem_shared>>)
    %dma_wait3A_68 = arith.constant 0 : i32
    %dma_wait3A_69 = arith.constant 0 : i32
    %dma_wait3A_70 = tpu.memref_slice %arg7[%dma_wait3A_68, %dma_wait3A_69] : memref<40x125xi32, #tpu.memory_space<vmem>> -> memref<1x125xi32, #tpu.memory_space<vmem>>
    %dma_wait3A_71 = tpu.memref_squeeze %dma_wait3A_70 : memref<1x125xi32, #tpu.memory_space<vmem>> -> memref<125xi32, #tpu.memory_space<vmem>>
    %dma_wait3A_72 = arith.constant 0 : i32
    %dma_wait3A_73 = arith.constant 0 : i32
    %dma_wait3A_74 = tpu.memref_slice %arg13[%dma_wait3A_72, %dma_wait3A_73] : memref<10240x128xbf16, #tpu.memory_space<vmem_shared>> -> memref<10240x128xbf16, #tpu.memory_space<vmem_shared>>
    tpu.wait_indirect_dma semaphore(%arg20 : memref<!tpu.dma_semaphore, #tpu.memory_space<semaphore_mem>>) src(%arg9 : memref<125x128xbf16, #tpu.memory_space<vmem>>) dst(%dma_wait3A_74 : memref<10240x128xbf16, #tpu.memory_space<vmem_shared>>)
    %dma_wait3A_75 = arith.constant 0 : i32
    %dma_wait3A_76 = arith.constant 0 : i32
    %dma_wait3A_77 = tpu.memref_slice %arg7[%dma_wait3A_75, %dma_wait3A_76] : memref<40x125xi32, #tpu.memory_space<vmem>> -> memref<1x125xi32, #tpu.memory_space<vmem>>
    %dma_wait3A_78 = tpu.memref_squeeze %dma_wait3A_77 : memref<1x125xi32, #tpu.memory_space<vmem>> -> memref<125xi32, #tpu.memory_space<vmem>>
    %dma_wait3A_79 = arith.constant 0 : i32
    %dma_wait3A_80 = arith.constant 0 : i32
    %dma_wait3A_81 = tpu.memref_slice %arg13[%dma_wait3A_79, %dma_wait3A_80] : memref<10240x128xbf16, #tpu.memory_space<vmem_shared>> -> memref<10240x128xbf16, #tpu.memory_space<vmem_shared>>
    tpu.wait_indirect_dma semaphore(%arg21 : memref<!tpu.dma_semaphore, #tpu.memory_space<semaphore_mem>>) src(%arg10 : memref<125x128xbf16, #tpu.memory_space<vmem>>) dst(%dma_wait3A_81 : memref<10240x128xbf16, #tpu.memory_space<vmem_shared>>)
    %dma_wait3A_82 = arith.constant 0 : i32
    %dma_wait3A_83 = arith.constant 0 : i32
    %dma_wait3A_84 = tpu.memref_slice %arg7[%dma_wait3A_82, %dma_wait3A_83] : memref<40x125xi32, #tpu.memory_space<vmem>> -> memref<1x125xi32, #tpu.memory_space<vmem>>
    %dma_wait3A_85 = tpu.memref_squeeze %dma_wait3A_84 : memref<1x125xi32, #tpu.memory_space<vmem>> -> memref<125xi32, #tpu.memory_space<vmem>>
    %dma_wait3A_86 = arith.constant 0 : i32
    %dma_wait3A_87 = arith.constant 0 : i32
    %dma_wait3A_88 = tpu.memref_slice %arg13[%dma_wait3A_86, %dma_wait3A_87] : memref<10240x128xbf16, #tpu.memory_space<vmem_shared>> -> memref<10240x128xbf16, #tpu.memory_space<vmem_shared>>
    tpu.wait_indirect_dma semaphore(%arg22 : memref<!tpu.dma_semaphore, #tpu.memory_space<semaphore_mem>>) src(%arg11 : memref<125x128xbf16, #tpu.memory_space<vmem>>) dst(%dma_wait3A_88 : memref<10240x128xbf16, #tpu.memory_space<vmem_shared>>)
    %dma_wait3A_89 = arith.constant 0 : i32
    %dma_wait3A_90 = arith.constant 0 : i32
    %dma_wait3A_91 = tpu.memref_slice %arg7[%dma_wait3A_89, %dma_wait3A_90] : memref<40x125xi32, #tpu.memory_space<vmem>> -> memref<1x125xi32, #tpu.memory_space<vmem>>
    %dma_wait3A_92 = tpu.memref_squeeze %dma_wait3A_91 : memref<1x125xi32, #tpu.memory_space<vmem>> -> memref<125xi32, #tpu.memory_space<vmem>>
    %dma_wait3A_93 = arith.constant 0 : i32
    %dma_wait3A_94 = arith.constant 0 : i32
    %dma_wait3A_95 = tpu.memref_slice %arg13[%dma_wait3A_93, %dma_wait3A_94] : memref<10240x128xbf16, #tpu.memory_space<vmem_shared>> -> memref<10240x128xbf16, #tpu.memory_space<vmem_shared>>
    tpu.wait_indirect_dma semaphore(%arg23 : memref<!tpu.dma_semaphore, #tpu.memory_space<semaphore_mem>>) src(%arg12 : memref<125x128xbf16, #tpu.memory_space<vmem>>) dst(%dma_wait3A_95 : memref<10240x128xbf16, #tpu.memory_space<vmem_shared>>)
    "tpu.region"() ({
      %run_scoped3A = tpu.sem_alloc : memref<!tpu.dma_semaphore, #tpu.memory_space<semaphore_mem>>
      %dma_start3A_197 = arith.constant 40 : i32
      %dma_start3A_198 = arith.constant 0 : i32
      %dma_start3A_199 = tpu.memref_slice %arg3[%arg1, %dma_start3A_197, %dma_start3A_198] : memref<16x80x125xi32, #tpu.memory_space<hbm>> -> memref<1x40x125xi32, #tpu.memory_space<hbm>>
      %dma_start3A_200 = tpu.memref_squeeze %dma_start3A_199 : memref<1x40x125xi32, #tpu.memory_space<hbm>> -> memref<40x125xi32, #tpu.memory_space<hbm>>
      %dma_start3A_201 = arith.constant 40 : i32
      %dma_start3A_202 = arith.constant 0 : i32
      %dma_start3A_203 = tpu.memref_slice %arg3[%arg1, %dma_start3A_201, %dma_start3A_202] : memref<16x80x125xi32, #tpu.memory_space<hbm>> -> memref<1x40x125xi32, #tpu.memory_space<hbm>>
      %dma_start3A_204 = tpu.memref_squeeze %dma_start3A_203 : memref<1x40x125xi32, #tpu.memory_space<hbm>> -> memref<40x125xi32, #tpu.memory_space<hbm>>
      tpu.enqueue_dma source(%dma_start3A_204 : memref<40x125xi32, #tpu.memory_space<hbm>>) target(%arg6 : memref<40x125xi32, #tpu.memory_space<vmem>>) target_semaphore(%run_scoped3A : memref<!tpu.dma_semaphore, #tpu.memory_space<semaphore_mem>>)
      %dma_wait3A_205 = arith.constant 40 : i32
      %dma_wait3A_206 = arith.constant 0 : i32
      %dma_wait3A_207 = tpu.memref_slice %arg3[%arg1, %dma_wait3A_205, %dma_wait3A_206] : memref<16x80x125xi32, #tpu.memory_space<hbm>> -> memref<1x40x125xi32, #tpu.memory_space<hbm>>
      %dma_wait3A_208 = tpu.memref_squeeze %dma_wait3A_207 : memref<1x40x125xi32, #tpu.memory_space<hbm>> -> memref<40x125xi32, #tpu.memory_space<hbm>>
      %dma_wait3A_209 = arith.constant 40 : i32
      %dma_wait3A_210 = arith.constant 0 : i32
      %dma_wait3A_211 = tpu.memref_slice %arg3[%arg1, %dma_wait3A_209, %dma_wait3A_210] : memref<16x80x125xi32, #tpu.memory_space<hbm>> -> memref<1x40x125xi32, #tpu.memory_space<hbm>>
      %dma_wait3A_212 = tpu.memref_squeeze %dma_wait3A_211 : memref<1x40x125xi32, #tpu.memory_space<hbm>> -> memref<40x125xi32, #tpu.memory_space<hbm>>
      tpu.wait_dma2 semaphore(%run_scoped3A : memref<!tpu.dma_semaphore, #tpu.memory_space<semaphore_mem>>) src(%dma_wait3A_212 : memref<40x125xi32, #tpu.memory_space<hbm>>) dst(%arg6 : memref<40x125xi32, #tpu.memory_space<vmem>>)
      tpu.yield
    }) : () -> ()
    "tpu.region"() ({
      %run_scoped3A = tpu.sem_alloc : memref<!tpu.dma_semaphore, #tpu.memory_space<semaphore_mem>>
      %dma_start3A_197 = arith.constant 40 : i32
      %dma_start3A_198 = arith.constant 0 : i32
      %dma_start3A_199 = tpu.memref_slice %arg4[%arg1, %dma_start3A_197, %dma_start3A_198] : memref<16x80x125xi32, #tpu.memory_space<hbm>> -> memref<1x40x125xi32, #tpu.memory_space<hbm>>
      %dma_start3A_200 = tpu.memref_squeeze %dma_start3A_199 : memref<1x40x125xi32, #tpu.memory_space<hbm>> -> memref<40x125xi32, #tpu.memory_space<hbm>>
      %dma_start3A_201 = arith.constant 40 : i32
      %dma_start3A_202 = arith.constant 0 : i32
      %dma_start3A_203 = tpu.memref_slice %arg4[%arg1, %dma_start3A_201, %dma_start3A_202] : memref<16x80x125xi32, #tpu.memory_space<hbm>> -> memref<1x40x125xi32, #tpu.memory_space<hbm>>
      %dma_start3A_204 = tpu.memref_squeeze %dma_start3A_203 : memref<1x40x125xi32, #tpu.memory_space<hbm>> -> memref<40x125xi32, #tpu.memory_space<hbm>>
      tpu.enqueue_dma source(%dma_start3A_204 : memref<40x125xi32, #tpu.memory_space<hbm>>) target(%arg7 : memref<40x125xi32, #tpu.memory_space<vmem>>) target_semaphore(%run_scoped3A : memref<!tpu.dma_semaphore, #tpu.memory_space<semaphore_mem>>)
      %dma_wait3A_205 = arith.constant 40 : i32
      %dma_wait3A_206 = arith.constant 0 : i32
      %dma_wait3A_207 = tpu.memref_slice %arg4[%arg1, %dma_wait3A_205, %dma_wait3A_206] : memref<16x80x125xi32, #tpu.memory_space<hbm>> -> memref<1x40x125xi32, #tpu.memory_space<hbm>>
      %dma_wait3A_208 = tpu.memref_squeeze %dma_wait3A_207 : memref<1x40x125xi32, #tpu.memory_space<hbm>> -> memref<40x125xi32, #tpu.memory_space<hbm>>
      %dma_wait3A_209 = arith.constant 40 : i32
      %dma_wait3A_210 = arith.constant 0 : i32
      %dma_wait3A_211 = tpu.memref_slice %arg4[%arg1, %dma_wait3A_209, %dma_wait3A_210] : memref<16x80x125xi32, #tpu.memory_space<hbm>> -> memref<1x40x125xi32, #tpu.memory_space<hbm>>
      %dma_wait3A_212 = tpu.memref_squeeze %dma_wait3A_211 : memref<1x40x125xi32, #tpu.memory_space<hbm>> -> memref<40x125xi32, #tpu.memory_space<hbm>>
      tpu.wait_dma2 semaphore(%run_scoped3A : memref<!tpu.dma_semaphore, #tpu.memory_space<semaphore_mem>>) src(%dma_wait3A_212 : memref<40x125xi32, #tpu.memory_space<hbm>>) dst(%arg7 : memref<40x125xi32, #tpu.memory_space<vmem>>)
      tpu.yield
    }) : () -> ()
    %dma_start3A_96 = arith.constant 0 : i32
    %dma_start3A_97 = arith.constant 0 : i32
    %dma_start3A_98 = tpu.memref_slice %arg6[%dma_start3A_96, %dma_start3A_97] : memref<40x125xi32, #tpu.memory_space<vmem>> -> memref<1x125xi32, #tpu.memory_space<vmem>>
    %dma_start3A_99 = tpu.memref_squeeze %dma_start3A_98 : memref<1x125xi32, #tpu.memory_space<vmem>> -> memref<125xi32, #tpu.memory_space<vmem>>
    %dma_start3A_100 = arith.constant 0 : i32
    %dma_start3A_101 = arith.constant 0 : i32
    %dma_start3A_102 = tpu.memref_slice %arg2[%arg0, %dma_start3A_100, %dma_start3A_101] : memref<2x10240x128xbf16, #tpu.memory_space<hbm>> -> memref<1x10240x128xbf16, #tpu.memory_space<hbm>>
    %dma_start3A_103 = tpu.memref_squeeze %dma_start3A_102 : memref<1x10240x128xbf16, #tpu.memory_space<hbm>> -> memref<10240x128xbf16, #tpu.memory_space<hbm>>
    %dma_start3A_104 = arith.constant 0 : i32
    %dma_start3A_105 = arith.constant 0 : i32
    %dma_start3A_106 = tpu.memref_slice %dma_start3A_103[%dma_start3A_104, %dma_start3A_105] : memref<10240x128xbf16, #tpu.memory_space<hbm>> -> memref<10240x128xbf16, #tpu.memory_space<hbm>>
    tpu.enqueue_indirect_dma source(%dma_start3A_106 : memref<10240x128xbf16, #tpu.memory_space<hbm>>) target(%arg8 : memref<125x128xbf16, #tpu.memory_space<vmem>>) offsets(%dma_start3A_99 : memref<125xi32, #tpu.memory_space<vmem>>) semaphore(%arg14 : memref<!tpu.dma_semaphore, #tpu.memory_space<semaphore_mem>>)
    %dma_start3A_107 = arith.constant 1 : i32
    %dma_start3A_108 = arith.constant 0 : i32
    %dma_start3A_109 = tpu.memref_slice %arg6[%dma_start3A_107, %dma_start3A_108] : memref<40x125xi32, #tpu.memory_space<vmem>> -> memref<1x125xi32, #tpu.memory_space<vmem>>
    %dma_start3A_110 = tpu.memref_squeeze %dma_start3A_109 : memref<1x125xi32, #tpu.memory_space<vmem>> -> memref<125xi32, #tpu.memory_space<vmem>>
    %dma_start3A_111 = arith.constant 0 : i32
    %dma_start3A_112 = arith.constant 0 : i32
    %dma_start3A_113 = tpu.memref_slice %arg2[%arg0, %dma_start3A_111, %dma_start3A_112] : memref<2x10240x128xbf16, #tpu.memory_space<hbm>> -> memref<1x10240x128xbf16, #tpu.memory_space<hbm>>
    %dma_start3A_114 = tpu.memref_squeeze %dma_start3A_113 : memref<1x10240x128xbf16, #tpu.memory_space<hbm>> -> memref<10240x128xbf16, #tpu.memory_space<hbm>>
    %dma_start3A_115 = arith.constant 0 : i32
    %dma_start3A_116 = arith.constant 0 : i32
    %dma_start3A_117 = tpu.memref_slice %dma_start3A_114[%dma_start3A_115, %dma_start3A_116] : memref<10240x128xbf16, #tpu.memory_space<hbm>> -> memref<10240x128xbf16, #tpu.memory_space<hbm>>
    tpu.enqueue_indirect_dma source(%dma_start3A_117 : memref<10240x128xbf16, #tpu.memory_space<hbm>>) target(%arg9 : memref<125x128xbf16, #tpu.memory_space<vmem>>) offsets(%dma_start3A_110 : memref<125xi32, #tpu.memory_space<vmem>>) semaphore(%arg15 : memref<!tpu.dma_semaphore, #tpu.memory_space<semaphore_mem>>)
    %dma_start3A_118 = arith.constant 2 : i32
    %dma_start3A_119 = arith.constant 0 : i32
    %dma_start3A_120 = tpu.memref_slice %arg6[%dma_start3A_118, %dma_start3A_119] : memref<40x125xi32, #tpu.memory_space<vmem>> -> memref<1x125xi32, #tpu.memory_space<vmem>>
    %dma_start3A_121 = tpu.memref_squeeze %dma_start3A_120 : memref<1x125xi32, #tpu.memory_space<vmem>> -> memref<125xi32, #tpu.memory_space<vmem>>
    %dma_start3A_122 = arith.constant 0 : i32
    %dma_start3A_123 = arith.constant 0 : i32
    %dma_start3A_124 = tpu.memref_slice %arg2[%arg0, %dma_start3A_122, %dma_start3A_123] : memref<2x10240x128xbf16, #tpu.memory_space<hbm>> -> memref<1x10240x128xbf16, #tpu.memory_space<hbm>>
    %dma_start3A_125 = tpu.memref_squeeze %dma_start3A_124 : memref<1x10240x128xbf16, #tpu.memory_space<hbm>> -> memref<10240x128xbf16, #tpu.memory_space<hbm>>
    %dma_start3A_126 = arith.constant 0 : i32
    %dma_start3A_127 = arith.constant 0 : i32
    %dma_start3A_128 = tpu.memref_slice %dma_start3A_125[%dma_start3A_126, %dma_start3A_127] : memref<10240x128xbf16, #tpu.memory_space<hbm>> -> memref<10240x128xbf16, #tpu.memory_space<hbm>>
    tpu.enqueue_indirect_dma source(%dma_start3A_128 : memref<10240x128xbf16, #tpu.memory_space<hbm>>) target(%arg10 : memref<125x128xbf16, #tpu.memory_space<vmem>>) offsets(%dma_start3A_121 : memref<125xi32, #tpu.memory_space<vmem>>) semaphore(%arg16 : memref<!tpu.dma_semaphore, #tpu.memory_space<semaphore_mem>>)
    %dma_start3A_129 = arith.constant 3 : i32
    %dma_start3A_130 = arith.constant 0 : i32
    %dma_start3A_131 = tpu.memref_slice %arg6[%dma_start3A_129, %dma_start3A_130] : memref<40x125xi32, #tpu.memory_space<vmem>> -> memref<1x125xi32, #tpu.memory_space<vmem>>
    %dma_start3A_132 = tpu.memref_squeeze %dma_start3A_131 : memref<1x125xi32, #tpu.memory_space<vmem>> -> memref<125xi32, #tpu.memory_space<vmem>>
    %dma_start3A_133 = arith.constant 0 : i32
    %dma_start3A_134 = arith.constant 0 : i32
    %dma_start3A_135 = tpu.memref_slice %arg2[%arg0, %dma_start3A_133, %dma_start3A_134] : memref<2x10240x128xbf16, #tpu.memory_space<hbm>> -> memref<1x10240x128xbf16, #tpu.memory_space<hbm>>
    %dma_start3A_136 = tpu.memref_squeeze %dma_start3A_135 : memref<1x10240x128xbf16, #tpu.memory_space<hbm>> -> memref<10240x128xbf16, #tpu.memory_space<hbm>>
    %dma_start3A_137 = arith.constant 0 : i32
    %dma_start3A_138 = arith.constant 0 : i32
    %dma_start3A_139 = tpu.memref_slice %dma_start3A_136[%dma_start3A_137, %dma_start3A_138] : memref<10240x128xbf16, #tpu.memory_space<hbm>> -> memref<10240x128xbf16, #tpu.memory_space<hbm>>
    tpu.enqueue_indirect_dma source(%dma_start3A_139 : memref<10240x128xbf16, #tpu.memory_space<hbm>>) target(%arg11 : memref<125x128xbf16, #tpu.memory_space<vmem>>) offsets(%dma_start3A_132 : memref<125xi32, #tpu.memory_space<vmem>>) semaphore(%arg17 : memref<!tpu.dma_semaphore, #tpu.memory_space<semaphore_mem>>)
    %dma_start3A_140 = arith.constant 4 : i32
    %dma_start3A_141 = arith.constant 0 : i32
    %dma_start3A_142 = tpu.memref_slice %arg6[%dma_start3A_140, %dma_start3A_141] : memref<40x125xi32, #tpu.memory_space<vmem>> -> memref<1x125xi32, #tpu.memory_space<vmem>>
    %dma_start3A_143 = tpu.memref_squeeze %dma_start3A_142 : memref<1x125xi32, #tpu.memory_space<vmem>> -> memref<125xi32, #tpu.memory_space<vmem>>
    %dma_start3A_144 = arith.constant 0 : i32
    %dma_start3A_145 = arith.constant 0 : i32
    %dma_start3A_146 = tpu.memref_slice %arg2[%arg0, %dma_start3A_144, %dma_start3A_145] : memref<2x10240x128xbf16, #tpu.memory_space<hbm>> -> memref<1x10240x128xbf16, #tpu.memory_space<hbm>>
    %dma_start3A_147 = tpu.memref_squeeze %dma_start3A_146 : memref<1x10240x128xbf16, #tpu.memory_space<hbm>> -> memref<10240x128xbf16, #tpu.memory_space<hbm>>
    %dma_start3A_148 = arith.constant 0 : i32
    %dma_start3A_149 = arith.constant 0 : i32
    %dma_start3A_150 = tpu.memref_slice %dma_start3A_147[%dma_start3A_148, %dma_start3A_149] : memref<10240x128xbf16, #tpu.memory_space<hbm>> -> memref<10240x128xbf16, #tpu.memory_space<hbm>>
    tpu.enqueue_indirect_dma source(%dma_start3A_150 : memref<10240x128xbf16, #tpu.memory_space<hbm>>) target(%arg12 : memref<125x128xbf16, #tpu.memory_space<vmem>>) offsets(%dma_start3A_143 : memref<125xi32, #tpu.memory_space<vmem>>) semaphore(%arg18 : memref<!tpu.dma_semaphore, #tpu.memory_space<semaphore_mem>>)
    %scan3A_151 = arith.constant 0 : i32
    %scan3A_152 = arith.constant 0 : i32
    %scan3A_153 = arith.constant 8 : i32
    %scan3A_154 = arith.addi %scan3A_152, %scan3A_153 : i32
    %scan3A_155 = arith.constant 1 : i32
    scf.for %scan3A_197 = %scan3A_152 to %scan3A_154 step %scan3A_155  : i32 {
      %mul3A_198 = arith.constant 5 : i32
      %mul3A_199 = arith.muli %mul3A_198, %scan3A_197 : i32
      %add3A = arith.constant 0 : i32
      %add3A_200 = arith.addi %mul3A_199, %add3A : i32
      %dma_wait3A_201 = arith.constant 0 : i32
      %dma_wait3A_202 = tpu.memref_slice %arg6[%add3A_200, %dma_wait3A_201] : memref<40x125xi32, #tpu.memory_space<vmem>> -> memref<1x125xi32, #tpu.memory_space<vmem>>
      %dma_wait3A_203 = tpu.memref_squeeze %dma_wait3A_202 : memref<1x125xi32, #tpu.memory_space<vmem>> -> memref<125xi32, #tpu.memory_space<vmem>>
      %dma_wait3A_204 = arith.constant 0 : i32
      %dma_wait3A_205 = arith.constant 0 : i32
      %dma_wait3A_206 = tpu.memref_slice %arg2[%arg0, %dma_wait3A_204, %dma_wait3A_205] : memref<2x10240x128xbf16, #tpu.memory_space<hbm>> -> memref<1x10240x128xbf16, #tpu.memory_space<hbm>>
      %dma_wait3A_207 = tpu.memref_squeeze %dma_wait3A_206 : memref<1x10240x128xbf16, #tpu.memory_space<hbm>> -> memref<10240x128xbf16, #tpu.memory_space<hbm>>
      %dma_wait3A_208 = arith.constant 0 : i32
      %dma_wait3A_209 = arith.constant 0 : i32
      %dma_wait3A_210 = tpu.memref_slice %dma_wait3A_207[%dma_wait3A_208, %dma_wait3A_209] : memref<10240x128xbf16, #tpu.memory_space<hbm>> -> memref<10240x128xbf16, #tpu.memory_space<hbm>>
      tpu.wait_indirect_dma semaphore(%arg14 : memref<!tpu.dma_semaphore, #tpu.memory_space<semaphore_mem>>) src(%dma_wait3A_210 : memref<10240x128xbf16, #tpu.memory_space<hbm>>) dst(%arg8 : memref<125x128xbf16, #tpu.memory_space<vmem>>)
      %dma_start3A_211 = arith.constant 0 : i32
      %dma_start3A_212 = tpu.memref_slice %arg7[%add3A_200, %dma_start3A_211] : memref<40x125xi32, #tpu.memory_space<vmem>> -> memref<1x125xi32, #tpu.memory_space<vmem>>
      %dma_start3A_213 = tpu.memref_squeeze %dma_start3A_212 : memref<1x125xi32, #tpu.memory_space<vmem>> -> memref<125xi32, #tpu.memory_space<vmem>>
      %dma_start3A_214 = arith.constant 0 : i32
      %dma_start3A_215 = arith.constant 0 : i32
      %dma_start3A_216 = tpu.memref_slice %arg13[%dma_start3A_214, %dma_start3A_215] : memref<10240x128xbf16, #tpu.memory_space<vmem_shared>> -> memref<10240x128xbf16, #tpu.memory_space<vmem_shared>>
      tpu.enqueue_indirect_dma source(%arg8 : memref<125x128xbf16, #tpu.memory_space<vmem>>) target(%dma_start3A_216 : memref<10240x128xbf16, #tpu.memory_space<vmem_shared>>) offsets(%dma_start3A_213 : memref<125xi32, #tpu.memory_space<vmem>>) semaphore(%arg19 : memref<!tpu.dma_semaphore, #tpu.memory_space<semaphore_mem>>) {add = true}
      %mul3A_217 = arith.constant 5 : i32
      %mul3A_218 = arith.muli %mul3A_217, %scan3A_197 : i32
      %add3A_219 = arith.constant 1 : i32
      %add3A_220 = arith.addi %mul3A_218, %add3A_219 : i32
      %dma_wait3A_221 = arith.constant 0 : i32
      %dma_wait3A_222 = tpu.memref_slice %arg6[%add3A_220, %dma_wait3A_221] : memref<40x125xi32, #tpu.memory_space<vmem>> -> memref<1x125xi32, #tpu.memory_space<vmem>>
      %dma_wait3A_223 = tpu.memref_squeeze %dma_wait3A_222 : memref<1x125xi32, #tpu.memory_space<vmem>> -> memref<125xi32, #tpu.memory_space<vmem>>
      %dma_wait3A_224 = arith.constant 0 : i32
      %dma_wait3A_225 = arith.constant 0 : i32
      %dma_wait3A_226 = tpu.memref_slice %arg2[%arg0, %dma_wait3A_224, %dma_wait3A_225] : memref<2x10240x128xbf16, #tpu.memory_space<hbm>> -> memref<1x10240x128xbf16, #tpu.memory_space<hbm>>
      %dma_wait3A_227 = tpu.memref_squeeze %dma_wait3A_226 : memref<1x10240x128xbf16, #tpu.memory_space<hbm>> -> memref<10240x128xbf16, #tpu.memory_space<hbm>>
      %dma_wait3A_228 = arith.constant 0 : i32
      %dma_wait3A_229 = arith.constant 0 : i32
      %dma_wait3A_230 = tpu.memref_slice %dma_wait3A_227[%dma_wait3A_228, %dma_wait3A_229] : memref<10240x128xbf16, #tpu.memory_space<hbm>> -> memref<10240x128xbf16, #tpu.memory_space<hbm>>
      tpu.wait_indirect_dma semaphore(%arg15 : memref<!tpu.dma_semaphore, #tpu.memory_space<semaphore_mem>>) src(%dma_wait3A_230 : memref<10240x128xbf16, #tpu.memory_space<hbm>>) dst(%arg9 : memref<125x128xbf16, #tpu.memory_space<vmem>>)
      %dma_start3A_231 = arith.constant 0 : i32
      %dma_start3A_232 = tpu.memref_slice %arg7[%add3A_220, %dma_start3A_231] : memref<40x125xi32, #tpu.memory_space<vmem>> -> memref<1x125xi32, #tpu.memory_space<vmem>>
      %dma_start3A_233 = tpu.memref_squeeze %dma_start3A_232 : memref<1x125xi32, #tpu.memory_space<vmem>> -> memref<125xi32, #tpu.memory_space<vmem>>
      %dma_start3A_234 = arith.constant 0 : i32
      %dma_start3A_235 = arith.constant 0 : i32
      %dma_start3A_236 = tpu.memref_slice %arg13[%dma_start3A_234, %dma_start3A_235] : memref<10240x128xbf16, #tpu.memory_space<vmem_shared>> -> memref<10240x128xbf16, #tpu.memory_space<vmem_shared>>
      tpu.enqueue_indirect_dma source(%arg9 : memref<125x128xbf16, #tpu.memory_space<vmem>>) target(%dma_start3A_236 : memref<10240x128xbf16, #tpu.memory_space<vmem_shared>>) offsets(%dma_start3A_233 : memref<125xi32, #tpu.memory_space<vmem>>) semaphore(%arg20 : memref<!tpu.dma_semaphore, #tpu.memory_space<semaphore_mem>>) {add = true}
      %mul3A_237 = arith.constant 5 : i32
      %mul3A_238 = arith.muli %mul3A_237, %scan3A_197 : i32
      %add3A_239 = arith.constant 2 : i32
      %add3A_240 = arith.addi %mul3A_238, %add3A_239 : i32
      %dma_wait3A_241 = arith.constant 0 : i32
      %dma_wait3A_242 = tpu.memref_slice %arg6[%add3A_240, %dma_wait3A_241] : memref<40x125xi32, #tpu.memory_space<vmem>> -> memref<1x125xi32, #tpu.memory_space<vmem>>
      %dma_wait3A_243 = tpu.memref_squeeze %dma_wait3A_242 : memref<1x125xi32, #tpu.memory_space<vmem>> -> memref<125xi32, #tpu.memory_space<vmem>>
      %dma_wait3A_244 = arith.constant 0 : i32
      %dma_wait3A_245 = arith.constant 0 : i32
      %dma_wait3A_246 = tpu.memref_slice %arg2[%arg0, %dma_wait3A_244, %dma_wait3A_245] : memref<2x10240x128xbf16, #tpu.memory_space<hbm>> -> memref<1x10240x128xbf16, #tpu.memory_space<hbm>>
      %dma_wait3A_247 = tpu.memref_squeeze %dma_wait3A_246 : memref<1x10240x128xbf16, #tpu.memory_space<hbm>> -> memref<10240x128xbf16, #tpu.memory_space<hbm>>
      %dma_wait3A_248 = arith.constant 0 : i32
      %dma_wait3A_249 = arith.constant 0 : i32
      %dma_wait3A_250 = tpu.memref_slice %dma_wait3A_247[%dma_wait3A_248, %dma_wait3A_249] : memref<10240x128xbf16, #tpu.memory_space<hbm>> -> memref<10240x128xbf16, #tpu.memory_space<hbm>>
      tpu.wait_indirect_dma semaphore(%arg16 : memref<!tpu.dma_semaphore, #tpu.memory_space<semaphore_mem>>) src(%dma_wait3A_250 : memref<10240x128xbf16, #tpu.memory_space<hbm>>) dst(%arg10 : memref<125x128xbf16, #tpu.memory_space<vmem>>)
      %dma_start3A_251 = arith.constant 0 : i32
      %dma_start3A_252 = tpu.memref_slice %arg7[%add3A_240, %dma_start3A_251] : memref<40x125xi32, #tpu.memory_space<vmem>> -> memref<1x125xi32, #tpu.memory_space<vmem>>
      %dma_start3A_253 = tpu.memref_squeeze %dma_start3A_252 : memref<1x125xi32, #tpu.memory_space<vmem>> -> memref<125xi32, #tpu.memory_space<vmem>>
      %dma_start3A_254 = arith.constant 0 : i32
      %dma_start3A_255 = arith.constant 0 : i32
      %dma_start3A_256 = tpu.memref_slice %arg13[%dma_start3A_254, %dma_start3A_255] : memref<10240x128xbf16, #tpu.memory_space<vmem_shared>> -> memref<10240x128xbf16, #tpu.memory_space<vmem_shared>>
      tpu.enqueue_indirect_dma source(%arg10 : memref<125x128xbf16, #tpu.memory_space<vmem>>) target(%dma_start3A_256 : memref<10240x128xbf16, #tpu.memory_space<vmem_shared>>) offsets(%dma_start3A_253 : memref<125xi32, #tpu.memory_space<vmem>>) semaphore(%arg21 : memref<!tpu.dma_semaphore, #tpu.memory_space<semaphore_mem>>) {add = true}
      %mul3A_257 = arith.constant 5 : i32
      %mul3A_258 = arith.muli %mul3A_257, %scan3A_197 : i32
      %add3A_259 = arith.constant 3 : i32
      %add3A_260 = arith.addi %mul3A_258, %add3A_259 : i32
      %dma_wait3A_261 = arith.constant 0 : i32
      %dma_wait3A_262 = tpu.memref_slice %arg6[%add3A_260, %dma_wait3A_261] : memref<40x125xi32, #tpu.memory_space<vmem>> -> memref<1x125xi32, #tpu.memory_space<vmem>>
      %dma_wait3A_263 = tpu.memref_squeeze %dma_wait3A_262 : memref<1x125xi32, #tpu.memory_space<vmem>> -> memref<125xi32, #tpu.memory_space<vmem>>
      %dma_wait3A_264 = arith.constant 0 : i32
      %dma_wait3A_265 = arith.constant 0 : i32
      %dma_wait3A_266 = tpu.memref_slice %arg2[%arg0, %dma_wait3A_264, %dma_wait3A_265] : memref<2x10240x128xbf16, #tpu.memory_space<hbm>> -> memref<1x10240x128xbf16, #tpu.memory_space<hbm>>
      %dma_wait3A_267 = tpu.memref_squeeze %dma_wait3A_266 : memref<1x10240x128xbf16, #tpu.memory_space<hbm>> -> memref<10240x128xbf16, #tpu.memory_space<hbm>>
      %dma_wait3A_268 = arith.constant 0 : i32
      %dma_wait3A_269 = arith.constant 0 : i32
      %dma_wait3A_270 = tpu.memref_slice %dma_wait3A_267[%dma_wait3A_268, %dma_wait3A_269] : memref<10240x128xbf16, #tpu.memory_space<hbm>> -> memref<10240x128xbf16, #tpu.memory_space<hbm>>
      tpu.wait_indirect_dma semaphore(%arg17 : memref<!tpu.dma_semaphore, #tpu.memory_space<semaphore_mem>>) src(%dma_wait3A_270 : memref<10240x128xbf16, #tpu.memory_space<hbm>>) dst(%arg11 : memref<125x128xbf16, #tpu.memory_space<vmem>>)
      %dma_start3A_271 = arith.constant 0 : i32
      %dma_start3A_272 = tpu.memref_slice %arg7[%add3A_260, %dma_start3A_271] : memref<40x125xi32, #tpu.memory_space<vmem>> -> memref<1x125xi32, #tpu.memory_space<vmem>>
      %dma_start3A_273 = tpu.memref_squeeze %dma_start3A_272 : memref<1x125xi32, #tpu.memory_space<vmem>> -> memref<125xi32, #tpu.memory_space<vmem>>
      %dma_start3A_274 = arith.constant 0 : i32
      %dma_start3A_275 = arith.constant 0 : i32
      %dma_start3A_276 = tpu.memref_slice %arg13[%dma_start3A_274, %dma_start3A_275] : memref<10240x128xbf16, #tpu.memory_space<vmem_shared>> -> memref<10240x128xbf16, #tpu.memory_space<vmem_shared>>
      tpu.enqueue_indirect_dma source(%arg11 : memref<125x128xbf16, #tpu.memory_space<vmem>>) target(%dma_start3A_276 : memref<10240x128xbf16, #tpu.memory_space<vmem_shared>>) offsets(%dma_start3A_273 : memref<125xi32, #tpu.memory_space<vmem>>) semaphore(%arg22 : memref<!tpu.dma_semaphore, #tpu.memory_space<semaphore_mem>>) {add = true}
      %mul3A_277 = arith.constant 5 : i32
      %mul3A_278 = arith.muli %mul3A_277, %scan3A_197 : i32
      %add3A_279 = arith.constant 4 : i32
      %add3A_280 = arith.addi %mul3A_278, %add3A_279 : i32
      %dma_wait3A_281 = arith.constant 0 : i32
      %dma_wait3A_282 = tpu.memref_slice %arg6[%add3A_280, %dma_wait3A_281] : memref<40x125xi32, #tpu.memory_space<vmem>> -> memref<1x125xi32, #tpu.memory_space<vmem>>
      %dma_wait3A_283 = tpu.memref_squeeze %dma_wait3A_282 : memref<1x125xi32, #tpu.memory_space<vmem>> -> memref<125xi32, #tpu.memory_space<vmem>>
      %dma_wait3A_284 = arith.constant 0 : i32
      %dma_wait3A_285 = arith.constant 0 : i32
      %dma_wait3A_286 = tpu.memref_slice %arg2[%arg0, %dma_wait3A_284, %dma_wait3A_285] : memref<2x10240x128xbf16, #tpu.memory_space<hbm>> -> memref<1x10240x128xbf16, #tpu.memory_space<hbm>>
      %dma_wait3A_287 = tpu.memref_squeeze %dma_wait3A_286 : memref<1x10240x128xbf16, #tpu.memory_space<hbm>> -> memref<10240x128xbf16, #tpu.memory_space<hbm>>
      %dma_wait3A_288 = arith.constant 0 : i32
      %dma_wait3A_289 = arith.constant 0 : i32
      %dma_wait3A_290 = tpu.memref_slice %dma_wait3A_287[%dma_wait3A_288, %dma_wait3A_289] : memref<10240x128xbf16, #tpu.memory_space<hbm>> -> memref<10240x128xbf16, #tpu.memory_space<hbm>>
      tpu.wait_indirect_dma semaphore(%arg18 : memref<!tpu.dma_semaphore, #tpu.memory_space<semaphore_mem>>) src(%dma_wait3A_290 : memref<10240x128xbf16, #tpu.memory_space<hbm>>) dst(%arg12 : memref<125x128xbf16, #tpu.memory_space<vmem>>)
      %dma_start3A_291 = arith.constant 0 : i32
      %dma_start3A_292 = tpu.memref_slice %arg7[%add3A_280, %dma_start3A_291] : memref<40x125xi32, #tpu.memory_space<vmem>> -> memref<1x125xi32, #tpu.memory_space<vmem>>
      %dma_start3A_293 = tpu.memref_squeeze %dma_start3A_292 : memref<1x125xi32, #tpu.memory_space<vmem>> -> memref<125xi32, #tpu.memory_space<vmem>>
      %dma_start3A_294 = arith.constant 0 : i32
      %dma_start3A_295 = arith.constant 0 : i32
      %dma_start3A_296 = tpu.memref_slice %arg13[%dma_start3A_294, %dma_start3A_295] : memref<10240x128xbf16, #tpu.memory_space<vmem_shared>> -> memref<10240x128xbf16, #tpu.memory_space<vmem_shared>>
      tpu.enqueue_indirect_dma source(%arg12 : memref<125x128xbf16, #tpu.memory_space<vmem>>) target(%dma_start3A_296 : memref<10240x128xbf16, #tpu.memory_space<vmem_shared>>) offsets(%dma_start3A_293 : memref<125xi32, #tpu.memory_space<vmem>>) semaphore(%arg23 : memref<!tpu.dma_semaphore, #tpu.memory_space<semaphore_mem>>) {add = true}
      %mul3A_297 = arith.constant 5 : i32
      %mul3A_298 = arith.muli %mul3A_297, %scan3A_197 : i32
      %add3A_299 = arith.constant 0 : i32
      %add3A_300 = arith.addi %mul3A_298, %add3A_299 : i32
      %add3A_301 = arith.constant 5 : i32
      %add3A_302 = arith.addi %add3A_300, %add3A_301 : i32
      %lt3A = arith.constant 40 : i32
      %lt3A_303 = arith.cmpi slt, %add3A_302, %lt3A : i32
      %convert_element_type3A = arith.extui %lt3A_303 : i1 to i32
      %cond3A = arith.constant 0 : i32
      %cond3A_304 = arith.cmpi ne, %convert_element_type3A, %cond3A : i32
      scf.if %cond3A_304 {
        %dma_wait3A_349 = arith.constant 0 : i32
        %dma_wait3A_350 = tpu.memref_slice %arg7[%add3A_300, %dma_wait3A_349] : memref<40x125xi32, #tpu.memory_space<vmem>> -> memref<1x125xi32, #tpu.memory_space<vmem>>
        %dma_wait3A_351 = tpu.memref_squeeze %dma_wait3A_350 : memref<1x125xi32, #tpu.memory_space<vmem>> -> memref<125xi32, #tpu.memory_space<vmem>>
        %dma_wait3A_352 = arith.constant 0 : i32
        %dma_wait3A_353 = arith.constant 0 : i32
        %dma_wait3A_354 = tpu.memref_slice %arg13[%dma_wait3A_352, %dma_wait3A_353] : memref<10240x128xbf16, #tpu.memory_space<vmem_shared>> -> memref<10240x128xbf16, #tpu.memory_space<vmem_shared>>
        tpu.wait_indirect_dma semaphore(%arg19 : memref<!tpu.dma_semaphore, #tpu.memory_space<semaphore_mem>>) src(%arg8 : memref<125x128xbf16, #tpu.memory_space<vmem>>) dst(%dma_wait3A_354 : memref<10240x128xbf16, #tpu.memory_space<vmem_shared>>)
        %add3A_355 = arith.constant 5 : i32
        %add3A_356 = arith.addi %add3A_300, %add3A_355 : i32
        %dma_start3A_357 = arith.constant 0 : i32
        %dma_start3A_358 = tpu.memref_slice %arg6[%add3A_356, %dma_start3A_357] : memref<40x125xi32, #tpu.memory_space<vmem>> -> memref<1x125xi32, #tpu.memory_space<vmem>>
        %dma_start3A_359 = tpu.memref_squeeze %dma_start3A_358 : memref<1x125xi32, #tpu.memory_space<vmem>> -> memref<125xi32, #tpu.memory_space<vmem>>
        %dma_start3A_360 = arith.constant 0 : i32
        %dma_start3A_361 = arith.constant 0 : i32
        %dma_start3A_362 = tpu.memref_slice %arg2[%arg0, %dma_start3A_360, %dma_start3A_361] : memref<2x10240x128xbf16, #tpu.memory_space<hbm>> -> memref<1x10240x128xbf16, #tpu.memory_space<hbm>>
        %dma_start3A_363 = tpu.memref_squeeze %dma_start3A_362 : memref<1x10240x128xbf16, #tpu.memory_space<hbm>> -> memref<10240x128xbf16, #tpu.memory_space<hbm>>
        %dma_start3A_364 = arith.constant 0 : i32
        %dma_start3A_365 = arith.constant 0 : i32
        %dma_start3A_366 = tpu.memref_slice %dma_start3A_363[%dma_start3A_364, %dma_start3A_365] : memref<10240x128xbf16, #tpu.memory_space<hbm>> -> memref<10240x128xbf16, #tpu.memory_space<hbm>>
        tpu.enqueue_indirect_dma source(%dma_start3A_366 : memref<10240x128xbf16, #tpu.memory_space<hbm>>) target(%arg8 : memref<125x128xbf16, #tpu.memory_space<vmem>>) offsets(%dma_start3A_359 : memref<125xi32, #tpu.memory_space<vmem>>) semaphore(%arg14 : memref<!tpu.dma_semaphore, #tpu.memory_space<semaphore_mem>>)
      } else {
      }
      %mul3A_305 = arith.constant 5 : i32
      %mul3A_306 = arith.muli %mul3A_305, %scan3A_197 : i32
      %add3A_307 = arith.constant 1 : i32
      %add3A_308 = arith.addi %mul3A_306, %add3A_307 : i32
      %add3A_309 = arith.constant 5 : i32
      %add3A_310 = arith.addi %add3A_308, %add3A_309 : i32
      %lt3A_311 = arith.constant 40 : i32
      %lt3A_312 = arith.cmpi slt, %add3A_310, %lt3A_311 : i32
      %convert_element_type3A_313 = arith.extui %lt3A_312 : i1 to i32
      %cond3A_314 = arith.constant 0 : i32
      %cond3A_315 = arith.cmpi ne, %convert_element_type3A_313, %cond3A_314 : i32
      scf.if %cond3A_315 {
        %dma_wait3A_349 = arith.constant 0 : i32
        %dma_wait3A_350 = tpu.memref_slice %arg7[%add3A_308, %dma_wait3A_349] : memref<40x125xi32, #tpu.memory_space<vmem>> -> memref<1x125xi32, #tpu.memory_space<vmem>>
        %dma_wait3A_351 = tpu.memref_squeeze %dma_wait3A_350 : memref<1x125xi32, #tpu.memory_space<vmem>> -> memref<125xi32, #tpu.memory_space<vmem>>
        %dma_wait3A_352 = arith.constant 0 : i32
        %dma_wait3A_353 = arith.constant 0 : i32
        %dma_wait3A_354 = tpu.memref_slice %arg13[%dma_wait3A_352, %dma_wait3A_353] : memref<10240x128xbf16, #tpu.memory_space<vmem_shared>> -> memref<10240x128xbf16, #tpu.memory_space<vmem_shared>>
        tpu.wait_indirect_dma semaphore(%arg20 : memref<!tpu.dma_semaphore, #tpu.memory_space<semaphore_mem>>) src(%arg9 : memref<125x128xbf16, #tpu.memory_space<vmem>>) dst(%dma_wait3A_354 : memref<10240x128xbf16, #tpu.memory_space<vmem_shared>>)
        %add3A_355 = arith.constant 5 : i32
        %add3A_356 = arith.addi %add3A_308, %add3A_355 : i32
        %dma_start3A_357 = arith.constant 0 : i32
        %dma_start3A_358 = tpu.memref_slice %arg6[%add3A_356, %dma_start3A_357] : memref<40x125xi32, #tpu.memory_space<vmem>> -> memref<1x125xi32, #tpu.memory_space<vmem>>
        %dma_start3A_359 = tpu.memref_squeeze %dma_start3A_358 : memref<1x125xi32, #tpu.memory_space<vmem>> -> memref<125xi32, #tpu.memory_space<vmem>>
        %dma_start3A_360 = arith.constant 0 : i32
        %dma_start3A_361 = arith.constant 0 : i32
        %dma_start3A_362 = tpu.memref_slice %arg2[%arg0, %dma_start3A_360, %dma_start3A_361] : memref<2x10240x128xbf16, #tpu.memory_space<hbm>> -> memref<1x10240x128xbf16, #tpu.memory_space<hbm>>
        %dma_start3A_363 = tpu.memref_squeeze %dma_start3A_362 : memref<1x10240x128xbf16, #tpu.memory_space<hbm>> -> memref<10240x128xbf16, #tpu.memory_space<hbm>>
        %dma_start3A_364 = arith.constant 0 : i32
        %dma_start3A_365 = arith.constant 0 : i32
        %dma_start3A_366 = tpu.memref_slice %dma_start3A_363[%dma_start3A_364, %dma_start3A_365] : memref<10240x128xbf16, #tpu.memory_space<hbm>> -> memref<10240x128xbf16, #tpu.memory_space<hbm>>
        tpu.enqueue_indirect_dma source(%dma_start3A_366 : memref<10240x128xbf16, #tpu.memory_space<hbm>>) target(%arg9 : memref<125x128xbf16, #tpu.memory_space<vmem>>) offsets(%dma_start3A_359 : memref<125xi32, #tpu.memory_space<vmem>>) semaphore(%arg15 : memref<!tpu.dma_semaphore, #tpu.memory_space<semaphore_mem>>)
      } else {
      }
      %mul3A_316 = arith.constant 5 : i32
      %mul3A_317 = arith.muli %mul3A_316, %scan3A_197 : i32
      %add3A_318 = arith.constant 2 : i32
      %add3A_319 = arith.addi %mul3A_317, %add3A_318 : i32
      %add3A_320 = arith.constant 5 : i32
      %add3A_321 = arith.addi %add3A_319, %add3A_320 : i32
      %lt3A_322 = arith.constant 40 : i32
      %lt3A_323 = arith.cmpi slt, %add3A_321, %lt3A_322 : i32
      %convert_element_type3A_324 = arith.extui %lt3A_323 : i1 to i32
      %cond3A_325 = arith.constant 0 : i32
      %cond3A_326 = arith.cmpi ne, %convert_element_type3A_324, %cond3A_325 : i32
      scf.if %cond3A_326 {
        %dma_wait3A_349 = arith.constant 0 : i32
        %dma_wait3A_350 = tpu.memref_slice %arg7[%add3A_319, %dma_wait3A_349] : memref<40x125xi32, #tpu.memory_space<vmem>> -> memref<1x125xi32, #tpu.memory_space<vmem>>
        %dma_wait3A_351 = tpu.memref_squeeze %dma_wait3A_350 : memref<1x125xi32, #tpu.memory_space<vmem>> -> memref<125xi32, #tpu.memory_space<vmem>>
        %dma_wait3A_352 = arith.constant 0 : i32
        %dma_wait3A_353 = arith.constant 0 : i32
        %dma_wait3A_354 = tpu.memref_slice %arg13[%dma_wait3A_352, %dma_wait3A_353] : memref<10240x128xbf16, #tpu.memory_space<vmem_shared>> -> memref<10240x128xbf16, #tpu.memory_space<vmem_shared>>
        tpu.wait_indirect_dma semaphore(%arg21 : memref<!tpu.dma_semaphore, #tpu.memory_space<semaphore_mem>>) src(%arg10 : memref<125x128xbf16, #tpu.memory_space<vmem>>) dst(%dma_wait3A_354 : memref<10240x128xbf16, #tpu.memory_space<vmem_shared>>)
        %add3A_355 = arith.constant 5 : i32
        %add3A_356 = arith.addi %add3A_319, %add3A_355 : i32
        %dma_start3A_357 = arith.constant 0 : i32
        %dma_start3A_358 = tpu.memref_slice %arg6[%add3A_356, %dma_start3A_357] : memref<40x125xi32, #tpu.memory_space<vmem>> -> memref<1x125xi32, #tpu.memory_space<vmem>>
        %dma_start3A_359 = tpu.memref_squeeze %dma_start3A_358 : memref<1x125xi32, #tpu.memory_space<vmem>> -> memref<125xi32, #tpu.memory_space<vmem>>
        %dma_start3A_360 = arith.constant 0 : i32
        %dma_start3A_361 = arith.constant 0 : i32
        %dma_start3A_362 = tpu.memref_slice %arg2[%arg0, %dma_start3A_360, %dma_start3A_361] : memref<2x10240x128xbf16, #tpu.memory_space<hbm>> -> memref<1x10240x128xbf16, #tpu.memory_space<hbm>>
        %dma_start3A_363 = tpu.memref_squeeze %dma_start3A_362 : memref<1x10240x128xbf16, #tpu.memory_space<hbm>> -> memref<10240x128xbf16, #tpu.memory_space<hbm>>
        %dma_start3A_364 = arith.constant 0 : i32
        %dma_start3A_365 = arith.constant 0 : i32
        %dma_start3A_366 = tpu.memref_slice %dma_start3A_363[%dma_start3A_364, %dma_start3A_365] : memref<10240x128xbf16, #tpu.memory_space<hbm>> -> memref<10240x128xbf16, #tpu.memory_space<hbm>>
        tpu.enqueue_indirect_dma source(%dma_start3A_366 : memref<10240x128xbf16, #tpu.memory_space<hbm>>) target(%arg10 : memref<125x128xbf16, #tpu.memory_space<vmem>>) offsets(%dma_start3A_359 : memref<125xi32, #tpu.memory_space<vmem>>) semaphore(%arg16 : memref<!tpu.dma_semaphore, #tpu.memory_space<semaphore_mem>>)
      } else {
      }
      %mul3A_327 = arith.constant 5 : i32
      %mul3A_328 = arith.muli %mul3A_327, %scan3A_197 : i32
      %add3A_329 = arith.constant 3 : i32
      %add3A_330 = arith.addi %mul3A_328, %add3A_329 : i32
      %add3A_331 = arith.constant 5 : i32
      %add3A_332 = arith.addi %add3A_330, %add3A_331 : i32
      %lt3A_333 = arith.constant 40 : i32
      %lt3A_334 = arith.cmpi slt, %add3A_332, %lt3A_333 : i32
      %convert_element_type3A_335 = arith.extui %lt3A_334 : i1 to i32
      %cond3A_336 = arith.constant 0 : i32
      %cond3A_337 = arith.cmpi ne, %convert_element_type3A_335, %cond3A_336 : i32
      scf.if %cond3A_337 {
        %dma_wait3A_349 = arith.constant 0 : i32
        %dma_wait3A_350 = tpu.memref_slice %arg7[%add3A_330, %dma_wait3A_349] : memref<40x125xi32, #tpu.memory_space<vmem>> -> memref<1x125xi32, #tpu.memory_space<vmem>>
        %dma_wait3A_351 = tpu.memref_squeeze %dma_wait3A_350 : memref<1x125xi32, #tpu.memory_space<vmem>> -> memref<125xi32, #tpu.memory_space<vmem>>
        %dma_wait3A_352 = arith.constant 0 : i32
        %dma_wait3A_353 = arith.constant 0 : i32
        %dma_wait3A_354 = tpu.memref_slice %arg13[%dma_wait3A_352, %dma_wait3A_353] : memref<10240x128xbf16, #tpu.memory_space<vmem_shared>> -> memref<10240x128xbf16, #tpu.memory_space<vmem_shared>>
        tpu.wait_indirect_dma semaphore(%arg22 : memref<!tpu.dma_semaphore, #tpu.memory_space<semaphore_mem>>) src(%arg11 : memref<125x128xbf16, #tpu.memory_space<vmem>>) dst(%dma_wait3A_354 : memref<10240x128xbf16, #tpu.memory_space<vmem_shared>>)
        %add3A_355 = arith.constant 5 : i32
        %add3A_356 = arith.addi %add3A_330, %add3A_355 : i32
        %dma_start3A_357 = arith.constant 0 : i32
        %dma_start3A_358 = tpu.memref_slice %arg6[%add3A_356, %dma_start3A_357] : memref<40x125xi32, #tpu.memory_space<vmem>> -> memref<1x125xi32, #tpu.memory_space<vmem>>
        %dma_start3A_359 = tpu.memref_squeeze %dma_start3A_358 : memref<1x125xi32, #tpu.memory_space<vmem>> -> memref<125xi32, #tpu.memory_space<vmem>>
        %dma_start3A_360 = arith.constant 0 : i32
        %dma_start3A_361 = arith.constant 0 : i32
        %dma_start3A_362 = tpu.memref_slice %arg2[%arg0, %dma_start3A_360, %dma_start3A_361] : memref<2x10240x128xbf16, #tpu.memory_space<hbm>> -> memref<1x10240x128xbf16, #tpu.memory_space<hbm>>
        %dma_start3A_363 = tpu.memref_squeeze %dma_start3A_362 : memref<1x10240x128xbf16, #tpu.memory_space<hbm>> -> memref<10240x128xbf16, #tpu.memory_space<hbm>>
        %dma_start3A_364 = arith.constant 0 : i32
        %dma_start3A_365 = arith.constant 0 : i32
        %dma_start3A_366 = tpu.memref_slice %dma_start3A_363[%dma_start3A_364, %dma_start3A_365] : memref<10240x128xbf16, #tpu.memory_space<hbm>> -> memref<10240x128xbf16, #tpu.memory_space<hbm>>
        tpu.enqueue_indirect_dma source(%dma_start3A_366 : memref<10240x128xbf16, #tpu.memory_space<hbm>>) target(%arg11 : memref<125x128xbf16, #tpu.memory_space<vmem>>) offsets(%dma_start3A_359 : memref<125xi32, #tpu.memory_space<vmem>>) semaphore(%arg17 : memref<!tpu.dma_semaphore, #tpu.memory_space<semaphore_mem>>)
      } else {
      }
      %mul3A_338 = arith.constant 5 : i32
      %mul3A_339 = arith.muli %mul3A_338, %scan3A_197 : i32
      %add3A_340 = arith.constant 4 : i32
      %add3A_341 = arith.addi %mul3A_339, %add3A_340 : i32
      %add3A_342 = arith.constant 5 : i32
      %add3A_343 = arith.addi %add3A_341, %add3A_342 : i32
      %lt3A_344 = arith.constant 40 : i32
      %lt3A_345 = arith.cmpi slt, %add3A_343, %lt3A_344 : i32
      %convert_element_type3A_346 = arith.extui %lt3A_345 : i1 to i32
      %cond3A_347 = arith.constant 0 : i32
      %cond3A_348 = arith.cmpi ne, %convert_element_type3A_346, %cond3A_347 : i32
      scf.if %cond3A_348 {
        %dma_wait3A_349 = arith.constant 0 : i32
        %dma_wait3A_350 = tpu.memref_slice %arg7[%add3A_341, %dma_wait3A_349] : memref<40x125xi32, #tpu.memory_space<vmem>> -> memref<1x125xi32, #tpu.memory_space<vmem>>
        %dma_wait3A_351 = tpu.memref_squeeze %dma_wait3A_350 : memref<1x125xi32, #tpu.memory_space<vmem>> -> memref<125xi32, #tpu.memory_space<vmem>>
        %dma_wait3A_352 = arith.constant 0 : i32
        %dma_wait3A_353 = arith.constant 0 : i32
        %dma_wait3A_354 = tpu.memref_slice %arg13[%dma_wait3A_352, %dma_wait3A_353] : memref<10240x128xbf16, #tpu.memory_space<vmem_shared>> -> memref<10240x128xbf16, #tpu.memory_space<vmem_shared>>
        tpu.wait_indirect_dma semaphore(%arg23 : memref<!tpu.dma_semaphore, #tpu.memory_space<semaphore_mem>>) src(%arg12 : memref<125x128xbf16, #tpu.memory_space<vmem>>) dst(%dma_wait3A_354 : memref<10240x128xbf16, #tpu.memory_space<vmem_shared>>)
        %add3A_355 = arith.constant 5 : i32
        %add3A_356 = arith.addi %add3A_341, %add3A_355 : i32
        %dma_start3A_357 = arith.constant 0 : i32
        %dma_start3A_358 = tpu.memref_slice %arg6[%add3A_356, %dma_start3A_357] : memref<40x125xi32, #tpu.memory_space<vmem>> -> memref<1x125xi32, #tpu.memory_space<vmem>>
        %dma_start3A_359 = tpu.memref_squeeze %dma_start3A_358 : memref<1x125xi32, #tpu.memory_space<vmem>> -> memref<125xi32, #tpu.memory_space<vmem>>
        %dma_start3A_360 = arith.constant 0 : i32
        %dma_start3A_361 = arith.constant 0 : i32
        %dma_start3A_362 = tpu.memref_slice %arg2[%arg0, %dma_start3A_360, %dma_start3A_361] : memref<2x10240x128xbf16, #tpu.memory_space<hbm>> -> memref<1x10240x128xbf16, #tpu.memory_space<hbm>>
        %dma_start3A_363 = tpu.memref_squeeze %dma_start3A_362 : memref<1x10240x128xbf16, #tpu.memory_space<hbm>> -> memref<10240x128xbf16, #tpu.memory_space<hbm>>
        %dma_start3A_364 = arith.constant 0 : i32
        %dma_start3A_365 = arith.constant 0 : i32
        %dma_start3A_366 = tpu.memref_slice %dma_start3A_363[%dma_start3A_364, %dma_start3A_365] : memref<10240x128xbf16, #tpu.memory_space<hbm>> -> memref<10240x128xbf16, #tpu.memory_space<hbm>>
        tpu.enqueue_indirect_dma source(%dma_start3A_366 : memref<10240x128xbf16, #tpu.memory_space<hbm>>) target(%arg12 : memref<125x128xbf16, #tpu.memory_space<vmem>>) offsets(%dma_start3A_359 : memref<125xi32, #tpu.memory_space<vmem>>) semaphore(%arg18 : memref<!tpu.dma_semaphore, #tpu.memory_space<semaphore_mem>>)
      } else {
      }
    }
    %scan3A_156 = arith.constant 8 : i32
    %dma_wait3A_157 = arith.constant 0 : i32
    %dma_wait3A_158 = arith.constant 0 : i32
    %dma_wait3A_159 = tpu.memref_slice %arg7[%dma_wait3A_157, %dma_wait3A_158] : memref<40x125xi32, #tpu.memory_space<vmem>> -> memref<1x125xi32, #tpu.memory_space<vmem>>
    %dma_wait3A_160 = tpu.memref_squeeze %dma_wait3A_159 : memref<1x125xi32, #tpu.memory_space<vmem>> -> memref<125xi32, #tpu.memory_space<vmem>>
    %dma_wait3A_161 = arith.constant 0 : i32
    %dma_wait3A_162 = arith.constant 0 : i32
    %dma_wait3A_163 = tpu.memref_slice %arg13[%dma_wait3A_161, %dma_wait3A_162] : memref<10240x128xbf16, #tpu.memory_space<vmem_shared>> -> memref<10240x128xbf16, #tpu.memory_space<vmem_shared>>
    tpu.wait_indirect_dma semaphore(%arg19 : memref<!tpu.dma_semaphore, #tpu.memory_space<semaphore_mem>>) src(%arg8 : memref<125x128xbf16, #tpu.memory_space<vmem>>) dst(%dma_wait3A_163 : memref<10240x128xbf16, #tpu.memory_space<vmem_shared>>)
    %dma_wait3A_164 = arith.constant 0 : i32
    %dma_wait3A_165 = arith.constant 0 : i32
    %dma_wait3A_166 = tpu.memref_slice %arg7[%dma_wait3A_164, %dma_wait3A_165] : memref<40x125xi32, #tpu.memory_space<vmem>> -> memref<1x125xi32, #tpu.memory_space<vmem>>
    %dma_wait3A_167 = tpu.memref_squeeze %dma_wait3A_166 : memref<1x125xi32, #tpu.memory_space<vmem>> -> memref<125xi32, #tpu.memory_space<vmem>>
    %dma_wait3A_168 = arith.constant 0 : i32
    %dma_wait3A_169 = arith.constant 0 : i32
    %dma_wait3A_170 = tpu.memref_slice %arg13[%dma_wait3A_168, %dma_wait3A_169] : memref<10240x128xbf16, #tpu.memory_space<vmem_shared>> -> memref<10240x128xbf16, #tpu.memory_space<vmem_shared>>
    tpu.wait_indirect_dma semaphore(%arg20 : memref<!tpu.dma_semaphore, #tpu.memory_space<semaphore_mem>>) src(%arg9 : memref<125x128xbf16, #tpu.memory_space<vmem>>) dst(%dma_wait3A_170 : memref<10240x128xbf16, #tpu.memory_space<vmem_shared>>)
    %dma_wait3A_171 = arith.constant 0 : i32
    %dma_wait3A_172 = arith.constant 0 : i32
    %dma_wait3A_173 = tpu.memref_slice %arg7[%dma_wait3A_171, %dma_wait3A_172] : memref<40x125xi32, #tpu.memory_space<vmem>> -> memref<1x125xi32, #tpu.memory_space<vmem>>
    %dma_wait3A_174 = tpu.memref_squeeze %dma_wait3A_173 : memref<1x125xi32, #tpu.memory_space<vmem>> -> memref<125xi32, #tpu.memory_space<vmem>>
    %dma_wait3A_175 = arith.constant 0 : i32
    %dma_wait3A_176 = arith.constant 0 : i32
    %dma_wait3A_177 = tpu.memref_slice %arg13[%dma_wait3A_175, %dma_wait3A_176] : memref<10240x128xbf16, #tpu.memory_space<vmem_shared>> -> memref<10240x128xbf16, #tpu.memory_space<vmem_shared>>
    tpu.wait_indirect_dma semaphore(%arg21 : memref<!tpu.dma_semaphore, #tpu.memory_space<semaphore_mem>>) src(%arg10 : memref<125x128xbf16, #tpu.memory_space<vmem>>) dst(%dma_wait3A_177 : memref<10240x128xbf16, #tpu.memory_space<vmem_shared>>)
    %dma_wait3A_178 = arith.constant 0 : i32
    %dma_wait3A_179 = arith.constant 0 : i32
    %dma_wait3A_180 = tpu.memref_slice %arg7[%dma_wait3A_178, %dma_wait3A_179] : memref<40x125xi32, #tpu.memory_space<vmem>> -> memref<1x125xi32, #tpu.memory_space<vmem>>
    %dma_wait3A_181 = tpu.memref_squeeze %dma_wait3A_180 : memref<1x125xi32, #tpu.memory_space<vmem>> -> memref<125xi32, #tpu.memory_space<vmem>>
    %dma_wait3A_182 = arith.constant 0 : i32
    %dma_wait3A_183 = arith.constant 0 : i32
    %dma_wait3A_184 = tpu.memref_slice %arg13[%dma_wait3A_182, %dma_wait3A_183] : memref<10240x128xbf16, #tpu.memory_space<vmem_shared>> -> memref<10240x128xbf16, #tpu.memory_space<vmem_shared>>
    tpu.wait_indirect_dma semaphore(%arg22 : memref<!tpu.dma_semaphore, #tpu.memory_space<semaphore_mem>>) src(%arg11 : memref<125x128xbf16, #tpu.memory_space<vmem>>) dst(%dma_wait3A_184 : memref<10240x128xbf16, #tpu.memory_space<vmem_shared>>)
    %dma_wait3A_185 = arith.constant 0 : i32
    %dma_wait3A_186 = arith.constant 0 : i32
    %dma_wait3A_187 = tpu.memref_slice %arg7[%dma_wait3A_185, %dma_wait3A_186] : memref<40x125xi32, #tpu.memory_space<vmem>> -> memref<1x125xi32, #tpu.memory_space<vmem>>
    %dma_wait3A_188 = tpu.memref_squeeze %dma_wait3A_187 : memref<1x125xi32, #tpu.memory_space<vmem>> -> memref<125xi32, #tpu.memory_space<vmem>>
    %dma_wait3A_189 = arith.constant 0 : i32
    %dma_wait3A_190 = arith.constant 0 : i32
    %dma_wait3A_191 = tpu.memref_slice %arg13[%dma_wait3A_189, %dma_wait3A_190] : memref<10240x128xbf16, #tpu.memory_space<vmem_shared>> -> memref<10240x128xbf16, #tpu.memory_space<vmem_shared>>
    tpu.wait_indirect_dma semaphore(%arg23 : memref<!tpu.dma_semaphore, #tpu.memory_space<semaphore_mem>>) src(%arg12 : memref<125x128xbf16, #tpu.memory_space<vmem>>) dst(%dma_wait3A_191 : memref<10240x128xbf16, #tpu.memory_space<vmem_shared>>)
    %barrier3A_192 = arith.constant 0 : index
    tpu.barrier barrier_id(%barrier3A_192)
    %mul3A_193 = arith.constant 640 : i32
    %mul3A_194 = arith.muli %arg1, %mul3A_193 : i32
    %mul3A_195 = arith.constant 640 : i32
    %mul3A_196 = arith.muli %arg1, %mul3A_195 : i32
    "tpu.region"() ({
      %run_scoped3A = tpu.sem_alloc : memref<!tpu.dma_semaphore, #tpu.memory_space<semaphore_mem>>
      %dma_start3A_197 = arith.constant 0 : i32
      %dma_start3A_198 = tpu.memref_slice %arg5[%arg0, %mul3A_196, %dma_start3A_197] : memref<2x10240x128xbf16, #tpu.memory_space<hbm>> -> memref<1x640x128xbf16, #tpu.memory_space<hbm>>
      %dma_start3A_199 = tpu.memref_squeeze %dma_start3A_198 : memref<1x640x128xbf16, #tpu.memory_space<hbm>> -> memref<640x128xbf16, #tpu.memory_space<hbm>>
      %dma_start3A_200 = arith.constant 0 : i32
      %dma_start3A_201 = tpu.memref_slice %arg13[%mul3A_194, %dma_start3A_200] : memref<10240x128xbf16, #tpu.memory_space<vmem_shared>> -> memref<640x128xbf16, #tpu.memory_space<vmem_shared>>
      tpu.enqueue_dma source(%dma_start3A_201 : memref<640x128xbf16, #tpu.memory_space<vmem_shared>>) target(%dma_start3A_199 : memref<640x128xbf16, #tpu.memory_space<hbm>>) target_semaphore(%run_scoped3A : memref<!tpu.dma_semaphore, #tpu.memory_space<semaphore_mem>>)
      %dma_wait3A_202 = arith.constant 0 : i32
      %dma_wait3A_203 = tpu.memref_slice %arg5[%arg0, %mul3A_196, %dma_wait3A_202] : memref<2x10240x128xbf16, #tpu.memory_space<hbm>> -> memref<1x640x128xbf16, #tpu.memory_space<hbm>>
      %dma_wait3A_204 = tpu.memref_squeeze %dma_wait3A_203 : memref<1x640x128xbf16, #tpu.memory_space<hbm>> -> memref<640x128xbf16, #tpu.memory_space<hbm>>
      %dma_wait3A_205 = arith.constant 0 : i32
      %dma_wait3A_206 = tpu.memref_slice %arg13[%mul3A_194, %dma_wait3A_205] : memref<10240x128xbf16, #tpu.memory_space<vmem_shared>> -> memref<640x128xbf16, #tpu.memory_space<vmem_shared>>
      tpu.wait_dma2 semaphore(%run_scoped3A : memref<!tpu.dma_semaphore, #tpu.memory_space<semaphore_mem>>) src(%dma_wait3A_206 : memref<640x128xbf16, #tpu.memory_space<vmem_shared>>) dst(%dma_wait3A_204 : memref<640x128xbf16, #tpu.memory_space<hbm>>)
      tpu.yield
    }) : () -> ()
    return
  }
}

module attributes {stable_mosaic.version = 14 : i64} {
  func.func @_tc_matmul_body(%arg0: memref<10000x256xf32, #tpu.memory_space<vmem>>, %arg1: memref<256x256xf32, #tpu.memory_space<vmem>>, %arg2: memref<10000x256xf32, #tpu.memory_space<vmem>>) attributes {dimension_semantics = [], scalar_prefetch = 0 : i64, scratch_operands = 0 : i64, tpu.core_type = #tpu.core_type<tc>} {
    %get3A = arith.constant 0 : index
    %get3A_0 = arith.constant 0 : index
    %get3A_1 = vector.load %arg0[%get3A, %get3A_0] : memref<10000x256xf32, #tpu.memory_space<vmem>>, vector<10000x256xf32>
    %get3A_2 = arith.constant 0 : index
    %get3A_3 = arith.constant 0 : index
    %get3A_4 = vector.load %arg1[%get3A_2, %get3A_3] : memref<256x256xf32, #tpu.memory_space<vmem>>, vector<256x256xf32>
    %dot_general3A = arith.constant dense<0.000000e+00> : vector<10000x256xf32>
    %dot_general3A_5 = tpu.matmul %get3A_1, %get3A_4, %dot_general3A {dimension_numbers = #tpu.dot_dimension_numbers<[1], [0], [0], [1], [0, 0, 1, 1], [], []>, transpose_lhs_hint = false} : vector<10000x256xf32>, vector<256x256xf32>, vector<10000x256xf32> -> vector<10000x256xf32>
    %swap3A = arith.constant 0 : index
    %swap3A_6 = arith.constant 0 : index
    %swap3A_7 = vector.load %arg2[%swap3A, %swap3A_6] : memref<10000x256xf32, #tpu.memory_space<vmem>>, vector<10000x256xf32>
    tpu.vector_store %arg2[%swap3A, %swap3A_6], %dot_general3A_5 {strides = array<i32>} : memref<10000x256xf32, #tpu.memory_space<vmem>>, vector<10000x256xf32>,
    return
  }
}

module attributes {stable_mosaic.version = 14 : i64} {
  func.func @_tc_mid_body(%arg0: memref<2x10240x128xbf16, #tpu.memory_space<vmem>>, %arg1: memref<10240x1xf32, #tpu.memory_space<vmem>>, %arg2: memref<1x256xf32, #tpu.memory_space<vmem>>, %arg3: memref<1x256xf32, #tpu.memory_space<vmem>>, %arg4: memref<1x256xf32, #tpu.memory_space<vmem>>, %arg5: memref<1x256xf32, #tpu.memory_space<vmem>>, %arg6: memref<10240x1xf32, #tpu.memory_space<vmem>>) attributes {dimension_semantics = [], scalar_prefetch = 0 : i64, scratch_operands = 0 : i64, tpu.core_type = #tpu.core_type<tc>} {
    %get3A = arith.constant 0 : index
    %get3A_0 = arith.constant 0 : index
    %get3A_1 = vector.load %arg1[%get3A, %get3A_0] : memref<10240x1xf32, #tpu.memory_space<vmem>>, vector<10240x1xf32>
    %rsqrt3A = math.rsqrt %get3A_1 : vector<10240x1xf32>
    %get3A_2 = arith.constant 0 : index
    %get3A_3 = arith.constant 0 : index
    %get3A_4 = arith.constant 0 : index
    %get3A_5 = vector.load %arg0[%get3A_2, %get3A_3, %get3A_4] : memref<2x10240x128xbf16, #tpu.memory_space<vmem>>, vector<1x10240x128xbf16>
    %get3A_6 = vector.shape_cast %get3A_5 : vector<1x10240x128xbf16> to vector<10240x128xbf16>
    %convert_element_type3A = arith.extf %get3A_6 : vector<10240x128xbf16> to vector<10240x128xf32>
    %get3A_7 = arith.constant 1 : index
    %get3A_8 = arith.constant 0 : index
    %get3A_9 = arith.constant 0 : index
    %get3A_10 = vector.load %arg0[%get3A_7, %get3A_8, %get3A_9] : memref<2x10240x128xbf16, #tpu.memory_space<vmem>>, vector<1x10240x128xbf16>
    %get3A_11 = vector.shape_cast %get3A_10 : vector<1x10240x128xbf16> to vector<10240x128xbf16>
    %convert_element_type3A_12 = arith.extf %get3A_11 : vector<10240x128xbf16> to vector<10240x128xf32>
    %mul3A = vector.broadcast %rsqrt3A : vector<10240x1xf32> to vector<10240x128xf32>
    %mul3A_13 = arith.mulf %convert_element_type3A, %mul3A : vector<10240x128xf32>
    %get3A_14 = arith.constant 0 : index
    %get3A_15 = arith.constant 0 : index
    %get3A_16 = vector.load %arg2[%get3A_14, %get3A_15] : memref<1x256xf32, #tpu.memory_space<vmem>>, vector<1x128xf32>
    %add3A = vector.broadcast %get3A_16 : vector<1x128xf32> to vector<10240x128xf32>
    %add3A_17 = arith.addf %mul3A_13, %add3A : vector<10240x128xf32>
    %max3A = arith.constant 0.000000e+00 : f32
    %max3A_18 = vector.broadcast %max3A : f32 to vector<10240x128xf32>
    %max3A_19 = arith.maximumf %add3A_17, %max3A_18 : vector<10240x128xf32>
    %mul3A_20 = vector.broadcast %rsqrt3A : vector<10240x1xf32> to vector<10240x128xf32>
    %mul3A_21 = arith.mulf %convert_element_type3A_12, %mul3A_20 : vector<10240x128xf32>
    %get3A_22 = arith.constant 0 : index
    %get3A_23 = arith.constant 128 : index
    %get3A_24 = vector.load %arg2[%get3A_22, %get3A_23] : memref<1x256xf32, #tpu.memory_space<vmem>>, vector<1x128xf32>
    %add3A_25 = vector.broadcast %get3A_24 : vector<1x128xf32> to vector<10240x128xf32>
    %add3A_26 = arith.addf %mul3A_21, %add3A_25 : vector<10240x128xf32>
    %max3A_27 = arith.constant 0.000000e+00 : f32
    %max3A_28 = vector.broadcast %max3A_27 : f32 to vector<10240x128xf32>
    %max3A_29 = arith.maximumf %add3A_26, %max3A_28 : vector<10240x128xf32>
    %slice3A = vector.extract_strided_slice %max3A_19 {offsets = [0, 0], sizes = [10000, 128], strides = [1, 1]} : vector<10240x128xf32> to vector<10000x128xf32>
    %reduce_sum3A = arith.constant dense<0.000000e+00> : vector<128xf32>
    %reduce_sum3A_30 = vector.multi_reduction <add>, %slice3A, %reduce_sum3A [0] : vector<10000x128xf32> to vector<128xf32>
    %broadcast_in_dim3A = vector.shape_cast %reduce_sum3A_30 : vector<128xf32> to vector<1x128xf32>
    %mul3A_31 = arith.constant 9.99999974E-5 : f32
    %mul3A_32 = vector.broadcast %mul3A_31 : f32 to vector<1x128xf32>
    %mul3A_33 = arith.mulf %broadcast_in_dim3A, %mul3A_32 : vector<1x128xf32>
    %slice3A_34 = vector.extract_strided_slice %max3A_29 {offsets = [0, 0], sizes = [10000, 128], strides = [1, 1]} : vector<10240x128xf32> to vector<10000x128xf32>
    %reduce_sum3A_35 = arith.constant dense<0.000000e+00> : vector<128xf32>
    %reduce_sum3A_36 = vector.multi_reduction <add>, %slice3A_34, %reduce_sum3A_35 [0] : vector<10000x128xf32> to vector<128xf32>
    %broadcast_in_dim3A_37 = vector.shape_cast %reduce_sum3A_36 : vector<128xf32> to vector<1x128xf32>
    %mul3A_38 = arith.constant 9.99999974E-5 : f32
    %mul3A_39 = vector.broadcast %mul3A_38 : f32 to vector<1x128xf32>
    %mul3A_40 = arith.mulf %broadcast_in_dim3A_37, %mul3A_39 : vector<1x128xf32>
    %slice3A_41 = vector.extract_strided_slice %max3A_19 {offsets = [0, 0], sizes = [10000, 128], strides = [1, 1]} : vector<10240x128xf32> to vector<10000x128xf32>
    %slice3A_42 = vector.extract_strided_slice %max3A_19 {offsets = [0, 0], sizes = [10000, 128], strides = [1, 1]} : vector<10240x128xf32> to vector<10000x128xf32>
    %mul3A_43 = arith.mulf %slice3A_41, %slice3A_42 : vector<10000x128xf32>
    %reduce_sum3A_44 = arith.constant dense<0.000000e+00> : vector<128xf32>
    %reduce_sum3A_45 = vector.multi_reduction <add>, %mul3A_43, %reduce_sum3A_44 [0] : vector<10000x128xf32> to vector<128xf32>
    %broadcast_in_dim3A_46 = vector.shape_cast %reduce_sum3A_45 : vector<128xf32> to vector<1x128xf32>
    %mul3A_47 = arith.constant 9.99999974E-5 : f32
    %mul3A_48 = vector.broadcast %mul3A_47 : f32 to vector<1x128xf32>
    %mul3A_49 = arith.mulf %broadcast_in_dim3A_46, %mul3A_48 : vector<1x128xf32>
    %slice3A_50 = vector.extract_strided_slice %max3A_29 {offsets = [0, 0], sizes = [10000, 128], strides = [1, 1]} : vector<10240x128xf32> to vector<10000x128xf32>
    %slice3A_51 = vector.extract_strided_slice %max3A_29 {offsets = [0, 0], sizes = [10000, 128], strides = [1, 1]} : vector<10240x128xf32> to vector<10000x128xf32>
    %mul3A_52 = arith.mulf %slice3A_50, %slice3A_51 : vector<10000x128xf32>
    %reduce_sum3A_53 = arith.constant dense<0.000000e+00> : vector<128xf32>
    %reduce_sum3A_54 = vector.multi_reduction <add>, %mul3A_52, %reduce_sum3A_53 [0] : vector<10000x128xf32> to vector<128xf32>
    %broadcast_in_dim3A_55 = vector.shape_cast %reduce_sum3A_54 : vector<128xf32> to vector<1x128xf32>
    %mul3A_56 = arith.constant 9.99999974E-5 : f32
    %mul3A_57 = vector.broadcast %mul3A_56 : f32 to vector<1x128xf32>
    %mul3A_58 = arith.mulf %broadcast_in_dim3A_55, %mul3A_57 : vector<1x128xf32>
    %mul3A_59 = arith.mulf %mul3A_33, %mul3A_33 : vector<1x128xf32>
    %sub3A = arith.subf %mul3A_49, %mul3A_59 : vector<1x128xf32>
    %add3A_60 = arith.constant 1.000000e-03 : f32
    %add3A_61 = vector.broadcast %add3A_60 : f32 to vector<1x128xf32>
    %add3A_62 = arith.addf %sub3A, %add3A_61 : vector<1x128xf32>
    %rsqrt3A_63 = math.rsqrt %add3A_62 : vector<1x128xf32>
    %mul3A_64 = arith.mulf %mul3A_40, %mul3A_40 : vector<1x128xf32>
    %sub3A_65 = arith.subf %mul3A_58, %mul3A_64 : vector<1x128xf32>
    %add3A_66 = arith.constant 1.000000e-03 : f32
    %add3A_67 = vector.broadcast %add3A_66 : f32 to vector<1x128xf32>
    %add3A_68 = arith.addf %sub3A_65, %add3A_67 : vector<1x128xf32>
    %rsqrt3A_69 = math.rsqrt %add3A_68 : vector<1x128xf32>
    %sub3A_70 = vector.broadcast %mul3A_33 : vector<1x128xf32> to vector<10240x128xf32>
    %sub3A_71 = arith.subf %max3A_19, %sub3A_70 : vector<10240x128xf32>
    %mul3A_72 = vector.broadcast %rsqrt3A_63 : vector<1x128xf32> to vector<10240x128xf32>
    %mul3A_73 = arith.mulf %sub3A_71, %mul3A_72 : vector<10240x128xf32>
    %get3A_74 = arith.constant 0 : index
    %get3A_75 = arith.constant 0 : index
    %get3A_76 = vector.load %arg3[%get3A_74, %get3A_75] : memref<1x256xf32, #tpu.memory_space<vmem>>, vector<1x128xf32>
    %mul3A_77 = vector.broadcast %get3A_76 : vector<1x128xf32> to vector<10240x128xf32>
    %mul3A_78 = arith.mulf %mul3A_73, %mul3A_77 : vector<10240x128xf32>
    %get3A_79 = arith.constant 0 : index
    %get3A_80 = arith.constant 0 : index
    %get3A_81 = vector.load %arg4[%get3A_79, %get3A_80] : memref<1x256xf32, #tpu.memory_space<vmem>>, vector<1x128xf32>
    %add3A_82 = vector.broadcast %get3A_81 : vector<1x128xf32> to vector<10240x128xf32>
    %add3A_83 = arith.addf %mul3A_78, %add3A_82 : vector<10240x128xf32>
    %max3A_84 = arith.constant 0.000000e+00 : f32
    %max3A_85 = vector.broadcast %max3A_84 : f32 to vector<10240x128xf32>
    %max3A_86 = arith.maximumf %add3A_83, %max3A_85 : vector<10240x128xf32>
    %sub3A_87 = vector.broadcast %mul3A_40 : vector<1x128xf32> to vector<10240x128xf32>
    %sub3A_88 = arith.subf %max3A_29, %sub3A_87 : vector<10240x128xf32>
    %mul3A_89 = vector.broadcast %rsqrt3A_69 : vector<1x128xf32> to vector<10240x128xf32>
    %mul3A_90 = arith.mulf %sub3A_88, %mul3A_89 : vector<10240x128xf32>
    %get3A_91 = arith.constant 0 : index
    %get3A_92 = arith.constant 128 : index
    %get3A_93 = vector.load %arg3[%get3A_91, %get3A_92] : memref<1x256xf32, #tpu.memory_space<vmem>>, vector<1x128xf32>
    %mul3A_94 = vector.broadcast %get3A_93 : vector<1x128xf32> to vector<10240x128xf32>
    %mul3A_95 = arith.mulf %mul3A_90, %mul3A_94 : vector<10240x128xf32>
    %get3A_96 = arith.constant 0 : index
    %get3A_97 = arith.constant 128 : index
    %get3A_98 = vector.load %arg4[%get3A_96, %get3A_97] : memref<1x256xf32, #tpu.memory_space<vmem>>, vector<1x128xf32>
    %add3A_99 = vector.broadcast %get3A_98 : vector<1x128xf32> to vector<10240x128xf32>
    %add3A_100 = arith.addf %mul3A_95, %add3A_99 : vector<10240x128xf32>
    %max3A_101 = arith.constant 0.000000e+00 : f32
    %max3A_102 = vector.broadcast %max3A_101 : f32 to vector<10240x128xf32>
    %max3A_103 = arith.maximumf %add3A_100, %max3A_102 : vector<10240x128xf32>
    %get3A_104 = arith.constant 0 : index
    %get3A_105 = arith.constant 0 : index
    %get3A_106 = vector.load %arg5[%get3A_104, %get3A_105] : memref<1x256xf32, #tpu.memory_space<vmem>>, vector<1x128xf32>
    %mul3A_107 = vector.broadcast %get3A_106 : vector<1x128xf32> to vector<10240x128xf32>
    %mul3A_108 = arith.mulf %max3A_86, %mul3A_107 : vector<10240x128xf32>
    %reduce_sum3A_109 = arith.constant dense<0.000000e+00> : vector<10240xf32>
    %reduce_sum3A_110 = vector.multi_reduction <add>, %mul3A_108, %reduce_sum3A_109 [1] : vector<10240x128xf32> to vector<10240xf32>
    %broadcast_in_dim3A_111 = vector.shape_cast %reduce_sum3A_110 : vector<10240xf32> to vector<10240x1xf32>
    %get3A_112 = arith.constant 0 : index
    %get3A_113 = arith.constant 128 : index
    %get3A_114 = vector.load %arg5[%get3A_112, %get3A_113] : memref<1x256xf32, #tpu.memory_space<vmem>>, vector<1x128xf32>
    %mul3A_115 = vector.broadcast %get3A_114 : vector<1x128xf32> to vector<10240x128xf32>
    %mul3A_116 = arith.mulf %max3A_103, %mul3A_115 : vector<10240x128xf32>
    %reduce_sum3A_117 = arith.constant dense<0.000000e+00> : vector<10240xf32>
    %reduce_sum3A_118 = vector.multi_reduction <add>, %mul3A_116, %reduce_sum3A_117 [1] : vector<10240x128xf32> to vector<10240xf32>
    %broadcast_in_dim3A_119 = vector.shape_cast %reduce_sum3A_118 : vector<10240xf32> to vector<10240x1xf32>
    %add3A_120 = arith.addf %broadcast_in_dim3A_111, %broadcast_in_dim3A_119 : vector<10240x1xf32>
    %mul3A_121 = arith.mulf %add3A_120, %rsqrt3A : vector<10240x1xf32>
    %swap3A = arith.constant 0 : index
    %swap3A_122 = arith.constant 0 : index
    %swap3A_123 = vector.load %arg6[%swap3A, %swap3A_122] : memref<10240x1xf32, #tpu.memory_space<vmem>>, vector<10240x1xf32>
    tpu.vector_store %arg6[%swap3A, %swap3A_122], %mul3A_121 {strides = array<i32>} : memref<10240x1xf32, #tpu.memory_space<vmem>>, vector<10240x1xf32>,
    return
  }
}

module attributes {stable_mosaic.version = 14 : i64} {
  func.func @_tc_final_body(%arg0: memref<10240x1xf32, #tpu.memory_space<vmem>>, %arg1: memref<10240x1xf32, #tpu.memory_space<vmem>>, %arg2: memref<10240x1xf32, #tpu.memory_space<vmem>>, %arg3: memref<1x1xf32, #tpu.memory_space<vmem>>, %arg4: memref<1x1xf32, #tpu.memory_space<vmem>>, %arg5: memref<1x1xf32, #tpu.memory_space<vmem>>, %arg6: memref<10000x1xf32, #tpu.memory_space<vmem>>) attributes {dimension_semantics = [], scalar_prefetch = 0 : i64, scratch_operands = 0 : i64, tpu.core_type = #tpu.core_type<tc>} {
    %get3A = arith.constant 0 : index
    %get3A_0 = arith.constant 0 : index
    %get3A_1 = vector.load %arg0[%get3A, %get3A_0] : memref<10240x1xf32, #tpu.memory_space<vmem>>, vector<10000x1xf32>
    %get3A_2 = arith.constant 0 : index
    %get3A_3 = arith.constant 0 : index
    %get3A_4 = vector.load %arg2[%get3A_2, %get3A_3] : memref<10240x1xf32, #tpu.memory_space<vmem>>, vector<10000x1xf32>
    %sub3A = arith.subf %get3A_1, %get3A_4 : vector<10000x1xf32>
    %get3A_5 = arith.constant 0 : index
    %get3A_6 = arith.constant 0 : index
    %get3A_7 = vector.load %arg1[%get3A_5, %get3A_6] : memref<10240x1xf32, #tpu.memory_space<vmem>>, vector<10000x1xf32>
    %rsqrt3A = math.rsqrt %get3A_7 : vector<10000x1xf32>
    %mul3A = arith.mulf %sub3A, %rsqrt3A : vector<10000x1xf32>
    %get3A_8 = arith.constant 0 : index
    %get3A_9 = arith.constant 0 : index
    %get3A_10 = vector.load %arg3[%get3A_8, %get3A_9] : memref<1x1xf32, #tpu.memory_space<vmem>>, vector<1x1xf32>
    %add3A = vector.broadcast %get3A_10 : vector<1x1xf32> to vector<10000x1xf32>
    %add3A_11 = arith.addf %mul3A, %add3A : vector<10000x1xf32>
    %reduce_sum3A = arith.constant dense<0.000000e+00> : vector<1xf32>
    %reduce_sum3A_12 = vector.multi_reduction <add>, %add3A_11, %reduce_sum3A [0] : vector<10000x1xf32> to vector<1xf32>
    %broadcast_in_dim3A = vector.shape_cast %reduce_sum3A_12 : vector<1xf32> to vector<1x1xf32>
    %mul3A_13 = arith.constant 9.99999974E-5 : f32
    %mul3A_14 = vector.broadcast %mul3A_13 : f32 to vector<1x1xf32>
    %mul3A_15 = arith.mulf %broadcast_in_dim3A, %mul3A_14 : vector<1x1xf32>
    %mul3A_16 = arith.mulf %add3A_11, %add3A_11 : vector<10000x1xf32>
    %reduce_sum3A_17 = arith.constant dense<0.000000e+00> : vector<1xf32>
    %reduce_sum3A_18 = vector.multi_reduction <add>, %mul3A_16, %reduce_sum3A_17 [0] : vector<10000x1xf32> to vector<1xf32>
    %broadcast_in_dim3A_19 = vector.shape_cast %reduce_sum3A_18 : vector<1xf32> to vector<1x1xf32>
    %mul3A_20 = arith.constant 9.99999974E-5 : f32
    %mul3A_21 = vector.broadcast %mul3A_20 : f32 to vector<1x1xf32>
    %mul3A_22 = arith.mulf %broadcast_in_dim3A_19, %mul3A_21 : vector<1x1xf32>
    %sub3A_23 = vector.broadcast %mul3A_15 : vector<1x1xf32> to vector<10000x1xf32>
    %sub3A_24 = arith.subf %add3A_11, %sub3A_23 : vector<10000x1xf32>
    %mul3A_25 = arith.mulf %mul3A_15, %mul3A_15 : vector<1x1xf32>
    %sub3A_26 = arith.subf %mul3A_22, %mul3A_25 : vector<1x1xf32>
    %add3A_27 = arith.constant 1.000000e-03 : f32
    %add3A_28 = vector.broadcast %add3A_27 : f32 to vector<1x1xf32>
    %add3A_29 = arith.addf %sub3A_26, %add3A_28 : vector<1x1xf32>
    %rsqrt3A_30 = math.rsqrt %add3A_29 : vector<1x1xf32>
    %mul3A_31 = vector.broadcast %rsqrt3A_30 : vector<1x1xf32> to vector<10000x1xf32>
    %mul3A_32 = arith.mulf %sub3A_24, %mul3A_31 : vector<10000x1xf32>
    %get3A_33 = arith.constant 0 : index
    %get3A_34 = arith.constant 0 : index
    %get3A_35 = vector.load %arg4[%get3A_33, %get3A_34] : memref<1x1xf32, #tpu.memory_space<vmem>>, vector<1x1xf32>
    %mul3A_36 = vector.broadcast %get3A_35 : vector<1x1xf32> to vector<10000x1xf32>
    %mul3A_37 = arith.mulf %mul3A_32, %mul3A_36 : vector<10000x1xf32>
    %get3A_38 = arith.constant 0 : index
    %get3A_39 = arith.constant 0 : index
    %get3A_40 = vector.load %arg5[%get3A_38, %get3A_39] : memref<1x1xf32, #tpu.memory_space<vmem>>, vector<1x1xf32>
    %add3A_41 = vector.broadcast %get3A_40 : vector<1x1xf32> to vector<10000x1xf32>
    %add3A_42 = arith.addf %mul3A_37, %add3A_41 : vector<10000x1xf32>
    %max3A = arith.constant 0.000000e+00 : f32
    %max3A_43 = vector.broadcast %max3A : f32 to vector<10000x1xf32>
    %max3A_44 = arith.maximumf %add3A_42, %max3A_43 : vector<10000x1xf32>
    %logistic3A = arith.negf %max3A_44 : vector<10000x1xf32>
    %logistic3A_45 = math.exp %logistic3A : vector<10000x1xf32>
    %logistic3A_46 = arith.constant 1.000000e+00 : f32
    %logistic3A_47 = vector.broadcast %logistic3A_46 : f32 to vector<10000x1xf32>
    %logistic3A_48 = arith.addf %logistic3A_47, %logistic3A_45 : vector<10000x1xf32>
    %logistic3A_49 = arith.divf %logistic3A_47, %logistic3A_48 : vector<10000x1xf32>
    %swap3A = arith.constant 0 : index
    %swap3A_50 = arith.constant 0 : index
    %swap3A_51 = vector.load %arg6[%swap3A, %swap3A_50] : memref<10000x1xf32, #tpu.memory_space<vmem>>, vector<10000x1xf32>
    tpu.vector_store %arg6[%swap3A, %swap3A_50], %logistic3A_49 {strides = array<i32>} : memref<10000x1xf32, #tpu.memory_space<vmem>>, vector<10000x1xf32>,
    return
  }
}

</mosaic_0001>

<sc_bundles>
// kernel: kernel.11.cloned.1.call-start
scs
__scs_entry_jumppad:
0x0: {  	(pc) =	sbr.rel $0x88, $3  }
0x1: {  	(tag) =	ssettag $0x0;
	lr =	simm.s32 $0x1  }
0x2: {  	[smem:$0x3F97] =	sst lr;
	_ =	strace $0xD0000000  }
0x3: {  	_ = 	snop  }
0x4: {  	_ = 	snop  }
0x5: {  	_ = 	snop  }
0x6: {  	_ = 	snop  }
0x7: {  	_ = 	snop  }
__scs_overlays_trampoline_lowered:
0x8: {  	[smem:$0x3FA6] =	sst s0  }
0x9: {  	[smem:$0x3FA7] =	sst s1  }
0xa: {  	[smem:$0x3FA8] =	sst s2  }
0xb: {  	[smem:$0x3FA9] =	sst s3  }
0xc: {  	[smem:$0x3FAA] =	sst s4  }
0xd: {  	[smem:$0x3FAB] =	sst s5  }
0xe: {  	[smem:$0x3FAC] =	sst s6  }
0xf: {  	[smem:$0x3FAD] =	sst s7  }
0x10: {  	[smem:$0x3FAE] =	sst s8  }
0x11: {  	[smem:$0x3FAF] =	sst s9;
	s0 =	simm.s32 @!p0 $0x0  }
0x12: {  	s1 =	sld [smem:$0x3F95];
	s0 =	simm.s32 @p0 $0x1  }
0x13: {  	[smem:$0x3FB0] =	sst s0;
	s0 =	simm.s32 @!p1 $0x0  }
0x14: {  	s2 =	sld [smem:$0x3F94];
	s0 =	simm.s32 @p1 $0x1  }
0x15: {  	[smem:$0x3FB1] =	sst s0;
	s0 =	simm.s32 @!p2 $0x0  }
0x16: {  	s3 =	sld [smem:$0x3FDB];
	s0 =	simm.s32 @p2 $0x1  }
0x17: {  	s4 =	simm.s32 $0x1BF5;
	[smem:$0x3FB3] =	sst s0  }
0x18: {  	s0 =	sld [smem:$0x3F96];
	_ =	swait.ge [sflag:s4], $0x0  }
0x19: {  	s7 =	sld [smem:$0x3F97]  }
0x1a: {  	s8 =	sadd.s32 $0xFFFFE003, lr  }
0x1b: {  	s9 =	sadd.s32 $0xFFFFFEF7, lr;
	s5 =	simm.s32 $0xFFFFFFFF;
	p2 =	slt.u32 s8, $0xFFFFF086  }
0x1c: {  	p1 =	slt.u32 s9, $0xF7A;
	s5 =	simm.s32 @!p2 $0x0  }
0x1d: {  	s5 =	simm.s32 @p1 $0x1;
	p0 =	seq.s32 s7, s2  }
0x1e: {  	s7 =	smul.u32 @!p0 $0xF7A, s2;
	p2 =	seq.s32 @!p0 s5, $0x0  }
0x1f: {  	s9 =	smul.u32 $0xF7A, s1;
	s8 =	simm.s32 @!p0 $0x1BF5;
	p2 =	por !p2, p0  }
0x20: {  	[sflag:s8] =	ssyncset.s32 @!p0 $0xFFFFF086;
	s6 =	sadd.s32 @!p0 s3, s7;
	s7 =	simm.s32 @!p0 $0x108  }
0x21: {  	s3 =	sadd.s32 s3, s9;
	s6 =	sadd.s32 @!p0 $0x88, s6;
	s7 =	simm.s32 @p2 $0x1082  }
0x22: {  	[simem:s7], [sflag:s8] =	dma.local @!p0 [hbm:s6], $0xF7A  }
0x23: {  	s9 =	sor.u32 $0xD0000000, s2;
	s6 =	simm.s32 $0x108;
	_ =	swait.ge @!p0 [sflag:s8], $0x0  }
0x24: {  	s3 =	sadd.s32 $0x88, s3;
	s6 =	simm.s32 @!p1 $0x1082;
	[sflag:s4] =	ssyncset.s32 $0xFFFFF086  }
0x25: {  	[simem:s6], [sflag:s4] =	dma.local [hbm:s3], $0xF7A  }
0x26: {  	[smem:$0x3F97] =	sst s1;
	(tag) =	ssettag s2;
	_ =	strace s9  }
0x27: {  	s1 =	sld [smem:$0x3FA7]  }
0x28: {  	s2 =	sld [smem:$0x3FA8]  }
0x29: {  	s4 =	sld [smem:$0x3FAA]  }
0x2a: {  	p0 =	seq.s32 s5, $0x0;
	s5 =	sld [smem:$0x3FAB]  }
0x2b: {  	s6 =	sld [smem:$0x3FAC]  }
0x2c: {  	s7 =	sld [smem:$0x3FAD]  }
0x2d: {  	s3 =	simm.s32 $0x108;
	s8 =	sld [smem:$0x3FAE]  }
0x2e: {  	s3 =	simm.s32 @!p0 $0x1082;
	s9 =	sld [smem:$0x3FAF]  }
0x2f: {  	lr =	sadd.s32 s0, s3;
	s0 =	sld [smem:$0x3FA6]  }
0x30: {  	s3 =	sld [smem:$0x3FA9]  }
0x31: {  	[smem:$0x3FB2] =	sst s10  }
0x32: {  	s10 =	sld [smem:$0x3FB0];
	_ =	sdelay $0x3  }
0x33: {  	p0 =	seq.s32 s10, $0x1;
	s10 =	sld [smem:$0x3FB2];
	_ =	sdelay $0x3  }
0x34: {  	[smem:$0x3FB2] =	sst s10  }
0x35: {  	s10 =	sld [smem:$0x3FB1];
	_ =	sdelay $0x3  }
0x36: {  	p1 =	seq.s32 s10, $0x1;
	s10 =	sld [smem:$0x3FB2];
	_ =	sdelay $0x3  }
0x37: {  	[smem:$0x3FB2] =	sst s10  }
0x38: {  	s10 =	sld [smem:$0x3FB3]  }
0x39: {  	_ = 	snop;
	(pc) =	sbr.ind lr, $3  }
0x3a: {  	_ = 	snop  }
0x3b: {  	_ = 	snop  }
0x3c: {  	p2 =	seq.s32 s10, $0x1;
	s10 =	sld [smem:$0x3FB2]  }
0x3d: {  	_ =	shalt  }
0x3e: {  	_ =	shalt  }
0x3f: {  	_ =	shalt  }
0x40: {  	_ =	shalt  }
0x41: {  	_ =	shalt  }
0x42: {  	_ =	shalt  }
0x43: {  	_ =	shalt  }
0x44: {  	_ =	shalt  }
0x45: {  	_ =	shalt  }
0x46: {  	_ =	shalt  }
0x47: {  	_ =	shalt  }
0x48: {  	_ =	shalt  }
0x49: {  	_ =	shalt  }
0x4a: {  	_ =	shalt  }
0x4b: {  	_ =	shalt  }
0x4c: {  	_ =	shalt  }
0x4d: {  	_ =	shalt  }
0x4e: {  	_ =	shalt  }
0x4f: {  	_ =	shalt  }
0x50: {  	_ =	shalt  }
0x51: {  	_ =	shalt  }
0x52: {  	_ =	shalt  }
0x53: {  	_ =	shalt  }
0x54: {  	_ =	shalt  }
0x55: {  	_ =	shalt  }
0x56: {  	_ =	shalt  }
0x57: {  	_ =	shalt  }
0x58: {  	_ =	shalt  }
0x59: {  	_ =	shalt  }
0x5a: {  	_ =	shalt  }
0x5b: {  	_ =	shalt  }
0x5c: {  	_ =	shalt  }
0x5d: {  	_ =	shalt  }
0x5e: {  	_ =	shalt  }
0x5f: {  	_ =	shalt  }
0x60: {  	_ =	shalt  }
0x61: {  	_ =	shalt  }
0x62: {  	_ =	shalt  }
0x63: {  	_ =	shalt  }
0x64: {  	_ =	shalt  }
0x65: {  	_ =	shalt  }
0x66: {  	_ =	shalt  }
0x67: {  	_ =	shalt  }
0x68: {  	_ =	shalt  }
0x69: {  	_ =	shalt  }
0x6a: {  	_ =	shalt  }
0x6b: {  	_ =	shalt  }
0x6c: {  	_ =	shalt  }
0x6d: {  	_ =	shalt  }
0x6e: {  	_ =	shalt  }
0x6f: {  	_ =	shalt  }
0x70: {  	_ =	shalt  }
0x71: {  	_ =	shalt  }
0x72: {  	_ =	shalt  }
0x73: {  	_ =	shalt  }
0x74: {  	_ =	shalt  }
0x75: {  	_ =	shalt  }
0x76: {  	_ =	shalt  }
0x77: {  	_ =	shalt  }
0x78: {  	_ =	shalt  }
0x79: {  	_ =	shalt  }
0x7a: {  	_ =	shalt  }
0x7b: {  	_ =	shalt  }
0x7c: {  	_ =	shalt  }
0x7d: {  	_ =	shalt  }
0x7e: {  	_ =	shalt  }
0x7f: {  	_ =	shalt  }
0x80: {  	_ =	shalt  }
0x81: {  	_ =	shalt  }
0x82: {  	_ =	shalt  }
0x83: {  	_ =	shalt  }
0x84: {  	_ =	shalt  }
0x85: {  	_ =	shalt  }
0x86: {  	_ =	shalt  }
0x87: {  	_ =	shalt  }
.Lfunc_end0:
.L_simem_size_0:
called_computation.1_lowered:
.L_overlay_start_0:
0x88: {  	s2 =	sld [smem:$0x3FD9]  }
0x89: {  	s3 =	sld [smem:$0x3FFE];
	_ =	sdelay $0x1  }
0x8a: {  	s1 =	srdreg.scid  }
0x8b: {  	s0 =	sand.u32 $0x1, s1  }
0x8c: {  	s16 =	sshll.u32 s0, $0xA;
	s2 =	sadd.s32 s3, s2  }
0x8d: {  	s2 =	sadd.s32 s2, s16  }
0x8e: {  	[smem:$0x3FBE] =	sst s2  }
0x8f: {  	_ = 	snop  }
0x90: {  	(tm) =	ssettm $0x1  }
0x91: {  	s17 =	sld [smem:$0x3FFB];
	_ =	sdelay $0x3  }
0x92: {  	_ =	strace s17  }
0x93: {  	s2 =	sld [smem:$0x3FFC];
	_ =	sdelay $0x3  }
0x94: {  	_ =	strace s2  }
0x95: {  	s2 =	sld [smem:$0x3FFD];
	_ =	sdelay $0x3  }
0x96: {  	_ =	strace s2  }
0x97: {  	_ =	strace $0x8FFFFFFF  }
0x98: {  	s18 =	sld [smem:$0x3FDB];
	_ =	sdelay $0x1  }
0x99: {  	s19 =	simm.s32 $_scs_section_size  }
0x9a: {  	s4 =	simm.s32 $_size__tile_overlayer_lowered;
	s5 =	simm.s32 $_tile_overlayer_lowered  }
0x9b: {  	s22 =	simm.s32 $0x1BFF;
	s21 =	sshll.u32 s5, $0x1;
	s2 =	sadd.s32 s19, s18  }
0x9c: {  	s6 =	simm.s32 $0x0;
	s20 =	sshll.u32 s4, $0x1;
	s4 =	sadd.s32 s21, s2  }
0x9d: {  	[timem:s6], [sflag:s22] =	dma.local [hbm:s4], s20  }
0x9e: {  	_ =	swait.ge [sflag:s22], s20  }
0x9f: {  	s3 =	ssub.s32 $0x0, s20;
	[sflag:s22] =	ssyncset.done $0x0  }
0xa0: {  	[sflag:s22] =	ssyncadd.s32 s3;
	_ =	sdelay $0x1  }
0xa1: {  	s23 =	simm.s32 $0x1B8B  }
0xa2: {  	_ =	swait.ge [sflag:s23], $0x1  }
0xa3: {  	[sflag:s23] =	ssyncset.done $0x0  }
0xa4: {  	s25 =	simm.s32 $0x1B8E;
	s24 =	sld [smem:$0x3FFE];
	[sflag:s23] =	ssyncadd.s32 $0xFFFFFFFF  }
0xa5: {  	s26 =	simm.s32 $execute0_lowered;
	[smem:$0x3FD2] =	sst s25  }
0xa6: {  	s4 =	sshll.u32 s26, $0x1;
	_ =	strace $0x80000049;
	[dreg:$0x1] =	wrdreg $0xFFFFFFFF  }
0xa7: {  	s28 =	simm.s32 $_size_execute0_lowered;
	s2 =	sadd.s32 s2, s4;
	[dreg:$0x0] =	wrdreg $0x0  }
0xa8: {  	s4 =	sshll.u32 s28, $0x1;
	[dreg:$0x2] =	wrdreg s2  }
0xa9: {  	[dreg:$0x3] =	wrdreg s4  }
0xaa: {  	[dreg:$0x4] =	wrdreg $0xC0  }
0xab: {  	_ =	task [dreg:s6], $0x5FFFF  }
0xac: {  	[dreg:$0x1] =	wrdreg $0xFFFFFFFF  }
0xad: {  	[dreg:$0x0] =	wrdreg $0x60  }
0xae: {  	[dreg:$0x2] =	wrdreg s24  }
0xaf: {  	[dreg:$0x3] =	wrdreg $0xC4400  }
0xb0: {  	[dreg:$0x4] =	wrdreg $0x9  }
0xb1: {  	_ =	task.clear_ibuf [dreg:s6], $0x5FFFF;
	_ =	strace $0x90000049  }
0xb2: {  	s29 =	simm.s32 $0x9;
	_ =	strace $0x8000004B  }
0xb3: {  	_ =	swait.ge [sflag:s29], $0x1  }
0xb4: {  	[sflag:s29] =	ssyncadd.s32 $0xFFFFFFFF  }
0xb5: {  	_ =	strace $0x9000004B  }
0xb6: {  	_ =	sfence  }
0xb7: {  	s30 =	sld [smem:$0x0];
	_ =	sdelay $0x2  }
0xb8: {  	s31 =	sshll.u32 s1, $0xD;
	s1 =	sshrl.u32 s1, $0x2  }
0xb9: {  	s3 =	sand.u32 $0x4000, s31;
	s1 =	sadd.s32 s1, s30  }
0xba: {  	s0 =	sor.u32 s3, s0;
	s1 =	sshll.u32 s1, $0x11  }
0xbb: {  	s0 =	sor.u32 s1, s0  }
0xbc: {  	s0 =	sadd.s32 $0x8F2B, s0  }
0xbd: {  	[sflag:s0] =	ssyncadd.remote.s32 $0x1  }
0xbe: {  	_ =	sfence.sel $0xFFFF  }
0xbf: {  	[dreg:$0x0] =	wrdreg $0xFFFFFFFF;
	(pc) =	sbr.abs _section_cstart, $3  }
0xc0: {  	[dreg:$0x1] =	wrdreg $0xFFFFFFFF  }
0xc1: {  	_ =	task.clear_ibuf [dreg:s6], $0x2FFFF;
	_ =	strace $0x9FFFFFFF  }
0xc2: {  	(tm) =	ssettm $0x7FFFFFFF  }
0xc3: {  	_ =	shalt  }
tec
execute0_lowered:
.L_overlay_start_1:
0x0: {  	(tag) =	ssettag $0x1  }
0x1: {  	s0 =	rddreg [dreg:$0x0]  }
0x2: {  	s1 =	rddreg [dreg:$0x1];
	s2 =	srdreg.scid;
	s3 =	simm.s32 $0x0  }
0x3: {  	s11 =	stileid.u32;
	s14 =	simm.s32 $0xB;
	s16 =	simm.s32 $0x7D  }
0x4: {  	s17 =	simm.s32 $0x2800;
	s19 =	simm.s32 $0x4740;
	s21 =	simm.s32 $0x6680  }
0x5: {  	s28 =	simm.s32 $0x2;
	s29 =	simm.s32 $0x3;
	s30 =	simm.s32 $0x4  }
0x6: {  	s31 =	simm.s32 $0x5;
	s15 =	simm.s32 $0x2580;
	s18 =	simm.s32 $0x2700  }
0x7: {  	s12 =	simm.s32 $0x0;
	s2 =	sand.u32 $0x1, s2;
	[smem:$0x7FF] =	sst s3  }
0x8: {  	s5 =	smul.u32 $0x14000, s11;
	s7 =	sadd.s32 $0xB000, s0;
	s8 =	sadd.s32 $0x6000, s0  }
0x9: {  	s10 =	smul.u32 $0x2800, s11;
	s23 =	sshll.u32 s11, $0x6;
	s11 =	simm.s32 $0x2780  }
0xa: {  	s4 =	smul.u32 $0x140000, s2;
	_ =	strace $0x8000004A;
	s2 =	ssub.s32 $0x2, s2  }
0xb: {  	s22 =	sshrl.u32 s2, $0x1;
	s9 =	sshrl.u32 s5, $0x1;
	s24 =	sshrl.u32 s10, $0x3  }
0xc: {  	s6 =	sshrl.u32 s4, $0x4;
	s4 =	sadd.s32 s5, s4;
	s2 =	ssub.s32 s2, s22  }
0xd: {  	s9 =	sadd.s32 s9, s1;
	s5 =	sshrl.u32 s5, $0x4;
	s10 =	sadd.s32 s7, s24  }
0xe: {  	s25 =	sadd.s32 s8, s24;
	s6 =	sadd.s32 s6, s0;
	[dreg:$0x4] =	wrdreg s10  }
0xf: {  	s4 =	sshrl.u32 s4, $0x4;
	[dreg:$0x5] =	wrdreg s25;
	s26 =	smax.u32 s2, $0x1  }
0x10: {  	s13 =	sshrl.u32 s9, $0x3;
	s25 =	simm.s32 $0xA500;
	s2 =	simm.s32 $0x7  }
0x11: {  	s9 =	simm.s32 $0x2600;
	s10 =	simm.s32 $0x2680;
	s0 =	sadd.s32 s4, s0  }
0x12: {  	s4 =	sadd.s32 $0x10000, s6;
	s6 =	sor.u32 $0x1C0B, s23;
	[dreg:$0x9] =	wrdreg s26  }
0x13: {  	s23 =	simm.s32 $0x85C0;
	s26 =	simm.s32 $0x1;
	s5 =	sadd.s32 s5, s4  }
0x14: {  	s0 =	sadd.s32 $0x38000, s0;
	[dreg:$0x3] =	wrdreg s5;
	s5 =	sadd.s32 $0x280, s24  }
0x15: {  	[dreg:$0x8] =	wrdreg s0;
	s0 =	simm.s32 $0x6;
	s7 =	sadd.s32 s7, s5  }
0x16: {  	s5 =	sadd.s32 s8, s5;
	s8 =	simm.s32 $0xA;
	[dreg:$0x6] =	wrdreg s7  }
0x17: {  	[dreg:$0x7] =	wrdreg s5;
	s5 =	simm.s32 $0x8;
	s7 =	simm.s32 $0x9  }
.LBB2_1:
0x18: {  	s20 =	rddreg [dreg:$0x3]  }
0x19: {  	[spmem:s13], [sflag:s6] =	dma.local [hbm:s20], $0x1400  }
0x1a: {  	_ =	swait.ge [sflag:s14], $0x1400  }
0x1b: {  	[sflag:s14] =	ssyncset.done $0x0  }
0x1c: {  	[sflag:s14] =	ssyncadd.s32 $0xFFFFEC00  }
0x1d: {  	[bflag:$0x0] =	sbarrier.arrive $0xFFFF  }
0x1e: {  	s22 =	rddreg [dreg:$0x4]  }
0x1f: {  	[tilespmem:s3], [sflag:$0xB] =	stream.linear.gather [hbm4b:s22+s3], $0x1400, $0x38;
	[tilespmem:$0x16440] =	vst v63  }
0x20: {  	_ =	swait.ge [sflag:s14], $0x1400  }
0x21: {  	[sflag:s14] =	ssyncset.done $0x0  }
0x22: {  	s22 =	simm.s32 $0x1400;
	s24 =	rddreg [dreg:$0x5];
	[sflag:s14] =	ssyncadd.s32 $0xFFFFEC00  }
0x23: {  	[tilespmem:s22], [sflag:$0xB] =	stream.linear.gather [hbm4b:s24+s3], $0x1400, $0x38;
	[tilespmem:$0x16440] =	vst v63  }
0x24: {  	_ =	swait.ge [sflag:s14], $0x1400  }
0x25: {  	[sflag:s14] =	ssyncset.done $0x0  }
0x26: {  	[sflag:s14] =	ssyncadd.s32 $0xFFFFEC00  }
0x27: {  	[tilespmem:s17], [sflag:$0x1] =	stream.indirect.gather [hbm4b:s4+s16], $0x40, s3, s16, $0xb8;
	[tilespmem:$0x16440] =	vst v63  }
0x28: {  	s24 =	simm.s32 $0x80  }
0x29: {  	[tilespmem:s19], [sflag:$0x2] =	stream.indirect.gather [hbm4b:s4+s16], $0x40, s24, s16, $0xb8;
	[tilespmem:$0x16440] =	vst v63  }
0x2a: {  	s22 =	simm.s32 $0x100  }
0x2b: {  	[tilespmem:s21], [sflag:$0x3] =	stream.indirect.gather [hbm4b:s4+s16], $0x40, s22, s16, $0xb8;
	[tilespmem:$0x16440] =	vst v63  }
0x2c: {  	s24 =	simm.s32 $0x180  }
0x2d: {  	[tilespmem:s23], [sflag:$0x4] =	stream.indirect.gather [hbm4b:s4+s16], $0x40, s24, s16, $0xb8;
	[tilespmem:$0x16440] =	vst v63  }
0x2e: {  	s22 =	simm.s32 $0x200  }
0x2f: {  	[tilespmem:s25], [sflag:$0x5] =	stream.indirect.gather [hbm4b:s4+s16], $0x40, s22, s16, $0xb8;
	[tilespmem:$0x16440] =	vst v63  }
0x30: {  	_ =	swait.ge [sflag:s26], $0x1F40  }
0x31: {  	[sflag:s26] =	ssyncset.done $0x0  }
0x32: {  	s24 =	simm.s32 $0x1400;
	[sflag:s26] =	ssyncadd.s32 $0xFFFFE0C0  }
0x33: {  	[spmem:s1] =	stream.indirect.scatter.add.bf16 [tilespmem:s17], [sflag:$0x6], $0x40, s24, s16, $0xb8;
	[tilespmem:$0x16440] =	vst v63  }
0x34: {  	_ =	swait.ge [sflag:s28], $0x1F40  }
0x35: {  	[sflag:s28] =	ssyncset.done $0x0  }
0x36: {  	s22 =	simm.s32 $0x1480;
	[sflag:s28] =	ssyncadd.s32 $0xFFFFE0C0  }
0x37: {  	[spmem:s1] =	stream.indirect.scatter.add.bf16 [tilespmem:s19], [sflag:$0x7], $0x40, s22, s16, $0xb8;
	[tilespmem:$0x16440] =	vst v63  }
0x38: {  	_ =	swait.ge [sflag:s29], $0x1F40  }
0x39: {  	[sflag:s29] =	ssyncset.done $0x0  }
0x3a: {  	s24 =	simm.s32 $0x1500;
	[sflag:s29] =	ssyncadd.s32 $0xFFFFE0C0  }
0x3b: {  	[spmem:s1] =	stream.indirect.scatter.add.bf16 [tilespmem:s21], [sflag:$0x8], $0x40, s24, s16, $0xb8;
	[tilespmem:$0x16440] =	vst v63  }
0x3c: {  	_ =	swait.ge [sflag:s30], $0x1F40  }
0x3d: {  	[sflag:s30] =	ssyncset.done $0x0  }
0x3e: {  	s22 =	simm.s32 $0x1580;
	[sflag:s30] =	ssyncadd.s32 $0xFFFFE0C0  }
0x3f: {  	[spmem:s1] =	stream.indirect.scatter.add.bf16 [tilespmem:s23], [sflag:$0x9], $0x40, s22, s16, $0xb8;
	[tilespmem:$0x16440] =	vst v63  }
0x40: {  	_ =	swait.ge [sflag:s31], $0x1F40  }
0x41: {  	[sflag:s31] =	ssyncset.done $0x0  }
0x42: {  	s24 =	simm.s32 $0x1600;
	[sflag:s31] =	ssyncadd.s32 $0xFFFFE0C0  }
0x43: {  	[spmem:s1] =	stream.indirect.scatter.add.bf16 [tilespmem:s25], [sflag:$0xA], $0x40, s24, s16, $0xb8;
	[tilespmem:$0x16440] =	vst v63  }
0x44: {  	_ =	swait.ge [sflag:s0], $0x1F40  }
0x45: {  	[sflag:s0] =	ssyncset.done $0x0  }
0x46: {  	s22 =	simm.s32 $0x280;
	[sflag:s0] =	ssyncadd.s32 $0xFFFFE0C0  }
0x47: {  	[tilespmem:s17], [sflag:$0x1] =	stream.indirect.gather [hbm4b:s4+s16], $0x40, s22, s16, $0xb8;
	[tilespmem:$0x16440] =	vst v63  }
0x48: {  	_ =	swait.ge [sflag:s2], $0x1F40  }
0x49: {  	[sflag:s2] =	ssyncset.done $0x0  }
0x4a: {  	s24 =	simm.s32 $0x300;
	[sflag:s2] =	ssyncadd.s32 $0xFFFFE0C0  }
0x4b: {  	[tilespmem:s19], [sflag:$0x2] =	stream.indirect.gather [hbm4b:s4+s16], $0x40, s24, s16, $0xb8;
	[tilespmem:$0x16440] =	vst v63  }
0x4c: {  	_ =	swait.ge [sflag:s5], $0x1F40  }
0x4d: {  	[sflag:s5] =	ssyncset.done $0x0  }
0x4e: {  	s22 =	simm.s32 $0x380;
	[sflag:s5] =	ssyncadd.s32 $0xFFFFE0C0  }
0x4f: {  	[tilespmem:s21], [sflag:$0x3] =	stream.indirect.gather [hbm4b:s4+s16], $0x40, s22, s16, $0xb8;
	[tilespmem:$0x16440] =	vst v63  }
0x50: {  	_ =	swait.ge [sflag:s7], $0x1F40  }
0x51: {  	[sflag:s7] =	ssyncset.done $0x0  }
0x52: {  	s24 =	simm.s32 $0x400;
	[sflag:s7] =	ssyncadd.s32 $0xFFFFE0C0  }
0x53: {  	[tilespmem:s23], [sflag:$0x4] =	stream.indirect.gather [hbm4b:s4+s16], $0x40, s24, s16, $0xb8;
	[tilespmem:$0x16440] =	vst v63  }
0x54: {  	_ =	swait.ge [sflag:s8], $0x1F40  }
0x55: {  	[sflag:s8] =	ssyncset.done $0x0  }
0x56: {  	s20 =	simm.s32 $0xA00;
	s22 =	simm.s32 $0x480;
	[sflag:s8] =	ssyncadd.s32 $0xFFFFE0C0  }
.LBB2_2:
0x57: {  	[tilespmem:s25], [sflag:$0x5] =	stream.indirect.gather [hbm4b:s4+s16], $0x40, s22, s16, $0xb8;
	[tilespmem:$0x16440] =	vst v63  }
0x58: {  	s22 =	smov.u32 s20  }
0x59: {  	p0 =	sne.s32 s20, $0x3C00;
	s20 =	sadd.s32 $0xA00, s20;
	_ =	swait.ge [sflag:s26], $0x1F40  }
0x5a: {  	s22 =	sshra.s32 s22, $0x2;
	[sflag:s26] =	ssyncset.done $0x0  }
0x5b: {  	s24 =	sadd.s32 $0x1400, s22;
	[sflag:s26] =	ssyncadd.s32 $0xFFFFE0C0  }
0x5c: {  	[spmem:s1] =	stream.indirect.scatter.add.bf16 [tilespmem:s17], [sflag:$0x6], $0x40, s24, s16, $0xb8;
	[tilespmem:$0x16440] =	vst v63  }
0x5d: {  	_ =	swait.ge [sflag:s28], $0x1F40  }
0x5e: {  	[sflag:s28] =	ssyncset.done $0x0  }
0x5f: {  	s24 =	sadd.s32 $0x1480, s22;
	[sflag:s28] =	ssyncadd.s32 $0xFFFFE0C0  }
0x60: {  	[spmem:s1] =	stream.indirect.scatter.add.bf16 [tilespmem:s19], [sflag:$0x7], $0x40, s24, s16, $0xb8;
	[tilespmem:$0x16440] =	vst v63  }
0x61: {  	_ =	swait.ge [sflag:s29], $0x1F40  }
0x62: {  	[sflag:s29] =	ssyncset.done $0x0  }
0x63: {  	s24 =	sadd.s32 $0x1500, s22;
	[sflag:s29] =	ssyncadd.s32 $0xFFFFE0C0  }
0x64: {  	[spmem:s1] =	stream.indirect.scatter.add.bf16 [tilespmem:s21], [sflag:$0x8], $0x40, s24, s16, $0xb8;
	[tilespmem:$0x16440] =	vst v63  }
0x65: {  	_ =	swait.ge [sflag:s30], $0x1F40  }
0x66: {  	[sflag:s30] =	ssyncset.done $0x0  }
0x67: {  	s24 =	sadd.s32 $0x1580, s22;
	[sflag:s30] =	ssyncadd.s32 $0xFFFFE0C0  }
0x68: {  	[spmem:s1] =	stream.indirect.scatter.add.bf16 [tilespmem:s23], [sflag:$0x9], $0x40, s24, s16, $0xb8;
	[tilespmem:$0x16440] =	vst v63  }
0x69: {  	_ =	swait.ge [sflag:s31], $0x1F40  }
0x6a: {  	[sflag:s31] =	ssyncset.done $0x0  }
0x6b: {  	s24 =	sadd.s32 $0x1600, s22;
	[sflag:s31] =	ssyncadd.s32 $0xFFFFE0C0  }
0x6c: {  	[spmem:s1] =	stream.indirect.scatter.add.bf16 [tilespmem:s25], [sflag:$0xA], $0x40, s24, s16, $0xb8;
	[tilespmem:$0x16440] =	vst v63  }
0x6d: {  	_ =	swait.ge [sflag:s0], $0x1F40  }
0x6e: {  	[sflag:s0] =	ssyncset.done $0x0  }
0x6f: {  	s24 =	sadd.s32 $0x280, s22;
	[sflag:s0] =	ssyncadd.s32 $0xFFFFE0C0  }
0x70: {  	[tilespmem:s17], [sflag:$0x1] =	stream.indirect.gather [hbm4b:s4+s16], $0x40, s24, s16, $0xb8;
	[tilespmem:$0x16440] =	vst v63  }
0x71: {  	_ =	swait.ge [sflag:s2], $0x1F40  }
0x72: {  	[sflag:s2] =	ssyncset.done $0x0  }
0x73: {  	s24 =	sadd.s32 $0x300, s22;
	[sflag:s2] =	ssyncadd.s32 $0xFFFFE0C0  }
0x74: {  	[tilespmem:s19], [sflag:$0x2] =	stream.indirect.gather [hbm4b:s4+s16], $0x40, s24, s16, $0xb8;
	[tilespmem:$0x16440] =	vst v63  }
0x75: {  	_ =	swait.ge [sflag:s5], $0x1F40  }
0x76: {  	[sflag:s5] =	ssyncset.done $0x0  }
0x77: {  	s24 =	sadd.s32 $0x380, s22;
	[sflag:s5] =	ssyncadd.s32 $0xFFFFE0C0  }
0x78: {  	[tilespmem:s21], [sflag:$0x3] =	stream.indirect.gather [hbm4b:s4+s16], $0x40, s24, s16, $0xb8;
	[tilespmem:$0x16440] =	vst v63  }
0x79: {  	_ =	swait.ge [sflag:s7], $0x1F40  }
0x7a: {  	[sflag:s7] =	ssyncset.done $0x0  }
.Ltmp0:
0x7b: {  	s24 =	sadd.s32 $0x400, s22;
	[sflag:s7] =	ssyncadd.s32 $0xFFFFE0C0;
	(pc) =	sbr.rel @p0 .LBB2_2-.Ltmp0, $4  }
0x7c: {  	[tilespmem:s23], [sflag:$0x4] =	stream.indirect.gather [hbm4b:s4+s16], $0x40, s24, s16, $0xb8;
	[tilespmem:$0x16440] =	vst v63  }
0x7d: {  	_ =	swait.ge [sflag:s8], $0x1F40  }
0x7e: {  	[sflag:s8] =	ssyncset.done $0x0  }
0x7f: {  	s22 =	sadd.s32 $0x480, s22;
	[sflag:s8] =	ssyncadd.s32 $0xFFFFE0C0  }
0x80: {  	[tilespmem:s25], [sflag:$0x5] =	stream.indirect.gather [hbm4b:s4+s16], $0x40, s22, s16, $0xb8;
	[tilespmem:$0x16440] =	vst v63  }
0x81: {  	_ =	swait.ge [sflag:s26], $0x1F40  }
0x82: {  	[sflag:s26] =	ssyncset.done $0x0  }
0x83: {  	[sflag:s26] =	ssyncadd.s32 $0xFFFFE0C0  }
0x84: {  	[spmem:s1] =	stream.indirect.scatter.add.bf16 [tilespmem:s17], [sflag:$0x6], $0x40, s15, s16, $0xb8;
	[tilespmem:$0x16440] =	vst v63  }
0x85: {  	_ =	swait.ge [sflag:s28], $0x1F40  }
0x86: {  	[sflag:s28] =	ssyncset.done $0x0  }
0x87: {  	[sflag:s28] =	ssyncadd.s32 $0xFFFFE0C0  }
0x88: {  	[spmem:s1] =	stream.indirect.scatter.add.bf16 [tilespmem:s19], [sflag:$0x7], $0x40, s9, s16, $0xb8;
	[tilespmem:$0x16440] =	vst v63  }
0x89: {  	_ =	swait.ge [sflag:s29], $0x1F40  }
0x8a: {  	[sflag:s29] =	ssyncset.done $0x0  }
0x8b: {  	[sflag:s29] =	ssyncadd.s32 $0xFFFFE0C0  }
0x8c: {  	[spmem:s1] =	stream.indirect.scatter.add.bf16 [tilespmem:s21], [sflag:$0x8], $0x40, s10, s16, $0xb8;
	[tilespmem:$0x16440] =	vst v63  }
0x8d: {  	_ =	swait.ge [sflag:s30], $0x1F40  }
0x8e: {  	[sflag:s30] =	ssyncset.done $0x0  }
0x8f: {  	[sflag:s30] =	ssyncadd.s32 $0xFFFFE0C0  }
0x90: {  	[spmem:s1] =	stream.indirect.scatter.add.bf16 [tilespmem:s23], [sflag:$0x9], $0x40, s18, s16, $0xb8;
	[tilespmem:$0x16440] =	vst v63  }
0x91: {  	_ =	swait.ge [sflag:s31], $0x1F40  }
0x92: {  	[sflag:s31] =	ssyncset.done $0x0  }
0x93: {  	[sflag:s31] =	ssyncadd.s32 $0xFFFFE0C0  }
0x94: {  	[spmem:s1] =	stream.indirect.scatter.add.bf16 [tilespmem:s25], [sflag:$0xA], $0x40, s11, s16, $0xb8;
	[tilespmem:$0x16440] =	vst v63  }
0x95: {  	_ =	swait.ge [sflag:s0], $0x1F40  }
0x96: {  	[sflag:s0] =	ssyncset.done $0x0  }
0x97: {  	[sflag:s0] =	ssyncadd.s32 $0xFFFFE0C0  }
0x98: {  	_ =	swait.ge [sflag:s2], $0x1F40  }
0x99: {  	[sflag:s2] =	ssyncset.done $0x0  }
0x9a: {  	[sflag:s2] =	ssyncadd.s32 $0xFFFFE0C0  }
0x9b: {  	_ =	swait.ge [sflag:s5], $0x1F40  }
0x9c: {  	[sflag:s5] =	ssyncset.done $0x0  }
0x9d: {  	[sflag:s5] =	ssyncadd.s32 $0xFFFFE0C0  }
0x9e: {  	_ =	swait.ge [sflag:s7], $0x1F40  }
0x9f: {  	[sflag:s7] =	ssyncset.done $0x0  }
0xa0: {  	[sflag:s7] =	ssyncadd.s32 $0xFFFFE0C0  }
0xa1: {  	_ =	swait.ge [sflag:s8], $0x1F40  }
0xa2: {  	[sflag:s8] =	ssyncset.done $0x0  }
0xa3: {  	s20 =	simm.s32 $0x0;
	s24 =	rddreg [dreg:$0x6];
	[sflag:s8] =	ssyncadd.s32 $0xFFFFE0C0  }
0xa4: {  	[tilespmem:s20], [sflag:$0xB] =	stream.linear.gather [hbm4b:s24+s20], $0x1400, $0x38;
	[tilespmem:$0x16440] =	vst v63  }
0xa5: {  	_ =	swait.ge [sflag:s14], $0x1400  }
0xa6: {  	[sflag:s14] =	ssyncset.done $0x0  }
0xa7: {  	s24 =	simm.s32 $0x1400;
	s22 =	rddreg [dreg:$0x7];
	[sflag:s14] =	ssyncadd.s32 $0xFFFFEC00  }
0xa8: {  	[tilespmem:s24], [sflag:$0xB] =	stream.linear.gather [hbm4b:s22+s20], $0x1400, $0x38;
	[tilespmem:$0x16440] =	vst v63  }
0xa9: {  	_ =	swait.ge [sflag:s14], $0x1400  }
0xaa: {  	[sflag:s14] =	ssyncset.done $0x0  }
0xab: {  	[sflag:s14] =	ssyncadd.s32 $0xFFFFEC00  }
0xac: {  	[tilespmem:s17], [sflag:$0x1] =	stream.indirect.gather [hbm4b:s4+s16], $0x40, s20, s16, $0xb8;
	[tilespmem:$0x16440] =	vst v63  }
0xad: {  	s24 =	simm.s32 $0x80  }
0xae: {  	[tilespmem:s19], [sflag:$0x2] =	stream.indirect.gather [hbm4b:s4+s16], $0x40, s24, s16, $0xb8;
	[tilespmem:$0x16440] =	vst v63  }
0xaf: {  	s22 =	simm.s32 $0x100  }
0xb0: {  	[tilespmem:s21], [sflag:$0x3] =	stream.indirect.gather [hbm4b:s4+s16], $0x40, s22, s16, $0xb8;
	[tilespmem:$0x16440] =	vst v63  }
0xb1: {  	s24 =	simm.s32 $0x180  }
0xb2: {  	[tilespmem:s23], [sflag:$0x4] =	stream.indirect.gather [hbm4b:s4+s16], $0x40, s24, s16, $0xb8;
	[tilespmem:$0x16440] =	vst v63  }
0xb3: {  	s22 =	simm.s32 $0x200  }
0xb4: {  	[tilespmem:s25], [sflag:$0x5] =	stream.indirect.gather [hbm4b:s4+s16], $0x40, s22, s16, $0xb8;
	[tilespmem:$0x16440] =	vst v63  }
0xb5: {  	_ =	swait.ge [sflag:s26], $0x1F40  }
0xb6: {  	[sflag:s26] =	ssyncset.done $0x0  }
0xb7: {  	s24 =	simm.s32 $0x1400;
	[sflag:s26] =	ssyncadd.s32 $0xFFFFE0C0  }
0xb8: {  	[spmem:s1] =	stream.indirect.scatter.add.bf16 [tilespmem:s17], [sflag:$0x6], $0x40, s24, s16, $0xb8;
	[tilespmem:$0x16440] =	vst v63  }
0xb9: {  	_ =	swait.ge [sflag:s28], $0x1F40  }
0xba: {  	[sflag:s28] =	ssyncset.done $0x0  }
0xbb: {  	s22 =	simm.s32 $0x1480;
	[sflag:s28] =	ssyncadd.s32 $0xFFFFE0C0  }
0xbc: {  	[spmem:s1] =	stream.indirect.scatter.add.bf16 [tilespmem:s19], [sflag:$0x7], $0x40, s22, s16, $0xb8;
	[tilespmem:$0x16440] =	vst v63  }
0xbd: {  	_ =	swait.ge [sflag:s29], $0x1F40  }
0xbe: {  	[sflag:s29] =	ssyncset.done $0x0  }
0xbf: {  	s24 =	simm.s32 $0x1500;
	[sflag:s29] =	ssyncadd.s32 $0xFFFFE0C0  }
0xc0: {  	[spmem:s1] =	stream.indirect.scatter.add.bf16 [tilespmem:s21], [sflag:$0x8], $0x40, s24, s16, $0xb8;
	[tilespmem:$0x16440] =	vst v63  }
0xc1: {  	_ =	swait.ge [sflag:s30], $0x1F40  }
0xc2: {  	[sflag:s30] =	ssyncset.done $0x0  }
0xc3: {  	s22 =	simm.s32 $0x1580;
	[sflag:s30] =	ssyncadd.s32 $0xFFFFE0C0  }
0xc4: {  	[spmem:s1] =	stream.indirect.scatter.add.bf16 [tilespmem:s23], [sflag:$0x9], $0x40, s22, s16, $0xb8;
	[tilespmem:$0x16440] =	vst v63  }
0xc5: {  	_ =	swait.ge [sflag:s31], $0x1F40  }
0xc6: {  	[sflag:s31] =	ssyncset.done $0x0  }
0xc7: {  	s24 =	simm.s32 $0x1600;
	[sflag:s31] =	ssyncadd.s32 $0xFFFFE0C0  }
0xc8: {  	[spmem:s1] =	stream.indirect.scatter.add.bf16 [tilespmem:s25], [sflag:$0xA], $0x40, s24, s16, $0xb8;
	[tilespmem:$0x16440] =	vst v63  }
0xc9: {  	_ =	swait.ge [sflag:s0], $0x1F40  }
0xca: {  	[sflag:s0] =	ssyncset.done $0x0  }
0xcb: {  	s22 =	simm.s32 $0x280;
	[sflag:s0] =	ssyncadd.s32 $0xFFFFE0C0  }
0xcc: {  	[tilespmem:s17], [sflag:$0x1] =	stream.indirect.gather [hbm4b:s4+s16], $0x40, s22, s16, $0xb8;
	[tilespmem:$0x16440] =	vst v63  }
0xcd: {  	_ =	swait.ge [sflag:s2], $0x1F40  }
0xce: {  	[sflag:s2] =	ssyncset.done $0x0  }
0xcf: {  	s24 =	simm.s32 $0x300;
	[sflag:s2] =	ssyncadd.s32 $0xFFFFE0C0  }
0xd0: {  	[tilespmem:s19], [sflag:$0x2] =	stream.indirect.gather [hbm4b:s4+s16], $0x40, s24, s16, $0xb8;
	[tilespmem:$0x16440] =	vst v63  }
0xd1: {  	_ =	swait.ge [sflag:s5], $0x1F40  }
0xd2: {  	[sflag:s5] =	ssyncset.done $0x0  }
0xd3: {  	s22 =	simm.s32 $0x380;
	[sflag:s5] =	ssyncadd.s32 $0xFFFFE0C0  }
0xd4: {  	[tilespmem:s21], [sflag:$0x3] =	stream.indirect.gather [hbm4b:s4+s16], $0x40, s22, s16, $0xb8;
	[tilespmem:$0x16440] =	vst v63  }
0xd5: {  	_ =	swait.ge [sflag:s7], $0x1F40  }
0xd6: {  	[sflag:s7] =	ssyncset.done $0x0  }
0xd7: {  	s24 =	simm.s32 $0x400;
	[sflag:s7] =	ssyncadd.s32 $0xFFFFE0C0  }
0xd8: {  	[tilespmem:s23], [sflag:$0x4] =	stream.indirect.gather [hbm4b:s4+s16], $0x40, s24, s16, $0xb8;
	[tilespmem:$0x16440] =	vst v63  }
0xd9: {  	_ =	swait.ge [sflag:s8], $0x1F40  }
0xda: {  	[sflag:s8] =	ssyncset.done $0x0  }
0xdb: {  	s20 =	simm.s32 $0xA00;
	s22 =	simm.s32 $0x480;
	[sflag:s8] =	ssyncadd.s32 $0xFFFFE0C0  }
.LBB2_4:
0xdc: {  	[tilespmem:s25], [sflag:$0x5] =	stream.indirect.gather [hbm4b:s4+s16], $0x40, s22, s16, $0xb8;
	[tilespmem:$0x16440] =	vst v63  }
0xdd: {  	s22 =	smov.u32 s20  }
0xde: {  	p0 =	sne.s32 s20, $0x3C00;
	s20 =	sadd.s32 $0xA00, s20;
	_ =	swait.ge [sflag:s26], $0x1F40  }
0xdf: {  	s22 =	sshra.s32 s22, $0x2;
	[sflag:s26] =	ssyncset.done $0x0  }
0xe0: {  	s24 =	sadd.s32 $0x1400, s22;
	[sflag:s26] =	ssyncadd.s32 $0xFFFFE0C0  }
0xe1: {  	[spmem:s1] =	stream.indirect.scatter.add.bf16 [tilespmem:s17], [sflag:$0x6], $0x40, s24, s16, $0xb8;
	[tilespmem:$0x16440] =	vst v63  }
0xe2: {  	_ =	swait.ge [sflag:s28], $0x1F40  }
0xe3: {  	[sflag:s28] =	ssyncset.done $0x0  }
0xe4: {  	s24 =	sadd.s32 $0x1480, s22;
	[sflag:s28] =	ssyncadd.s32 $0xFFFFE0C0  }
0xe5: {  	[spmem:s1] =	stream.indirect.scatter.add.bf16 [tilespmem:s19], [sflag:$0x7], $0x40, s24, s16, $0xb8;
	[tilespmem:$0x16440] =	vst v63  }
0xe6: {  	_ =	swait.ge [sflag:s29], $0x1F40  }
0xe7: {  	[sflag:s29] =	ssyncset.done $0x0  }
0xe8: {  	s24 =	sadd.s32 $0x1500, s22;
	[sflag:s29] =	ssyncadd.s32 $0xFFFFE0C0  }
0xe9: {  	[spmem:s1] =	stream.indirect.scatter.add.bf16 [tilespmem:s21], [sflag:$0x8], $0x40, s24, s16, $0xb8;
	[tilespmem:$0x16440] =	vst v63  }
0xea: {  	_ =	swait.ge [sflag:s30], $0x1F40  }
0xeb: {  	[sflag:s30] =	ssyncset.done $0x0  }
0xec: {  	s24 =	sadd.s32 $0x1580, s22;
	[sflag:s30] =	ssyncadd.s32 $0xFFFFE0C0  }
0xed: {  	[spmem:s1] =	stream.indirect.scatter.add.bf16 [tilespmem:s23], [sflag:$0x9], $0x40, s24, s16, $0xb8;
	[tilespmem:$0x16440] =	vst v63  }
0xee: {  	_ =	swait.ge [sflag:s31], $0x1F40  }
0xef: {  	[sflag:s31] =	ssyncset.done $0x0  }
0xf0: {  	s24 =	sadd.s32 $0x1600, s22;
	[sflag:s31] =	ssyncadd.s32 $0xFFFFE0C0  }
0xf1: {  	[spmem:s1] =	stream.indirect.scatter.add.bf16 [tilespmem:s25], [sflag:$0xA], $0x40, s24, s16, $0xb8;
	[tilespmem:$0x16440] =	vst v63  }
0xf2: {  	_ =	swait.ge [sflag:s0], $0x1F40  }
0xf3: {  	[sflag:s0] =	ssyncset.done $0x0  }
0xf4: {  	s24 =	sadd.s32 $0x280, s22;
	[sflag:s0] =	ssyncadd.s32 $0xFFFFE0C0  }
0xf5: {  	[tilespmem:s17], [sflag:$0x1] =	stream.indirect.gather [hbm4b:s4+s16], $0x40, s24, s16, $0xb8;
	[tilespmem:$0x16440] =	vst v63  }
0xf6: {  	_ =	swait.ge [sflag:s2], $0x1F40  }
0xf7: {  	[sflag:s2] =	ssyncset.done $0x0  }
0xf8: {  	s24 =	sadd.s32 $0x300, s22;
	[sflag:s2] =	ssyncadd.s32 $0xFFFFE0C0  }
0xf9: {  	[tilespmem:s19], [sflag:$0x2] =	stream.indirect.gather [hbm4b:s4+s16], $0x40, s24, s16, $0xb8;
	[tilespmem:$0x16440] =	vst v63  }
0xfa: {  	_ =	swait.ge [sflag:s5], $0x1F40  }
0xfb: {  	[sflag:s5] =	ssyncset.done $0x0  }
0xfc: {  	s24 =	sadd.s32 $0x380, s22;
	[sflag:s5] =	ssyncadd.s32 $0xFFFFE0C0  }
0xfd: {  	[tilespmem:s21], [sflag:$0x3] =	stream.indirect.gather [hbm4b:s4+s16], $0x40, s24, s16, $0xb8;
	[tilespmem:$0x16440] =	vst v63  }
0xfe: {  	_ =	swait.ge [sflag:s7], $0x1F40  }
0xff: {  	[sflag:s7] =	ssyncset.done $0x0  }
.Ltmp1:
0x100: {  	s24 =	sadd.s32 $0x400, s22;
	[sflag:s7] =	ssyncadd.s32 $0xFFFFE0C0;
	(pc) =	sbr.rel @p0 .LBB2_4-.Ltmp1, $4  }
0x101: {  	[tilespmem:s23], [sflag:$0x4] =	stream.indirect.gather [hbm4b:s4+s16], $0x40, s24, s16, $0xb8;
	[tilespmem:$0x16440] =	vst v63  }
0x102: {  	_ =	swait.ge [sflag:s8], $0x1F40  }
0x103: {  	[sflag:s8] =	ssyncset.done $0x0  }
0x104: {  	s22 =	sadd.s32 $0x480, s22;
	[sflag:s8] =	ssyncadd.s32 $0xFFFFE0C0  }
0x105: {  	[tilespmem:s25], [sflag:$0x5] =	stream.indirect.gather [hbm4b:s4+s16], $0x40, s22, s16, $0xb8;
	[tilespmem:$0x16440] =	vst v63  }
0x106: {  	_ =	swait.ge [sflag:s26], $0x1F40  }
0x107: {  	[sflag:s26] =	ssyncset.done $0x0  }
0x108: {  	[sflag:s26] =	ssyncadd.s32 $0xFFFFE0C0  }
0x109: {  	[spmem:s1] =	stream.indirect.scatter.add.bf16 [tilespmem:s17], [sflag:$0x6], $0x40, s15, s16, $0xb8;
	[tilespmem:$0x16440] =	vst v63  }
0x10a: {  	_ =	swait.ge [sflag:s28], $0x1F40  }
0x10b: {  	[sflag:s28] =	ssyncset.done $0x0  }
0x10c: {  	[sflag:s28] =	ssyncadd.s32 $0xFFFFE0C0  }
0x10d: {  	[spmem:s1] =	stream.indirect.scatter.add.bf16 [tilespmem:s19], [sflag:$0x7], $0x40, s9, s16, $0xb8;
	[tilespmem:$0x16440] =	vst v63  }
0x10e: {  	_ =	swait.ge [sflag:s29], $0x1F40  }
0x10f: {  	[sflag:s29] =	ssyncset.done $0x0  }
0x110: {  	[sflag:s29] =	ssyncadd.s32 $0xFFFFE0C0  }
0x111: {  	[spmem:s1] =	stream.indirect.scatter.add.bf16 [tilespmem:s21], [sflag:$0x8], $0x40, s10, s16, $0xb8;
	[tilespmem:$0x16440] =	vst v63  }
0x112: {  	_ =	swait.ge [sflag:s30], $0x1F40  }
0x113: {  	[sflag:s30] =	ssyncset.done $0x0  }
0x114: {  	[sflag:s30] =	ssyncadd.s32 $0xFFFFE0C0  }
0x115: {  	[spmem:s1] =	stream.indirect.scatter.add.bf16 [tilespmem:s23], [sflag:$0x9], $0x40, s18, s16, $0xb8;
	[tilespmem:$0x16440] =	vst v63  }
0x116: {  	_ =	swait.ge [sflag:s31], $0x1F40  }
0x117: {  	[sflag:s31] =	ssyncset.done $0x0  }
0x118: {  	[sflag:s31] =	ssyncadd.s32 $0xFFFFE0C0  }
0x119: {  	[spmem:s1] =	stream.indirect.scatter.add.bf16 [tilespmem:s25], [sflag:$0xA], $0x40, s11, s16, $0xb8;
	[tilespmem:$0x16440] =	vst v63  }
0x11a: {  	_ =	swait.ge [sflag:s0], $0x1F40  }
0x11b: {  	[sflag:s0] =	ssyncset.done $0x0  }
0x11c: {  	[sflag:s0] =	ssyncadd.s32 $0xFFFFE0C0  }
0x11d: {  	_ =	swait.ge [sflag:s2], $0x1F40  }
0x11e: {  	[sflag:s2] =	ssyncset.done $0x0  }
0x11f: {  	[sflag:s2] =	ssyncadd.s32 $0xFFFFE0C0  }
0x120: {  	_ =	swait.ge [sflag:s5], $0x1F40  }
0x121: {  	[sflag:s5] =	ssyncset.done $0x0  }
0x122: {  	[sflag:s5] =	ssyncadd.s32 $0xFFFFE0C0  }
0x123: {  	_ =	swait.ge [sflag:s7], $0x1F40  }
0x124: {  	[sflag:s7] =	ssyncset.done $0x0  }
0x125: {  	[sflag:s7] =	ssyncadd.s32 $0xFFFFE0C0  }
0x126: {  	_ =	swait.ge [sflag:s8], $0x1F40  }
0x127: {  	[sflag:s8] =	ssyncset.done $0x0  }
0x128: {  	[sflag:s8] =	ssyncadd.s32 $0xFFFFE0C0  }
0x129: {  	[bflag:$0x0] =	sbarrier.arrive $0xFFFF  }
0x12a: {  	s20 =	rddreg [dreg:$0x8]  }
0x12b: {  	[hbm:s20], [sflag:s6] =	dma.local [spmem:s13], $0x1400  }
0x12c: {  	_ =	swait.ge [sflag:s14], $0x1400  }
0x12d: {  	s12 =	sadd.s32 $0x1, s12;
	s24 =	rddreg [dreg:$0x9]  }
0x12e: {  	p0 =	sne.s32 s12, s24  }
.Ltmp2:
0x12f: {  	_ = 	snop;
	(pc) =	sbr.rel @p0 .LBB2_1-.Ltmp2, $3  }
0x130: {  	_ =	sdelay $0x1  }
0x131: {  	[sflag:s14] =	ssyncset.done $0x0  }
0x132: {  	[sflag:s14] =	ssyncadd.s32 $0xFFFFEC00  }
0x133: {  	_ =	sfence.sel $0x180000  }
0x134: {  	[bflag:$0x0] =	sbarrier.arrive $0xFFFF  }
0x135: {  	_ =	strace $0x9000004A  }
0x136: {  	s0 =	stileid.u32;
	[bflag:$0x2] =	sbarrier.arrive $0xFFFF  }
0x137: {  	p0 =	sne.s32 s0, $0x0;
	s0 =	rddreg [dreg:$0x2]  }
0x138: {  	s0 =	sadd.s32 @!p0 $0x100000, s0  }
0x139: {  	[sflag:s0] =	ssyncadd.tile.s32 @!p0 $0x1;
	_ =	shalt  }
.Lfunc_end2:
_tile_overlayer_lowered:
.L_overlay_start_2:
0x13a: {  	(tag) =	ssettag $0x2  }
0x13b: {  	s0 =	rddreg [dreg:$0x0];
	s2 =	stileid.u32  }
0x13c: {  	s1 =	rddreg [dreg:$0x1];
	p0 =	sne.s32 s2, $0x0  }
0x13d: {  	s3 =	rddreg [dreg:$0x2];
	[bflag:$0x3] =	sbarrier.arrive $0xFFFF;
	s2 =	simm.s32 @!p0 $0x1C0B  }
0x13e: {  	[timem:s3], [sflag:s2] =	dma.local @!p0 [hbm:s0], s1  }
0x13f: {  	s0 =	simm.s32 @!p0 $0xB  }
0x140: {  	_ =	swait.ge @!p0 [sflag:s0], s1  }
0x141: {  	s1 =	ssub.s32 @!p0 $0x0, s1;
	[sflag:s0] =	ssyncset.done @!p0 $0x0  }
0x142: {  	[sflag:s0] =	ssyncadd.s32 @!p0 s1  }
0x143: {  	[bflag:$0x3] =	sbarrier.arrive $0xFFFF  }
0x144: {  	_ =	shalt  }

// kernel: kernel.14.cloned.1.call-start
scs
__scs_entry_jumppad:
0x0: {  	(pc) =	sbr.rel $0x88, $3  }
0x1: {  	(tag) =	ssettag $0x0;
	lr =	simm.s32 $0x1  }
0x2: {  	[smem:$0x3F97] =	sst lr;
	_ =	strace $0xD0000000  }
0x3: {  	_ = 	snop  }
0x4: {  	_ = 	snop  }
0x5: {  	_ = 	snop  }
0x6: {  	_ = 	snop  }
0x7: {  	_ = 	snop  }
__scs_overlays_trampoline_lowered:
0x8: {  	[smem:$0x3FA6] =	sst s0  }
0x9: {  	[smem:$0x3FA7] =	sst s1  }
0xa: {  	[smem:$0x3FA8] =	sst s2  }
0xb: {  	[smem:$0x3FA9] =	sst s3  }
0xc: {  	[smem:$0x3FAA] =	sst s4  }
0xd: {  	[smem:$0x3FAB] =	sst s5  }
0xe: {  	[smem:$0x3FAC] =	sst s6  }
0xf: {  	[smem:$0x3FAD] =	sst s7  }
0x10: {  	[smem:$0x3FAE] =	sst s8  }
0x11: {  	[smem:$0x3FAF] =	sst s9;
	s0 =	simm.s32 @!p0 $0x0  }
0x12: {  	s1 =	sld [smem:$0x3F95];
	s0 =	simm.s32 @p0 $0x1  }
0x13: {  	[smem:$0x3FB0] =	sst s0;
	s0 =	simm.s32 @!p1 $0x0  }
0x14: {  	s2 =	sld [smem:$0x3F94];
	s0 =	simm.s32 @p1 $0x1  }
0x15: {  	[smem:$0x3FB1] =	sst s0;
	s0 =	simm.s32 @!p2 $0x0  }
0x16: {  	s3 =	sld [smem:$0x3FDB];
	s0 =	simm.s32 @p2 $0x1  }
0x17: {  	s4 =	simm.s32 $0x1BF5;
	[smem:$0x3FB3] =	sst s0  }
0x18: {  	s0 =	sld [smem:$0x3F96];
	_ =	swait.ge [sflag:s4], $0x0  }
0x19: {  	s7 =	sld [smem:$0x3F97]  }
0x1a: {  	s8 =	sadd.s32 $0xFFFFE003, lr  }
0x1b: {  	s9 =	sadd.s32 $0xFFFFFEF7, lr;
	s5 =	simm.s32 $0xFFFFFFFF;
	p2 =	slt.u32 s8, $0xFFFFF086  }
0x1c: {  	p1 =	slt.u32 s9, $0xF7A;
	s5 =	simm.s32 @!p2 $0x0  }
0x1d: {  	s5 =	simm.s32 @p1 $0x1;
	p0 =	seq.s32 s7, s2  }
0x1e: {  	s7 =	smul.u32 @!p0 $0xF7A, s2;
	p2 =	seq.s32 @!p0 s5, $0x0  }
0x1f: {  	s9 =	smul.u32 $0xF7A, s1;
	s8 =	simm.s32 @!p0 $0x1BF5;
	p2 =	por !p2, p0  }
0x20: {  	[sflag:s8] =	ssyncset.s32 @!p0 $0xFFFFF086;
	s6 =	sadd.s32 @!p0 s3, s7;
	s7 =	simm.s32 @!p0 $0x108  }
0x21: {  	s3 =	sadd.s32 s3, s9;
	s6 =	sadd.s32 @!p0 $0x88, s6;
	s7 =	simm.s32 @p2 $0x1082  }
0x22: {  	[simem:s7], [sflag:s8] =	dma.local @!p0 [hbm:s6], $0xF7A  }
0x23: {  	s9 =	sor.u32 $0xD0000000, s2;
	s6 =	simm.s32 $0x108;
	_ =	swait.ge @!p0 [sflag:s8], $0x0  }
0x24: {  	s3 =	sadd.s32 $0x88, s3;
	s6 =	simm.s32 @!p1 $0x1082;
	[sflag:s4] =	ssyncset.s32 $0xFFFFF086  }
0x25: {  	[simem:s6], [sflag:s4] =	dma.local [hbm:s3], $0xF7A  }
0x26: {  	[smem:$0x3F97] =	sst s1;
	(tag) =	ssettag s2;
	_ =	strace s9  }
0x27: {  	s1 =	sld [smem:$0x3FA7]  }
0x28: {  	s2 =	sld [smem:$0x3FA8]  }
0x29: {  	s4 =	sld [smem:$0x3FAA]  }
0x2a: {  	p0 =	seq.s32 s5, $0x0;
	s5 =	sld [smem:$0x3FAB]  }
0x2b: {  	s6 =	sld [smem:$0x3FAC]  }
0x2c: {  	s7 =	sld [smem:$0x3FAD]  }
0x2d: {  	s3 =	simm.s32 $0x108;
	s8 =	sld [smem:$0x3FAE]  }
0x2e: {  	s3 =	simm.s32 @!p0 $0x1082;
	s9 =	sld [smem:$0x3FAF]  }
0x2f: {  	lr =	sadd.s32 s0, s3;
	s0 =	sld [smem:$0x3FA6]  }
0x30: {  	s3 =	sld [smem:$0x3FA9]  }
0x31: {  	[smem:$0x3FB2] =	sst s10  }
0x32: {  	s10 =	sld [smem:$0x3FB0];
	_ =	sdelay $0x3  }
0x33: {  	p0 =	seq.s32 s10, $0x1;
	s10 =	sld [smem:$0x3FB2];
	_ =	sdelay $0x3  }
0x34: {  	[smem:$0x3FB2] =	sst s10  }
0x35: {  	s10 =	sld [smem:$0x3FB1];
	_ =	sdelay $0x3  }
0x36: {  	p1 =	seq.s32 s10, $0x1;
	s10 =	sld [smem:$0x3FB2];
	_ =	sdelay $0x3  }
0x37: {  	[smem:$0x3FB2] =	sst s10  }
0x38: {  	s10 =	sld [smem:$0x3FB3]  }
0x39: {  	_ = 	snop;
	(pc) =	sbr.ind lr, $3  }
0x3a: {  	_ = 	snop  }
0x3b: {  	_ = 	snop  }
0x3c: {  	p2 =	seq.s32 s10, $0x1;
	s10 =	sld [smem:$0x3FB2]  }
0x3d: {  	_ =	shalt  }
0x3e: {  	_ =	shalt  }
0x3f: {  	_ =	shalt  }
0x40: {  	_ =	shalt  }
0x41: {  	_ =	shalt  }
0x42: {  	_ =	shalt  }
0x43: {  	_ =	shalt  }
0x44: {  	_ =	shalt  }
0x45: {  	_ =	shalt  }
0x46: {  	_ =	shalt  }
0x47: {  	_ =	shalt  }
0x48: {  	_ =	shalt  }
0x49: {  	_ =	shalt  }
0x4a: {  	_ =	shalt  }
0x4b: {  	_ =	shalt  }
0x4c: {  	_ =	shalt  }
0x4d: {  	_ =	shalt  }
0x4e: {  	_ =	shalt  }
0x4f: {  	_ =	shalt  }
0x50: {  	_ =	shalt  }
0x51: {  	_ =	shalt  }
0x52: {  	_ =	shalt  }
0x53: {  	_ =	shalt  }
0x54: {  	_ =	shalt  }
0x55: {  	_ =	shalt  }
0x56: {  	_ =	shalt  }
0x57: {  	_ =	shalt  }
0x58: {  	_ =	shalt  }
0x59: {  	_ =	shalt  }
0x5a: {  	_ =	shalt  }
0x5b: {  	_ =	shalt  }
0x5c: {  	_ =	shalt  }
0x5d: {  	_ =	shalt  }
0x5e: {  	_ =	shalt  }
0x5f: {  	_ =	shalt  }
0x60: {  	_ =	shalt  }
0x61: {  	_ =	shalt  }
0x62: {  	_ =	shalt  }
0x63: {  	_ =	shalt  }
0x64: {  	_ =	shalt  }
0x65: {  	_ =	shalt  }
0x66: {  	_ =	shalt  }
0x67: {  	_ =	shalt  }
0x68: {  	_ =	shalt  }
0x69: {  	_ =	shalt  }
0x6a: {  	_ =	shalt  }
0x6b: {  	_ =	shalt  }
0x6c: {  	_ =	shalt  }
0x6d: {  	_ =	shalt  }
0x6e: {  	_ =	shalt  }
0x6f: {  	_ =	shalt  }
0x70: {  	_ =	shalt  }
0x71: {  	_ =	shalt  }
0x72: {  	_ =	shalt  }
0x73: {  	_ =	shalt  }
0x74: {  	_ =	shalt  }
0x75: {  	_ =	shalt  }
0x76: {  	_ =	shalt  }
0x77: {  	_ =	shalt  }
0x78: {  	_ =	shalt  }
0x79: {  	_ =	shalt  }
0x7a: {  	_ =	shalt  }
0x7b: {  	_ =	shalt  }
0x7c: {  	_ =	shalt  }
0x7d: {  	_ =	shalt  }
0x7e: {  	_ =	shalt  }
0x7f: {  	_ =	shalt  }
0x80: {  	_ =	shalt  }
0x81: {  	_ =	shalt  }
0x82: {  	_ =	shalt  }
0x83: {  	_ =	shalt  }
0x84: {  	_ =	shalt  }
0x85: {  	_ =	shalt  }
0x86: {  	_ =	shalt  }
0x87: {  	_ =	shalt  }
.Lfunc_end0:
.L_simem_size_0:
called_computation.2_lowered:
.L_overlay_start_0:
0x88: {  	s2 =	sld [smem:$0x3FD9]  }
0x89: {  	s3 =	sld [smem:$0x3FFE];
	_ =	sdelay $0x1  }
0x8a: {  	s1 =	srdreg.scid  }
0x8b: {  	s0 =	sand.u32 $0x1, s1  }
0x8c: {  	s16 =	sshll.u32 s0, $0xA;
	s2 =	sadd.s32 s3, s2  }
0x8d: {  	s2 =	sadd.s32 s2, s16  }
0x8e: {  	[smem:$0x3FBE] =	sst s2  }
0x8f: {  	_ = 	snop  }
0x90: {  	(tm) =	ssettm $0x1  }
0x91: {  	s17 =	sld [smem:$0x3FFB];
	_ =	sdelay $0x3  }
0x92: {  	_ =	strace s17  }
0x93: {  	s2 =	sld [smem:$0x3FFC];
	_ =	sdelay $0x3  }
0x94: {  	_ =	strace s2  }
0x95: {  	s2 =	sld [smem:$0x3FFD];
	_ =	sdelay $0x3  }
0x96: {  	_ =	strace s2  }
0x97: {  	_ =	strace $0x8FFFFFFF  }
0x98: {  	s18 =	sld [smem:$0x3FDB];
	_ =	sdelay $0x1  }
0x99: {  	s19 =	simm.s32 $_scs_section_size  }
0x9a: {  	s4 =	simm.s32 $_size__tile_overlayer_lowered;
	s5 =	simm.s32 $_tile_overlayer_lowered  }
0x9b: {  	s22 =	simm.s32 $0x1BFF;
	s21 =	sshll.u32 s5, $0x1;
	s2 =	sadd.s32 s19, s18  }
0x9c: {  	s6 =	simm.s32 $0x0;
	s20 =	sshll.u32 s4, $0x1;
	s4 =	sadd.s32 s21, s2  }
0x9d: {  	[timem:s6], [sflag:s22] =	dma.local [hbm:s4], s20  }
0x9e: {  	_ =	swait.ge [sflag:s22], s20  }
0x9f: {  	s3 =	ssub.s32 $0x0, s20;
	[sflag:s22] =	ssyncset.done $0x0  }
0xa0: {  	[sflag:s22] =	ssyncadd.s32 s3;
	_ =	sdelay $0x1  }
0xa1: {  	s23 =	simm.s32 $0x1B8B  }
0xa2: {  	_ =	swait.ge [sflag:s23], $0x1  }
0xa3: {  	[sflag:s23] =	ssyncset.done $0x0  }
0xa4: {  	s25 =	simm.s32 $0x1B8E;
	s24 =	sld [smem:$0x3FFE];
	[sflag:s23] =	ssyncadd.s32 $0xFFFFFFFF  }
0xa5: {  	s26 =	simm.s32 $execute0_lowered;
	[smem:$0x3FD2] =	sst s25  }
0xa6: {  	s4 =	sshll.u32 s26, $0x1;
	_ =	strace $0x8000004C;
	[dreg:$0x1] =	wrdreg $0xFFFFFFFF  }
0xa7: {  	s28 =	simm.s32 $_size_execute0_lowered;
	s2 =	sadd.s32 s2, s4;
	[dreg:$0x0] =	wrdreg $0x0  }
0xa8: {  	s4 =	sshll.u32 s28, $0x1;
	[dreg:$0x2] =	wrdreg s2  }
0xa9: {  	[dreg:$0x3] =	wrdreg s4  }
0xaa: {  	[dreg:$0x4] =	wrdreg $0xC0  }
0xab: {  	_ =	task [dreg:s6], $0x5FFFF  }
0xac: {  	[dreg:$0x1] =	wrdreg $0xFFFFFFFF  }
0xad: {  	[dreg:$0x0] =	wrdreg $0x60  }
0xae: {  	[dreg:$0x2] =	wrdreg s24  }
0xaf: {  	[dreg:$0x3] =	wrdreg $0x62200  }
0xb0: {  	[dreg:$0x4] =	wrdreg $0x9  }
0xb1: {  	_ =	task.clear_ibuf [dreg:s6], $0x5FFFF;
	_ =	strace $0x9000004C  }
0xb2: {  	s29 =	simm.s32 $0x9;
	_ =	strace $0x8000004E  }
0xb3: {  	_ =	swait.ge [sflag:s29], $0x1  }
0xb4: {  	[sflag:s29] =	ssyncadd.s32 $0xFFFFFFFF  }
0xb5: {  	_ =	strace $0x9000004E  }
0xb6: {  	_ =	sfence  }
0xb7: {  	s30 =	sld [smem:$0x0];
	_ =	sdelay $0x2  }
0xb8: {  	s31 =	sshll.u32 s1, $0xD;
	s1 =	sshrl.u32 s1, $0x2  }
0xb9: {  	s3 =	sand.u32 $0x4000, s31;
	s1 =	sadd.s32 s1, s30  }
0xba: {  	s0 =	sor.u32 s3, s0;
	s1 =	sshll.u32 s1, $0x11  }
0xbb: {  	s0 =	sor.u32 s1, s0  }
0xbc: {  	s0 =	sadd.s32 $0x8F2B, s0  }
0xbd: {  	[sflag:s0] =	ssyncadd.remote.s32 $0x1  }
0xbe: {  	_ =	sfence.sel $0xFFFF  }
0xbf: {  	[dreg:$0x0] =	wrdreg $0xFFFFFFFF;
	(pc) =	sbr.abs _section_cstart, $3  }
0xc0: {  	[dreg:$0x1] =	wrdreg $0xFFFFFFFF  }
0xc1: {  	_ =	task.clear_ibuf [dreg:s6], $0x2FFFF;
	_ =	strace $0x9FFFFFFF  }
0xc2: {  	(tm) =	ssettm $0x7FFFFFFF  }
0xc3: {  	_ =	shalt  }
tec
execute0_lowered:
.L_overlay_start_1:
0x0: {  	(tag) =	ssettag $0x1  }
0x1: {  	s5 =	rddreg [dreg:$0x0]  }
0x2: {  	s1 =	rddreg [dreg:$0x1];
	v0 =	vlaneseq.u32  }
0x3: {  	s2 =	srdreg.scid;
	s0 =	rddreg [dreg:$0x2];
	v0 =	vmul.u32 $0x10, v0  }
0x4: {  	s3 =	simm.s32 $0x0;
	s15 =	simm.s32 $0x7D;
	s16 =	simm.s32 $0x2800  }
0x5: {  	s17 =	simm.s32 $0x80;
	s18 =	simm.s32 $0x2FD0;
	s19 =	simm.s32 $0x1;
	v1 =	vor.u32 $0x100, v0;
	v2 =	vor.u32 $0x200, v0;
	v3 =	vor.u32 $0x300, v0  }
0x6: {  	s20 =	simm.s32 $0x2;
	s21 =	simm.s32 $0x2700;
	s22 =	simm.s32 $0x2780;
	v4 =	vor.u32 $0x400, v0;
	v5 =	vor.u32 $0x500, v0;
	v6 =	vor.u32 $0x600, v0  }
0x7: {  	s23 =	simm.s32 $0x37A0;
	s24 =	simm.s32 $0x5FA0;
	s6 =	sand.u32 $0x1, s2;
	v7 =	vor.u32 $0x700, v0;
	v8 =	vor.u32 $0x800, v0;
	v9 =	vor.u32 $0x900, v0  }
0x8: {  	s25 =	simm.s32 $0x0;
	s2 =	stileid.u32;
	s7 =	smul.u32 $0x2800, s6;
	v10 =	vor.u32 $0xA00, v0;
	v11 =	vor.u32 $0xB00, v0;
	v12 =	vor.u32 $0xC00, v0  }
0x9: {  	[smem:$0x7FF] =	sst s3;
	s4 =	sshll.u32 s6, $0x4;
	s8 =	smul.u32 $0x280, s2;
	v13 =	vor.u32 $0xD00, v0;
	v14 =	vor.u32 $0xE00, v0;
	v15 =	vor.u32 $0xF00, v0  }
0xa: {  	_ =	strace $0x8000004D;
	s6 =	ssub.s32 $0x2, s6;
	s30 =	smul.u32 $0x2800, s2;
	v16 =	vor.u32 $0x1000, v0;
	v17 =	vor.u32 $0x1100, v0;
	v18 =	vor.u32 $0x1200, v0  }
0xb: {  	s13 =	sshll.u32 s2, $0x6;
	s9 =	sor.u32 s2, s4;
	s4 =	sadd.s32 $0x5600, s5;
	v19 =	vor.u32 $0x1300, v0;
	v20 =	vor.u32 $0x1400, v0;
	v21 =	vor.u32 $0x1500, v0  }
0xc: {  	s31 =	sshrl.u32 s6, $0x1;
	v22 =	vor.u32 $0x1600, v0;
	v23 =	vor.u32 $0x1700, v0;
	v24 =	vor.u32 $0x1800, v0;
	s13 =	sor.u32 $0x1C03, s13;
	s9 =	smul.u32 $0x280, s9  }
0xd: {  	v25 =	vor.u32 $0x1900, v0;
	v26 =	vor.u32 $0x1A00, v0;
	v27 =	vor.u32 $0x1B00, v0;
	s7 =	sadd.s32 s8, s7;
	s11 =	ssub.s32 s6, s31;
	s12 =	sshrl.u32 s30, $0x3  }
0xe: {  	v28 =	vor.u32 $0x1C00, v0;
	v29 =	vor.u32 $0x1D00, v0;
	v30 =	vor.u32 $0x1E00, v0;
	s7 =	sshrl.u32 s7, $0x3;
	s8 =	sadd.s32 s4, s12;
	s12 =	simm.s32 $0x1400  }
0xf: {  	v31 =	vor.u32 $0x1F00, v0;
	v32 =	vor.u32 $0x2000, v0;
	v33 =	vor.u32 $0x2100, v0;
	s9 =	sadd.s32 s9, s5;
	s10 =	sadd.s32 s7, s5;
	s7 =	sadd.s32 s30, s1  }
0x10: {  	v34 =	vor.u32 $0x2200, v0;
	v35 =	vor.u32 $0x2300, v0;
	v36 =	vor.u32 $0x2400, v0;
	s5 =	sadd.s32 $0x60000, s9;
	s6 =	sadd.s32 $0x600, s9;
	s9 =	sadd.s32 $0xA600, s10  }
0x11: {  	v37 =	vor.u32 $0x2500, v0;
	v38 =	vor.u32 $0x2600, v0;
	v39 =	vor.u32 $0x2700, v0;
	s10 =	smax.u32 s11, $0x1;
	s11 =	simm.s32 $0x3;
	s14 =	sshrl.u32 s7, $0x3  }
.LBB2_1:
0x12: {  	[tilespmem:s3], [sflag:$0x3] =	stream.linear.gather [hbm4b:s5+s3], $0x1400, $0x38;
	[tilespmem:$0x8A20] =	vst v63  }
0x13: {  	_ =	swait.ge [sflag:s11], $0x1400  }
0x14: {  	[sflag:s11] =	ssyncset.done $0x0  }
0x15: {  	[sflag:s11] =	ssyncadd.s32 $0xFFFFEC00  }
0x16: {  	[tilespmem:s12], [sflag:$0x3] =	stream.linear.gather [hbm4b:s6+s3], $0x1400, $0x38;
	[tilespmem:$0x8A20] =	vst v63  }
0x17: {  	_ =	swait.ge [sflag:s11], $0x1400  }
0x18: {  	[sflag:s11] =	ssyncset.done $0x0  }
0x19: {  	[sflag:s11] =	ssyncadd.s32 $0xFFFFEC00  }
0x1a: {  	[spmem:s14], [sflag:s13] =	dma.local [hbm:s8], $0x500  }
0x1b: {  	_ =	swait.ge [sflag:s11], $0x500  }
0x1c: {  	[sflag:s11] =	ssyncset.done $0x0  }
0x1d: {  	[sflag:s11] =	ssyncadd.s32 $0xFFFFFB00  }
0x1e: {  	[bflag:$0x0] =	sbarrier.arrive $0xFFFF  }
0x1f: {  	[tilespmem:s16], [sflag:$0x1] =	stream.indirect.gather [hbm4b:s4+s15], $0x10, s3, s15, $0xb8;
	[tilespmem:$0x8A20] =	vst v63  }
0x20: {  	_ = 	snop  }
0x21: {  	[tilespmem:s18], [sflag:$0x2] =	stream.indirect.gather [hbm4b:s4+s15], $0x10, s17, s15, $0xb8;
	[tilespmem:$0x8A20] =	vst v63  }
0x22: {  	_ =	swait.ge [sflag:s19], $0x7D0  }
0x23: {  	[sflag:s19] =	ssyncset.done $0x0  }
0x24: {  	s26 =	simm.s32 $0x1400;
	[sflag:s19] =	ssyncadd.s32 $0xFFFFF830  }
0x25: {  	[spmem:s1] =	stream.indirect.scatter.add.f32 [tilespmem:s16], [sflag:$0x3], $0x10, s26, s15, $0xb8;
	[tilespmem:$0x8A20] =	vst v63  }
0x26: {  	_ =	swait.ge [sflag:s11], $0x7D0  }
0x27: {  	[sflag:s11] =	ssyncset.done $0x0  }
0x28: {  	s30 =	simm.s32 $0x100;
	[sflag:s11] =	ssyncadd.s32 $0xFFFFF830  }
0x29: {  	[tilespmem:s16], [sflag:$0x1] =	stream.indirect.gather [hbm4b:s4+s15], $0x10, s30, s15, $0xb8;
	[tilespmem:$0x8A20] =	vst v63  }
0x2a: {  	_ =	swait.ge [sflag:s20], $0x7D0  }
0x2b: {  	[sflag:s20] =	ssyncset.done $0x0  }
0x2c: {  	s31 =	simm.s32 $0x1480;
	[sflag:s20] =	ssyncadd.s32 $0xFFFFF830  }
0x2d: {  	[spmem:s1] =	stream.indirect.scatter.add.f32 [tilespmem:s18], [sflag:$0x3], $0x10, s31, s15, $0xb8;
	[tilespmem:$0x8A20] =	vst v63  }
0x2e: {  	_ =	swait.ge [sflag:s11], $0x7D0  }
0x2f: {  	[sflag:s11] =	ssyncset.done $0x0  }
0x30: {  	s28 =	simm.s32 $0x180;
	s26 =	simm.s32 $0x400;
	[sflag:s11] =	ssyncadd.s32 $0xFFFFF830  }
.LBB2_2:
0x31: {  	[tilespmem:s18], [sflag:$0x2] =	stream.indirect.gather [hbm4b:s4+s15], $0x10, s28, s15, $0xb8;
	[tilespmem:$0x8A20] =	vst v63  }
0x32: {  	s28 =	smov.u32 s26  }
0x33: {  	p0 =	sne.s32 s26, $0x4800;
	s26 =	sadd.s32 $0x400, s26;
	_ =	swait.ge [sflag:s19], $0x7D0  }
0x34: {  	s28 =	sshra.s32 s28, $0x2;
	[sflag:s19] =	ssyncset.done $0x0  }
0x35: {  	s29 =	sadd.s32 $0x1400, s28;
	[sflag:s19] =	ssyncadd.s32 $0xFFFFF830  }
0x36: {  	[spmem:s1] =	stream.indirect.scatter.add.f32 [tilespmem:s16], [sflag:$0x3], $0x10, s29, s15, $0xb8;
	[tilespmem:$0x8A20] =	vst v63  }
0x37: {  	_ =	swait.ge [sflag:s11], $0x7D0  }
0x38: {  	[sflag:s11] =	ssyncset.done $0x0  }
0x39: {  	s29 =	sadd.s32 $0x100, s28;
	[sflag:s11] =	ssyncadd.s32 $0xFFFFF830  }
0x3a: {  	[tilespmem:s16], [sflag:$0x1] =	stream.indirect.gather [hbm4b:s4+s15], $0x10, s29, s15, $0xb8;
	[tilespmem:$0x8A20] =	vst v63  }
0x3b: {  	_ =	swait.ge [sflag:s20], $0x7D0  }
0x3c: {  	[sflag:s20] =	ssyncset.done $0x0  }
.Ltmp0:
0x3d: {  	s29 =	sadd.s32 $0x1480, s28;
	[sflag:s20] =	ssyncadd.s32 $0xFFFFF830;
	(pc) =	sbr.rel @p0 .LBB2_2-.Ltmp0, $4  }
0x3e: {  	[spmem:s1] =	stream.indirect.scatter.add.f32 [tilespmem:s18], [sflag:$0x3], $0x10, s29, s15, $0xb8;
	[tilespmem:$0x8A20] =	vst v63  }
0x3f: {  	_ =	swait.ge [sflag:s11], $0x7D0  }
0x40: {  	[sflag:s11] =	ssyncset.done $0x0  }
0x41: {  	s28 =	sadd.s32 $0x180, s28;
	[sflag:s11] =	ssyncadd.s32 $0xFFFFF830  }
0x42: {  	[tilespmem:s18], [sflag:$0x2] =	stream.indirect.gather [hbm4b:s4+s15], $0x10, s28, s15, $0xb8;
	[tilespmem:$0x8A20] =	vst v63  }
0x43: {  	_ =	swait.ge [sflag:s19], $0x7D0  }
0x44: {  	[sflag:s19] =	ssyncset.done $0x0  }
0x45: {  	[sflag:s19] =	ssyncadd.s32 $0xFFFFF830  }
0x46: {  	[spmem:s1] =	stream.indirect.scatter.add.f32 [tilespmem:s16], [sflag:$0x3], $0x10, s21, s15, $0xb8;
	[tilespmem:$0x8A20] =	vst v63  }
0x47: {  	_ =	swait.ge [sflag:s11], $0x7D0  }
0x48: {  	[sflag:s11] =	ssyncset.done $0x0  }
0x49: {  	[sflag:s11] =	ssyncadd.s32 $0xFFFFF830  }
0x4a: {  	_ =	swait.ge [sflag:s20], $0x7D0  }
0x4b: {  	[sflag:s20] =	ssyncset.done $0x0  }
0x4c: {  	[sflag:s20] =	ssyncadd.s32 $0xFFFFF830  }
0x4d: {  	[spmem:s1] =	stream.indirect.scatter.add.f32 [tilespmem:s18], [sflag:$0x3], $0x10, s22, s15, $0xb8;
	[tilespmem:$0x8A20] =	vst v63  }
0x4e: {  	_ =	swait.ge [sflag:s11], $0x7D0  }
0x4f: {  	[sflag:s11] =	ssyncset.done $0x0  }
0x50: {  	[sflag:s11] =	ssyncadd.s32 $0xFFFFF830  }
0x51: {  	[bflag:$0x0] =	sbarrier.arrive $0xFFFF  }
0x52: {  	[tilespmem:s23], [sflag:$0x3] =	stream.linear.gather [spmem:s7], $0x2800, $0x38;
	[tilespmem:$0x8A20] =	vst v63  }
0x53: {  	_ =	swait.ge [sflag:s11], $0x2800  }
0x54: {  	[sflag:s11] =	ssyncset.done $0x0  }
0x55: {  	[sflag:s11] =	ssyncadd.s32 $0xFFFFD800  }
0x56: {  	v40 =	vld.idx.msk [tilespmem:v0+s23+$0x0], $0xffff;
	_ =	sdelay $0x4  }
0x57: {  	[tilespmem:$0x5FA0] =	vst v40  }
0x58: {  	v40 =	vld.idx.msk [tilespmem:v1+s23+$0x0], $0xffff;
	_ =	sdelay $0x4  }
0x59: {  	[tilespmem:$0x5FB0] =	vst v40  }
0x5a: {  	v40 =	vld.idx.msk [tilespmem:v2+s23+$0x0], $0xffff;
	_ =	sdelay $0x4  }
0x5b: {  	[tilespmem:$0x5FC0] =	vst v40  }
0x5c: {  	v40 =	vld.idx.msk [tilespmem:v3+s23+$0x0], $0xffff;
	_ =	sdelay $0x4  }
0x5d: {  	[tilespmem:$0x5FD0] =	vst v40  }
0x5e: {  	v40 =	vld.idx.msk [tilespmem:v4+s23+$0x0], $0xffff;
	_ =	sdelay $0x4  }
0x5f: {  	[tilespmem:$0x5FE0] =	vst v40  }
0x60: {  	v40 =	vld.idx.msk [tilespmem:v5+s23+$0x0], $0xffff;
	_ =	sdelay $0x4  }
0x61: {  	[tilespmem:$0x5FF0] =	vst v40  }
0x62: {  	v40 =	vld.idx.msk [tilespmem:v6+s23+$0x0], $0xffff;
	_ =	sdelay $0x4  }
0x63: {  	[tilespmem:$0x6000] =	vst v40  }
0x64: {  	v40 =	vld.idx.msk [tilespmem:v7+s23+$0x0], $0xffff;
	_ =	sdelay $0x4  }
0x65: {  	[tilespmem:$0x6010] =	vst v40  }
0x66: {  	v40 =	vld.idx.msk [tilespmem:v8+s23+$0x0], $0xffff;
	_ =	sdelay $0x4  }
0x67: {  	[tilespmem:$0x6020] =	vst v40  }
0x68: {  	v40 =	vld.idx.msk [tilespmem:v9+s23+$0x0], $0xffff;
	_ =	sdelay $0x4  }
0x69: {  	[tilespmem:$0x6030] =	vst v40  }
0x6a: {  	v40 =	vld.idx.msk [tilespmem:v10+s23+$0x0], $0xffff;
	_ =	sdelay $0x4  }
0x6b: {  	[tilespmem:$0x6040] =	vst v40  }
0x6c: {  	v40 =	vld.idx.msk [tilespmem:v11+s23+$0x0], $0xffff;
	_ =	sdelay $0x4  }
0x6d: {  	[tilespmem:$0x6050] =	vst v40  }
0x6e: {  	v40 =	vld.idx.msk [tilespmem:v12+s23+$0x0], $0xffff;
	_ =	sdelay $0x4  }
0x6f: {  	[tilespmem:$0x6060] =	vst v40  }
0x70: {  	v40 =	vld.idx.msk [tilespmem:v13+s23+$0x0], $0xffff;
	_ =	sdelay $0x4  }
0x71: {  	[tilespmem:$0x6070] =	vst v40  }
0x72: {  	v40 =	vld.idx.msk [tilespmem:v14+s23+$0x0], $0xffff;
	_ =	sdelay $0x4  }
0x73: {  	[tilespmem:$0x6080] =	vst v40  }
0x74: {  	v40 =	vld.idx.msk [tilespmem:v15+s23+$0x0], $0xffff;
	_ =	sdelay $0x4  }
0x75: {  	[tilespmem:$0x6090] =	vst v40  }
0x76: {  	v40 =	vld.idx.msk [tilespmem:v16+s23+$0x0], $0xffff;
	_ =	sdelay $0x4  }
0x77: {  	[tilespmem:$0x60A0] =	vst v40  }
0x78: {  	v40 =	vld.idx.msk [tilespmem:v17+s23+$0x0], $0xffff;
	_ =	sdelay $0x4  }
0x79: {  	[tilespmem:$0x60B0] =	vst v40  }
0x7a: {  	v40 =	vld.idx.msk [tilespmem:v18+s23+$0x0], $0xffff;
	_ =	sdelay $0x4  }
0x7b: {  	[tilespmem:$0x60C0] =	vst v40  }
0x7c: {  	v40 =	vld.idx.msk [tilespmem:v19+s23+$0x0], $0xffff;
	_ =	sdelay $0x4  }
0x7d: {  	[tilespmem:$0x60D0] =	vst v40  }
0x7e: {  	v40 =	vld.idx.msk [tilespmem:v20+s23+$0x0], $0xffff;
	_ =	sdelay $0x4  }
0x7f: {  	[tilespmem:$0x60E0] =	vst v40  }
0x80: {  	v40 =	vld.idx.msk [tilespmem:v21+s23+$0x0], $0xffff;
	_ =	sdelay $0x4  }
0x81: {  	[tilespmem:$0x60F0] =	vst v40  }
0x82: {  	v40 =	vld.idx.msk [tilespmem:v22+s23+$0x0], $0xffff;
	_ =	sdelay $0x4  }
0x83: {  	[tilespmem:$0x6100] =	vst v40  }
0x84: {  	v40 =	vld.idx.msk [tilespmem:v23+s23+$0x0], $0xffff;
	_ =	sdelay $0x4  }
0x85: {  	[tilespmem:$0x6110] =	vst v40  }
0x86: {  	v40 =	vld.idx.msk [tilespmem:v24+s23+$0x0], $0xffff;
	_ =	sdelay $0x4  }
0x87: {  	[tilespmem:$0x6120] =	vst v40  }
0x88: {  	v40 =	vld.idx.msk [tilespmem:v25+s23+$0x0], $0xffff;
	_ =	sdelay $0x4  }
0x89: {  	[tilespmem:$0x6130] =	vst v40  }
0x8a: {  	v40 =	vld.idx.msk [tilespmem:v26+s23+$0x0], $0xffff;
	_ =	sdelay $0x4  }
0x8b: {  	[tilespmem:$0x6140] =	vst v40  }
0x8c: {  	v40 =	vld.idx.msk [tilespmem:v27+s23+$0x0], $0xffff;
	_ =	sdelay $0x4  }
0x8d: {  	[tilespmem:$0x6150] =	vst v40  }
0x8e: {  	v40 =	vld.idx.msk [tilespmem:v28+s23+$0x0], $0xffff;
	_ =	sdelay $0x4  }
0x8f: {  	[tilespmem:$0x6160] =	vst v40  }
0x90: {  	v40 =	vld.idx.msk [tilespmem:v29+s23+$0x0], $0xffff;
	_ =	sdelay $0x4  }
0x91: {  	[tilespmem:$0x6170] =	vst v40  }
0x92: {  	v40 =	vld.idx.msk [tilespmem:v30+s23+$0x0], $0xffff;
	_ =	sdelay $0x4  }
0x93: {  	[tilespmem:$0x6180] =	vst v40  }
0x94: {  	v40 =	vld.idx.msk [tilespmem:v31+s23+$0x0], $0xffff;
	_ =	sdelay $0x4  }
0x95: {  	[tilespmem:$0x6190] =	vst v40  }
0x96: {  	v40 =	vld.idx.msk [tilespmem:v32+s23+$0x0], $0xffff;
	_ =	sdelay $0x4  }
0x97: {  	[tilespmem:$0x61A0] =	vst v40  }
0x98: {  	v40 =	vld.idx.msk [tilespmem:v33+s23+$0x0], $0xffff;
	_ =	sdelay $0x4  }
0x99: {  	[tilespmem:$0x61B0] =	vst v40  }
0x9a: {  	v40 =	vld.idx.msk [tilespmem:v34+s23+$0x0], $0xffff;
	_ =	sdelay $0x4  }
0x9b: {  	[tilespmem:$0x61C0] =	vst v40  }
0x9c: {  	v40 =	vld.idx.msk [tilespmem:v35+s23+$0x0], $0xffff;
	_ =	sdelay $0x4  }
0x9d: {  	[tilespmem:$0x61D0] =	vst v40  }
0x9e: {  	v40 =	vld.idx.msk [tilespmem:v36+s23+$0x0], $0xffff;
	_ =	sdelay $0x4  }
0x9f: {  	[tilespmem:$0x61E0] =	vst v40  }
0xa0: {  	v40 =	vld.idx.msk [tilespmem:v37+s23+$0x0], $0xffff;
	_ =	sdelay $0x4  }
0xa1: {  	[tilespmem:$0x61F0] =	vst v40  }
0xa2: {  	v40 =	vld.idx.msk [tilespmem:v38+s23+$0x0], $0xffff;
	_ =	sdelay $0x4  }
0xa3: {  	[tilespmem:$0x6200] =	vst v40  }
0xa4: {  	v40 =	vld.idx.msk [tilespmem:v39+s23+$0x0], $0xffff;
	_ =	sdelay $0x2  }
0xa5: {  	s25 =	sadd.s32 $0x1, s25  }
0xa6: {  	p0 =	sne.s32 s25, s10  }
.Ltmp1:
0xa7: {  	[tilespmem:$0x6210] =	vst v40;
	(pc) =	sbr.rel @p0 .LBB2_1-.Ltmp1, $4  }
0xa8: {  	[hbm4b:s9+s3] =	stream.linear.scatter [tilespmem:s24], [sflag:$0x3], $0x280, $0x38;
	[tilespmem:$0x8A20] =	vst v63  }
0xa9: {  	_ =	swait.ge [sflag:s11], $0x280  }
0xaa: {  	[sflag:s11] =	ssyncset.done $0x0  }
0xab: {  	[sflag:s11] =	ssyncadd.s32 $0xFFFFFD80  }
0xac: {  	_ =	sfence.sel $0x180000  }
0xad: {  	[bflag:$0x0] =	sbarrier.arrive $0xFFFF  }
0xae: {  	p0 =	sne.s32 s2, $0x0;
	_ =	strace $0x9000004D  }
0xaf: {  	s0 =	sadd.s32 @!p0 $0x100000, s0;
	[bflag:$0x2] =	sbarrier.arrive $0xFFFF  }
0xb0: {  	[sflag:s0] =	ssyncadd.tile.s32 @!p0 $0x1;
	_ =	shalt  }
.Lfunc_end2:
_tile_overlayer_lowered:
.L_overlay_start_2:
0xb1: {  	(tag) =	ssettag $0x2  }
0xb2: {  	s0 =	rddreg [dreg:$0x0];
	s2 =	stileid.u32  }
0xb3: {  	s1 =	rddreg [dreg:$0x1];
	p0 =	sne.s32 s2, $0x0  }
0xb4: {  	s3 =	rddreg [dreg:$0x2];
	[bflag:$0x3] =	sbarrier.arrive $0xFFFF;
	s2 =	simm.s32 @!p0 $0x1C03  }
0xb5: {  	[timem:s3], [sflag:s2] =	dma.local @!p0 [hbm:s0], s1  }
0xb6: {  	s0 =	simm.s32 @!p0 $0x3  }
0xb7: {  	_ =	swait.ge @!p0 [sflag:s0], s1  }
0xb8: {  	s1 =	ssub.s32 @!p0 $0x0, s1;
	[sflag:s0] =	ssyncset.done @!p0 $0x0  }
0xb9: {  	[sflag:s0] =	ssyncadd.s32 @!p0 s1  }
0xba: {  	[bflag:$0x3] =	sbarrier.arrive $0xFFFF  }
0xbb: {  	_ =	shalt  }

// kernel: kernel.8.cloned.1.call-start
scs
__scs_entry_jumppad:
0x0: {  	(pc) =	sbr.rel $0x88, $3  }
0x1: {  	(tag) =	ssettag $0x0;
	lr =	simm.s32 $0x1  }
0x2: {  	[smem:$0x3F97] =	sst lr;
	_ =	strace $0xD0000000  }
0x3: {  	_ = 	snop  }
0x4: {  	_ = 	snop  }
0x5: {  	_ = 	snop  }
0x6: {  	_ = 	snop  }
0x7: {  	_ = 	snop  }
__scs_overlays_trampoline_lowered:
0x8: {  	[smem:$0x3FA6] =	sst s0  }
0x9: {  	[smem:$0x3FA7] =	sst s1  }
0xa: {  	[smem:$0x3FA8] =	sst s2  }
0xb: {  	[smem:$0x3FA9] =	sst s3  }
0xc: {  	[smem:$0x3FAA] =	sst s4  }
0xd: {  	[smem:$0x3FAB] =	sst s5  }
0xe: {  	[smem:$0x3FAC] =	sst s6  }
0xf: {  	[smem:$0x3FAD] =	sst s7  }
0x10: {  	[smem:$0x3FAE] =	sst s8  }
0x11: {  	[smem:$0x3FAF] =	sst s9;
	s0 =	simm.s32 @!p0 $0x0  }
0x12: {  	s1 =	sld [smem:$0x3F95];
	s0 =	simm.s32 @p0 $0x1  }
0x13: {  	[smem:$0x3FB0] =	sst s0;
	s0 =	simm.s32 @!p1 $0x0  }
0x14: {  	s2 =	sld [smem:$0x3F94];
	s0 =	simm.s32 @p1 $0x1  }
0x15: {  	[smem:$0x3FB1] =	sst s0;
	s0 =	simm.s32 @!p2 $0x0  }
0x16: {  	s3 =	sld [smem:$0x3FDB];
	s0 =	simm.s32 @p2 $0x1  }
0x17: {  	s4 =	simm.s32 $0x1BF5;
	[smem:$0x3FB3] =	sst s0  }
0x18: {  	s0 =	sld [smem:$0x3F96];
	_ =	swait.ge [sflag:s4], $0x0  }
0x19: {  	s7 =	sld [smem:$0x3F97]  }
0x1a: {  	s8 =	sadd.s32 $0xFFFFE003, lr  }
0x1b: {  	s9 =	sadd.s32 $0xFFFFFEF7, lr;
	s5 =	simm.s32 $0xFFFFFFFF;
	p2 =	slt.u32 s8, $0xFFFFF086  }
0x1c: {  	p1 =	slt.u32 s9, $0xF7A;
	s5 =	simm.s32 @!p2 $0x0  }
0x1d: {  	s5 =	simm.s32 @p1 $0x1;
	p0 =	seq.s32 s7, s2  }
0x1e: {  	s7 =	smul.u32 @!p0 $0xF7A, s2;
	p2 =	seq.s32 @!p0 s5, $0x0  }
0x1f: {  	s9 =	smul.u32 $0xF7A, s1;
	s8 =	simm.s32 @!p0 $0x1BF5;
	p2 =	por !p2, p0  }
0x20: {  	[sflag:s8] =	ssyncset.s32 @!p0 $0xFFFFF086;
	s6 =	sadd.s32 @!p0 s3, s7;
	s7 =	simm.s32 @!p0 $0x108  }
0x21: {  	s3 =	sadd.s32 s3, s9;
	s6 =	sadd.s32 @!p0 $0x88, s6;
	s7 =	simm.s32 @p2 $0x1082  }
0x22: {  	[simem:s7], [sflag:s8] =	dma.local @!p0 [hbm:s6], $0xF7A  }
0x23: {  	s9 =	sor.u32 $0xD0000000, s2;
	s6 =	simm.s32 $0x108;
	_ =	swait.ge @!p0 [sflag:s8], $0x0  }
0x24: {  	s3 =	sadd.s32 $0x88, s3;
	s6 =	simm.s32 @!p1 $0x1082;
	[sflag:s4] =	ssyncset.s32 $0xFFFFF086  }
0x25: {  	[simem:s6], [sflag:s4] =	dma.local [hbm:s3], $0xF7A  }
0x26: {  	[smem:$0x3F97] =	sst s1;
	(tag) =	ssettag s2;
	_ =	strace s9  }
0x27: {  	s1 =	sld [smem:$0x3FA7]  }
0x28: {  	s2 =	sld [smem:$0x3FA8]  }
0x29: {  	s4 =	sld [smem:$0x3FAA]  }
0x2a: {  	p0 =	seq.s32 s5, $0x0;
	s5 =	sld [smem:$0x3FAB]  }
0x2b: {  	s6 =	sld [smem:$0x3FAC]  }
0x2c: {  	s7 =	sld [smem:$0x3FAD]  }
0x2d: {  	s3 =	simm.s32 $0x108;
	s8 =	sld [smem:$0x3FAE]  }
0x2e: {  	s3 =	simm.s32 @!p0 $0x1082;
	s9 =	sld [smem:$0x3FAF]  }
0x2f: {  	lr =	sadd.s32 s0, s3;
	s0 =	sld [smem:$0x3FA6]  }
0x30: {  	s3 =	sld [smem:$0x3FA9]  }
0x31: {  	[smem:$0x3FB2] =	sst s10  }
0x32: {  	s10 =	sld [smem:$0x3FB0];
	_ =	sdelay $0x3  }
0x33: {  	p0 =	seq.s32 s10, $0x1;
	s10 =	sld [smem:$0x3FB2];
	_ =	sdelay $0x3  }
0x34: {  	[smem:$0x3FB2] =	sst s10  }
0x35: {  	s10 =	sld [smem:$0x3FB1];
	_ =	sdelay $0x3  }
0x36: {  	p1 =	seq.s32 s10, $0x1;
	s10 =	sld [smem:$0x3FB2];
	_ =	sdelay $0x3  }
0x37: {  	[smem:$0x3FB2] =	sst s10  }
0x38: {  	s10 =	sld [smem:$0x3FB3]  }
0x39: {  	_ = 	snop;
	(pc) =	sbr.ind lr, $3  }
0x3a: {  	_ = 	snop  }
0x3b: {  	_ = 	snop  }
0x3c: {  	p2 =	seq.s32 s10, $0x1;
	s10 =	sld [smem:$0x3FB2]  }
0x3d: {  	_ =	shalt  }
0x3e: {  	_ =	shalt  }
0x3f: {  	_ =	shalt  }
0x40: {  	_ =	shalt  }
0x41: {  	_ =	shalt  }
0x42: {  	_ =	shalt  }
0x43: {  	_ =	shalt  }
0x44: {  	_ =	shalt  }
0x45: {  	_ =	shalt  }
0x46: {  	_ =	shalt  }
0x47: {  	_ =	shalt  }
0x48: {  	_ =	shalt  }
0x49: {  	_ =	shalt  }
0x4a: {  	_ =	shalt  }
0x4b: {  	_ =	shalt  }
0x4c: {  	_ =	shalt  }
0x4d: {  	_ =	shalt  }
0x4e: {  	_ =	shalt  }
0x4f: {  	_ =	shalt  }
0x50: {  	_ =	shalt  }
0x51: {  	_ =	shalt  }
0x52: {  	_ =	shalt  }
0x53: {  	_ =	shalt  }
0x54: {  	_ =	shalt  }
0x55: {  	_ =	shalt  }
0x56: {  	_ =	shalt  }
0x57: {  	_ =	shalt  }
0x58: {  	_ =	shalt  }
0x59: {  	_ =	shalt  }
0x5a: {  	_ =	shalt  }
0x5b: {  	_ =	shalt  }
0x5c: {  	_ =	shalt  }
0x5d: {  	_ =	shalt  }
0x5e: {  	_ =	shalt  }
0x5f: {  	_ =	shalt  }
0x60: {  	_ =	shalt  }
0x61: {  	_ =	shalt  }
0x62: {  	_ =	shalt  }
0x63: {  	_ =	shalt  }
0x64: {  	_ =	shalt  }
0x65: {  	_ =	shalt  }
0x66: {  	_ =	shalt  }
0x67: {  	_ =	shalt  }
0x68: {  	_ =	shalt  }
0x69: {  	_ =	shalt  }
0x6a: {  	_ =	shalt  }
0x6b: {  	_ =	shalt  }
0x6c: {  	_ =	shalt  }
0x6d: {  	_ =	shalt  }
0x6e: {  	_ =	shalt  }
0x6f: {  	_ =	shalt  }
0x70: {  	_ =	shalt  }
0x71: {  	_ =	shalt  }
0x72: {  	_ =	shalt  }
0x73: {  	_ =	shalt  }
0x74: {  	_ =	shalt  }
0x75: {  	_ =	shalt  }
0x76: {  	_ =	shalt  }
0x77: {  	_ =	shalt  }
0x78: {  	_ =	shalt  }
0x79: {  	_ =	shalt  }
0x7a: {  	_ =	shalt  }
0x7b: {  	_ =	shalt  }
0x7c: {  	_ =	shalt  }
0x7d: {  	_ =	shalt  }
0x7e: {  	_ =	shalt  }
0x7f: {  	_ =	shalt  }
0x80: {  	_ =	shalt  }
0x81: {  	_ =	shalt  }
0x82: {  	_ =	shalt  }
0x83: {  	_ =	shalt  }
0x84: {  	_ =	shalt  }
0x85: {  	_ =	shalt  }
0x86: {  	_ =	shalt  }
0x87: {  	_ =	shalt  }
.Lfunc_end0:
.L_simem_size_0:
called_computation_lowered:
.L_overlay_start_0:
0x88: {  	s2 =	sld [smem:$0x3FD9]  }
0x89: {  	s3 =	sld [smem:$0x3FFE];
	_ =	sdelay $0x1  }
0x8a: {  	s1 =	srdreg.scid  }
0x8b: {  	s0 =	sand.u32 $0x1, s1  }
0x8c: {  	s17 =	sshll.u32 s0, $0xA;
	s2 =	sadd.s32 s3, s2  }
0x8d: {  	s2 =	sadd.s32 s2, s17  }
0x8e: {  	[smem:$0x3FBE] =	sst s2  }
0x8f: {  	_ = 	snop  }
0x90: {  	s2 =	sld [smem:$0x3FD0];
	(tm) =	ssettm $0x1  }
0x91: {  	s18 =	sld [smem:$0x3FFB];
	_ =	sdelay $0x3  }
0x92: {  	_ =	strace s18  }
0x93: {  	s3 =	sld [smem:$0x3FFC];
	_ =	sdelay $0x3  }
0x94: {  	_ =	strace s3  }
0x95: {  	s3 =	sld [smem:$0x3FFD];
	_ =	sdelay $0x3  }
0x96: {  	_ =	strace s3  }
0x97: {  	_ =	strace $0x8FFFFFFF  }
0x98: {  	s19 =	sld [smem:$0x3FDB];
	_ =	sdelay $0x1  }
0x99: {  	s4 =	simm.s32 $_scs_section_size  }
0x9a: {  	s5 =	simm.s32 $_size__tile_overlayer_lowered;
	s6 =	simm.s32 $_tile_overlayer_lowered  }
0x9b: {  	s22 =	simm.s32 $0x1BFF;
	s21 =	sshll.u32 s6, $0x1;
	s3 =	sadd.s32 s4, s19  }
0x9c: {  	s7 =	simm.s32 $0x0;
	s20 =	sshll.u32 s5, $0x1;
	s5 =	sadd.s32 s21, s3  }
0x9d: {  	[timem:s7], [sflag:s22] =	dma.local [hbm:s5], s20  }
0x9e: {  	_ =	swait.ge [sflag:s22], s20  }
0x9f: {  	s4 =	ssub.s32 $0x0, s20;
	[sflag:s22] =	ssyncset.done $0x0  }
0xa0: {  	[sflag:s22] =	ssyncadd.s32 s4;
	_ =	sdelay $0x1  }
0xa1: {  	s23 =	simm.s32 $0x1B8B  }
0xa2: {  	_ =	swait.ge [sflag:s23], $0x1  }
0xa3: {  	[sflag:s23] =	ssyncset.done $0x0  }
0xa4: {  	s25 =	simm.s32 $0x1B8E;
	s24 =	sld [smem:$0x3FFE];
	[sflag:s23] =	ssyncadd.s32 $0xFFFFFFFF  }
0xa5: {  	s26 =	simm.s32 $execute0_lowered;
	[smem:$0x3FD2] =	sst s25  }
0xa6: {  	s5 =	sshll.u32 s26, $0x1;
	_ =	strace $0x80000046;
	[dreg:$0x1] =	wrdreg $0xFFFFFFFF  }
0xa7: {  	s28 =	simm.s32 $_size_execute0_lowered;
	s3 =	sadd.s32 s3, s5;
	[dreg:$0x0] =	wrdreg $0x0  }
0xa8: {  	s5 =	sshll.u32 s28, $0x1;
	[dreg:$0x2] =	wrdreg s3  }
0xa9: {  	[dreg:$0x3] =	wrdreg s5  }
0xaa: {  	[dreg:$0x4] =	wrdreg $0xC0  }
0xab: {  	_ =	task [dreg:s7], $0x5FFFF  }
0xac: {  	[dreg:$0x1] =	wrdreg $0xFFFFFFFF  }
0xad: {  	[dreg:$0x0] =	wrdreg $0x60  }
0xae: {  	[dreg:$0x2] =	wrdreg s24  }
0xaf: {  	[dreg:$0x3] =	wrdreg s2  }
0xb0: {  	[dreg:$0x4] =	wrdreg $0x46500  }
0xb1: {  	[dreg:$0x5] =	wrdreg $0x9  }
0xb2: {  	_ =	task.clear_ibuf [dreg:s7], $0x6FFFF;
	_ =	strace $0x90000046  }
0xb3: {  	s29 =	simm.s32 $0x9;
	_ =	strace $0x80000048  }
0xb4: {  	_ =	swait.ge [sflag:s29], $0x1  }
0xb5: {  	[sflag:s29] =	ssyncadd.s32 $0xFFFFFFFF  }
0xb6: {  	_ =	strace $0x90000048  }
0xb7: {  	_ =	sfence  }
0xb8: {  	s30 =	sld [smem:$0x0];
	_ =	sdelay $0x2  }
0xb9: {  	s31 =	sshll.u32 s1, $0xD;
	s1 =	sshrl.u32 s1, $0x2  }
0xba: {  	s3 =	sand.u32 $0x4000, s31;
	s1 =	sadd.s32 s1, s30  }
0xbb: {  	s0 =	sor.u32 s3, s0;
	s1 =	sshll.u32 s1, $0x11  }
0xbc: {  	s0 =	sor.u32 s1, s0  }
0xbd: {  	s0 =	sadd.s32 $0x8F2B, s0  }
0xbe: {  	[sflag:s0] =	ssyncadd.remote.s32 $0x1  }
0xbf: {  	_ =	sfence.sel $0xFFFF  }
0xc0: {  	[dreg:$0x0] =	wrdreg $0xFFFFFFFF;
	(pc) =	sbr.abs _section_cstart, $3  }
0xc1: {  	[dreg:$0x1] =	wrdreg $0xFFFFFFFF  }
0xc2: {  	_ =	task.clear_ibuf [dreg:s7], $0x2FFFF;
	_ =	strace $0x9FFFFFFF  }
0xc3: {  	(tm) =	ssettm $0x7FFFFFFF  }
tec
execute0_lowered:
.L_overlay_start_1:
0x0: {  	(tag) =	ssettag $0x1  }
0x1: {  	v0 =	vlaneseq.u32  }
0x2: {  	v0 =	vmul.u32 $0x10, v0  }
0x3: {  	s6 =	rddreg [dreg:$0x0]  }
0x4: {  	s0 =	srdreg.scid;
	s3 =	rddreg [dreg:$0x2];
	v1 =	vor.u32 $0x100, v0;
	v2 =	vor.u32 $0x200, v0;
	v3 =	vor.u32 $0x300, v0  }
0x5: {  	s4 =	simm.s32 $0x0;
	s14 =	simm.s32 $0x1;
	s15 =	simm.s32 $0x1400;
	v4 =	vor.u32 $0x400, v0;
	v5 =	vor.u32 $0x500, v0;
	v6 =	vor.u32 $0x600, v0  }
0x6: {  	s16 =	simm.s32 $0x7D;
	s17 =	simm.s32 $0x1BD0;
	s5 =	sand.u32 $0x1, s0;
	v7 =	vor.u32 $0x700, v0;
	v8 =	vor.u32 $0x800, v0;
	v9 =	vor.u32 $0x900, v0  }
0x7: {  	s18 =	simm.s32 $0x43D0;
	s0 =	stileid.u32;
	s8 =	smul.u32 $0x2800, s5;
	v10 =	vor.u32 $0xA00, v0;
	v11 =	vor.u32 $0xB00, v0;
	v12 =	vor.u32 $0xC00, v0  }
0x8: {  	s19 =	simm.s32 $0x0;
	[smem:$0x7FF] =	sst s4;
	s9 =	smul.u32 $0x280, s0;
	v13 =	vor.u32 $0xD00, v0;
	v14 =	vor.u32 $0xE00, v0;
	v15 =	vor.u32 $0xF00, v0  }
0x9: {  	s1 =	sshll.u32 s5, $0x4;
	s10 =	smul.u32 $0xA000, s0;
	s29 =	ssub.s32 $0x2, s5;
	v16 =	vor.u32 $0x1000, v0;
	v17 =	vor.u32 $0x1100, v0;
	v18 =	vor.u32 $0x1200, v0  }
0xa: {  	s2 =	sor.u32 s0, s1;
	s1 =	rddreg [dreg:$0x1];
	v19 =	vor.u32 $0x1300, v0;
	v20 =	vor.u32 $0x1400, v0;
	v21 =	vor.u32 $0x1500, v0;
	s31 =	sshrl.u32 s29, $0x1  }
0xb: {  	v22 =	vor.u32 $0x1600, v0;
	v23 =	vor.u32 $0x1700, v0;
	v24 =	vor.u32 $0x1800, v0;
	s7 =	smul.u32 $0x280, s2;
	s2 =	rddreg [dreg:$0x3];
	_ =	strace $0x80000047  }
0xc: {  	v25 =	vor.u32 $0x1900, v0;
	v26 =	vor.u32 $0x1A00, v0;
	v27 =	vor.u32 $0x1B00, v0;
	s8 =	sadd.s32 s9, s8;
	s30 =	sshrl.u32 s10, $0x2;
	s13 =	ssub.s32 s29, s31  }
0xd: {  	v28 =	vor.u32 $0x1C00, v0;
	v29 =	vor.u32 $0x1D00, v0;
	v30 =	vor.u32 $0x1E00, v0;
	s8 =	sshrl.u32 s8, $0x3;
	s5 =	sadd.s32 s30, s3;
	s13 =	smax.u32 s13, $0x1  }
0xe: {  	v31 =	vor.u32 $0x1F00, v0;
	v32 =	vor.u32 $0x2000, v0;
	v33 =	vor.u32 $0x2100, v0;
	s7 =	sadd.s32 s7, s6;
	s12 =	sadd.s32 s8, s6;
	s8 =	sadd.s32 $0xFA0, s5  }
0xf: {  	v34 =	vor.u32 $0x2200, v0;
	v35 =	vor.u32 $0x2300, v0;
	v36 =	vor.u32 $0x2400, v0;
	s9 =	sadd.s32 $0x1770, s5;
	s10 =	sadd.s32 $0x1F40, s5;
	s11 =	sadd.s32 $0x2710, s5  }
0x10: {  	v37 =	vor.u32 $0x2500, v0;
	v38 =	vor.u32 $0x2600, v0;
	v39 =	vor.u32 $0x2700, v0;
	s6 =	sadd.s32 $0x600, s7;
	s7 =	sadd.s32 $0x7D0, s5;
	s12 =	sadd.s32 $0x5600, s12  }
.LBB2_1:
0x11: {  	[tilespmem:s4], [sflag:$0x1] =	stream.linear.gather [hbm4b:s6+s4], $0x1400, $0x38;
	[tilespmem:$0x6E50] =	vst v63  }
0x12: {  	_ =	swait.ge [sflag:s14], $0x1400  }
0x13: {  	[sflag:s14] =	ssyncset.done $0x0  }
0x14: {  	[sflag:s14] =	ssyncadd.s32 $0xFFFFEC00  }
0x15: {  	[tilespmem:s15], [sflag:$0x1] =	stream.linear.gather [hbm4b:s1+s4], $0x7D0, $0x38;
	[tilespmem:$0x6E50] =	vst v63  }
0x16: {  	_ =	swait.ge [sflag:s14], $0x7D0  }
0x17: {  	[sflag:s14] =	ssyncset.done $0x0  }
0x18: {  	[sflag:s14] =	ssyncadd.s32 $0xFFFFF830  }
0x19: {  	[spmem:s5] =	stream.linear.scatter [tilespmem:s15], [sflag:$0x1], $0x7D0, $0x38;
	[tilespmem:$0x6E50] =	vst v63  }
0x1a: {  	_ =	swait.ge [sflag:s14], $0x7D0  }
0x1b: {  	[sflag:s14] =	ssyncset.done $0x0  }
0x1c: {  	[sflag:s14] =	ssyncadd.s32 $0xFFFFF830  }
0x1d: {  	[spmem:s7] =	stream.linear.scatter [tilespmem:s15], [sflag:$0x1], $0x7D0, $0x38;
	[tilespmem:$0x6E50] =	vst v63  }
0x1e: {  	_ =	swait.ge [sflag:s14], $0x7D0  }
0x1f: {  	[sflag:s14] =	ssyncset.done $0x0  }
0x20: {  	[sflag:s14] =	ssyncadd.s32 $0xFFFFF830  }
0x21: {  	[spmem:s8] =	stream.linear.scatter [tilespmem:s15], [sflag:$0x1], $0x7D0, $0x38;
	[tilespmem:$0x6E50] =	vst v63  }
0x22: {  	_ =	swait.ge [sflag:s14], $0x7D0  }
0x23: {  	[sflag:s14] =	ssyncset.done $0x0  }
0x24: {  	[sflag:s14] =	ssyncadd.s32 $0xFFFFF830  }
0x25: {  	[spmem:s9] =	stream.linear.scatter [tilespmem:s15], [sflag:$0x1], $0x7D0, $0x38;
	[tilespmem:$0x6E50] =	vst v63  }
0x26: {  	_ =	swait.ge [sflag:s14], $0x7D0  }
0x27: {  	[sflag:s14] =	ssyncset.done $0x0  }
0x28: {  	[sflag:s14] =	ssyncadd.s32 $0xFFFFF830  }
0x29: {  	[spmem:s10] =	stream.linear.scatter [tilespmem:s15], [sflag:$0x1], $0x7D0, $0x38;
	[tilespmem:$0x6E50] =	vst v63  }
0x2a: {  	_ =	swait.ge [sflag:s14], $0x7D0  }
0x2b: {  	[sflag:s14] =	ssyncset.done $0x0  }
0x2c: {  	[sflag:s14] =	ssyncadd.s32 $0xFFFFF830  }
0x2d: {  	[spmem:s11] =	stream.linear.scatter [tilespmem:s15], [sflag:$0x1], $0xF0, $0x38;
	[tilespmem:$0x6E50] =	vst v63  }
0x2e: {  	_ =	swait.ge [sflag:s14], $0xF0  }
0x2f: {  	[sflag:s14] =	ssyncset.done $0x0  }
0x30: {  	[sflag:s14] =	ssyncadd.s32 $0xFFFFFF10  }
0x31: {  	s20 =	simm.s32 $0x0;
	[bflag:$0x0] =	sbarrier.arrive $0xFFFF  }
0x32: {  	[spmem:s3] =	stream.indirect.scatter.add.f32 [tilespmem:s15], [sflag:$0x1], $0x10, s20, s16, $0xb8;
	[tilespmem:$0x6E50] =	vst v63  }
0x33: {  	_ =	swait.ge [sflag:s14], $0x7D0  }
0x34: {  	s20 =	simm.s32 $0x200;
	[sflag:s14] =	ssyncset.done $0x0  }
.LBB2_2:
0x35: {  	s21 =	sshra.s32 s20, $0x2;
	[sflag:s14] =	ssyncadd.s32 $0xFFFFF830;
	p0 =	sne.s32 s20, $0x4E00  }
0x36: {  	[spmem:s3] =	stream.indirect.scatter.add.f32 [tilespmem:s15], [sflag:$0x1], $0x10, s21, s16, $0xb8;
	[tilespmem:$0x6E50] =	vst v63  }
.Ltmp0:
0x37: {  	_ = 	snop;
	(pc) =	sbr.rel @p0 .LBB2_2-.Ltmp0, $4  }
0x38: {  	_ = 	snop  }
0x39: {  	s20 =	sadd.s32 $0x200, s20  }
0x3a: {  	_ =	swait.ge [sflag:s14], $0x7D0  }
0x3b: {  	[sflag:s14] =	ssyncset.done $0x0  }
0x3c: {  	[sflag:s14] =	ssyncadd.s32 $0xFFFFF830  }
0x3d: {  	[bflag:$0x0] =	sbarrier.arrive $0xFFFF  }
0x3e: {  	[tilespmem:s17], [sflag:$0x1] =	stream.linear.gather [spmem:s5], $0x2800, $0x38;
	[tilespmem:$0x6E50] =	vst v63  }
0x3f: {  	_ =	swait.ge [sflag:s14], $0x2800  }
0x40: {  	[sflag:s14] =	ssyncset.done $0x0  }
0x41: {  	[sflag:s14] =	ssyncadd.s32 $0xFFFFD800  }
0x42: {  	v40 =	vld.idx.msk [tilespmem:v0+s17+$0x0], $0xffff;
	_ =	sdelay $0x4  }
0x43: {  	[tilespmem:$0x43D0] =	vst v40  }
0x44: {  	v40 =	vld.idx.msk [tilespmem:v1+s17+$0x0], $0xffff;
	_ =	sdelay $0x4  }
0x45: {  	[tilespmem:$0x43E0] =	vst v40  }
0x46: {  	v40 =	vld.idx.msk [tilespmem:v2+s17+$0x0], $0xffff;
	_ =	sdelay $0x4  }
0x47: {  	[tilespmem:$0x43F0] =	vst v40  }
0x48: {  	v40 =	vld.idx.msk [tilespmem:v3+s17+$0x0], $0xffff;
	_ =	sdelay $0x4  }
0x49: {  	[tilespmem:$0x4400] =	vst v40  }
0x4a: {  	v40 =	vld.idx.msk [tilespmem:v4+s17+$0x0], $0xffff;
	_ =	sdelay $0x4  }
0x4b: {  	[tilespmem:$0x4410] =	vst v40  }
0x4c: {  	v40 =	vld.idx.msk [tilespmem:v5+s17+$0x0], $0xffff;
	_ =	sdelay $0x4  }
0x4d: {  	[tilespmem:$0x4420] =	vst v40  }
0x4e: {  	v40 =	vld.idx.msk [tilespmem:v6+s17+$0x0], $0xffff;
	_ =	sdelay $0x4  }
0x4f: {  	[tilespmem:$0x4430] =	vst v40  }
0x50: {  	v40 =	vld.idx.msk [tilespmem:v7+s17+$0x0], $0xffff;
	_ =	sdelay $0x4  }
0x51: {  	[tilespmem:$0x4440] =	vst v40  }
0x52: {  	v40 =	vld.idx.msk [tilespmem:v8+s17+$0x0], $0xffff;
	_ =	sdelay $0x4  }
0x53: {  	[tilespmem:$0x4450] =	vst v40  }
0x54: {  	v40 =	vld.idx.msk [tilespmem:v9+s17+$0x0], $0xffff;
	_ =	sdelay $0x4  }
0x55: {  	[tilespmem:$0x4460] =	vst v40  }
0x56: {  	v40 =	vld.idx.msk [tilespmem:v10+s17+$0x0], $0xffff;
	_ =	sdelay $0x4  }
0x57: {  	[tilespmem:$0x4470] =	vst v40  }
0x58: {  	v40 =	vld.idx.msk [tilespmem:v11+s17+$0x0], $0xffff;
	_ =	sdelay $0x4  }
0x59: {  	[tilespmem:$0x4480] =	vst v40  }
0x5a: {  	v40 =	vld.idx.msk [tilespmem:v12+s17+$0x0], $0xffff;
	_ =	sdelay $0x4  }
0x5b: {  	[tilespmem:$0x4490] =	vst v40  }
0x5c: {  	v40 =	vld.idx.msk [tilespmem:v13+s17+$0x0], $0xffff;
	_ =	sdelay $0x4  }
0x5d: {  	[tilespmem:$0x44A0] =	vst v40  }
0x5e: {  	v40 =	vld.idx.msk [tilespmem:v14+s17+$0x0], $0xffff;
	_ =	sdelay $0x4  }
0x5f: {  	[tilespmem:$0x44B0] =	vst v40  }
0x60: {  	v40 =	vld.idx.msk [tilespmem:v15+s17+$0x0], $0xffff;
	_ =	sdelay $0x4  }
0x61: {  	[tilespmem:$0x44C0] =	vst v40  }
0x62: {  	v40 =	vld.idx.msk [tilespmem:v16+s17+$0x0], $0xffff;
	_ =	sdelay $0x4  }
0x63: {  	[tilespmem:$0x44D0] =	vst v40  }
0x64: {  	v40 =	vld.idx.msk [tilespmem:v17+s17+$0x0], $0xffff;
	_ =	sdelay $0x4  }
0x65: {  	[tilespmem:$0x44E0] =	vst v40  }
0x66: {  	v40 =	vld.idx.msk [tilespmem:v18+s17+$0x0], $0xffff;
	_ =	sdelay $0x4  }
0x67: {  	[tilespmem:$0x44F0] =	vst v40  }
0x68: {  	v40 =	vld.idx.msk [tilespmem:v19+s17+$0x0], $0xffff;
	_ =	sdelay $0x4  }
0x69: {  	[tilespmem:$0x4500] =	vst v40  }
0x6a: {  	v40 =	vld.idx.msk [tilespmem:v20+s17+$0x0], $0xffff;
	_ =	sdelay $0x4  }
0x6b: {  	[tilespmem:$0x4510] =	vst v40  }
0x6c: {  	v40 =	vld.idx.msk [tilespmem:v21+s17+$0x0], $0xffff;
	_ =	sdelay $0x4  }
0x6d: {  	[tilespmem:$0x4520] =	vst v40  }
0x6e: {  	v40 =	vld.idx.msk [tilespmem:v22+s17+$0x0], $0xffff;
	_ =	sdelay $0x4  }
0x6f: {  	[tilespmem:$0x4530] =	vst v40  }
0x70: {  	v40 =	vld.idx.msk [tilespmem:v23+s17+$0x0], $0xffff;
	_ =	sdelay $0x4  }
0x71: {  	[tilespmem:$0x4540] =	vst v40  }
0x72: {  	v40 =	vld.idx.msk [tilespmem:v24+s17+$0x0], $0xffff;
	_ =	sdelay $0x4  }
0x73: {  	[tilespmem:$0x4550] =	vst v40  }
0x74: {  	v40 =	vld.idx.msk [tilespmem:v25+s17+$0x0], $0xffff;
	_ =	sdelay $0x4  }
0x75: {  	[tilespmem:$0x4560] =	vst v40  }
0x76: {  	v40 =	vld.idx.msk [tilespmem:v26+s17+$0x0], $0xffff;
	_ =	sdelay $0x4  }
0x77: {  	[tilespmem:$0x4570] =	vst v40  }
0x78: {  	v40 =	vld.idx.msk [tilespmem:v27+s17+$0x0], $0xffff;
	_ =	sdelay $0x4  }
0x79: {  	[tilespmem:$0x4580] =	vst v40  }
0x7a: {  	v40 =	vld.idx.msk [tilespmem:v28+s17+$0x0], $0xffff;
	_ =	sdelay $0x4  }
0x7b: {  	[tilespmem:$0x4590] =	vst v40  }
0x7c: {  	v40 =	vld.idx.msk [tilespmem:v29+s17+$0x0], $0xffff;
	_ =	sdelay $0x4  }
0x7d: {  	[tilespmem:$0x45A0] =	vst v40  }
0x7e: {  	v40 =	vld.idx.msk [tilespmem:v30+s17+$0x0], $0xffff;
	_ =	sdelay $0x4  }
0x7f: {  	[tilespmem:$0x45B0] =	vst v40  }
0x80: {  	v40 =	vld.idx.msk [tilespmem:v31+s17+$0x0], $0xffff;
	_ =	sdelay $0x4  }
0x81: {  	[tilespmem:$0x45C0] =	vst v40  }
0x82: {  	v40 =	vld.idx.msk [tilespmem:v32+s17+$0x0], $0xffff;
	_ =	sdelay $0x4  }
0x83: {  	[tilespmem:$0x45D0] =	vst v40  }
0x84: {  	v40 =	vld.idx.msk [tilespmem:v33+s17+$0x0], $0xffff;
	_ =	sdelay $0x4  }
0x85: {  	[tilespmem:$0x45E0] =	vst v40  }
0x86: {  	v40 =	vld.idx.msk [tilespmem:v34+s17+$0x0], $0xffff;
	_ =	sdelay $0x4  }
0x87: {  	[tilespmem:$0x45F0] =	vst v40  }
0x88: {  	v40 =	vld.idx.msk [tilespmem:v35+s17+$0x0], $0xffff;
	_ =	sdelay $0x4  }
0x89: {  	[tilespmem:$0x4600] =	vst v40  }
0x8a: {  	v40 =	vld.idx.msk [tilespmem:v36+s17+$0x0], $0xffff;
	_ =	sdelay $0x4  }
0x8b: {  	[tilespmem:$0x4610] =	vst v40  }
0x8c: {  	v40 =	vld.idx.msk [tilespmem:v37+s17+$0x0], $0xffff;
	_ =	sdelay $0x4  }
0x8d: {  	[tilespmem:$0x4620] =	vst v40  }
0x8e: {  	v40 =	vld.idx.msk [tilespmem:v38+s17+$0x0], $0xffff;
	_ =	sdelay $0x4  }
0x8f: {  	[tilespmem:$0x4630] =	vst v40  }
0x90: {  	v40 =	vld.idx.msk [tilespmem:v39+s17+$0x0], $0xffff;
	_ =	sdelay $0x2  }
0x91: {  	s19 =	sadd.s32 $0x1, s19  }
0x92: {  	p0 =	sne.s32 s19, s13  }
.Ltmp1:
0x93: {  	[tilespmem:$0x4640] =	vst v40;
	(pc) =	sbr.rel @p0 .LBB2_1-.Ltmp1, $4  }
0x94: {  	[hbm4b:s12+s4] =	stream.linear.scatter [tilespmem:s18], [sflag:$0x1], $0x280, $0x38;
	[tilespmem:$0x6E50] =	vst v63  }
0x95: {  	_ =	swait.ge [sflag:s14], $0x280  }
0x96: {  	[sflag:s14] =	ssyncset.done $0x0  }
0x97: {  	[sflag:s14] =	ssyncadd.s32 $0xFFFFFD80  }
0x98: {  	_ =	sfence.sel $0x180000  }
0x99: {  	[bflag:$0x0] =	sbarrier.arrive $0xFFFF  }
0x9a: {  	p0 =	sne.s32 s0, $0x0;
	_ =	strace $0x90000047  }
0x9b: {  	s0 =	sadd.s32 @!p0 $0x100000, s2;
	[bflag:$0x2] =	sbarrier.arrive $0xFFFF  }
0x9c: {  	[sflag:s0] =	ssyncadd.tile.s32 @!p0 $0x1;
	_ =	shalt  }
.Lfunc_end2:
_tile_overlayer_lowered:
.L_overlay_start_2:
0x9d: {  	(tag) =	ssettag $0x2  }
0x9e: {  	s0 =	rddreg [dreg:$0x0];
	s2 =	stileid.u32  }
0x9f: {  	s1 =	rddreg [dreg:$0x1];
	p0 =	sne.s32 s2, $0x0  }
0xa0: {  	s3 =	rddreg [dreg:$0x2];
	[bflag:$0x3] =	sbarrier.arrive $0xFFFF;
	s2 =	simm.s32 @!p0 $0x1C01  }
0xa1: {  	[timem:s3], [sflag:s2] =	dma.local @!p0 [hbm:s0], s1  }
0xa2: {  	s0 =	simm.s32 @!p0 $0x1  }
0xa3: {  	_ =	swait.ge @!p0 [sflag:s0], s1  }
0xa4: {  	s1 =	ssub.s32 @!p0 $0x0, s1;
	[sflag:s0] =	ssyncset.done @!p0 $0x0  }
0xa5: {  	[sflag:s0] =	ssyncadd.s32 @!p0 s1  }
0xa6: {  	[bflag:$0x3] =	sbarrier.arrive $0xFFFF  }
0xa7: {  	_ =	shalt  }

</sc_bundles>
